<compile_context>
chip_gen: v7x
topology: tpu7x:2x2x1
jax: 0.10.2.dev20260603
libtpu: 0.0.44.dev20260713+nightly
codegen_flags: <defaults>
</compile_context>

<pallas_src>
import functools

import jax
import jax.numpy as jnp
from jax import lax
from jax.experimental import pallas as pl
from jax.experimental.pallas import tpu as pltpu
from jax.experimental.pallas import tpu_sc as plsc

N = 10000
E = 160000
DIN = 256
H = 4
D = 128
HD = H * D

NPADM = 10240
NT = 16
EPT = E // NT
ROWS = (EPT + 127) // 128
EPAD = ROWS * 128
NV = EPT // 16
NVP = EPAD // 16
SROW = 640
RB = 32
NB = EPAD // RB
ZR = 128
NPT = NPADM // NT



BM = 1024


def _mm0_body(x_ref, w_ref, rw_ref, al_ref, ar_ref,
              feat_ref, el_ref, er_ref, res_ref):
    xb = x_ref[...]
    feat = jnp.dot(xb, w_ref[...], preferred_element_type=jnp.float32)
    res_ref[...] = jnp.dot(xb, rw_ref[...], preferred_element_type=jnp.float32)
    al = al_ref[...]
    ar = ar_ref[...]
    for h in range(H):
        fh = feat[:, h * D:(h + 1) * D]
        feat_ref[h] = fh
        el_ref[h] = jnp.sum(fh * al[h][None, :], axis=1)
        er_ref[h] = jnp.sum(fh * ar[h][None, :], axis=1)


def _mm0(x, W0, resW0, al0, ar0):
    grid = (NPADM // BM,)
    return pl.pallas_call(
        _mm0_body,
        grid=grid,
        in_specs=[
            pl.BlockSpec((BM, DIN), lambda i: (i, 0)),
            pl.BlockSpec((DIN, HD), lambda i: (0, 0)),
            pl.BlockSpec((DIN, HD), lambda i: (0, 0)),
            pl.BlockSpec((H, D), lambda i: (0, 0)),
            pl.BlockSpec((H, D), lambda i: (0, 0)),
        ],
        out_specs=[
            pl.BlockSpec((H, BM, D), lambda i: (0, i, 0)),
            pl.BlockSpec((H, BM), lambda i: (0, i)),
            pl.BlockSpec((H, BM), lambda i: (0, i)),
            pl.BlockSpec((BM, HD), lambda i: (i, 0)),
        ],
        out_shape=[
            jax.ShapeDtypeStruct((H, NPADM, D), jnp.float32),
            jax.ShapeDtypeStruct((H, NPADM), jnp.float32),
            jax.ShapeDtypeStruct((H, NPADM), jnp.float32),
            jax.ShapeDtypeStruct((NPADM, HD), jnp.float32),
        ],
    )(x, W0, resW0, al0, ar0)


def _mm1_body(rst_ref, s_ref, res_ref, b_ref, w_ref, al_ref, ar_ref,
              h1_ref, feat_ref, el_ref, er_ref):
    sden = jnp.maximum(s_ref[...], 1e-30)
    cat = jnp.concatenate(
        [rst_ref[h] / sden[h][:, None] for h in range(H)], axis=1)
    h1 = jnp.maximum(cat + res_ref[...] + b_ref[...][None, :], 0.0)
    h1_ref[...] = h1
    feat = jnp.dot(h1, w_ref[...], preferred_element_type=jnp.float32)
    al = al_ref[...]
    ar = ar_ref[...]
    for h in range(H):
        fh = feat[:, h * D:(h + 1) * D]
        feat_ref[h] = fh
        el_ref[h] = jnp.sum(fh * al[h][None, :], axis=1)
        er_ref[h] = jnp.sum(fh * ar[h][None, :], axis=1)


def _mm1(rst0, s0, res0, b0, W1, al1, ar1):
    grid = (NPADM // BM,)
    return pl.pallas_call(
        _mm1_body,
        grid=grid,
        in_specs=[
            pl.BlockSpec((H, BM, D), lambda i: (0, i, 0)),
            pl.BlockSpec((H, BM), lambda i: (0, i)),
            pl.BlockSpec((BM, HD), lambda i: (i, 0)),
            pl.BlockSpec((HD,), lambda i: (0,)),
            pl.BlockSpec((HD, HD), lambda i: (0, 0)),
            pl.BlockSpec((H, D), lambda i: (0, 0)),
            pl.BlockSpec((H, D), lambda i: (0, 0)),
        ],
        out_specs=[
            pl.BlockSpec((BM, HD), lambda i: (i, 0)),
            pl.BlockSpec((H, BM, D), lambda i: (0, i, 0)),
            pl.BlockSpec((H, BM), lambda i: (0, i)),
            pl.BlockSpec((H, BM), lambda i: (0, i)),
        ],
        out_shape=[
            jax.ShapeDtypeStruct((NPADM, HD), jnp.float32),
            jax.ShapeDtypeStruct((H, NPADM, D), jnp.float32),
            jax.ShapeDtypeStruct((H, NPADM), jnp.float32),
            jax.ShapeDtypeStruct((H, NPADM), jnp.float32),
        ],
    )(rst0, s0, res0, b0, W1, al1, ar1)


def _head_body(rst_ref, s_ref, h1_ref, b_ref, wd1_ref, bd1_ref, wd2_ref,
               bd2_ref, out_ref):
    sden = jnp.maximum(s_ref[...], 1e-30)
    cat = jnp.concatenate(
        [rst_ref[h] / sden[h][:, None] for h in range(H)], axis=1)
    h2 = jnp.maximum(cat + h1_ref[...] + b_ref[...][None, :], 0.0)
    t = jnp.dot(h2, wd1_ref[...], preferred_element_type=jnp.float32)
    t = t + bd1_ref[...][None, :]
    t = jnp.maximum(t, 0.01 * t)
    o = jnp.dot(t, wd2_ref[...], preferred_element_type=jnp.float32)
    o = o + bd2_ref[...][None, :]
    out_ref[...] = jnp.maximum(o, 0.01 * o)


def _head(rst1, s1, h1, b1, Wd1, bd1, Wd2, bd2):
    grid = (NPADM // BM,)
    dnn1 = Wd1.shape[1]
    dnn2 = Wd2.shape[1]
    return pl.pallas_call(
        _head_body,
        grid=grid,
        in_specs=[
            pl.BlockSpec((H, BM, D), lambda i: (0, i, 0)),
            pl.BlockSpec((H, BM), lambda i: (0, i)),
            pl.BlockSpec((BM, HD), lambda i: (i, 0)),
            pl.BlockSpec((HD,), lambda i: (0,)),
            pl.BlockSpec((HD, dnn1), lambda i: (0, 0)),
            pl.BlockSpec((dnn1,), lambda i: (0,)),
            pl.BlockSpec((dnn1, dnn2), lambda i: (0, 0)),
            pl.BlockSpec((dnn2,), lambda i: (0,)),
        ],
        out_specs=pl.BlockSpec((BM, dnn2), lambda i: (i, 0)),
        out_shape=jax.ShapeDtypeStruct((NPADM, dnn2), jnp.float32),
    )(rst1, s1, h1, b1, Wd1, bd1, Wd2, bd2)




def _edge_body(feat_hbm, el_hbm, er_hbm, srcf_hbm, dst3_hbm, z2_hbm, z1_hbm,
               rst_hbm, sout_hbm,
               gidx, dst2d, exv, rows, elv, erv,
               el_sh, er_sh, s_sh, accum, gsem, msem, m0, m1):
    c = lax.axis_index("c")
    sid = lax.axis_index("s")
    pltpu.sync_copy(srcf_hbm.at[sid], gidx)
    pltpu.sync_copy(dst3_hbm.at[sid], dst2d)
    rowbase = sid * NPT

    def padz(k, carry):
        exv[pl.ds(k * 16, 16)] = jnp.zeros((16,), jnp.float32)
        return carry

    def gup(amount):
        def body(k, carry):
            o = k * 16
            gidx[pl.ds(o, 16)] = gidx[pl.ds(o, 16)] + amount
            return carry
        lax.fori_loop(0, NVP, body, None)

    for hl in range(2):
        hh = 2 * c + hl

        @pl.when(sid == 0)
        def _stage():
            pltpu.sync_copy(el_hbm.at[hh], el_sh)
            pltpu.sync_copy(er_hbm.at[hh], er_sh)
        pltpu.sync_copy(z1_hbm, s_sh.at[pl.ds(sid * SROW, SROW)])

        def zc(jj, carry):
            pltpu.sync_copy(z2_hbm, accum.at[pl.ds(rowbase + jj * ZR, ZR)])
            return carry
        lax.fori_loop(0, NPT // ZR, zc, None)
        if hl == 1:
            gup(-(2 * c) * NPADM)
        plsc.subcore_barrier()

        def p1(j, carry):
            del0 = pltpu.async_copy(
                el_sh.at[gidx.at[pl.ds(j * 128, 128)]], elv, m0)
            der0 = pltpu.async_copy(er_sh.at[dst2d.at[j]], erv, m1)
            del0.wait()
            der0.wait()
            for i in range(8):
                o = j * 128 + i * 16
                e = elv[pl.ds(i * 16, 16)] + erv[pl.ds(i * 16, 16)]
                e = jnp.maximum(e, 0.2 * e)
                exv[pl.ds(o, 16)] = jnp.exp(e)
            return carry
        lax.fori_loop(0, ROWS, p1, None)
        lax.fori_loop(NV, NVP, padz, None)

        def p1s(j, carry):
            pltpu.sync_copy(exv.at[pl.ds(j * 128, 128)],
                            s_sh.at[dst2d.at[j]], add=True)
            return carry
        lax.fori_loop(0, ROWS, p1s, None)
        plsc.subcore_barrier()

        @pl.when(sid == 0)
        def _sout():
            pltpu.sync_copy(s_sh, sout_hbm.at[hh])

        gup(hh * NPADM)

        def p3(j, carry):
            pltpu.async_copy(
                feat_hbm.at[gidx.at[pl.ds(j * 128, 128)]], rows, gsem).wait()

            def scale(r2, c2):
                r = 2 * r2
                a0 = plsc.load_gather(
                    exv, [jnp.full((16,), j * 128 + r, jnp.int32)])
                a1 = plsc.load_gather(
                    exv, [jnp.full((16,), j * 128 + r + 1, jnp.int32)])
                for i in range(8):
                    rows[r, pl.ds(i * 16, 16)] = (
                        rows[r, pl.ds(i * 16, 16)] * a0)
                for i in range(8):
                    rows[r + 1, pl.ds(i * 16, 16)] = (
                        rows[r + 1, pl.ds(i * 16, 16)] * a1)
                return c2
            lax.fori_loop(0, 64, scale, None, unroll=2)
            pltpu.sync_copy(rows, accum.at[dst2d.at[j]], add=True)
            return carry
        lax.fori_loop(0, ROWS, p3, None)
        plsc.subcore_barrier()

        def wb(jj, carry):
            pltpu.sync_copy(
                accum.at[pl.ds(rowbase + jj * ZR, ZR)],
                rst_hbm.at[hh, pl.ds(rowbase + jj * ZR, ZR), :])
            return carry
        lax.fori_loop(0, NPT // ZR, wb, None)
        plsc.subcore_barrier()


_edge_call = pl.kernel(
    _edge_body,
    out_type=[jax.ShapeDtypeStruct((H, NPADM, D), jnp.float32),
              jax.ShapeDtypeStruct((H, NPADM), jnp.float32)],
    mesh=plsc.VectorSubcoreMesh(core_axis_name="c", subcore_axis_name="s"),
    compiler_params=pltpu.CompilerParams(needs_layout_passes=False),
    scratch_types=[
        pltpu.VMEM((EPAD,), jnp.int32),
        pltpu.VMEM((ROWS, 128), jnp.int32),
        pltpu.VMEM((EPAD,), jnp.float32),
        pltpu.VMEM((128, 128), jnp.float32),
        pltpu.VMEM((128,), jnp.float32),
        pltpu.VMEM((128,), jnp.float32),
        pltpu.VMEM_SHARED((NPADM,), jnp.float32),
        pltpu.VMEM_SHARED((NPADM,), jnp.float32),
        pltpu.VMEM_SHARED((NPADM,), jnp.float32),
        pltpu.VMEM_SHARED((NPADM, D), jnp.float32),
        pltpu.SemaphoreType.DMA,
        pltpu.SemaphoreType.DMA,
        pltpu.SemaphoreType.DMA,
        pltpu.SemaphoreType.DMA,
    ],
)




def kernel(x, W0, attn_l0, attn_r0, b0, resW0, W1, attn_l1, attn_r1, b1,
           Wd1, bd1, Wd2, bd2, edge_index):
    src = edge_index[0]
    dst = edge_index[1]
    srcf = jnp.pad(src.reshape(NT, EPT), ((0, 0), (0, EPAD - EPT)))
    dstf = jnp.pad(dst.reshape(NT, EPT), ((0, 0), (0, EPAD - EPT)))
    dst3 = dstf.reshape(NT, ROWS, 128)
    z2 = jnp.zeros((ZR, 128), jnp.float32)
    z1 = jnp.zeros((SROW,), jnp.float32)

    xp = jnp.pad(x, ((0, NPADM - N), (0, 0)))
    feat0, el0, er0, res0 = _mm0(xp, W0, resW0, attn_l0, attn_r0)
    rst0, s0 = _edge_call(feat0.reshape(H * NPADM, D), el0, er0,
                          srcf, dst3, z2, z1)
    h1, feat1, el1, er1 = _mm1(rst0, s0, res0, b0, W1, attn_l1, attn_r1)
    rst1, s1 = _edge_call(feat1.reshape(H * NPADM, D), el1, er1,
                          srcf, dst3, z2, z1)
    return _head(rst1, s1, h1, b1, Wd1, bd1, Wd2, bd2)[:N]

# --- scband reference (transcript-rebuilt; emitter-appended) ---
"""Pipeline reference for scband-res-gatmodel-6588479832631 (READ-ONLY COPY).

The authoritative reference and input builder live on the scoring server;
editing this copy changes nothing except your own understanding.
"""

import jax, jax.numpy as jnp
import numpy as np

N = 10000
E = 160000
DIN = 256
H = 4
D = 128
HD = H * D
DNN1 = 256
DNN2 = 128


def setup_inputs(seed: int = 0):
    key = jax.random.key(seed)
    ks = jax.random.split(key, 16)

    def nrm(k, shape, scale):
        return jax.random.normal(k, shape, dtype=jnp.float32) * scale

    x = nrm(ks[0], (N, DIN), 1.0)
    edge_index = jax.random.randint(ks[1], (2, E), 0, N, dtype=jnp.int32)
    inp = {
        'x': x,
        'W0': nrm(ks[2], (DIN, HD), (1.0 / DIN) ** 0.5),
        'attn_l0': nrm(ks[3], (H, D), 0.1),
        'attn_r0': nrm(ks[4], (H, D), 0.1),
        'b0': jnp.zeros((HD,), jnp.float32),
        'resW0': nrm(ks[5], (DIN, HD), (1.0 / DIN) ** 0.5),
        'W1': nrm(ks[6], (HD, HD), (1.0 / HD) ** 0.5),
        'attn_l1': nrm(ks[7], (H, D), 0.1),
        'attn_r1': nrm(ks[8], (H, D), 0.1),
        'b1': jnp.zeros((HD,), jnp.float32),
        'Wd1': nrm(ks[9], (HD, DNN1), (1.0 / HD) ** 0.5),
        'bd1': jnp.zeros((DNN1,), jnp.float32),
        'Wd2': nrm(ks[10], (DNN1, DNN2), (1.0 / DNN1) ** 0.5),
        'bd2': jnp.zeros((DNN2,), jnp.float32),
        'edge_index': edge_index,
    }
    return inp


def _gat_layer(h, W, al, ar, b, src, dst, resW):
    # DGL GATConv, feat_drop=attn_drop=0, residual=True, activation=relu
    feat = (h @ W).reshape(N, H, D)
    el = jnp.sum(feat * al[None, :, :], axis=-1)  # [N, H]
    er = jnp.sum(feat * ar[None, :, :], axis=-1)  # [N, H]
    e = jax.nn.leaky_relu(el[src] + er[dst], 0.2)  # [E, H]
    # edge softmax per destination node (per head)
    m = jax.lax.stop_gradient(jax.ops.segment_max(e, dst, num_segments=N))
    ex = jnp.exp(e - m[dst])
    s = jax.ops.segment_sum(ex, dst, num_segments=N)
    alpha = ex / s[dst]
    msg = feat[src] * alpha[:, :, None]
    rst = jax.ops.segment_sum(msg, dst, num_segments=N)  # [N, H, D]
    if resW is None:
        resval = h.reshape(N, H, D)  # identity residual (in == H*D)
    else:
        resval = (h @ resW).reshape(N, H, D)
    rst = rst + resval + b.reshape(1, H, D)
    rst = jax.nn.relu(rst)
    return rst.reshape(N, HD)  # flatten(1)


def reference(x, W0, attn_l0, attn_r0, b0, resW0, W1, attn_l1, attn_r1, b1, Wd1, bd1, Wd2, bd2, edge_index):
    src = edge_index[0]
    dst = edge_index[1]
    h = _gat_layer(x, W0, attn_l0, attn_r0, b0, src, dst, resW0)
    h = _gat_layer(h, W1, attn_l1, attn_r1, b1, src, dst, None)
    # DNN head: Linear -> LeakyReLU (dropout=0) x 2
    h = jax.nn.leaky_relu(h @ Wd1 + bd1, 0.01)
    out = jax.nn.leaky_relu(h @ Wd2 + bd2, 0.01)
    return out

if __name__ == "__main__":
    import jax
    _d = setup_inputs()
    print(jax.jit(kernel)(*tuple(_d.values())))

</pallas_src>

<mosaic_0001>
#map = affine_map<(d0, d1) -> (0, 0)>
#map1 = affine_map<(d0, d1) -> (0, 0, 0)>
#map2 = affine_map<(d0, d1) -> (0)>
module attributes {stable_mosaic.version = 14 : i64} {
  func.func @_edge_body(%arg0: i32, %arg1: i32, %arg2: memref<40960x128xf32, #tpu.memory_space<hbm>>, %arg3: memref<4x10240xf32, #tpu.memory_space<hbm>>, %arg4: memref<4x10240xf32, #tpu.memory_space<hbm>>, %arg5: memref<16x10112xi32, #tpu.memory_space<hbm>>, %arg6: memref<16x79x128xi32, #tpu.memory_space<hbm>>, %arg7: memref<128x128xf32, #tpu.memory_space<hbm>>, %arg8: memref<640xf32, #tpu.memory_space<hbm>>, %arg9: memref<4x10240x128xf32, #tpu.memory_space<hbm>>, %arg10: memref<4x10240xf32, #tpu.memory_space<hbm>>, %arg11: memref<10112xi32, #tpu.memory_space<vmem>>, %arg12: memref<79x128xi32, #tpu.memory_space<vmem>>, %arg13: memref<10112xf32, #tpu.memory_space<vmem>>, %arg14: memref<128x128xf32, #tpu.memory_space<vmem>>, %arg15: memref<128xf32, #tpu.memory_space<vmem>>, %arg16: memref<128xf32, #tpu.memory_space<vmem>>, %arg17: memref<10240xf32, #tpu.memory_space<vmem_shared>>, %arg18: memref<10240xf32, #tpu.memory_space<vmem_shared>>, %arg19: memref<10240xf32, #tpu.memory_space<vmem_shared>>, %arg20: memref<10240x128xf32, #tpu.memory_space<vmem_shared>>, %arg21: memref<!tpu.dma_semaphore, #tpu.memory_space<semaphore_mem>>, %arg22: memref<!tpu.dma_semaphore, #tpu.memory_space<semaphore_mem>>, %arg23: memref<!tpu.dma_semaphore, #tpu.memory_space<semaphore_mem>>, %arg24: memref<!tpu.dma_semaphore, #tpu.memory_space<semaphore_mem>>) attributes {dimension_semantics = [#tpu.dimension_semantics<core_parallel>, #tpu.dimension_semantics<subcore_parallel>], iteration_bounds = array<i64: 2, 16>, scalar_prefetch = 0 : i64, scratch_operands = 14 : i64, tpu.core_type = #tpu.core_type<sc_vector_subcore>, window_params = [{transform_indices = #map}, {transform_indices = #map}, {transform_indices = #map}, {transform_indices = #map}, {transform_indices = #map1}, {transform_indices = #map}, {transform_indices = #map2}, {transform_indices = #map1}, {transform_indices = #map}]} {
    "tpu.region"() ({
      %run_scoped3A = tpu.sem_alloc : memref<!tpu.dma_semaphore, #tpu.memory_space<semaphore_mem>>
      %dma_start3A = arith.constant 0 : i32
      %dma_start3A_119 = tpu.memref_slice %arg5[%arg1, %dma_start3A] : memref<16x10112xi32, #tpu.memory_space<hbm>> -> memref<1x10112xi32, #tpu.memory_space<hbm>>
      %dma_start3A_120 = tpu.memref_squeeze %dma_start3A_119 : memref<1x10112xi32, #tpu.memory_space<hbm>> -> memref<10112xi32, #tpu.memory_space<hbm>>
      %dma_start3A_121 = arith.constant 0 : i32
      %dma_start3A_122 = tpu.memref_slice %arg5[%arg1, %dma_start3A_121] : memref<16x10112xi32, #tpu.memory_space<hbm>> -> memref<1x10112xi32, #tpu.memory_space<hbm>>
      %dma_start3A_123 = tpu.memref_squeeze %dma_start3A_122 : memref<1x10112xi32, #tpu.memory_space<hbm>> -> memref<10112xi32, #tpu.memory_space<hbm>>
      tpu.enqueue_dma source(%dma_start3A_123 : memref<10112xi32, #tpu.memory_space<hbm>>) target(%arg11 : memref<10112xi32, #tpu.memory_space<vmem>>) target_semaphore(%run_scoped3A : memref<!tpu.dma_semaphore, #tpu.memory_space<semaphore_mem>>)
      %dma_wait3A = arith.constant 0 : i32
      %dma_wait3A_124 = tpu.memref_slice %arg5[%arg1, %dma_wait3A] : memref<16x10112xi32, #tpu.memory_space<hbm>> -> memref<1x10112xi32, #tpu.memory_space<hbm>>
      %dma_wait3A_125 = tpu.memref_squeeze %dma_wait3A_124 : memref<1x10112xi32, #tpu.memory_space<hbm>> -> memref<10112xi32, #tpu.memory_space<hbm>>
      %dma_wait3A_126 = arith.constant 0 : i32
      %dma_wait3A_127 = tpu.memref_slice %arg5[%arg1, %dma_wait3A_126] : memref<16x10112xi32, #tpu.memory_space<hbm>> -> memref<1x10112xi32, #tpu.memory_space<hbm>>
      %dma_wait3A_128 = tpu.memref_squeeze %dma_wait3A_127 : memref<1x10112xi32, #tpu.memory_space<hbm>> -> memref<10112xi32, #tpu.memory_space<hbm>>
      tpu.wait_dma2 semaphore(%run_scoped3A : memref<!tpu.dma_semaphore, #tpu.memory_space<semaphore_mem>>) src(%dma_wait3A_128 : memref<10112xi32, #tpu.memory_space<hbm>>) dst(%arg11 : memref<10112xi32, #tpu.memory_space<vmem>>)
      tpu.yield
    }) : () -> ()
    "tpu.region"() ({
      %run_scoped3A = tpu.sem_alloc : memref<!tpu.dma_semaphore, #tpu.memory_space<semaphore_mem>>
      %dma_start3A = arith.constant 0 : i32
      %dma_start3A_119 = arith.constant 0 : i32
      %dma_start3A_120 = tpu.memref_slice %arg6[%arg1, %dma_start3A, %dma_start3A_119] : memref<16x79x128xi32, #tpu.memory_space<hbm>> -> memref<1x79x128xi32, #tpu.memory_space<hbm>>
      %dma_start3A_121 = tpu.memref_squeeze %dma_start3A_120 : memref<1x79x128xi32, #tpu.memory_space<hbm>> -> memref<79x128xi32, #tpu.memory_space<hbm>>
      %dma_start3A_122 = arith.constant 0 : i32
      %dma_start3A_123 = arith.constant 0 : i32
      %dma_start3A_124 = tpu.memref_slice %arg6[%arg1, %dma_start3A_122, %dma_start3A_123] : memref<16x79x128xi32, #tpu.memory_space<hbm>> -> memref<1x79x128xi32, #tpu.memory_space<hbm>>
      %dma_start3A_125 = tpu.memref_squeeze %dma_start3A_124 : memref<1x79x128xi32, #tpu.memory_space<hbm>> -> memref<79x128xi32, #tpu.memory_space<hbm>>
      tpu.enqueue_dma source(%dma_start3A_125 : memref<79x128xi32, #tpu.memory_space<hbm>>) target(%arg12 : memref<79x128xi32, #tpu.memory_space<vmem>>) target_semaphore(%run_scoped3A : memref<!tpu.dma_semaphore, #tpu.memory_space<semaphore_mem>>)
      %dma_wait3A = arith.constant 0 : i32
      %dma_wait3A_126 = arith.constant 0 : i32
      %dma_wait3A_127 = tpu.memref_slice %arg6[%arg1, %dma_wait3A, %dma_wait3A_126] : memref<16x79x128xi32, #tpu.memory_space<hbm>> -> memref<1x79x128xi32, #tpu.memory_space<hbm>>
      %dma_wait3A_128 = tpu.memref_squeeze %dma_wait3A_127 : memref<1x79x128xi32, #tpu.memory_space<hbm>> -> memref<79x128xi32, #tpu.memory_space<hbm>>
      %dma_wait3A_129 = arith.constant 0 : i32
      %dma_wait3A_130 = arith.constant 0 : i32
      %dma_wait3A_131 = tpu.memref_slice %arg6[%arg1, %dma_wait3A_129, %dma_wait3A_130] : memref<16x79x128xi32, #tpu.memory_space<hbm>> -> memref<1x79x128xi32, #tpu.memory_space<hbm>>
      %dma_wait3A_132 = tpu.memref_squeeze %dma_wait3A_131 : memref<1x79x128xi32, #tpu.memory_space<hbm>> -> memref<79x128xi32, #tpu.memory_space<hbm>>
      tpu.wait_dma2 semaphore(%run_scoped3A : memref<!tpu.dma_semaphore, #tpu.memory_space<semaphore_mem>>) src(%dma_wait3A_132 : memref<79x128xi32, #tpu.memory_space<hbm>>) dst(%arg12 : memref<79x128xi32, #tpu.memory_space<vmem>>)
      tpu.yield
    }) : () -> ()
    %mul3A = arith.constant 640 : i32
    %mul3A_0 = arith.muli %arg1, %mul3A : i32
    %mul3A_1 = arith.constant 2 : i32
    %mul3A_2 = arith.muli %mul3A_1, %arg0 : i32
    %add3A = arith.constant 0 : i32
    %add3A_3 = arith.addi %mul3A_2, %add3A : i32
    %eq3A = arith.constant 0 : i32
    %eq3A_4 = arith.cmpi eq, %arg1, %eq3A : i32
    %convert_element_type3A = arith.extui %eq3A_4 : i1 to i32
    %cond3A = arith.constant 0 : i32
    %cond3A_5 = arith.cmpi ne, %convert_element_type3A, %cond3A : i32
    scf.if %cond3A_5 {
      "tpu.region"() ({
        %run_scoped3A = tpu.sem_alloc : memref<!tpu.dma_semaphore, #tpu.memory_space<semaphore_mem>>
        %dma_start3A = arith.constant 0 : i32
        %dma_start3A_119 = tpu.memref_slice %arg3[%add3A_3, %dma_start3A] : memref<4x10240xf32, #tpu.memory_space<hbm>> -> memref<1x10240xf32, #tpu.memory_space<hbm>>
        %dma_start3A_120 = tpu.memref_squeeze %dma_start3A_119 : memref<1x10240xf32, #tpu.memory_space<hbm>> -> memref<10240xf32, #tpu.memory_space<hbm>>
        tpu.enqueue_dma source(%dma_start3A_120 : memref<10240xf32, #tpu.memory_space<hbm>>) target(%arg17 : memref<10240xf32, #tpu.memory_space<vmem_shared>>) target_semaphore(%run_scoped3A : memref<!tpu.dma_semaphore, #tpu.memory_space<semaphore_mem>>)
        %dma_wait3A = arith.constant 0 : i32
        %dma_wait3A_121 = tpu.memref_slice %arg3[%add3A_3, %dma_wait3A] : memref<4x10240xf32, #tpu.memory_space<hbm>> -> memref<1x10240xf32, #tpu.memory_space<hbm>>
        %dma_wait3A_122 = tpu.memref_squeeze %dma_wait3A_121 : memref<1x10240xf32, #tpu.memory_space<hbm>> -> memref<10240xf32, #tpu.memory_space<hbm>>
        tpu.wait_dma2 semaphore(%run_scoped3A : memref<!tpu.dma_semaphore, #tpu.memory_space<semaphore_mem>>) src(%dma_wait3A_122 : memref<10240xf32, #tpu.memory_space<hbm>>) dst(%arg17 : memref<10240xf32, #tpu.memory_space<vmem_shared>>)
        tpu.yield
      }) : () -> ()
      "tpu.region"() ({
        %run_scoped3A = tpu.sem_alloc : memref<!tpu.dma_semaphore, #tpu.memory_space<semaphore_mem>>
        %dma_start3A = arith.constant 0 : i32
        %dma_start3A_119 = tpu.memref_slice %arg4[%add3A_3, %dma_start3A] : memref<4x10240xf32, #tpu.memory_space<hbm>> -> memref<1x10240xf32, #tpu.memory_space<hbm>>
        %dma_start3A_120 = tpu.memref_squeeze %dma_start3A_119 : memref<1x10240xf32, #tpu.memory_space<hbm>> -> memref<10240xf32, #tpu.memory_space<hbm>>
        tpu.enqueue_dma source(%dma_start3A_120 : memref<10240xf32, #tpu.memory_space<hbm>>) target(%arg18 : memref<10240xf32, #tpu.memory_space<vmem_shared>>) target_semaphore(%run_scoped3A : memref<!tpu.dma_semaphore, #tpu.memory_space<semaphore_mem>>)
        %dma_wait3A = arith.constant 0 : i32
        %dma_wait3A_121 = tpu.memref_slice %arg4[%add3A_3, %dma_wait3A] : memref<4x10240xf32, #tpu.memory_space<hbm>> -> memref<1x10240xf32, #tpu.memory_space<hbm>>
        %dma_wait3A_122 = tpu.memref_squeeze %dma_wait3A_121 : memref<1x10240xf32, #tpu.memory_space<hbm>> -> memref<10240xf32, #tpu.memory_space<hbm>>
        tpu.wait_dma2 semaphore(%run_scoped3A : memref<!tpu.dma_semaphore, #tpu.memory_space<semaphore_mem>>) src(%dma_wait3A_122 : memref<10240xf32, #tpu.memory_space<hbm>>) dst(%arg18 : memref<10240xf32, #tpu.memory_space<vmem_shared>>)
        tpu.yield
      }) : () -> ()
    } else {
    }
    %mul3A_6 = arith.constant 640 : i32
    %mul3A_7 = arith.muli %arg1, %mul3A_6 : i32
    "tpu.region"() ({
      %run_scoped3A = tpu.sem_alloc : memref<!tpu.dma_semaphore, #tpu.memory_space<semaphore_mem>>
      %dma_start3A = tpu.memref_slice %arg19[%mul3A_7] : memref<10240xf32, #tpu.memory_space<vmem_shared>> -> memref<640xf32, #tpu.memory_space<vmem_shared>>
      tpu.enqueue_dma source(%arg8 : memref<640xf32, #tpu.memory_space<hbm>>) target(%dma_start3A : memref<640xf32, #tpu.memory_space<vmem_shared>>) target_semaphore(%run_scoped3A : memref<!tpu.dma_semaphore, #tpu.memory_space<semaphore_mem>>)
      %dma_wait3A = tpu.memref_slice %arg19[%mul3A_7] : memref<10240xf32, #tpu.memory_space<vmem_shared>> -> memref<640xf32, #tpu.memory_space<vmem_shared>>
      tpu.wait_dma2 semaphore(%run_scoped3A : memref<!tpu.dma_semaphore, #tpu.memory_space<semaphore_mem>>) src(%arg8 : memref<640xf32, #tpu.memory_space<hbm>>) dst(%dma_wait3A : memref<640xf32, #tpu.memory_space<vmem_shared>>)
      tpu.yield
    }) : () -> ()
    %scan3A = arith.constant 0 : i32
    %scan3A_8 = arith.constant 5 : i32
    %scan3A_9 = arith.addi %scan3A, %scan3A_8 : i32
    %scan3A_10 = arith.constant 1 : i32
    scf.for %scan3A_119 = %scan3A to %scan3A_9 step %scan3A_10  : i32 {
      %mul3A_120 = arith.constant 128 : i32
      %mul3A_121 = arith.muli %scan3A_119, %mul3A_120 : i32
      %add3A_122 = arith.addi %mul3A_0, %mul3A_121 : i32
      "tpu.region"() ({
        %run_scoped3A = tpu.sem_alloc : memref<!tpu.dma_semaphore, #tpu.memory_space<semaphore_mem>>
        %dma_start3A = arith.constant 0 : i32
        %dma_start3A_123 = tpu.memref_slice %arg20[%add3A_122, %dma_start3A] : memref<10240x128xf32, #tpu.memory_space<vmem_shared>> -> memref<128x128xf32, #tpu.memory_space<vmem_shared>>
        tpu.enqueue_dma source(%arg7 : memref<128x128xf32, #tpu.memory_space<hbm>>) target(%dma_start3A_123 : memref<128x128xf32, #tpu.memory_space<vmem_shared>>) target_semaphore(%run_scoped3A : memref<!tpu.dma_semaphore, #tpu.memory_space<semaphore_mem>>)
        %dma_wait3A = arith.constant 0 : i32
        %dma_wait3A_124 = tpu.memref_slice %arg20[%add3A_122, %dma_wait3A] : memref<10240x128xf32, #tpu.memory_space<vmem_shared>> -> memref<128x128xf32, #tpu.memory_space<vmem_shared>>
        tpu.wait_dma2 semaphore(%run_scoped3A : memref<!tpu.dma_semaphore, #tpu.memory_space<semaphore_mem>>) src(%arg7 : memref<128x128xf32, #tpu.memory_space<hbm>>) dst(%dma_wait3A_124 : memref<128x128xf32, #tpu.memory_space<vmem_shared>>)
        tpu.yield
      }) : () -> ()
    }
    %scan3A_11 = arith.constant 5 : i32
    %barrier3A = arith.constant 0 : index
    tpu.barrier barrier_id(%barrier3A)
    %scan3A_12 = arith.constant 0 : i32
    %scan3A_13 = arith.constant 79 : i32
    %scan3A_14 = arith.addi %scan3A_12, %scan3A_13 : i32
    %scan3A_15 = arith.constant 1 : i32
    scf.for %scan3A_119 = %scan3A_12 to %scan3A_14 step %scan3A_15  : i32 {
      %mul3A_120 = arith.constant 128 : i32
      %mul3A_121 = arith.muli %scan3A_119, %mul3A_120 : i32
      %dma_start3A = tpu.memref_slice %arg11[%mul3A_121] : memref<10112xi32, #tpu.memory_space<vmem>> -> memref<128xi32, #tpu.memory_space<vmem>>
      %dma_start3A_122 = arith.constant 0 : i32
      %dma_start3A_123 = tpu.memref_slice %arg17[%dma_start3A_122] : memref<10240xf32, #tpu.memory_space<vmem_shared>> -> memref<10240xf32, #tpu.memory_space<vmem_shared>>
      tpu.enqueue_indirect_dma source(%dma_start3A_123 : memref<10240xf32, #tpu.memory_space<vmem_shared>>) target(%arg15 : memref<128xf32, #tpu.memory_space<vmem>>) offsets(%dma_start3A : memref<128xi32, #tpu.memory_space<vmem>>) semaphore(%arg23 : memref<!tpu.dma_semaphore, #tpu.memory_space<semaphore_mem>>)
      %dma_start3A_124 = arith.constant 0 : i32
      %dma_start3A_125 = tpu.memref_slice %arg12[%scan3A_119, %dma_start3A_124] : memref<79x128xi32, #tpu.memory_space<vmem>> -> memref<1x128xi32, #tpu.memory_space<vmem>>
      %dma_start3A_126 = tpu.memref_squeeze %dma_start3A_125 : memref<1x128xi32, #tpu.memory_space<vmem>> -> memref<128xi32, #tpu.memory_space<vmem>>
      %dma_start3A_127 = arith.constant 0 : i32
      %dma_start3A_128 = tpu.memref_slice %arg18[%dma_start3A_127] : memref<10240xf32, #tpu.memory_space<vmem_shared>> -> memref<10240xf32, #tpu.memory_space<vmem_shared>>
      tpu.enqueue_indirect_dma source(%dma_start3A_128 : memref<10240xf32, #tpu.memory_space<vmem_shared>>) target(%arg16 : memref<128xf32, #tpu.memory_space<vmem>>) offsets(%dma_start3A_126 : memref<128xi32, #tpu.memory_space<vmem>>) semaphore(%arg24 : memref<!tpu.dma_semaphore, #tpu.memory_space<semaphore_mem>>)
      %dma_wait3A = tpu.memref_slice %arg11[%mul3A_121] : memref<10112xi32, #tpu.memory_space<vmem>> -> memref<128xi32, #tpu.memory_space<vmem>>
      %dma_wait3A_129 = arith.constant 0 : i32
      %dma_wait3A_130 = tpu.memref_slice %arg17[%dma_wait3A_129] : memref<10240xf32, #tpu.memory_space<vmem_shared>> -> memref<10240xf32, #tpu.memory_space<vmem_shared>>
      tpu.wait_indirect_dma semaphore(%arg23 : memref<!tpu.dma_semaphore, #tpu.memory_space<semaphore_mem>>) src(%dma_wait3A_130 : memref<10240xf32, #tpu.memory_space<vmem_shared>>) dst(%arg15 : memref<128xf32, #tpu.memory_space<vmem>>)
      %dma_wait3A_131 = arith.constant 0 : i32
      %dma_wait3A_132 = tpu.memref_slice %arg12[%scan3A_119, %dma_wait3A_131] : memref<79x128xi32, #tpu.memory_space<vmem>> -> memref<1x128xi32, #tpu.memory_space<vmem>>
      %dma_wait3A_133 = tpu.memref_squeeze %dma_wait3A_132 : memref<1x128xi32, #tpu.memory_space<vmem>> -> memref<128xi32, #tpu.memory_space<vmem>>
      %dma_wait3A_134 = arith.constant 0 : i32
      %dma_wait3A_135 = tpu.memref_slice %arg18[%dma_wait3A_134] : memref<10240xf32, #tpu.memory_space<vmem_shared>> -> memref<10240xf32, #tpu.memory_space<vmem_shared>>
      tpu.wait_indirect_dma semaphore(%arg24 : memref<!tpu.dma_semaphore, #tpu.memory_space<semaphore_mem>>) src(%dma_wait3A_135 : memref<10240xf32, #tpu.memory_space<vmem_shared>>) dst(%arg16 : memref<128xf32, #tpu.memory_space<vmem>>)
      %mul3A_136 = arith.constant 128 : i32
      %mul3A_137 = arith.muli %scan3A_119, %mul3A_136 : i32
      %add3A_138 = arith.constant 0 : i32
      %add3A_139 = arith.addi %mul3A_137, %add3A_138 : i32
      %get3A = arith.constant 0 : index
      %get3A_140 = tpu.vector_load %arg15[%get3A] {strides = array<i32>} : memref<128xf32, #tpu.memory_space<vmem>>, vector<16xf32>,
      %get3A_141 = arith.constant 0 : index
      %get3A_142 = tpu.vector_load %arg16[%get3A_141] {strides = array<i32>} : memref<128xf32, #tpu.memory_space<vmem>>, vector<16xf32>,
      %add3A_143 = arith.addf %get3A_140, %get3A_142 : vector<16xf32>
      %mul3A_144 = arith.constant 2.000000e-01 : f32
      %mul3A_145 = vector.broadcast %mul3A_144 : f32 to vector<16xf32>
      %mul3A_146 = arith.mulf %mul3A_145, %add3A_143 : vector<16xf32>
      %max3A = arith.maximumf %add3A_143, %mul3A_146 : vector<16xf32>
      %exp3A = math.exp %max3A : vector<16xf32>
      %swap3A = arith.index_cast %add3A_139 : i32 to index
      %swap3A_147 = tpu.vector_load %arg13[%swap3A] {strides = array<i32>} : memref<10112xf32, #tpu.memory_space<vmem>>, vector<16xf32>,
      tpu.vector_store %arg13[%swap3A], %exp3A {strides = array<i32>} : memref<10112xf32, #tpu.memory_space<vmem>>, vector<16xf32>,
      %mul3A_148 = arith.constant 128 : i32
      %mul3A_149 = arith.muli %scan3A_119, %mul3A_148 : i32
      %add3A_150 = arith.constant 16 : i32
      %add3A_151 = arith.addi %mul3A_149, %add3A_150 : i32
      %get3A_152 = arith.constant 16 : index
      %get3A_153 = tpu.vector_load %arg15[%get3A_152] {strides = array<i32>} : memref<128xf32, #tpu.memory_space<vmem>>, vector<16xf32>,
      %get3A_154 = arith.constant 16 : index
      %get3A_155 = tpu.vector_load %arg16[%get3A_154] {strides = array<i32>} : memref<128xf32, #tpu.memory_space<vmem>>, vector<16xf32>,
      %add3A_156 = arith.addf %get3A_153, %get3A_155 : vector<16xf32>
      %mul3A_157 = arith.constant 2.000000e-01 : f32
      %mul3A_158 = vector.broadcast %mul3A_157 : f32 to vector<16xf32>
      %mul3A_159 = arith.mulf %mul3A_158, %add3A_156 : vector<16xf32>
      %max3A_160 = arith.maximumf %add3A_156, %mul3A_159 : vector<16xf32>
      %exp3A_161 = math.exp %max3A_160 : vector<16xf32>
      %swap3A_162 = arith.index_cast %add3A_151 : i32 to index
      %swap3A_163 = tpu.vector_load %arg13[%swap3A_162] {strides = array<i32>} : memref<10112xf32, #tpu.memory_space<vmem>>, vector<16xf32>,
      tpu.vector_store %arg13[%swap3A_162], %exp3A_161 {strides = array<i32>} : memref<10112xf32, #tpu.memory_space<vmem>>, vector<16xf32>,
      %mul3A_164 = arith.constant 128 : i32
      %mul3A_165 = arith.muli %scan3A_119, %mul3A_164 : i32
      %add3A_166 = arith.constant 32 : i32
      %add3A_167 = arith.addi %mul3A_165, %add3A_166 : i32
      %get3A_168 = arith.constant 32 : index
      %get3A_169 = tpu.vector_load %arg15[%get3A_168] {strides = array<i32>} : memref<128xf32, #tpu.memory_space<vmem>>, vector<16xf32>,
      %get3A_170 = arith.constant 32 : index
      %get3A_171 = tpu.vector_load %arg16[%get3A_170] {strides = array<i32>} : memref<128xf32, #tpu.memory_space<vmem>>, vector<16xf32>,
      %add3A_172 = arith.addf %get3A_169, %get3A_171 : vector<16xf32>
      %mul3A_173 = arith.constant 2.000000e-01 : f32
      %mul3A_174 = vector.broadcast %mul3A_173 : f32 to vector<16xf32>
      %mul3A_175 = arith.mulf %mul3A_174, %add3A_172 : vector<16xf32>
      %max3A_176 = arith.maximumf %add3A_172, %mul3A_175 : vector<16xf32>
      %exp3A_177 = math.exp %max3A_176 : vector<16xf32>
      %swap3A_178 = arith.index_cast %add3A_167 : i32 to index
      %swap3A_179 = tpu.vector_load %arg13[%swap3A_178] {strides = array<i32>} : memref<10112xf32, #tpu.memory_space<vmem>>, vector<16xf32>,
      tpu.vector_store %arg13[%swap3A_178], %exp3A_177 {strides = array<i32>} : memref<10112xf32, #tpu.memory_space<vmem>>, vector<16xf32>,
      %mul3A_180 = arith.constant 128 : i32
      %mul3A_181 = arith.muli %scan3A_119, %mul3A_180 : i32
      %add3A_182 = arith.constant 48 : i32
      %add3A_183 = arith.addi %mul3A_181, %add3A_182 : i32
      %get3A_184 = arith.constant 48 : index
      %get3A_185 = tpu.vector_load %arg15[%get3A_184] {strides = array<i32>} : memref<128xf32, #tpu.memory_space<vmem>>, vector<16xf32>,
      %get3A_186 = arith.constant 48 : index
      %get3A_187 = tpu.vector_load %arg16[%get3A_186] {strides = array<i32>} : memref<128xf32, #tpu.memory_space<vmem>>, vector<16xf32>,
      %add3A_188 = arith.addf %get3A_185, %get3A_187 : vector<16xf32>
      %mul3A_189 = arith.constant 2.000000e-01 : f32
      %mul3A_190 = vector.broadcast %mul3A_189 : f32 to vector<16xf32>
      %mul3A_191 = arith.mulf %mul3A_190, %add3A_188 : vector<16xf32>
      %max3A_192 = arith.maximumf %add3A_188, %mul3A_191 : vector<16xf32>
      %exp3A_193 = math.exp %max3A_192 : vector<16xf32>
      %swap3A_194 = arith.index_cast %add3A_183 : i32 to index
      %swap3A_195 = tpu.vector_load %arg13[%swap3A_194] {strides = array<i32>} : memref<10112xf32, #tpu.memory_space<vmem>>, vector<16xf32>,
      tpu.vector_store %arg13[%swap3A_194], %exp3A_193 {strides = array<i32>} : memref<10112xf32, #tpu.memory_space<vmem>>, vector<16xf32>,
      %mul3A_196 = arith.constant 128 : i32
      %mul3A_197 = arith.muli %scan3A_119, %mul3A_196 : i32
      %add3A_198 = arith.constant 64 : i32
      %add3A_199 = arith.addi %mul3A_197, %add3A_198 : i32
      %get3A_200 = arith.constant 64 : index
      %get3A_201 = tpu.vector_load %arg15[%get3A_200] {strides = array<i32>} : memref<128xf32, #tpu.memory_space<vmem>>, vector<16xf32>,
      %get3A_202 = arith.constant 64 : index
      %get3A_203 = tpu.vector_load %arg16[%get3A_202] {strides = array<i32>} : memref<128xf32, #tpu.memory_space<vmem>>, vector<16xf32>,
      %add3A_204 = arith.addf %get3A_201, %get3A_203 : vector<16xf32>
      %mul3A_205 = arith.constant 2.000000e-01 : f32
      %mul3A_206 = vector.broadcast %mul3A_205 : f32 to vector<16xf32>
      %mul3A_207 = arith.mulf %mul3A_206, %add3A_204 : vector<16xf32>
      %max3A_208 = arith.maximumf %add3A_204, %mul3A_207 : vector<16xf32>
      %exp3A_209 = math.exp %max3A_208 : vector<16xf32>
      %swap3A_210 = arith.index_cast %add3A_199 : i32 to index
      %swap3A_211 = tpu.vector_load %arg13[%swap3A_210] {strides = array<i32>} : memref<10112xf32, #tpu.memory_space<vmem>>, vector<16xf32>,
      tpu.vector_store %arg13[%swap3A_210], %exp3A_209 {strides = array<i32>} : memref<10112xf32, #tpu.memory_space<vmem>>, vector<16xf32>,
      %mul3A_212 = arith.constant 128 : i32
      %mul3A_213 = arith.muli %scan3A_119, %mul3A_212 : i32
      %add3A_214 = arith.constant 80 : i32
      %add3A_215 = arith.addi %mul3A_213, %add3A_214 : i32
      %get3A_216 = arith.constant 80 : index
      %get3A_217 = tpu.vector_load %arg15[%get3A_216] {strides = array<i32>} : memref<128xf32, #tpu.memory_space<vmem>>, vector<16xf32>,
      %get3A_218 = arith.constant 80 : index
      %get3A_219 = tpu.vector_load %arg16[%get3A_218] {strides = array<i32>} : memref<128xf32, #tpu.memory_space<vmem>>, vector<16xf32>,
      %add3A_220 = arith.addf %get3A_217, %get3A_219 : vector<16xf32>
      %mul3A_221 = arith.constant 2.000000e-01 : f32
      %mul3A_222 = vector.broadcast %mul3A_221 : f32 to vector<16xf32>
      %mul3A_223 = arith.mulf %mul3A_222, %add3A_220 : vector<16xf32>
      %max3A_224 = arith.maximumf %add3A_220, %mul3A_223 : vector<16xf32>
      %exp3A_225 = math.exp %max3A_224 : vector<16xf32>
      %swap3A_226 = arith.index_cast %add3A_215 : i32 to index
      %swap3A_227 = tpu.vector_load %arg13[%swap3A_226] {strides = array<i32>} : memref<10112xf32, #tpu.memory_space<vmem>>, vector<16xf32>,
      tpu.vector_store %arg13[%swap3A_226], %exp3A_225 {strides = array<i32>} : memref<10112xf32, #tpu.memory_space<vmem>>, vector<16xf32>,
      %mul3A_228 = arith.constant 128 : i32
      %mul3A_229 = arith.muli %scan3A_119, %mul3A_228 : i32
      %add3A_230 = arith.constant 96 : i32
      %add3A_231 = arith.addi %mul3A_229, %add3A_230 : i32
      %get3A_232 = arith.constant 96 : index
      %get3A_233 = tpu.vector_load %arg15[%get3A_232] {strides = array<i32>} : memref<128xf32, #tpu.memory_space<vmem>>, vector<16xf32>,
      %get3A_234 = arith.constant 96 : index
      %get3A_235 = tpu.vector_load %arg16[%get3A_234] {strides = array<i32>} : memref<128xf32, #tpu.memory_space<vmem>>, vector<16xf32>,
      %add3A_236 = arith.addf %get3A_233, %get3A_235 : vector<16xf32>
      %mul3A_237 = arith.constant 2.000000e-01 : f32
      %mul3A_238 = vector.broadcast %mul3A_237 : f32 to vector<16xf32>
      %mul3A_239 = arith.mulf %mul3A_238, %add3A_236 : vector<16xf32>
      %max3A_240 = arith.maximumf %add3A_236, %mul3A_239 : vector<16xf32>
      %exp3A_241 = math.exp %max3A_240 : vector<16xf32>
      %swap3A_242 = arith.index_cast %add3A_231 : i32 to index
      %swap3A_243 = tpu.vector_load %arg13[%swap3A_242] {strides = array<i32>} : memref<10112xf32, #tpu.memory_space<vmem>>, vector<16xf32>,
      tpu.vector_store %arg13[%swap3A_242], %exp3A_241 {strides = array<i32>} : memref<10112xf32, #tpu.memory_space<vmem>>, vector<16xf32>,
      %mul3A_244 = arith.constant 128 : i32
      %mul3A_245 = arith.muli %scan3A_119, %mul3A_244 : i32
      %add3A_246 = arith.constant 112 : i32
      %add3A_247 = arith.addi %mul3A_245, %add3A_246 : i32
      %get3A_248 = arith.constant 112 : index
      %get3A_249 = tpu.vector_load %arg15[%get3A_248] {strides = array<i32>} : memref<128xf32, #tpu.memory_space<vmem>>, vector<16xf32>,
      %get3A_250 = arith.constant 112 : index
      %get3A_251 = tpu.vector_load %arg16[%get3A_250] {strides = array<i32>} : memref<128xf32, #tpu.memory_space<vmem>>, vector<16xf32>,
      %add3A_252 = arith.addf %get3A_249, %get3A_251 : vector<16xf32>
      %mul3A_253 = arith.constant 2.000000e-01 : f32
      %mul3A_254 = vector.broadcast %mul3A_253 : f32 to vector<16xf32>
      %mul3A_255 = arith.mulf %mul3A_254, %add3A_252 : vector<16xf32>
      %max3A_256 = arith.maximumf %add3A_252, %mul3A_255 : vector<16xf32>
      %exp3A_257 = math.exp %max3A_256 : vector<16xf32>
      %swap3A_258 = arith.index_cast %add3A_247 : i32 to index
      %swap3A_259 = tpu.vector_load %arg13[%swap3A_258] {strides = array<i32>} : memref<10112xf32, #tpu.memory_space<vmem>>, vector<16xf32>,
      tpu.vector_store %arg13[%swap3A_258], %exp3A_257 {strides = array<i32>} : memref<10112xf32, #tpu.memory_space<vmem>>, vector<16xf32>,
    }
    %scan3A_16 = arith.constant 79 : i32
    %scan3A_17 = arith.constant 625 : i32
    %scan3A_18 = arith.constant 7 : i32
    %scan3A_19 = arith.addi %scan3A_17, %scan3A_18 : i32
    %scan3A_20 = arith.constant 1 : i32
    scf.for %scan3A_119 = %scan3A_17 to %scan3A_19 step %scan3A_20  : i32 {
      %broadcast_in_dim3A = arith.constant 0.000000e+00 : f32
      %broadcast_in_dim3A_120 = vector.broadcast %broadcast_in_dim3A : f32 to vector<16xf32>
      %mul3A_121 = arith.constant 16 : i32
      %mul3A_122 = arith.muli %scan3A_119, %mul3A_121 : i32
      %swap3A = arith.index_cast %mul3A_122 : i32 to index
      %swap3A_123 = tpu.vector_load %arg13[%swap3A] {strides = array<i32>} : memref<10112xf32, #tpu.memory_space<vmem>>, vector<16xf32>,
      tpu.vector_store %arg13[%swap3A], %broadcast_in_dim3A_120 {strides = array<i32>} : memref<10112xf32, #tpu.memory_space<vmem>>, vector<16xf32>,
    }
    %scan3A_21 = arith.constant 7 : i32
    %scan3A_22 = arith.constant 0 : i32
    %scan3A_23 = arith.constant 79 : i32
    %scan3A_24 = arith.addi %scan3A_22, %scan3A_23 : i32
    %scan3A_25 = arith.constant 1 : i32
    scf.for %scan3A_119 = %scan3A_22 to %scan3A_24 step %scan3A_25  : i32 {
      %mul3A_120 = arith.constant 128 : i32
      %mul3A_121 = arith.muli %scan3A_119, %mul3A_120 : i32
      "tpu.region"() ({
        %run_scoped3A = tpu.sem_alloc : memref<!tpu.dma_semaphore, #tpu.memory_space<semaphore_mem>>
        %dma_start3A = tpu.memref_slice %arg13[%mul3A_121] : memref<10112xf32, #tpu.memory_space<vmem>> -> memref<128xf32, #tpu.memory_space<vmem>>
        %dma_start3A_122 = arith.constant 0 : i32
        %dma_start3A_123 = tpu.memref_slice %arg12[%scan3A_119, %dma_start3A_122] : memref<79x128xi32, #tpu.memory_space<vmem>> -> memref<1x128xi32, #tpu.memory_space<vmem>>
        %dma_start3A_124 = tpu.memref_squeeze %dma_start3A_123 : memref<1x128xi32, #tpu.memory_space<vmem>> -> memref<128xi32, #tpu.memory_space<vmem>>
        %dma_start3A_125 = arith.constant 0 : i32
        %dma_start3A_126 = tpu.memref_slice %arg19[%dma_start3A_125] : memref<10240xf32, #tpu.memory_space<vmem_shared>> -> memref<10240xf32, #tpu.memory_space<vmem_shared>>
        tpu.enqueue_indirect_dma source(%dma_start3A : memref<128xf32, #tpu.memory_space<vmem>>) target(%dma_start3A_126 : memref<10240xf32, #tpu.memory_space<vmem_shared>>) offsets(%dma_start3A_124 : memref<128xi32, #tpu.memory_space<vmem>>) semaphore(%run_scoped3A : memref<!tpu.dma_semaphore, #tpu.memory_space<semaphore_mem>>) {add = true}
        %dma_wait3A = tpu.memref_slice %arg13[%mul3A_121] : memref<10112xf32, #tpu.memory_space<vmem>> -> memref<128xf32, #tpu.memory_space<vmem>>
        %dma_wait3A_127 = arith.constant 0 : i32
        %dma_wait3A_128 = tpu.memref_slice %arg12[%scan3A_119, %dma_wait3A_127] : memref<79x128xi32, #tpu.memory_space<vmem>> -> memref<1x128xi32, #tpu.memory_space<vmem>>
        %dma_wait3A_129 = tpu.memref_squeeze %dma_wait3A_128 : memref<1x128xi32, #tpu.memory_space<vmem>> -> memref<128xi32, #tpu.memory_space<vmem>>
        %dma_wait3A_130 = arith.constant 0 : i32
        %dma_wait3A_131 = tpu.memref_slice %arg19[%dma_wait3A_130] : memref<10240xf32, #tpu.memory_space<vmem_shared>> -> memref<10240xf32, #tpu.memory_space<vmem_shared>>
        tpu.wait_indirect_dma semaphore(%run_scoped3A : memref<!tpu.dma_semaphore, #tpu.memory_space<semaphore_mem>>) src(%dma_wait3A : memref<128xf32, #tpu.memory_space<vmem>>) dst(%dma_wait3A_131 : memref<10240xf32, #tpu.memory_space<vmem_shared>>)
        tpu.yield
      }) : () -> ()
    }
    %scan3A_26 = arith.constant 79 : i32
    %barrier3A_27 = arith.constant 0 : index
    tpu.barrier barrier_id(%barrier3A_27)
    %eq3A_28 = arith.constant 0 : i32
    %eq3A_29 = arith.cmpi eq, %arg1, %eq3A_28 : i32
    %convert_element_type3A_30 = arith.extui %eq3A_29 : i1 to i32
    %cond3A_31 = arith.constant 0 : i32
    %cond3A_32 = arith.cmpi ne, %convert_element_type3A_30, %cond3A_31 : i32
    scf.if %cond3A_32 {
      "tpu.region"() ({
        %run_scoped3A = tpu.sem_alloc : memref<!tpu.dma_semaphore, #tpu.memory_space<semaphore_mem>>
        %dma_start3A = arith.constant 0 : i32
        %dma_start3A_119 = tpu.memref_slice %arg10[%add3A_3, %dma_start3A] : memref<4x10240xf32, #tpu.memory_space<hbm>> -> memref<1x10240xf32, #tpu.memory_space<hbm>>
        %dma_start3A_120 = tpu.memref_squeeze %dma_start3A_119 : memref<1x10240xf32, #tpu.memory_space<hbm>> -> memref<10240xf32, #tpu.memory_space<hbm>>
        tpu.enqueue_dma source(%arg19 : memref<10240xf32, #tpu.memory_space<vmem_shared>>) target(%dma_start3A_120 : memref<10240xf32, #tpu.memory_space<hbm>>) target_semaphore(%run_scoped3A : memref<!tpu.dma_semaphore, #tpu.memory_space<semaphore_mem>>)
        %dma_wait3A = arith.constant 0 : i32
        %dma_wait3A_121 = tpu.memref_slice %arg10[%add3A_3, %dma_wait3A] : memref<4x10240xf32, #tpu.memory_space<hbm>> -> memref<1x10240xf32, #tpu.memory_space<hbm>>
        %dma_wait3A_122 = tpu.memref_squeeze %dma_wait3A_121 : memref<1x10240xf32, #tpu.memory_space<hbm>> -> memref<10240xf32, #tpu.memory_space<hbm>>
        tpu.wait_dma2 semaphore(%run_scoped3A : memref<!tpu.dma_semaphore, #tpu.memory_space<semaphore_mem>>) src(%arg19 : memref<10240xf32, #tpu.memory_space<vmem_shared>>) dst(%dma_wait3A_122 : memref<10240xf32, #tpu.memory_space<hbm>>)
        tpu.yield
      }) : () -> ()
    } else {
    }
    %mul3A_33 = arith.constant 10240 : i32
    %mul3A_34 = arith.muli %add3A_3, %mul3A_33 : i32
    %scan3A_35 = arith.constant 0 : i32
    %scan3A_36 = arith.constant 632 : i32
    %scan3A_37 = arith.addi %scan3A_35, %scan3A_36 : i32
    %scan3A_38 = arith.constant 1 : i32
    scf.for %scan3A_119 = %scan3A_35 to %scan3A_37 step %scan3A_38  : i32 {
      %mul3A_120 = arith.constant 16 : i32
      %mul3A_121 = arith.muli %scan3A_119, %mul3A_120 : i32
      %get3A = arith.index_cast %mul3A_121 : i32 to index
      %get3A_122 = tpu.vector_load %arg11[%get3A] {strides = array<i32>} : memref<10112xi32, #tpu.memory_space<vmem>>, vector<16xi32>,
      %add3A_123 = vector.broadcast %mul3A_34 : i32 to vector<16xi32>
      %add3A_124 = arith.addi %get3A_122, %add3A_123 : vector<16xi32>
      %swap3A = arith.index_cast %mul3A_121 : i32 to index
      %swap3A_125 = tpu.vector_load %arg11[%swap3A] {strides = array<i32>} : memref<10112xi32, #tpu.memory_space<vmem>>, vector<16xi32>,
      tpu.vector_store %arg11[%swap3A], %add3A_124 {strides = array<i32>} : memref<10112xi32, #tpu.memory_space<vmem>>, vector<16xi32>,
    }
    %scan3A_39 = arith.constant 632 : i32
    %scan3A_40 = arith.constant 0 : i32
    %scan3A_41 = arith.constant 79 : i32
    %scan3A_42 = arith.addi %scan3A_40, %scan3A_41 : i32
    %scan3A_43 = arith.constant 1 : i32
    scf.for %scan3A_119 = %scan3A_40 to %scan3A_42 step %scan3A_43  : i32 {
      %mul3A_120 = arith.constant 128 : i32
      %mul3A_121 = arith.muli %scan3A_119, %mul3A_120 : i32
      %dma_start3A = tpu.memref_slice %arg11[%mul3A_121] : memref<10112xi32, #tpu.memory_space<vmem>> -> memref<128xi32, #tpu.memory_space<vmem>>
      %dma_start3A_122 = arith.constant 0 : i32
      %dma_start3A_123 = arith.constant 0 : i32
      %dma_start3A_124 = tpu.memref_slice %arg2[%dma_start3A_122, %dma_start3A_123] : memref<40960x128xf32, #tpu.memory_space<hbm>> -> memref<40960x128xf32, #tpu.memory_space<hbm>>
      tpu.enqueue_indirect_dma source(%dma_start3A_124 : memref<40960x128xf32, #tpu.memory_space<hbm>>) target(%arg14 : memref<128x128xf32, #tpu.memory_space<vmem>>) offsets(%dma_start3A : memref<128xi32, #tpu.memory_space<vmem>>) semaphore(%arg21 : memref<!tpu.dma_semaphore, #tpu.memory_space<semaphore_mem>>)
      %dma_wait3A = tpu.memref_slice %arg11[%mul3A_121] : memref<10112xi32, #tpu.memory_space<vmem>> -> memref<128xi32, #tpu.memory_space<vmem>>
      %dma_wait3A_125 = arith.constant 0 : i32
      %dma_wait3A_126 = arith.constant 0 : i32
      %dma_wait3A_127 = tpu.memref_slice %arg2[%dma_wait3A_125, %dma_wait3A_126] : memref<40960x128xf32, #tpu.memory_space<hbm>> -> memref<40960x128xf32, #tpu.memory_space<hbm>>
      tpu.wait_indirect_dma semaphore(%arg21 : memref<!tpu.dma_semaphore, #tpu.memory_space<semaphore_mem>>) src(%dma_wait3A_127 : memref<40960x128xf32, #tpu.memory_space<hbm>>) dst(%arg14 : memref<128x128xf32, #tpu.memory_space<vmem>>)
      %scan3A_128 = arith.constant 0 : i32
      %scan3A_129 = arith.constant 64 : i32
      %scan3A_130 = arith.addi %scan3A_128, %scan3A_129 : i32
      %scan3A_131 = arith.constant 2 : i32
      scf.for %scan3A_133 = %scan3A_128 to %scan3A_130 step %scan3A_131  : i32 {
        %mul3A_134 = arith.constant 2 : i32
        %mul3A_135 = arith.muli %mul3A_134, %scan3A_133 : i32
        %mul3A_136 = arith.constant 128 : i32
        %mul3A_137 = arith.muli %scan3A_119, %mul3A_136 : i32
        %add3A_138 = arith.addi %mul3A_137, %mul3A_135 : i32
        %broadcast_in_dim3A = vector.broadcast %add3A_138 : i32 to vector<16xi32>
        %gather3A = tpu.vector_load_idx %arg13[%broadcast_in_dim3A] : memref<10112xf32, #tpu.memory_space<vmem>>[vector<16xi32>], vector<16xf32>,
        %mul3A_139 = arith.constant 128 : i32
        %mul3A_140 = arith.muli %scan3A_119, %mul3A_139 : i32
        %add3A_141 = arith.addi %mul3A_140, %mul3A_135 : i32
        %add3A_142 = arith.constant 1 : i32
        %add3A_143 = arith.addi %add3A_141, %add3A_142 : i32
        %broadcast_in_dim3A_144 = vector.broadcast %add3A_143 : i32 to vector<16xi32>
        %gather3A_145 = tpu.vector_load_idx %arg13[%broadcast_in_dim3A_144] : memref<10112xf32, #tpu.memory_space<vmem>>[vector<16xi32>], vector<16xf32>,
        %get3A = arith.index_cast %mul3A_135 : i32 to index
        %get3A_146 = arith.constant 0 : index
        %get3A_147 = tpu.vector_load %arg14[%get3A, %get3A_146] {strides = array<i32>} : memref<128x128xf32, #tpu.memory_space<vmem>>, vector<16xf32>,
        %mul3A_148 = arith.mulf %get3A_147, %gather3A : vector<16xf32>
        %swap3A = arith.index_cast %mul3A_135 : i32 to index
        %swap3A_149 = arith.constant 0 : index
        %swap3A_150 = tpu.vector_load %arg14[%swap3A, %swap3A_149] {strides = array<i32>} : memref<128x128xf32, #tpu.memory_space<vmem>>, vector<16xf32>,
        tpu.vector_store %arg14[%swap3A, %swap3A_149], %mul3A_148 {strides = array<i32>} : memref<128x128xf32, #tpu.memory_space<vmem>>, vector<16xf32>,
        %get3A_151 = arith.index_cast %mul3A_135 : i32 to index
        %get3A_152 = arith.constant 16 : index
        %get3A_153 = tpu.vector_load %arg14[%get3A_151, %get3A_152] {strides = array<i32>} : memref<128x128xf32, #tpu.memory_space<vmem>>, vector<16xf32>,
        %mul3A_154 = arith.mulf %get3A_153, %gather3A : vector<16xf32>
        %swap3A_155 = arith.index_cast %mul3A_135 : i32 to index
        %swap3A_156 = arith.constant 16 : index
        %swap3A_157 = tpu.vector_load %arg14[%swap3A_155, %swap3A_156] {strides = array<i32>} : memref<128x128xf32, #tpu.memory_space<vmem>>, vector<16xf32>,
        tpu.vector_store %arg14[%swap3A_155, %swap3A_156], %mul3A_154 {strides = array<i32>} : memref<128x128xf32, #tpu.memory_space<vmem>>, vector<16xf32>,
        %get3A_158 = arith.index_cast %mul3A_135 : i32 to index
        %get3A_159 = arith.constant 32 : index
        %get3A_160 = tpu.vector_load %arg14[%get3A_158, %get3A_159] {strides = array<i32>} : memref<128x128xf32, #tpu.memory_space<vmem>>, vector<16xf32>,
        %mul3A_161 = arith.mulf %get3A_160, %gather3A : vector<16xf32>
        %swap3A_162 = arith.index_cast %mul3A_135 : i32 to index
        %swap3A_163 = arith.constant 32 : index
        %swap3A_164 = tpu.vector_load %arg14[%swap3A_162, %swap3A_163] {strides = array<i32>} : memref<128x128xf32, #tpu.memory_space<vmem>>, vector<16xf32>,
        tpu.vector_store %arg14[%swap3A_162, %swap3A_163], %mul3A_161 {strides = array<i32>} : memref<128x128xf32, #tpu.memory_space<vmem>>, vector<16xf32>,
        %get3A_165 = arith.index_cast %mul3A_135 : i32 to index
        %get3A_166 = arith.constant 48 : index
        %get3A_167 = tpu.vector_load %arg14[%get3A_165, %get3A_166] {strides = array<i32>} : memref<128x128xf32, #tpu.memory_space<vmem>>, vector<16xf32>,
        %mul3A_168 = arith.mulf %get3A_167, %gather3A : vector<16xf32>
        %swap3A_169 = arith.index_cast %mul3A_135 : i32 to index
        %swap3A_170 = arith.constant 48 : index
        %swap3A_171 = tpu.vector_load %arg14[%swap3A_169, %swap3A_170] {strides = array<i32>} : memref<128x128xf32, #tpu.memory_space<vmem>>, vector<16xf32>,
        tpu.vector_store %arg14[%swap3A_169, %swap3A_170], %mul3A_168 {strides = array<i32>} : memref<128x128xf32, #tpu.memory_space<vmem>>, vector<16xf32>,
        %get3A_172 = arith.index_cast %mul3A_135 : i32 to index
        %get3A_173 = arith.constant 64 : index
        %get3A_174 = tpu.vector_load %arg14[%get3A_172, %get3A_173] {strides = array<i32>} : memref<128x128xf32, #tpu.memory_space<vmem>>, vector<16xf32>,
        %mul3A_175 = arith.mulf %get3A_174, %gather3A : vector<16xf32>
        %swap3A_176 = arith.index_cast %mul3A_135 : i32 to index
        %swap3A_177 = arith.constant 64 : index
        %swap3A_178 = tpu.vector_load %arg14[%swap3A_176, %swap3A_177] {strides = array<i32>} : memref<128x128xf32, #tpu.memory_space<vmem>>, vector<16xf32>,
        tpu.vector_store %arg14[%swap3A_176, %swap3A_177], %mul3A_175 {strides = array<i32>} : memref<128x128xf32, #tpu.memory_space<vmem>>, vector<16xf32>,
        %get3A_179 = arith.index_cast %mul3A_135 : i32 to index
        %get3A_180 = arith.constant 80 : index
        %get3A_181 = tpu.vector_load %arg14[%get3A_179, %get3A_180] {strides = array<i32>} : memref<128x128xf32, #tpu.memory_space<vmem>>, vector<16xf32>,
        %mul3A_182 = arith.mulf %get3A_181, %gather3A : vector<16xf32>
        %swap3A_183 = arith.index_cast %mul3A_135 : i32 to index
        %swap3A_184 = arith.constant 80 : index
        %swap3A_185 = tpu.vector_load %arg14[%swap3A_183, %swap3A_184] {strides = array<i32>} : memref<128x128xf32, #tpu.memory_space<vmem>>, vector<16xf32>,
        tpu.vector_store %arg14[%swap3A_183, %swap3A_184], %mul3A_182 {strides = array<i32>} : memref<128x128xf32, #tpu.memory_space<vmem>>, vector<16xf32>,
        %get3A_186 = arith.index_cast %mul3A_135 : i32 to index
        %get3A_187 = arith.constant 96 : index
        %get3A_188 = tpu.vector_load %arg14[%get3A_186, %get3A_187] {strides = array<i32>} : memref<128x128xf32, #tpu.memory_space<vmem>>, vector<16xf32>,
        %mul3A_189 = arith.mulf %get3A_188, %gather3A : vector<16xf32>
        %swap3A_190 = arith.index_cast %mul3A_135 : i32 to index
        %swap3A_191 = arith.constant 96 : index
        %swap3A_192 = tpu.vector_load %arg14[%swap3A_190, %swap3A_191] {strides = array<i32>} : memref<128x128xf32, #tpu.memory_space<vmem>>, vector<16xf32>,
        tpu.vector_store %arg14[%swap3A_190, %swap3A_191], %mul3A_189 {strides = array<i32>} : memref<128x128xf32, #tpu.memory_space<vmem>>, vector<16xf32>,
        %get3A_193 = arith.index_cast %mul3A_135 : i32 to index
        %get3A_194 = arith.constant 112 : index
        %get3A_195 = tpu.vector_load %arg14[%get3A_193, %get3A_194] {strides = array<i32>} : memref<128x128xf32, #tpu.memory_space<vmem>>, vector<16xf32>,
        %mul3A_196 = arith.mulf %get3A_195, %gather3A : vector<16xf32>
        %swap3A_197 = arith.index_cast %mul3A_135 : i32 to index
        %swap3A_198 = arith.constant 112 : index
        %swap3A_199 = tpu.vector_load %arg14[%swap3A_197, %swap3A_198] {strides = array<i32>} : memref<128x128xf32, #tpu.memory_space<vmem>>, vector<16xf32>,
        tpu.vector_store %arg14[%swap3A_197, %swap3A_198], %mul3A_196 {strides = array<i32>} : memref<128x128xf32, #tpu.memory_space<vmem>>, vector<16xf32>,
        %add3A_200 = arith.constant 1 : i32
        %add3A_201 = arith.addi %mul3A_135, %add3A_200 : i32
        %get3A_202 = arith.index_cast %add3A_201 : i32 to index
        %get3A_203 = arith.constant 0 : index
        %get3A_204 = tpu.vector_load %arg14[%get3A_202, %get3A_203] {strides = array<i32>} : memref<128x128xf32, #tpu.memory_space<vmem>>, vector<16xf32>,
        %mul3A_205 = arith.mulf %get3A_204, %gather3A_145 : vector<16xf32>
        %add3A_206 = arith.constant 1 : i32
        %add3A_207 = arith.addi %mul3A_135, %add3A_206 : i32
        %swap3A_208 = arith.index_cast %add3A_207 : i32 to index
        %swap3A_209 = arith.constant 0 : index
        %swap3A_210 = tpu.vector_load %arg14[%swap3A_208, %swap3A_209] {strides = array<i32>} : memref<128x128xf32, #tpu.memory_space<vmem>>, vector<16xf32>,
        tpu.vector_store %arg14[%swap3A_208, %swap3A_209], %mul3A_205 {strides = array<i32>} : memref<128x128xf32, #tpu.memory_space<vmem>>, vector<16xf32>,
        %add3A_211 = arith.constant 1 : i32
        %add3A_212 = arith.addi %mul3A_135, %add3A_211 : i32
        %get3A_213 = arith.index_cast %add3A_212 : i32 to index
        %get3A_214 = arith.constant 16 : index
        %get3A_215 = tpu.vector_load %arg14[%get3A_213, %get3A_214] {strides = array<i32>} : memref<128x128xf32, #tpu.memory_space<vmem>>, vector<16xf32>,
        %mul3A_216 = arith.mulf %get3A_215, %gather3A_145 : vector<16xf32>
        %add3A_217 = arith.constant 1 : i32
        %add3A_218 = arith.addi %mul3A_135, %add3A_217 : i32
        %swap3A_219 = arith.index_cast %add3A_218 : i32 to index
        %swap3A_220 = arith.constant 16 : index
        %swap3A_221 = tpu.vector_load %arg14[%swap3A_219, %swap3A_220] {strides = array<i32>} : memref<128x128xf32, #tpu.memory_space<vmem>>, vector<16xf32>,
        tpu.vector_store %arg14[%swap3A_219, %swap3A_220], %mul3A_216 {strides = array<i32>} : memref<128x128xf32, #tpu.memory_space<vmem>>, vector<16xf32>,
        %add3A_222 = arith.constant 1 : i32
        %add3A_223 = arith.addi %mul3A_135, %add3A_222 : i32
        %get3A_224 = arith.index_cast %add3A_223 : i32 to index
        %get3A_225 = arith.constant 32 : index
        %get3A_226 = tpu.vector_load %arg14[%get3A_224, %get3A_225] {strides = array<i32>} : memref<128x128xf32, #tpu.memory_space<vmem>>, vector<16xf32>,
        %mul3A_227 = arith.mulf %get3A_226, %gather3A_145 : vector<16xf32>
        %add3A_228 = arith.constant 1 : i32
        %add3A_229 = arith.addi %mul3A_135, %add3A_228 : i32
        %swap3A_230 = arith.index_cast %add3A_229 : i32 to index
        %swap3A_231 = arith.constant 32 : index
        %swap3A_232 = tpu.vector_load %arg14[%swap3A_230, %swap3A_231] {strides = array<i32>} : memref<128x128xf32, #tpu.memory_space<vmem>>, vector<16xf32>,
        tpu.vector_store %arg14[%swap3A_230, %swap3A_231], %mul3A_227 {strides = array<i32>} : memref<128x128xf32, #tpu.memory_space<vmem>>, vector<16xf32>,
        %add3A_233 = arith.constant 1 : i32
        %add3A_234 = arith.addi %mul3A_135, %add3A_233 : i32
        %get3A_235 = arith.index_cast %add3A_234 : i32 to index
        %get3A_236 = arith.constant 48 : index
        %get3A_237 = tpu.vector_load %arg14[%get3A_235, %get3A_236] {strides = array<i32>} : memref<128x128xf32, #tpu.memory_space<vmem>>, vector<16xf32>,
        %mul3A_238 = arith.mulf %get3A_237, %gather3A_145 : vector<16xf32>
        %add3A_239 = arith.constant 1 : i32
        %add3A_240 = arith.addi %mul3A_135, %add3A_239 : i32
        %swap3A_241 = arith.index_cast %add3A_240 : i32 to index
        %swap3A_242 = arith.constant 48 : index
        %swap3A_243 = tpu.vector_load %arg14[%swap3A_241, %swap3A_242] {strides = array<i32>} : memref<128x128xf32, #tpu.memory_space<vmem>>, vector<16xf32>,
        tpu.vector_store %arg14[%swap3A_241, %swap3A_242], %mul3A_238 {strides = array<i32>} : memref<128x128xf32, #tpu.memory_space<vmem>>, vector<16xf32>,
        %add3A_244 = arith.constant 1 : i32
        %add3A_245 = arith.addi %mul3A_135, %add3A_244 : i32
        %get3A_246 = arith.index_cast %add3A_245 : i32 to index
        %get3A_247 = arith.constant 64 : index
        %get3A_248 = tpu.vector_load %arg14[%get3A_246, %get3A_247] {strides = array<i32>} : memref<128x128xf32, #tpu.memory_space<vmem>>, vector<16xf32>,
        %mul3A_249 = arith.mulf %get3A_248, %gather3A_145 : vector<16xf32>
        %add3A_250 = arith.constant 1 : i32
        %add3A_251 = arith.addi %mul3A_135, %add3A_250 : i32
        %swap3A_252 = arith.index_cast %add3A_251 : i32 to index
        %swap3A_253 = arith.constant 64 : index
        %swap3A_254 = tpu.vector_load %arg14[%swap3A_252, %swap3A_253] {strides = array<i32>} : memref<128x128xf32, #tpu.memory_space<vmem>>, vector<16xf32>,
        tpu.vector_store %arg14[%swap3A_252, %swap3A_253], %mul3A_249 {strides = array<i32>} : memref<128x128xf32, #tpu.memory_space<vmem>>, vector<16xf32>,
        %add3A_255 = arith.constant 1 : i32
        %add3A_256 = arith.addi %mul3A_135, %add3A_255 : i32
        %get3A_257 = arith.index_cast %add3A_256 : i32 to index
        %get3A_258 = arith.constant 80 : index
        %get3A_259 = tpu.vector_load %arg14[%get3A_257, %get3A_258] {strides = array<i32>} : memref<128x128xf32, #tpu.memory_space<vmem>>, vector<16xf32>,
        %mul3A_260 = arith.mulf %get3A_259, %gather3A_145 : vector<16xf32>
        %add3A_261 = arith.constant 1 : i32
        %add3A_262 = arith.addi %mul3A_135, %add3A_261 : i32
        %swap3A_263 = arith.index_cast %add3A_262 : i32 to index
        %swap3A_264 = arith.constant 80 : index
        %swap3A_265 = tpu.vector_load %arg14[%swap3A_263, %swap3A_264] {strides = array<i32>} : memref<128x128xf32, #tpu.memory_space<vmem>>, vector<16xf32>,
        tpu.vector_store %arg14[%swap3A_263, %swap3A_264], %mul3A_260 {strides = array<i32>} : memref<128x128xf32, #tpu.memory_space<vmem>>, vector<16xf32>,
        %add3A_266 = arith.constant 1 : i32
        %add3A_267 = arith.addi %mul3A_135, %add3A_266 : i32
        %get3A_268 = arith.index_cast %add3A_267 : i32 to index
        %get3A_269 = arith.constant 96 : index
        %get3A_270 = tpu.vector_load %arg14[%get3A_268, %get3A_269] {strides = array<i32>} : memref<128x128xf32, #tpu.memory_space<vmem>>, vector<16xf32>,
        %mul3A_271 = arith.mulf %get3A_270, %gather3A_145 : vector<16xf32>
        %add3A_272 = arith.constant 1 : i32
        %add3A_273 = arith.addi %mul3A_135, %add3A_272 : i32
        %swap3A_274 = arith.index_cast %add3A_273 : i32 to index
        %swap3A_275 = arith.constant 96 : index
        %swap3A_276 = tpu.vector_load %arg14[%swap3A_274, %swap3A_275] {strides = array<i32>} : memref<128x128xf32, #tpu.memory_space<vmem>>, vector<16xf32>,
        tpu.vector_store %arg14[%swap3A_274, %swap3A_275], %mul3A_271 {strides = array<i32>} : memref<128x128xf32, #tpu.memory_space<vmem>>, vector<16xf32>,
        %add3A_277 = arith.constant 1 : i32
        %add3A_278 = arith.addi %mul3A_135, %add3A_277 : i32
        %get3A_279 = arith.index_cast %add3A_278 : i32 to index
        %get3A_280 = arith.constant 112 : index
        %get3A_281 = tpu.vector_load %arg14[%get3A_279, %get3A_280] {strides = array<i32>} : memref<128x128xf32, #tpu.memory_space<vmem>>, vector<16xf32>,
        %mul3A_282 = arith.mulf %get3A_281, %gather3A_145 : vector<16xf32>
        %add3A_283 = arith.constant 1 : i32
        %add3A_284 = arith.addi %mul3A_135, %add3A_283 : i32
        %swap3A_285 = arith.index_cast %add3A_284 : i32 to index
        %swap3A_286 = arith.constant 112 : index
        %swap3A_287 = tpu.vector_load %arg14[%swap3A_285, %swap3A_286] {strides = array<i32>} : memref<128x128xf32, #tpu.memory_space<vmem>>, vector<16xf32>,
        tpu.vector_store %arg14[%swap3A_285, %swap3A_286], %mul3A_282 {strides = array<i32>} : memref<128x128xf32, #tpu.memory_space<vmem>>, vector<16xf32>,
        %scan3A_288 = arith.constant 1 : i32
        %scan3A_289 = arith.addi %scan3A_133, %scan3A_288 : i32
        %mul3A_290 = arith.constant 2 : i32
        %mul3A_291 = arith.muli %mul3A_290, %scan3A_289 : i32
        %mul3A_292 = arith.constant 128 : i32
        %mul3A_293 = arith.muli %scan3A_119, %mul3A_292 : i32
        %add3A_294 = arith.addi %mul3A_293, %mul3A_291 : i32
        %broadcast_in_dim3A_295 = vector.broadcast %add3A_294 : i32 to vector<16xi32>
        %gather3A_296 = tpu.vector_load_idx %arg13[%broadcast_in_dim3A_295] : memref<10112xf32, #tpu.memory_space<vmem>>[vector<16xi32>], vector<16xf32>,
        %mul3A_297 = arith.constant 128 : i32
        %mul3A_298 = arith.muli %scan3A_119, %mul3A_297 : i32
        %add3A_299 = arith.addi %mul3A_298, %mul3A_291 : i32
        %add3A_300 = arith.constant 1 : i32
        %add3A_301 = arith.addi %add3A_299, %add3A_300 : i32
        %broadcast_in_dim3A_302 = vector.broadcast %add3A_301 : i32 to vector<16xi32>
        %gather3A_303 = tpu.vector_load_idx %arg13[%broadcast_in_dim3A_302] : memref<10112xf32, #tpu.memory_space<vmem>>[vector<16xi32>], vector<16xf32>,
        %get3A_304 = arith.index_cast %mul3A_291 : i32 to index
        %get3A_305 = arith.constant 0 : index
        %get3A_306 = tpu.vector_load %arg14[%get3A_304, %get3A_305] {strides = array<i32>} : memref<128x128xf32, #tpu.memory_space<vmem>>, vector<16xf32>,
        %mul3A_307 = arith.mulf %get3A_306, %gather3A_296 : vector<16xf32>
        %swap3A_308 = arith.index_cast %mul3A_291 : i32 to index
        %swap3A_309 = arith.constant 0 : index
        %swap3A_310 = tpu.vector_load %arg14[%swap3A_308, %swap3A_309] {strides = array<i32>} : memref<128x128xf32, #tpu.memory_space<vmem>>, vector<16xf32>,
        tpu.vector_store %arg14[%swap3A_308, %swap3A_309], %mul3A_307 {strides = array<i32>} : memref<128x128xf32, #tpu.memory_space<vmem>>, vector<16xf32>,
        %get3A_311 = arith.index_cast %mul3A_291 : i32 to index
        %get3A_312 = arith.constant 16 : index
        %get3A_313 = tpu.vector_load %arg14[%get3A_311, %get3A_312] {strides = array<i32>} : memref<128x128xf32, #tpu.memory_space<vmem>>, vector<16xf32>,
        %mul3A_314 = arith.mulf %get3A_313, %gather3A_296 : vector<16xf32>
        %swap3A_315 = arith.index_cast %mul3A_291 : i32 to index
        %swap3A_316 = arith.constant 16 : index
        %swap3A_317 = tpu.vector_load %arg14[%swap3A_315, %swap3A_316] {strides = array<i32>} : memref<128x128xf32, #tpu.memory_space<vmem>>, vector<16xf32>,
        tpu.vector_store %arg14[%swap3A_315, %swap3A_316], %mul3A_314 {strides = array<i32>} : memref<128x128xf32, #tpu.memory_space<vmem>>, vector<16xf32>,
        %get3A_318 = arith.index_cast %mul3A_291 : i32 to index
        %get3A_319 = arith.constant 32 : index
        %get3A_320 = tpu.vector_load %arg14[%get3A_318, %get3A_319] {strides = array<i32>} : memref<128x128xf32, #tpu.memory_space<vmem>>, vector<16xf32>,
        %mul3A_321 = arith.mulf %get3A_320, %gather3A_296 : vector<16xf32>
        %swap3A_322 = arith.index_cast %mul3A_291 : i32 to index
        %swap3A_323 = arith.constant 32 : index
        %swap3A_324 = tpu.vector_load %arg14[%swap3A_322, %swap3A_323] {strides = array<i32>} : memref<128x128xf32, #tpu.memory_space<vmem>>, vector<16xf32>,
        tpu.vector_store %arg14[%swap3A_322, %swap3A_323], %mul3A_321 {strides = array<i32>} : memref<128x128xf32, #tpu.memory_space<vmem>>, vector<16xf32>,
        %get3A_325 = arith.index_cast %mul3A_291 : i32 to index
        %get3A_326 = arith.constant 48 : index
        %get3A_327 = tpu.vector_load %arg14[%get3A_325, %get3A_326] {strides = array<i32>} : memref<128x128xf32, #tpu.memory_space<vmem>>, vector<16xf32>,
        %mul3A_328 = arith.mulf %get3A_327, %gather3A_296 : vector<16xf32>
        %swap3A_329 = arith.index_cast %mul3A_291 : i32 to index
        %swap3A_330 = arith.constant 48 : index
        %swap3A_331 = tpu.vector_load %arg14[%swap3A_329, %swap3A_330] {strides = array<i32>} : memref<128x128xf32, #tpu.memory_space<vmem>>, vector<16xf32>,
        tpu.vector_store %arg14[%swap3A_329, %swap3A_330], %mul3A_328 {strides = array<i32>} : memref<128x128xf32, #tpu.memory_space<vmem>>, vector<16xf32>,
        %get3A_332 = arith.index_cast %mul3A_291 : i32 to index
        %get3A_333 = arith.constant 64 : index
        %get3A_334 = tpu.vector_load %arg14[%get3A_332, %get3A_333] {strides = array<i32>} : memref<128x128xf32, #tpu.memory_space<vmem>>, vector<16xf32>,
        %mul3A_335 = arith.mulf %get3A_334, %gather3A_296 : vector<16xf32>
        %swap3A_336 = arith.index_cast %mul3A_291 : i32 to index
        %swap3A_337 = arith.constant 64 : index
        %swap3A_338 = tpu.vector_load %arg14[%swap3A_336, %swap3A_337] {strides = array<i32>} : memref<128x128xf32, #tpu.memory_space<vmem>>, vector<16xf32>,
        tpu.vector_store %arg14[%swap3A_336, %swap3A_337], %mul3A_335 {strides = array<i32>} : memref<128x128xf32, #tpu.memory_space<vmem>>, vector<16xf32>,
        %get3A_339 = arith.index_cast %mul3A_291 : i32 to index
        %get3A_340 = arith.constant 80 : index
        %get3A_341 = tpu.vector_load %arg14[%get3A_339, %get3A_340] {strides = array<i32>} : memref<128x128xf32, #tpu.memory_space<vmem>>, vector<16xf32>,
        %mul3A_342 = arith.mulf %get3A_341, %gather3A_296 : vector<16xf32>
        %swap3A_343 = arith.index_cast %mul3A_291 : i32 to index
        %swap3A_344 = arith.constant 80 : index
        %swap3A_345 = tpu.vector_load %arg14[%swap3A_343, %swap3A_344] {strides = array<i32>} : memref<128x128xf32, #tpu.memory_space<vmem>>, vector<16xf32>,
        tpu.vector_store %arg14[%swap3A_343, %swap3A_344], %mul3A_342 {strides = array<i32>} : memref<128x128xf32, #tpu.memory_space<vmem>>, vector<16xf32>,
        %get3A_346 = arith.index_cast %mul3A_291 : i32 to index
        %get3A_347 = arith.constant 96 : index
        %get3A_348 = tpu.vector_load %arg14[%get3A_346, %get3A_347] {strides = array<i32>} : memref<128x128xf32, #tpu.memory_space<vmem>>, vector<16xf32>,
        %mul3A_349 = arith.mulf %get3A_348, %gather3A_296 : vector<16xf32>
        %swap3A_350 = arith.index_cast %mul3A_291 : i32 to index
        %swap3A_351 = arith.constant 96 : index
        %swap3A_352 = tpu.vector_load %arg14[%swap3A_350, %swap3A_351] {strides = array<i32>} : memref<128x128xf32, #tpu.memory_space<vmem>>, vector<16xf32>,
        tpu.vector_store %arg14[%swap3A_350, %swap3A_351], %mul3A_349 {strides = array<i32>} : memref<128x128xf32, #tpu.memory_space<vmem>>, vector<16xf32>,
        %get3A_353 = arith.index_cast %mul3A_291 : i32 to index
        %get3A_354 = arith.constant 112 : index
        %get3A_355 = tpu.vector_load %arg14[%get3A_353, %get3A_354] {strides = array<i32>} : memref<128x128xf32, #tpu.memory_space<vmem>>, vector<16xf32>,
        %mul3A_356 = arith.mulf %get3A_355, %gather3A_296 : vector<16xf32>
        %swap3A_357 = arith.index_cast %mul3A_291 : i32 to index
        %swap3A_358 = arith.constant 112 : index
        %swap3A_359 = tpu.vector_load %arg14[%swap3A_357, %swap3A_358] {strides = array<i32>} : memref<128x128xf32, #tpu.memory_space<vmem>>, vector<16xf32>,
        tpu.vector_store %arg14[%swap3A_357, %swap3A_358], %mul3A_356 {strides = array<i32>} : memref<128x128xf32, #tpu.memory_space<vmem>>, vector<16xf32>,
        %add3A_360 = arith.constant 1 : i32
        %add3A_361 = arith.addi %mul3A_291, %add3A_360 : i32
        %get3A_362 = arith.index_cast %add3A_361 : i32 to index
        %get3A_363 = arith.constant 0 : index
        %get3A_364 = tpu.vector_load %arg14[%get3A_362, %get3A_363] {strides = array<i32>} : memref<128x128xf32, #tpu.memory_space<vmem>>, vector<16xf32>,
        %mul3A_365 = arith.mulf %get3A_364, %gather3A_303 : vector<16xf32>
        %add3A_366 = arith.constant 1 : i32
        %add3A_367 = arith.addi %mul3A_291, %add3A_366 : i32
        %swap3A_368 = arith.index_cast %add3A_367 : i32 to index
        %swap3A_369 = arith.constant 0 : index
        %swap3A_370 = tpu.vector_load %arg14[%swap3A_368, %swap3A_369] {strides = array<i32>} : memref<128x128xf32, #tpu.memory_space<vmem>>, vector<16xf32>,
        tpu.vector_store %arg14[%swap3A_368, %swap3A_369], %mul3A_365 {strides = array<i32>} : memref<128x128xf32, #tpu.memory_space<vmem>>, vector<16xf32>,
        %add3A_371 = arith.constant 1 : i32
        %add3A_372 = arith.addi %mul3A_291, %add3A_371 : i32
        %get3A_373 = arith.index_cast %add3A_372 : i32 to index
        %get3A_374 = arith.constant 16 : index
        %get3A_375 = tpu.vector_load %arg14[%get3A_373, %get3A_374] {strides = array<i32>} : memref<128x128xf32, #tpu.memory_space<vmem>>, vector<16xf32>,
        %mul3A_376 = arith.mulf %get3A_375, %gather3A_303 : vector<16xf32>
        %add3A_377 = arith.constant 1 : i32
        %add3A_378 = arith.addi %mul3A_291, %add3A_377 : i32
        %swap3A_379 = arith.index_cast %add3A_378 : i32 to index
        %swap3A_380 = arith.constant 16 : index
        %swap3A_381 = tpu.vector_load %arg14[%swap3A_379, %swap3A_380] {strides = array<i32>} : memref<128x128xf32, #tpu.memory_space<vmem>>, vector<16xf32>,
        tpu.vector_store %arg14[%swap3A_379, %swap3A_380], %mul3A_376 {strides = array<i32>} : memref<128x128xf32, #tpu.memory_space<vmem>>, vector<16xf32>,
        %add3A_382 = arith.constant 1 : i32
        %add3A_383 = arith.addi %mul3A_291, %add3A_382 : i32
        %get3A_384 = arith.index_cast %add3A_383 : i32 to index
        %get3A_385 = arith.constant 32 : index
        %get3A_386 = tpu.vector_load %arg14[%get3A_384, %get3A_385] {strides = array<i32>} : memref<128x128xf32, #tpu.memory_space<vmem>>, vector<16xf32>,
        %mul3A_387 = arith.mulf %get3A_386, %gather3A_303 : vector<16xf32>
        %add3A_388 = arith.constant 1 : i32
        %add3A_389 = arith.addi %mul3A_291, %add3A_388 : i32
        %swap3A_390 = arith.index_cast %add3A_389 : i32 to index
        %swap3A_391 = arith.constant 32 : index
        %swap3A_392 = tpu.vector_load %arg14[%swap3A_390, %swap3A_391] {strides = array<i32>} : memref<128x128xf32, #tpu.memory_space<vmem>>, vector<16xf32>,
        tpu.vector_store %arg14[%swap3A_390, %swap3A_391], %mul3A_387 {strides = array<i32>} : memref<128x128xf32, #tpu.memory_space<vmem>>, vector<16xf32>,
        %add3A_393 = arith.constant 1 : i32
        %add3A_394 = arith.addi %mul3A_291, %add3A_393 : i32
        %get3A_395 = arith.index_cast %add3A_394 : i32 to index
        %get3A_396 = arith.constant 48 : index
        %get3A_397 = tpu.vector_load %arg14[%get3A_395, %get3A_396] {strides = array<i32>} : memref<128x128xf32, #tpu.memory_space<vmem>>, vector<16xf32>,
        %mul3A_398 = arith.mulf %get3A_397, %gather3A_303 : vector<16xf32>
        %add3A_399 = arith.constant 1 : i32
        %add3A_400 = arith.addi %mul3A_291, %add3A_399 : i32
        %swap3A_401 = arith.index_cast %add3A_400 : i32 to index
        %swap3A_402 = arith.constant 48 : index
        %swap3A_403 = tpu.vector_load %arg14[%swap3A_401, %swap3A_402] {strides = array<i32>} : memref<128x128xf32, #tpu.memory_space<vmem>>, vector<16xf32>,
        tpu.vector_store %arg14[%swap3A_401, %swap3A_402], %mul3A_398 {strides = array<i32>} : memref<128x128xf32, #tpu.memory_space<vmem>>, vector<16xf32>,
        %add3A_404 = arith.constant 1 : i32
        %add3A_405 = arith.addi %mul3A_291, %add3A_404 : i32
        %get3A_406 = arith.index_cast %add3A_405 : i32 to index
        %get3A_407 = arith.constant 64 : index
        %get3A_408 = tpu.vector_load %arg14[%get3A_406, %get3A_407] {strides = array<i32>} : memref<128x128xf32, #tpu.memory_space<vmem>>, vector<16xf32>,
        %mul3A_409 = arith.mulf %get3A_408, %gather3A_303 : vector<16xf32>
        %add3A_410 = arith.constant 1 : i32
        %add3A_411 = arith.addi %mul3A_291, %add3A_410 : i32
        %swap3A_412 = arith.index_cast %add3A_411 : i32 to index
        %swap3A_413 = arith.constant 64 : index
        %swap3A_414 = tpu.vector_load %arg14[%swap3A_412, %swap3A_413] {strides = array<i32>} : memref<128x128xf32, #tpu.memory_space<vmem>>, vector<16xf32>,
        tpu.vector_store %arg14[%swap3A_412, %swap3A_413], %mul3A_409 {strides = array<i32>} : memref<128x128xf32, #tpu.memory_space<vmem>>, vector<16xf32>,
        %add3A_415 = arith.constant 1 : i32
        %add3A_416 = arith.addi %mul3A_291, %add3A_415 : i32
        %get3A_417 = arith.index_cast %add3A_416 : i32 to index
        %get3A_418 = arith.constant 80 : index
        %get3A_419 = tpu.vector_load %arg14[%get3A_417, %get3A_418] {strides = array<i32>} : memref<128x128xf32, #tpu.memory_space<vmem>>, vector<16xf32>,
        %mul3A_420 = arith.mulf %get3A_419, %gather3A_303 : vector<16xf32>
        %add3A_421 = arith.constant 1 : i32
        %add3A_422 = arith.addi %mul3A_291, %add3A_421 : i32
        %swap3A_423 = arith.index_cast %add3A_422 : i32 to index
        %swap3A_424 = arith.constant 80 : index
        %swap3A_425 = tpu.vector_load %arg14[%swap3A_423, %swap3A_424] {strides = array<i32>} : memref<128x128xf32, #tpu.memory_space<vmem>>, vector<16xf32>,
        tpu.vector_store %arg14[%swap3A_423, %swap3A_424], %mul3A_420 {strides = array<i32>} : memref<128x128xf32, #tpu.memory_space<vmem>>, vector<16xf32>,
        %add3A_426 = arith.constant 1 : i32
        %add3A_427 = arith.addi %mul3A_291, %add3A_426 : i32
        %get3A_428 = arith.index_cast %add3A_427 : i32 to index
        %get3A_429 = arith.constant 96 : index
        %get3A_430 = tpu.vector_load %arg14[%get3A_428, %get3A_429] {strides = array<i32>} : memref<128x128xf32, #tpu.memory_space<vmem>>, vector<16xf32>,
        %mul3A_431 = arith.mulf %get3A_430, %gather3A_303 : vector<16xf32>
        %add3A_432 = arith.constant 1 : i32
        %add3A_433 = arith.addi %mul3A_291, %add3A_432 : i32
        %swap3A_434 = arith.index_cast %add3A_433 : i32 to index
        %swap3A_435 = arith.constant 96 : index
        %swap3A_436 = tpu.vector_load %arg14[%swap3A_434, %swap3A_435] {strides = array<i32>} : memref<128x128xf32, #tpu.memory_space<vmem>>, vector<16xf32>,
        tpu.vector_store %arg14[%swap3A_434, %swap3A_435], %mul3A_431 {strides = array<i32>} : memref<128x128xf32, #tpu.memory_space<vmem>>, vector<16xf32>,
        %add3A_437 = arith.constant 1 : i32
        %add3A_438 = arith.addi %mul3A_291, %add3A_437 : i32
        %get3A_439 = arith.index_cast %add3A_438 : i32 to index
        %get3A_440 = arith.constant 112 : index
        %get3A_441 = tpu.vector_load %arg14[%get3A_439, %get3A_440] {strides = array<i32>} : memref<128x128xf32, #tpu.memory_space<vmem>>, vector<16xf32>,
        %mul3A_442 = arith.mulf %get3A_441, %gather3A_303 : vector<16xf32>
        %add3A_443 = arith.constant 1 : i32
        %add3A_444 = arith.addi %mul3A_291, %add3A_443 : i32
        %swap3A_445 = arith.index_cast %add3A_444 : i32 to index
        %swap3A_446 = arith.constant 112 : index
        %swap3A_447 = tpu.vector_load %arg14[%swap3A_445, %swap3A_446] {strides = array<i32>} : memref<128x128xf32, #tpu.memory_space<vmem>>, vector<16xf32>,
        tpu.vector_store %arg14[%swap3A_445, %swap3A_446], %mul3A_442 {strides = array<i32>} : memref<128x128xf32, #tpu.memory_space<vmem>>, vector<16xf32>,
      }
      %scan3A_132 = arith.constant 64 : i32
      "tpu.region"() ({
        %run_scoped3A = tpu.sem_alloc : memref<!tpu.dma_semaphore, #tpu.memory_space<semaphore_mem>>
        %dma_start3A_133 = arith.constant 0 : i32
        %dma_start3A_134 = tpu.memref_slice %arg12[%scan3A_119, %dma_start3A_133] : memref<79x128xi32, #tpu.memory_space<vmem>> -> memref<1x128xi32, #tpu.memory_space<vmem>>
        %dma_start3A_135 = tpu.memref_squeeze %dma_start3A_134 : memref<1x128xi32, #tpu.memory_space<vmem>> -> memref<128xi32, #tpu.memory_space<vmem>>
        %dma_start3A_136 = arith.constant 0 : i32
        %dma_start3A_137 = arith.constant 0 : i32
        %dma_start3A_138 = tpu.memref_slice %arg20[%dma_start3A_136, %dma_start3A_137] : memref<10240x128xf32, #tpu.memory_space<vmem_shared>> -> memref<10240x128xf32, #tpu.memory_space<vmem_shared>>
        tpu.enqueue_indirect_dma source(%arg14 : memref<128x128xf32, #tpu.memory_space<vmem>>) target(%dma_start3A_138 : memref<10240x128xf32, #tpu.memory_space<vmem_shared>>) offsets(%dma_start3A_135 : memref<128xi32, #tpu.memory_space<vmem>>) semaphore(%run_scoped3A : memref<!tpu.dma_semaphore, #tpu.memory_space<semaphore_mem>>) {add = true}
        %dma_wait3A_139 = arith.constant 0 : i32
        %dma_wait3A_140 = tpu.memref_slice %arg12[%scan3A_119, %dma_wait3A_139] : memref<79x128xi32, #tpu.memory_space<vmem>> -> memref<1x128xi32, #tpu.memory_space<vmem>>
        %dma_wait3A_141 = tpu.memref_squeeze %dma_wait3A_140 : memref<1x128xi32, #tpu.memory_space<vmem>> -> memref<128xi32, #tpu.memory_space<vmem>>
        %dma_wait3A_142 = arith.constant 0 : i32
        %dma_wait3A_143 = arith.constant 0 : i32
        %dma_wait3A_144 = tpu.memref_slice %arg20[%dma_wait3A_142, %dma_wait3A_143] : memref<10240x128xf32, #tpu.memory_space<vmem_shared>> -> memref<10240x128xf32, #tpu.memory_space<vmem_shared>>
        tpu.wait_indirect_dma semaphore(%run_scoped3A : memref<!tpu.dma_semaphore, #tpu.memory_space<semaphore_mem>>) src(%arg14 : memref<128x128xf32, #tpu.memory_space<vmem>>) dst(%dma_wait3A_144 : memref<10240x128xf32, #tpu.memory_space<vmem_shared>>)
        tpu.yield
      }) : () -> ()
    }
    %scan3A_44 = arith.constant 79 : i32
    %barrier3A_45 = arith.constant 0 : index
    tpu.barrier barrier_id(%barrier3A_45)
    %scan3A_46 = arith.constant 0 : i32
    %scan3A_47 = arith.constant 5 : i32
    %scan3A_48 = arith.addi %scan3A_46, %scan3A_47 : i32
    %scan3A_49 = arith.constant 1 : i32
    scf.for %scan3A_119 = %scan3A_46 to %scan3A_48 step %scan3A_49  : i32 {
      %mul3A_120 = arith.constant 128 : i32
      %mul3A_121 = arith.muli %scan3A_119, %mul3A_120 : i32
      %add3A_122 = arith.addi %mul3A_0, %mul3A_121 : i32
      %mul3A_123 = arith.constant 128 : i32
      %mul3A_124 = arith.muli %scan3A_119, %mul3A_123 : i32
      %add3A_125 = arith.addi %mul3A_0, %mul3A_124 : i32
      "tpu.region"() ({
        %run_scoped3A = tpu.sem_alloc : memref<!tpu.dma_semaphore, #tpu.memory_space<semaphore_mem>>
        %dma_start3A = arith.constant 0 : i32
        %dma_start3A_126 = tpu.memref_slice %arg9[%add3A_3, %add3A_125, %dma_start3A] : memref<4x10240x128xf32, #tpu.memory_space<hbm>> -> memref<1x128x128xf32, #tpu.memory_space<hbm>>
        %dma_start3A_127 = tpu.memref_squeeze %dma_start3A_126 : memref<1x128x128xf32, #tpu.memory_space<hbm>> -> memref<128x128xf32, #tpu.memory_space<hbm>>
        %dma_start3A_128 = arith.constant 0 : i32
        %dma_start3A_129 = tpu.memref_slice %arg20[%add3A_122, %dma_start3A_128] : memref<10240x128xf32, #tpu.memory_space<vmem_shared>> -> memref<128x128xf32, #tpu.memory_space<vmem_shared>>
        tpu.enqueue_dma source(%dma_start3A_129 : memref<128x128xf32, #tpu.memory_space<vmem_shared>>) target(%dma_start3A_127 : memref<128x128xf32, #tpu.memory_space<hbm>>) target_semaphore(%run_scoped3A : memref<!tpu.dma_semaphore, #tpu.memory_space<semaphore_mem>>)
        %dma_wait3A = arith.constant 0 : i32
        %dma_wait3A_130 = tpu.memref_slice %arg9[%add3A_3, %add3A_125, %dma_wait3A] : memref<4x10240x128xf32, #tpu.memory_space<hbm>> -> memref<1x128x128xf32, #tpu.memory_space<hbm>>
        %dma_wait3A_131 = tpu.memref_squeeze %dma_wait3A_130 : memref<1x128x128xf32, #tpu.memory_space<hbm>> -> memref<128x128xf32, #tpu.memory_space<hbm>>
        %dma_wait3A_132 = arith.constant 0 : i32
        %dma_wait3A_133 = tpu.memref_slice %arg20[%add3A_122, %dma_wait3A_132] : memref<10240x128xf32, #tpu.memory_space<vmem_shared>> -> memref<128x128xf32, #tpu.memory_space<vmem_shared>>
        tpu.wait_dma2 semaphore(%run_scoped3A : memref<!tpu.dma_semaphore, #tpu.memory_space<semaphore_mem>>) src(%dma_wait3A_133 : memref<128x128xf32, #tpu.memory_space<vmem_shared>>) dst(%dma_wait3A_131 : memref<128x128xf32, #tpu.memory_space<hbm>>)
        tpu.yield
      }) : () -> ()
    }
    %scan3A_50 = arith.constant 5 : i32
    %barrier3A_51 = arith.constant 0 : index
    tpu.barrier barrier_id(%barrier3A_51)
    %mul3A_52 = arith.constant 2 : i32
    %mul3A_53 = arith.muli %mul3A_52, %arg0 : i32
    %add3A_54 = arith.constant 1 : i32
    %add3A_55 = arith.addi %mul3A_53, %add3A_54 : i32
    %eq3A_56 = arith.constant 0 : i32
    %eq3A_57 = arith.cmpi eq, %arg1, %eq3A_56 : i32
    %convert_element_type3A_58 = arith.extui %eq3A_57 : i1 to i32
    %cond3A_59 = arith.constant 0 : i32
    %cond3A_60 = arith.cmpi ne, %convert_element_type3A_58, %cond3A_59 : i32
    scf.if %cond3A_60 {
      "tpu.region"() ({
        %run_scoped3A = tpu.sem_alloc : memref<!tpu.dma_semaphore, #tpu.memory_space<semaphore_mem>>
        %dma_start3A = arith.constant 0 : i32
        %dma_start3A_119 = tpu.memref_slice %arg3[%add3A_55, %dma_start3A] : memref<4x10240xf32, #tpu.memory_space<hbm>> -> memref<1x10240xf32, #tpu.memory_space<hbm>>
        %dma_start3A_120 = tpu.memref_squeeze %dma_start3A_119 : memref<1x10240xf32, #tpu.memory_space<hbm>> -> memref<10240xf32, #tpu.memory_space<hbm>>
        tpu.enqueue_dma source(%dma_start3A_120 : memref<10240xf32, #tpu.memory_space<hbm>>) target(%arg17 : memref<10240xf32, #tpu.memory_space<vmem_shared>>) target_semaphore(%run_scoped3A : memref<!tpu.dma_semaphore, #tpu.memory_space<semaphore_mem>>)
        %dma_wait3A = arith.constant 0 : i32
        %dma_wait3A_121 = tpu.memref_slice %arg3[%add3A_55, %dma_wait3A] : memref<4x10240xf32, #tpu.memory_space<hbm>> -> memref<1x10240xf32, #tpu.memory_space<hbm>>
        %dma_wait3A_122 = tpu.memref_squeeze %dma_wait3A_121 : memref<1x10240xf32, #tpu.memory_space<hbm>> -> memref<10240xf32, #tpu.memory_space<hbm>>
        tpu.wait_dma2 semaphore(%run_scoped3A : memref<!tpu.dma_semaphore, #tpu.memory_space<semaphore_mem>>) src(%dma_wait3A_122 : memref<10240xf32, #tpu.memory_space<hbm>>) dst(%arg17 : memref<10240xf32, #tpu.memory_space<vmem_shared>>)
        tpu.yield
      }) : () -> ()
      "tpu.region"() ({
        %run_scoped3A = tpu.sem_alloc : memref<!tpu.dma_semaphore, #tpu.memory_space<semaphore_mem>>
        %dma_start3A = arith.constant 0 : i32
        %dma_start3A_119 = tpu.memref_slice %arg4[%add3A_55, %dma_start3A] : memref<4x10240xf32, #tpu.memory_space<hbm>> -> memref<1x10240xf32, #tpu.memory_space<hbm>>
        %dma_start3A_120 = tpu.memref_squeeze %dma_start3A_119 : memref<1x10240xf32, #tpu.memory_space<hbm>> -> memref<10240xf32, #tpu.memory_space<hbm>>
        tpu.enqueue_dma source(%dma_start3A_120 : memref<10240xf32, #tpu.memory_space<hbm>>) target(%arg18 : memref<10240xf32, #tpu.memory_space<vmem_shared>>) target_semaphore(%run_scoped3A : memref<!tpu.dma_semaphore, #tpu.memory_space<semaphore_mem>>)
        %dma_wait3A = arith.constant 0 : i32
        %dma_wait3A_121 = tpu.memref_slice %arg4[%add3A_55, %dma_wait3A] : memref<4x10240xf32, #tpu.memory_space<hbm>> -> memref<1x10240xf32, #tpu.memory_space<hbm>>
        %dma_wait3A_122 = tpu.memref_squeeze %dma_wait3A_121 : memref<1x10240xf32, #tpu.memory_space<hbm>> -> memref<10240xf32, #tpu.memory_space<hbm>>
        tpu.wait_dma2 semaphore(%run_scoped3A : memref<!tpu.dma_semaphore, #tpu.memory_space<semaphore_mem>>) src(%dma_wait3A_122 : memref<10240xf32, #tpu.memory_space<hbm>>) dst(%arg18 : memref<10240xf32, #tpu.memory_space<vmem_shared>>)
        tpu.yield
      }) : () -> ()
    } else {
    }
    %mul3A_61 = arith.constant 640 : i32
    %mul3A_62 = arith.muli %arg1, %mul3A_61 : i32
    "tpu.region"() ({
      %run_scoped3A = tpu.sem_alloc : memref<!tpu.dma_semaphore, #tpu.memory_space<semaphore_mem>>
      %dma_start3A = tpu.memref_slice %arg19[%mul3A_62] : memref<10240xf32, #tpu.memory_space<vmem_shared>> -> memref<640xf32, #tpu.memory_space<vmem_shared>>
      tpu.enqueue_dma source(%arg8 : memref<640xf32, #tpu.memory_space<hbm>>) target(%dma_start3A : memref<640xf32, #tpu.memory_space<vmem_shared>>) target_semaphore(%run_scoped3A : memref<!tpu.dma_semaphore, #tpu.memory_space<semaphore_mem>>)
      %dma_wait3A = tpu.memref_slice %arg19[%mul3A_62] : memref<10240xf32, #tpu.memory_space<vmem_shared>> -> memref<640xf32, #tpu.memory_space<vmem_shared>>
      tpu.wait_dma2 semaphore(%run_scoped3A : memref<!tpu.dma_semaphore, #tpu.memory_space<semaphore_mem>>) src(%arg8 : memref<640xf32, #tpu.memory_space<hbm>>) dst(%dma_wait3A : memref<640xf32, #tpu.memory_space<vmem_shared>>)
      tpu.yield
    }) : () -> ()
    %scan3A_63 = arith.constant 0 : i32
    %scan3A_64 = arith.constant 5 : i32
    %scan3A_65 = arith.addi %scan3A_63, %scan3A_64 : i32
    %scan3A_66 = arith.constant 1 : i32
    scf.for %scan3A_119 = %scan3A_63 to %scan3A_65 step %scan3A_66  : i32 {
      %mul3A_120 = arith.constant 128 : i32
      %mul3A_121 = arith.muli %scan3A_119, %mul3A_120 : i32
      %add3A_122 = arith.addi %mul3A_0, %mul3A_121 : i32
      "tpu.region"() ({
        %run_scoped3A = tpu.sem_alloc : memref<!tpu.dma_semaphore, #tpu.memory_space<semaphore_mem>>
        %dma_start3A = arith.constant 0 : i32
        %dma_start3A_123 = tpu.memref_slice %arg20[%add3A_122, %dma_start3A] : memref<10240x128xf32, #tpu.memory_space<vmem_shared>> -> memref<128x128xf32, #tpu.memory_space<vmem_shared>>
        tpu.enqueue_dma source(%arg7 : memref<128x128xf32, #tpu.memory_space<hbm>>) target(%dma_start3A_123 : memref<128x128xf32, #tpu.memory_space<vmem_shared>>) target_semaphore(%run_scoped3A : memref<!tpu.dma_semaphore, #tpu.memory_space<semaphore_mem>>)
        %dma_wait3A = arith.constant 0 : i32
        %dma_wait3A_124 = tpu.memref_slice %arg20[%add3A_122, %dma_wait3A] : memref<10240x128xf32, #tpu.memory_space<vmem_shared>> -> memref<128x128xf32, #tpu.memory_space<vmem_shared>>
        tpu.wait_dma2 semaphore(%run_scoped3A : memref<!tpu.dma_semaphore, #tpu.memory_space<semaphore_mem>>) src(%arg7 : memref<128x128xf32, #tpu.memory_space<hbm>>) dst(%dma_wait3A_124 : memref<128x128xf32, #tpu.memory_space<vmem_shared>>)
        tpu.yield
      }) : () -> ()
    }
    %scan3A_67 = arith.constant 5 : i32
    %mul3A_68 = arith.constant 2 : i32
    %mul3A_69 = arith.muli %mul3A_68, %arg0 : i32
    %neg3A = arith.constant 0 : i32
    %neg3A_70 = arith.subi %neg3A, %mul3A_69 : i32
    %mul3A_71 = arith.constant 10240 : i32
    %mul3A_72 = arith.muli %neg3A_70, %mul3A_71 : i32
    %scan3A_73 = arith.constant 0 : i32
    %scan3A_74 = arith.constant 632 : i32
    %scan3A_75 = arith.addi %scan3A_73, %scan3A_74 : i32
    %scan3A_76 = arith.constant 1 : i32
    scf.for %scan3A_119 = %scan3A_73 to %scan3A_75 step %scan3A_76  : i32 {
      %mul3A_120 = arith.constant 16 : i32
      %mul3A_121 = arith.muli %scan3A_119, %mul3A_120 : i32
      %get3A = arith.index_cast %mul3A_121 : i32 to index
      %get3A_122 = tpu.vector_load %arg11[%get3A] {strides = array<i32>} : memref<10112xi32, #tpu.memory_space<vmem>>, vector<16xi32>,
      %add3A_123 = vector.broadcast %mul3A_72 : i32 to vector<16xi32>
      %add3A_124 = arith.addi %get3A_122, %add3A_123 : vector<16xi32>
      %swap3A = arith.index_cast %mul3A_121 : i32 to index
      %swap3A_125 = tpu.vector_load %arg11[%swap3A] {strides = array<i32>} : memref<10112xi32, #tpu.memory_space<vmem>>, vector<16xi32>,
      tpu.vector_store %arg11[%swap3A], %add3A_124 {strides = array<i32>} : memref<10112xi32, #tpu.memory_space<vmem>>, vector<16xi32>,
    }
    %scan3A_77 = arith.constant 632 : i32
    %barrier3A_78 = arith.constant 0 : index
    tpu.barrier barrier_id(%barrier3A_78)
    %scan3A_79 = arith.constant 0 : i32
    %scan3A_80 = arith.constant 79 : i32
    %scan3A_81 = arith.addi %scan3A_79, %scan3A_80 : i32
    %scan3A_82 = arith.constant 1 : i32
    scf.for %scan3A_119 = %scan3A_79 to %scan3A_81 step %scan3A_82  : i32 {
      %mul3A_120 = arith.constant 128 : i32
      %mul3A_121 = arith.muli %scan3A_119, %mul3A_120 : i32
      %dma_start3A = tpu.memref_slice %arg11[%mul3A_121] : memref<10112xi32, #tpu.memory_space<vmem>> -> memref<128xi32, #tpu.memory_space<vmem>>
      %dma_start3A_122 = arith.constant 0 : i32
      %dma_start3A_123 = tpu.memref_slice %arg17[%dma_start3A_122] : memref<10240xf32, #tpu.memory_space<vmem_shared>> -> memref<10240xf32, #tpu.memory_space<vmem_shared>>
      tpu.enqueue_indirect_dma source(%dma_start3A_123 : memref<10240xf32, #tpu.memory_space<vmem_shared>>) target(%arg15 : memref<128xf32, #tpu.memory_space<vmem>>) offsets(%dma_start3A : memref<128xi32, #tpu.memory_space<vmem>>) semaphore(%arg23 : memref<!tpu.dma_semaphore, #tpu.memory_space<semaphore_mem>>)
      %dma_start3A_124 = arith.constant 0 : i32
      %dma_start3A_125 = tpu.memref_slice %arg12[%scan3A_119, %dma_start3A_124] : memref<79x128xi32, #tpu.memory_space<vmem>> -> memref<1x128xi32, #tpu.memory_space<vmem>>
      %dma_start3A_126 = tpu.memref_squeeze %dma_start3A_125 : memref<1x128xi32, #tpu.memory_space<vmem>> -> memref<128xi32, #tpu.memory_space<vmem>>
      %dma_start3A_127 = arith.constant 0 : i32
      %dma_start3A_128 = tpu.memref_slice %arg18[%dma_start3A_127] : memref<10240xf32, #tpu.memory_space<vmem_shared>> -> memref<10240xf32, #tpu.memory_space<vmem_shared>>
      tpu.enqueue_indirect_dma source(%dma_start3A_128 : memref<10240xf32, #tpu.memory_space<vmem_shared>>) target(%arg16 : memref<128xf32, #tpu.memory_space<vmem>>) offsets(%dma_start3A_126 : memref<128xi32, #tpu.memory_space<vmem>>) semaphore(%arg24 : memref<!tpu.dma_semaphore, #tpu.memory_space<semaphore_mem>>)
      %dma_wait3A = tpu.memref_slice %arg11[%mul3A_121] : memref<10112xi32, #tpu.memory_space<vmem>> -> memref<128xi32, #tpu.memory_space<vmem>>
      %dma_wait3A_129 = arith.constant 0 : i32
      %dma_wait3A_130 = tpu.memref_slice %arg17[%dma_wait3A_129] : memref<10240xf32, #tpu.memory_space<vmem_shared>> -> memref<10240xf32, #tpu.memory_space<vmem_shared>>
      tpu.wait_indirect_dma semaphore(%arg23 : memref<!tpu.dma_semaphore, #tpu.memory_space<semaphore_mem>>) src(%dma_wait3A_130 : memref<10240xf32, #tpu.memory_space<vmem_shared>>) dst(%arg15 : memref<128xf32, #tpu.memory_space<vmem>>)
      %dma_wait3A_131 = arith.constant 0 : i32
      %dma_wait3A_132 = tpu.memref_slice %arg12[%scan3A_119, %dma_wait3A_131] : memref<79x128xi32, #tpu.memory_space<vmem>> -> memref<1x128xi32, #tpu.memory_space<vmem>>
      %dma_wait3A_133 = tpu.memref_squeeze %dma_wait3A_132 : memref<1x128xi32, #tpu.memory_space<vmem>> -> memref<128xi32, #tpu.memory_space<vmem>>
      %dma_wait3A_134 = arith.constant 0 : i32
      %dma_wait3A_135 = tpu.memref_slice %arg18[%dma_wait3A_134] : memref<10240xf32, #tpu.memory_space<vmem_shared>> -> memref<10240xf32, #tpu.memory_space<vmem_shared>>
      tpu.wait_indirect_dma semaphore(%arg24 : memref<!tpu.dma_semaphore, #tpu.memory_space<semaphore_mem>>) src(%dma_wait3A_135 : memref<10240xf32, #tpu.memory_space<vmem_shared>>) dst(%arg16 : memref<128xf32, #tpu.memory_space<vmem>>)
      %mul3A_136 = arith.constant 128 : i32
      %mul3A_137 = arith.muli %scan3A_119, %mul3A_136 : i32
      %add3A_138 = arith.constant 0 : i32
      %add3A_139 = arith.addi %mul3A_137, %add3A_138 : i32
      %get3A = arith.constant 0 : index
      %get3A_140 = tpu.vector_load %arg15[%get3A] {strides = array<i32>} : memref<128xf32, #tpu.memory_space<vmem>>, vector<16xf32>,
      %get3A_141 = arith.constant 0 : index
      %get3A_142 = tpu.vector_load %arg16[%get3A_141] {strides = array<i32>} : memref<128xf32, #tpu.memory_space<vmem>>, vector<16xf32>,
      %add3A_143 = arith.addf %get3A_140, %get3A_142 : vector<16xf32>
      %mul3A_144 = arith.constant 2.000000e-01 : f32
      %mul3A_145 = vector.broadcast %mul3A_144 : f32 to vector<16xf32>
      %mul3A_146 = arith.mulf %mul3A_145, %add3A_143 : vector<16xf32>
      %max3A = arith.maximumf %add3A_143, %mul3A_146 : vector<16xf32>
      %exp3A = math.exp %max3A : vector<16xf32>
      %swap3A = arith.index_cast %add3A_139 : i32 to index
      %swap3A_147 = tpu.vector_load %arg13[%swap3A] {strides = array<i32>} : memref<10112xf32, #tpu.memory_space<vmem>>, vector<16xf32>,
      tpu.vector_store %arg13[%swap3A], %exp3A {strides = array<i32>} : memref<10112xf32, #tpu.memory_space<vmem>>, vector<16xf32>,
      %mul3A_148 = arith.constant 128 : i32
      %mul3A_149 = arith.muli %scan3A_119, %mul3A_148 : i32
      %add3A_150 = arith.constant 16 : i32
      %add3A_151 = arith.addi %mul3A_149, %add3A_150 : i32
      %get3A_152 = arith.constant 16 : index
      %get3A_153 = tpu.vector_load %arg15[%get3A_152] {strides = array<i32>} : memref<128xf32, #tpu.memory_space<vmem>>, vector<16xf32>,
      %get3A_154 = arith.constant 16 : index
      %get3A_155 = tpu.vector_load %arg16[%get3A_154] {strides = array<i32>} : memref<128xf32, #tpu.memory_space<vmem>>, vector<16xf32>,
      %add3A_156 = arith.addf %get3A_153, %get3A_155 : vector<16xf32>
      %mul3A_157 = arith.constant 2.000000e-01 : f32
      %mul3A_158 = vector.broadcast %mul3A_157 : f32 to vector<16xf32>
      %mul3A_159 = arith.mulf %mul3A_158, %add3A_156 : vector<16xf32>
      %max3A_160 = arith.maximumf %add3A_156, %mul3A_159 : vector<16xf32>
      %exp3A_161 = math.exp %max3A_160 : vector<16xf32>
      %swap3A_162 = arith.index_cast %add3A_151 : i32 to index
      %swap3A_163 = tpu.vector_load %arg13[%swap3A_162] {strides = array<i32>} : memref<10112xf32, #tpu.memory_space<vmem>>, vector<16xf32>,
      tpu.vector_store %arg13[%swap3A_162], %exp3A_161 {strides = array<i32>} : memref<10112xf32, #tpu.memory_space<vmem>>, vector<16xf32>,
      %mul3A_164 = arith.constant 128 : i32
      %mul3A_165 = arith.muli %scan3A_119, %mul3A_164 : i32
      %add3A_166 = arith.constant 32 : i32
      %add3A_167 = arith.addi %mul3A_165, %add3A_166 : i32
      %get3A_168 = arith.constant 32 : index
      %get3A_169 = tpu.vector_load %arg15[%get3A_168] {strides = array<i32>} : memref<128xf32, #tpu.memory_space<vmem>>, vector<16xf32>,
      %get3A_170 = arith.constant 32 : index
      %get3A_171 = tpu.vector_load %arg16[%get3A_170] {strides = array<i32>} : memref<128xf32, #tpu.memory_space<vmem>>, vector<16xf32>,
      %add3A_172 = arith.addf %get3A_169, %get3A_171 : vector<16xf32>
      %mul3A_173 = arith.constant 2.000000e-01 : f32
      %mul3A_174 = vector.broadcast %mul3A_173 : f32 to vector<16xf32>
      %mul3A_175 = arith.mulf %mul3A_174, %add3A_172 : vector<16xf32>
      %max3A_176 = arith.maximumf %add3A_172, %mul3A_175 : vector<16xf32>
      %exp3A_177 = math.exp %max3A_176 : vector<16xf32>
      %swap3A_178 = arith.index_cast %add3A_167 : i32 to index
      %swap3A_179 = tpu.vector_load %arg13[%swap3A_178] {strides = array<i32>} : memref<10112xf32, #tpu.memory_space<vmem>>, vector<16xf32>,
      tpu.vector_store %arg13[%swap3A_178], %exp3A_177 {strides = array<i32>} : memref<10112xf32, #tpu.memory_space<vmem>>, vector<16xf32>,
      %mul3A_180 = arith.constant 128 : i32
      %mul3A_181 = arith.muli %scan3A_119, %mul3A_180 : i32
      %add3A_182 = arith.constant 48 : i32
      %add3A_183 = arith.addi %mul3A_181, %add3A_182 : i32
      %get3A_184 = arith.constant 48 : index
      %get3A_185 = tpu.vector_load %arg15[%get3A_184] {strides = array<i32>} : memref<128xf32, #tpu.memory_space<vmem>>, vector<16xf32>,
      %get3A_186 = arith.constant 48 : index
      %get3A_187 = tpu.vector_load %arg16[%get3A_186] {strides = array<i32>} : memref<128xf32, #tpu.memory_space<vmem>>, vector<16xf32>,
      %add3A_188 = arith.addf %get3A_185, %get3A_187 : vector<16xf32>
      %mul3A_189 = arith.constant 2.000000e-01 : f32
      %mul3A_190 = vector.broadcast %mul3A_189 : f32 to vector<16xf32>
      %mul3A_191 = arith.mulf %mul3A_190, %add3A_188 : vector<16xf32>
      %max3A_192 = arith.maximumf %add3A_188, %mul3A_191 : vector<16xf32>
      %exp3A_193 = math.exp %max3A_192 : vector<16xf32>
      %swap3A_194 = arith.index_cast %add3A_183 : i32 to index
      %swap3A_195 = tpu.vector_load %arg13[%swap3A_194] {strides = array<i32>} : memref<10112xf32, #tpu.memory_space<vmem>>, vector<16xf32>,
      tpu.vector_store %arg13[%swap3A_194], %exp3A_193 {strides = array<i32>} : memref<10112xf32, #tpu.memory_space<vmem>>, vector<16xf32>,
      %mul3A_196 = arith.constant 128 : i32
      %mul3A_197 = arith.muli %scan3A_119, %mul3A_196 : i32
      %add3A_198 = arith.constant 64 : i32
      %add3A_199 = arith.addi %mul3A_197, %add3A_198 : i32
      %get3A_200 = arith.constant 64 : index
      %get3A_201 = tpu.vector_load %arg15[%get3A_200] {strides = array<i32>} : memref<128xf32, #tpu.memory_space<vmem>>, vector<16xf32>,
      %get3A_202 = arith.constant 64 : index
      %get3A_203 = tpu.vector_load %arg16[%get3A_202] {strides = array<i32>} : memref<128xf32, #tpu.memory_space<vmem>>, vector<16xf32>,
      %add3A_204 = arith.addf %get3A_201, %get3A_203 : vector<16xf32>
      %mul3A_205 = arith.constant 2.000000e-01 : f32
      %mul3A_206 = vector.broadcast %mul3A_205 : f32 to vector<16xf32>
      %mul3A_207 = arith.mulf %mul3A_206, %add3A_204 : vector<16xf32>
      %max3A_208 = arith.maximumf %add3A_204, %mul3A_207 : vector<16xf32>
      %exp3A_209 = math.exp %max3A_208 : vector<16xf32>
      %swap3A_210 = arith.index_cast %add3A_199 : i32 to index
      %swap3A_211 = tpu.vector_load %arg13[%swap3A_210] {strides = array<i32>} : memref<10112xf32, #tpu.memory_space<vmem>>, vector<16xf32>,
      tpu.vector_store %arg13[%swap3A_210], %exp3A_209 {strides = array<i32>} : memref<10112xf32, #tpu.memory_space<vmem>>, vector<16xf32>,
      %mul3A_212 = arith.constant 128 : i32
      %mul3A_213 = arith.muli %scan3A_119, %mul3A_212 : i32
      %add3A_214 = arith.constant 80 : i32
      %add3A_215 = arith.addi %mul3A_213, %add3A_214 : i32
      %get3A_216 = arith.constant 80 : index
      %get3A_217 = tpu.vector_load %arg15[%get3A_216] {strides = array<i32>} : memref<128xf32, #tpu.memory_space<vmem>>, vector<16xf32>,
      %get3A_218 = arith.constant 80 : index
      %get3A_219 = tpu.vector_load %arg16[%get3A_218] {strides = array<i32>} : memref<128xf32, #tpu.memory_space<vmem>>, vector<16xf32>,
      %add3A_220 = arith.addf %get3A_217, %get3A_219 : vector<16xf32>
      %mul3A_221 = arith.constant 2.000000e-01 : f32
      %mul3A_222 = vector.broadcast %mul3A_221 : f32 to vector<16xf32>
      %mul3A_223 = arith.mulf %mul3A_222, %add3A_220 : vector<16xf32>
      %max3A_224 = arith.maximumf %add3A_220, %mul3A_223 : vector<16xf32>
      %exp3A_225 = math.exp %max3A_224 : vector<16xf32>
      %swap3A_226 = arith.index_cast %add3A_215 : i32 to index
      %swap3A_227 = tpu.vector_load %arg13[%swap3A_226] {strides = array<i32>} : memref<10112xf32, #tpu.memory_space<vmem>>, vector<16xf32>,
      tpu.vector_store %arg13[%swap3A_226], %exp3A_225 {strides = array<i32>} : memref<10112xf32, #tpu.memory_space<vmem>>, vector<16xf32>,
      %mul3A_228 = arith.constant 128 : i32
      %mul3A_229 = arith.muli %scan3A_119, %mul3A_228 : i32
      %add3A_230 = arith.constant 96 : i32
      %add3A_231 = arith.addi %mul3A_229, %add3A_230 : i32
      %get3A_232 = arith.constant 96 : index
      %get3A_233 = tpu.vector_load %arg15[%get3A_232] {strides = array<i32>} : memref<128xf32, #tpu.memory_space<vmem>>, vector<16xf32>,
      %get3A_234 = arith.constant 96 : index
      %get3A_235 = tpu.vector_load %arg16[%get3A_234] {strides = array<i32>} : memref<128xf32, #tpu.memory_space<vmem>>, vector<16xf32>,
      %add3A_236 = arith.addf %get3A_233, %get3A_235 : vector<16xf32>
      %mul3A_237 = arith.constant 2.000000e-01 : f32
      %mul3A_238 = vector.broadcast %mul3A_237 : f32 to vector<16xf32>
      %mul3A_239 = arith.mulf %mul3A_238, %add3A_236 : vector<16xf32>
      %max3A_240 = arith.maximumf %add3A_236, %mul3A_239 : vector<16xf32>
      %exp3A_241 = math.exp %max3A_240 : vector<16xf32>
      %swap3A_242 = arith.index_cast %add3A_231 : i32 to index
      %swap3A_243 = tpu.vector_load %arg13[%swap3A_242] {strides = array<i32>} : memref<10112xf32, #tpu.memory_space<vmem>>, vector<16xf32>,
      tpu.vector_store %arg13[%swap3A_242], %exp3A_241 {strides = array<i32>} : memref<10112xf32, #tpu.memory_space<vmem>>, vector<16xf32>,
      %mul3A_244 = arith.constant 128 : i32
      %mul3A_245 = arith.muli %scan3A_119, %mul3A_244 : i32
      %add3A_246 = arith.constant 112 : i32
      %add3A_247 = arith.addi %mul3A_245, %add3A_246 : i32
      %get3A_248 = arith.constant 112 : index
      %get3A_249 = tpu.vector_load %arg15[%get3A_248] {strides = array<i32>} : memref<128xf32, #tpu.memory_space<vmem>>, vector<16xf32>,
      %get3A_250 = arith.constant 112 : index
      %get3A_251 = tpu.vector_load %arg16[%get3A_250] {strides = array<i32>} : memref<128xf32, #tpu.memory_space<vmem>>, vector<16xf32>,
      %add3A_252 = arith.addf %get3A_249, %get3A_251 : vector<16xf32>
      %mul3A_253 = arith.constant 2.000000e-01 : f32
      %mul3A_254 = vector.broadcast %mul3A_253 : f32 to vector<16xf32>
      %mul3A_255 = arith.mulf %mul3A_254, %add3A_252 : vector<16xf32>
      %max3A_256 = arith.maximumf %add3A_252, %mul3A_255 : vector<16xf32>
      %exp3A_257 = math.exp %max3A_256 : vector<16xf32>
      %swap3A_258 = arith.index_cast %add3A_247 : i32 to index
      %swap3A_259 = tpu.vector_load %arg13[%swap3A_258] {strides = array<i32>} : memref<10112xf32, #tpu.memory_space<vmem>>, vector<16xf32>,
      tpu.vector_store %arg13[%swap3A_258], %exp3A_257 {strides = array<i32>} : memref<10112xf32, #tpu.memory_space<vmem>>, vector<16xf32>,
    }
    %scan3A_83 = arith.constant 79 : i32
    %scan3A_84 = arith.constant 625 : i32
    %scan3A_85 = arith.constant 7 : i32
    %scan3A_86 = arith.addi %scan3A_84, %scan3A_85 : i32
    %scan3A_87 = arith.constant 1 : i32
    scf.for %scan3A_119 = %scan3A_84 to %scan3A_86 step %scan3A_87  : i32 {
      %broadcast_in_dim3A = arith.constant 0.000000e+00 : f32
      %broadcast_in_dim3A_120 = vector.broadcast %broadcast_in_dim3A : f32 to vector<16xf32>
      %mul3A_121 = arith.constant 16 : i32
      %mul3A_122 = arith.muli %scan3A_119, %mul3A_121 : i32
      %swap3A = arith.index_cast %mul3A_122 : i32 to index
      %swap3A_123 = tpu.vector_load %arg13[%swap3A] {strides = array<i32>} : memref<10112xf32, #tpu.memory_space<vmem>>, vector<16xf32>,
      tpu.vector_store %arg13[%swap3A], %broadcast_in_dim3A_120 {strides = array<i32>} : memref<10112xf32, #tpu.memory_space<vmem>>, vector<16xf32>,
    }
    %scan3A_88 = arith.constant 7 : i32
    %scan3A_89 = arith.constant 0 : i32
    %scan3A_90 = arith.constant 79 : i32
    %scan3A_91 = arith.addi %scan3A_89, %scan3A_90 : i32
    %scan3A_92 = arith.constant 1 : i32
    scf.for %scan3A_119 = %scan3A_89 to %scan3A_91 step %scan3A_92  : i32 {
      %mul3A_120 = arith.constant 128 : i32
      %mul3A_121 = arith.muli %scan3A_119, %mul3A_120 : i32
      "tpu.region"() ({
        %run_scoped3A = tpu.sem_alloc : memref<!tpu.dma_semaphore, #tpu.memory_space<semaphore_mem>>
        %dma_start3A = tpu.memref_slice %arg13[%mul3A_121] : memref<10112xf32, #tpu.memory_space<vmem>> -> memref<128xf32, #tpu.memory_space<vmem>>
        %dma_start3A_122 = arith.constant 0 : i32
        %dma_start3A_123 = tpu.memref_slice %arg12[%scan3A_119, %dma_start3A_122] : memref<79x128xi32, #tpu.memory_space<vmem>> -> memref<1x128xi32, #tpu.memory_space<vmem>>
        %dma_start3A_124 = tpu.memref_squeeze %dma_start3A_123 : memref<1x128xi32, #tpu.memory_space<vmem>> -> memref<128xi32, #tpu.memory_space<vmem>>
        %dma_start3A_125 = arith.constant 0 : i32
        %dma_start3A_126 = tpu.memref_slice %arg19[%dma_start3A_125] : memref<10240xf32, #tpu.memory_space<vmem_shared>> -> memref<10240xf32, #tpu.memory_space<vmem_shared>>
        tpu.enqueue_indirect_dma source(%dma_start3A : memref<128xf32, #tpu.memory_space<vmem>>) target(%dma_start3A_126 : memref<10240xf32, #tpu.memory_space<vmem_shared>>) offsets(%dma_start3A_124 : memref<128xi32, #tpu.memory_space<vmem>>) semaphore(%run_scoped3A : memref<!tpu.dma_semaphore, #tpu.memory_space<semaphore_mem>>) {add = true}
        %dma_wait3A = tpu.memref_slice %arg13[%mul3A_121] : memref<10112xf32, #tpu.memory_space<vmem>> -> memref<128xf32, #tpu.memory_space<vmem>>
        %dma_wait3A_127 = arith.constant 0 : i32
        %dma_wait3A_128 = tpu.memref_slice %arg12[%scan3A_119, %dma_wait3A_127] : memref<79x128xi32, #tpu.memory_space<vmem>> -> memref<1x128xi32, #tpu.memory_space<vmem>>
        %dma_wait3A_129 = tpu.memref_squeeze %dma_wait3A_128 : memref<1x128xi32, #tpu.memory_space<vmem>> -> memref<128xi32, #tpu.memory_space<vmem>>
        %dma_wait3A_130 = arith.constant 0 : i32
        %dma_wait3A_131 = tpu.memref_slice %arg19[%dma_wait3A_130] : memref<10240xf32, #tpu.memory_space<vmem_shared>> -> memref<10240xf32, #tpu.memory_space<vmem_shared>>
        tpu.wait_indirect_dma semaphore(%run_scoped3A : memref<!tpu.dma_semaphore, #tpu.memory_space<semaphore_mem>>) src(%dma_wait3A : memref<128xf32, #tpu.memory_space<vmem>>) dst(%dma_wait3A_131 : memref<10240xf32, #tpu.memory_space<vmem_shared>>)
        tpu.yield
      }) : () -> ()
    }
    %scan3A_93 = arith.constant 79 : i32
    %barrier3A_94 = arith.constant 0 : index
    tpu.barrier barrier_id(%barrier3A_94)
    %eq3A_95 = arith.constant 0 : i32
    %eq3A_96 = arith.cmpi eq, %arg1, %eq3A_95 : i32
    %convert_element_type3A_97 = arith.extui %eq3A_96 : i1 to i32
    %cond3A_98 = arith.constant 0 : i32
    %cond3A_99 = arith.cmpi ne, %convert_element_type3A_97, %cond3A_98 : i32
    scf.if %cond3A_99 {
      "tpu.region"() ({
        %run_scoped3A = tpu.sem_alloc : memref<!tpu.dma_semaphore, #tpu.memory_space<semaphore_mem>>
        %dma_start3A = arith.constant 0 : i32
        %dma_start3A_119 = tpu.memref_slice %arg10[%add3A_55, %dma_start3A] : memref<4x10240xf32, #tpu.memory_space<hbm>> -> memref<1x10240xf32, #tpu.memory_space<hbm>>
        %dma_start3A_120 = tpu.memref_squeeze %dma_start3A_119 : memref<1x10240xf32, #tpu.memory_space<hbm>> -> memref<10240xf32, #tpu.memory_space<hbm>>
        tpu.enqueue_dma source(%arg19 : memref<10240xf32, #tpu.memory_space<vmem_shared>>) target(%dma_start3A_120 : memref<10240xf32, #tpu.memory_space<hbm>>) target_semaphore(%run_scoped3A : memref<!tpu.dma_semaphore, #tpu.memory_space<semaphore_mem>>)
        %dma_wait3A = arith.constant 0 : i32
        %dma_wait3A_121 = tpu.memref_slice %arg10[%add3A_55, %dma_wait3A] : memref<4x10240xf32, #tpu.memory_space<hbm>> -> memref<1x10240xf32, #tpu.memory_space<hbm>>
        %dma_wait3A_122 = tpu.memref_squeeze %dma_wait3A_121 : memref<1x10240xf32, #tpu.memory_space<hbm>> -> memref<10240xf32, #tpu.memory_space<hbm>>
        tpu.wait_dma2 semaphore(%run_scoped3A : memref<!tpu.dma_semaphore, #tpu.memory_space<semaphore_mem>>) src(%arg19 : memref<10240xf32, #tpu.memory_space<vmem_shared>>) dst(%dma_wait3A_122 : memref<10240xf32, #tpu.memory_space<hbm>>)
        tpu.yield
      }) : () -> ()
    } else {
    }
    %mul3A_100 = arith.constant 10240 : i32
    %mul3A_101 = arith.muli %add3A_55, %mul3A_100 : i32
    %scan3A_102 = arith.constant 0 : i32
    %scan3A_103 = arith.constant 632 : i32
    %scan3A_104 = arith.addi %scan3A_102, %scan3A_103 : i32
    %scan3A_105 = arith.constant 1 : i32
    scf.for %scan3A_119 = %scan3A_102 to %scan3A_104 step %scan3A_105  : i32 {
      %mul3A_120 = arith.constant 16 : i32
      %mul3A_121 = arith.muli %scan3A_119, %mul3A_120 : i32
      %get3A = arith.index_cast %mul3A_121 : i32 to index
      %get3A_122 = tpu.vector_load %arg11[%get3A] {strides = array<i32>} : memref<10112xi32, #tpu.memory_space<vmem>>, vector<16xi32>,
      %add3A_123 = vector.broadcast %mul3A_101 : i32 to vector<16xi32>
      %add3A_124 = arith.addi %get3A_122, %add3A_123 : vector<16xi32>
      %swap3A = arith.index_cast %mul3A_121 : i32 to index
      %swap3A_125 = tpu.vector_load %arg11[%swap3A] {strides = array<i32>} : memref<10112xi32, #tpu.memory_space<vmem>>, vector<16xi32>,
      tpu.vector_store %arg11[%swap3A], %add3A_124 {strides = array<i32>} : memref<10112xi32, #tpu.memory_space<vmem>>, vector<16xi32>,
    }
    %scan3A_106 = arith.constant 632 : i32
    %scan3A_107 = arith.constant 0 : i32
    %scan3A_108 = arith.constant 79 : i32
    %scan3A_109 = arith.addi %scan3A_107, %scan3A_108 : i32
    %scan3A_110 = arith.constant 1 : i32
    scf.for %scan3A_119 = %scan3A_107 to %scan3A_109 step %scan3A_110  : i32 {
      %mul3A_120 = arith.constant 128 : i32
      %mul3A_121 = arith.muli %scan3A_119, %mul3A_120 : i32
      %dma_start3A = tpu.memref_slice %arg11[%mul3A_121] : memref<10112xi32, #tpu.memory_space<vmem>> -> memref<128xi32, #tpu.memory_space<vmem>>
      %dma_start3A_122 = arith.constant 0 : i32
      %dma_start3A_123 = arith.constant 0 : i32
      %dma_start3A_124 = tpu.memref_slice %arg2[%dma_start3A_122, %dma_start3A_123] : memref<40960x128xf32, #tpu.memory_space<hbm>> -> memref<40960x128xf32, #tpu.memory_space<hbm>>
      tpu.enqueue_indirect_dma source(%dma_start3A_124 : memref<40960x128xf32, #tpu.memory_space<hbm>>) target(%arg14 : memref<128x128xf32, #tpu.memory_space<vmem>>) offsets(%dma_start3A : memref<128xi32, #tpu.memory_space<vmem>>) semaphore(%arg21 : memref<!tpu.dma_semaphore, #tpu.memory_space<semaphore_mem>>)
      %dma_wait3A = tpu.memref_slice %arg11[%mul3A_121] : memref<10112xi32, #tpu.memory_space<vmem>> -> memref<128xi32, #tpu.memory_space<vmem>>
      %dma_wait3A_125 = arith.constant 0 : i32
      %dma_wait3A_126 = arith.constant 0 : i32
      %dma_wait3A_127 = tpu.memref_slice %arg2[%dma_wait3A_125, %dma_wait3A_126] : memref<40960x128xf32, #tpu.memory_space<hbm>> -> memref<40960x128xf32, #tpu.memory_space<hbm>>
      tpu.wait_indirect_dma semaphore(%arg21 : memref<!tpu.dma_semaphore, #tpu.memory_space<semaphore_mem>>) src(%dma_wait3A_127 : memref<40960x128xf32, #tpu.memory_space<hbm>>) dst(%arg14 : memref<128x128xf32, #tpu.memory_space<vmem>>)
      %scan3A_128 = arith.constant 0 : i32
      %scan3A_129 = arith.constant 64 : i32
      %scan3A_130 = arith.addi %scan3A_128, %scan3A_129 : i32
      %scan3A_131 = arith.constant 2 : i32
      scf.for %scan3A_133 = %scan3A_128 to %scan3A_130 step %scan3A_131  : i32 {
        %mul3A_134 = arith.constant 2 : i32
        %mul3A_135 = arith.muli %mul3A_134, %scan3A_133 : i32
        %mul3A_136 = arith.constant 128 : i32
        %mul3A_137 = arith.muli %scan3A_119, %mul3A_136 : i32
        %add3A_138 = arith.addi %mul3A_137, %mul3A_135 : i32
        %broadcast_in_dim3A = vector.broadcast %add3A_138 : i32 to vector<16xi32>
        %gather3A = tpu.vector_load_idx %arg13[%broadcast_in_dim3A] : memref<10112xf32, #tpu.memory_space<vmem>>[vector<16xi32>], vector<16xf32>,
        %mul3A_139 = arith.constant 128 : i32
        %mul3A_140 = arith.muli %scan3A_119, %mul3A_139 : i32
        %add3A_141 = arith.addi %mul3A_140, %mul3A_135 : i32
        %add3A_142 = arith.constant 1 : i32
        %add3A_143 = arith.addi %add3A_141, %add3A_142 : i32
        %broadcast_in_dim3A_144 = vector.broadcast %add3A_143 : i32 to vector<16xi32>
        %gather3A_145 = tpu.vector_load_idx %arg13[%broadcast_in_dim3A_144] : memref<10112xf32, #tpu.memory_space<vmem>>[vector<16xi32>], vector<16xf32>,
        %get3A = arith.index_cast %mul3A_135 : i32 to index
        %get3A_146 = arith.constant 0 : index
        %get3A_147 = tpu.vector_load %arg14[%get3A, %get3A_146] {strides = array<i32>} : memref<128x128xf32, #tpu.memory_space<vmem>>, vector<16xf32>,
        %mul3A_148 = arith.mulf %get3A_147, %gather3A : vector<16xf32>
        %swap3A = arith.index_cast %mul3A_135 : i32 to index
        %swap3A_149 = arith.constant 0 : index
        %swap3A_150 = tpu.vector_load %arg14[%swap3A, %swap3A_149] {strides = array<i32>} : memref<128x128xf32, #tpu.memory_space<vmem>>, vector<16xf32>,
        tpu.vector_store %arg14[%swap3A, %swap3A_149], %mul3A_148 {strides = array<i32>} : memref<128x128xf32, #tpu.memory_space<vmem>>, vector<16xf32>,
        %get3A_151 = arith.index_cast %mul3A_135 : i32 to index
        %get3A_152 = arith.constant 16 : index
        %get3A_153 = tpu.vector_load %arg14[%get3A_151, %get3A_152] {strides = array<i32>} : memref<128x128xf32, #tpu.memory_space<vmem>>, vector<16xf32>,
        %mul3A_154 = arith.mulf %get3A_153, %gather3A : vector<16xf32>
        %swap3A_155 = arith.index_cast %mul3A_135 : i32 to index
        %swap3A_156 = arith.constant 16 : index
        %swap3A_157 = tpu.vector_load %arg14[%swap3A_155, %swap3A_156] {strides = array<i32>} : memref<128x128xf32, #tpu.memory_space<vmem>>, vector<16xf32>,
        tpu.vector_store %arg14[%swap3A_155, %swap3A_156], %mul3A_154 {strides = array<i32>} : memref<128x128xf32, #tpu.memory_space<vmem>>, vector<16xf32>,
        %get3A_158 = arith.index_cast %mul3A_135 : i32 to index
        %get3A_159 = arith.constant 32 : index
        %get3A_160 = tpu.vector_load %arg14[%get3A_158, %get3A_159] {strides = array<i32>} : memref<128x128xf32, #tpu.memory_space<vmem>>, vector<16xf32>,
        %mul3A_161 = arith.mulf %get3A_160, %gather3A : vector<16xf32>
        %swap3A_162 = arith.index_cast %mul3A_135 : i32 to index
        %swap3A_163 = arith.constant 32 : index
        %swap3A_164 = tpu.vector_load %arg14[%swap3A_162, %swap3A_163] {strides = array<i32>} : memref<128x128xf32, #tpu.memory_space<vmem>>, vector<16xf32>,
        tpu.vector_store %arg14[%swap3A_162, %swap3A_163], %mul3A_161 {strides = array<i32>} : memref<128x128xf32, #tpu.memory_space<vmem>>, vector<16xf32>,
        %get3A_165 = arith.index_cast %mul3A_135 : i32 to index
        %get3A_166 = arith.constant 48 : index
        %get3A_167 = tpu.vector_load %arg14[%get3A_165, %get3A_166] {strides = array<i32>} : memref<128x128xf32, #tpu.memory_space<vmem>>, vector<16xf32>,
        %mul3A_168 = arith.mulf %get3A_167, %gather3A : vector<16xf32>
        %swap3A_169 = arith.index_cast %mul3A_135 : i32 to index
        %swap3A_170 = arith.constant 48 : index
        %swap3A_171 = tpu.vector_load %arg14[%swap3A_169, %swap3A_170] {strides = array<i32>} : memref<128x128xf32, #tpu.memory_space<vmem>>, vector<16xf32>,
        tpu.vector_store %arg14[%swap3A_169, %swap3A_170], %mul3A_168 {strides = array<i32>} : memref<128x128xf32, #tpu.memory_space<vmem>>, vector<16xf32>,
        %get3A_172 = arith.index_cast %mul3A_135 : i32 to index
        %get3A_173 = arith.constant 64 : index
        %get3A_174 = tpu.vector_load %arg14[%get3A_172, %get3A_173] {strides = array<i32>} : memref<128x128xf32, #tpu.memory_space<vmem>>, vector<16xf32>,
        %mul3A_175 = arith.mulf %get3A_174, %gather3A : vector<16xf32>
        %swap3A_176 = arith.index_cast %mul3A_135 : i32 to index
        %swap3A_177 = arith.constant 64 : index
        %swap3A_178 = tpu.vector_load %arg14[%swap3A_176, %swap3A_177] {strides = array<i32>} : memref<128x128xf32, #tpu.memory_space<vmem>>, vector<16xf32>,
        tpu.vector_store %arg14[%swap3A_176, %swap3A_177], %mul3A_175 {strides = array<i32>} : memref<128x128xf32, #tpu.memory_space<vmem>>, vector<16xf32>,
        %get3A_179 = arith.index_cast %mul3A_135 : i32 to index
        %get3A_180 = arith.constant 80 : index
        %get3A_181 = tpu.vector_load %arg14[%get3A_179, %get3A_180] {strides = array<i32>} : memref<128x128xf32, #tpu.memory_space<vmem>>, vector<16xf32>,
        %mul3A_182 = arith.mulf %get3A_181, %gather3A : vector<16xf32>
        %swap3A_183 = arith.index_cast %mul3A_135 : i32 to index
        %swap3A_184 = arith.constant 80 : index
        %swap3A_185 = tpu.vector_load %arg14[%swap3A_183, %swap3A_184] {strides = array<i32>} : memref<128x128xf32, #tpu.memory_space<vmem>>, vector<16xf32>,
        tpu.vector_store %arg14[%swap3A_183, %swap3A_184], %mul3A_182 {strides = array<i32>} : memref<128x128xf32, #tpu.memory_space<vmem>>, vector<16xf32>,
        %get3A_186 = arith.index_cast %mul3A_135 : i32 to index
        %get3A_187 = arith.constant 96 : index
        %get3A_188 = tpu.vector_load %arg14[%get3A_186, %get3A_187] {strides = array<i32>} : memref<128x128xf32, #tpu.memory_space<vmem>>, vector<16xf32>,
        %mul3A_189 = arith.mulf %get3A_188, %gather3A : vector<16xf32>
        %swap3A_190 = arith.index_cast %mul3A_135 : i32 to index
        %swap3A_191 = arith.constant 96 : index
        %swap3A_192 = tpu.vector_load %arg14[%swap3A_190, %swap3A_191] {strides = array<i32>} : memref<128x128xf32, #tpu.memory_space<vmem>>, vector<16xf32>,
        tpu.vector_store %arg14[%swap3A_190, %swap3A_191], %mul3A_189 {strides = array<i32>} : memref<128x128xf32, #tpu.memory_space<vmem>>, vector<16xf32>,
        %get3A_193 = arith.index_cast %mul3A_135 : i32 to index
        %get3A_194 = arith.constant 112 : index
        %get3A_195 = tpu.vector_load %arg14[%get3A_193, %get3A_194] {strides = array<i32>} : memref<128x128xf32, #tpu.memory_space<vmem>>, vector<16xf32>,
        %mul3A_196 = arith.mulf %get3A_195, %gather3A : vector<16xf32>
        %swap3A_197 = arith.index_cast %mul3A_135 : i32 to index
        %swap3A_198 = arith.constant 112 : index
        %swap3A_199 = tpu.vector_load %arg14[%swap3A_197, %swap3A_198] {strides = array<i32>} : memref<128x128xf32, #tpu.memory_space<vmem>>, vector<16xf32>,
        tpu.vector_store %arg14[%swap3A_197, %swap3A_198], %mul3A_196 {strides = array<i32>} : memref<128x128xf32, #tpu.memory_space<vmem>>, vector<16xf32>,
        %add3A_200 = arith.constant 1 : i32
        %add3A_201 = arith.addi %mul3A_135, %add3A_200 : i32
        %get3A_202 = arith.index_cast %add3A_201 : i32 to index
        %get3A_203 = arith.constant 0 : index
        %get3A_204 = tpu.vector_load %arg14[%get3A_202, %get3A_203] {strides = array<i32>} : memref<128x128xf32, #tpu.memory_space<vmem>>, vector<16xf32>,
        %mul3A_205 = arith.mulf %get3A_204, %gather3A_145 : vector<16xf32>
        %add3A_206 = arith.constant 1 : i32
        %add3A_207 = arith.addi %mul3A_135, %add3A_206 : i32
        %swap3A_208 = arith.index_cast %add3A_207 : i32 to index
        %swap3A_209 = arith.constant 0 : index
        %swap3A_210 = tpu.vector_load %arg14[%swap3A_208, %swap3A_209] {strides = array<i32>} : memref<128x128xf32, #tpu.memory_space<vmem>>, vector<16xf32>,
        tpu.vector_store %arg14[%swap3A_208, %swap3A_209], %mul3A_205 {strides = array<i32>} : memref<128x128xf32, #tpu.memory_space<vmem>>, vector<16xf32>,
        %add3A_211 = arith.constant 1 : i32
        %add3A_212 = arith.addi %mul3A_135, %add3A_211 : i32
        %get3A_213 = arith.index_cast %add3A_212 : i32 to index
        %get3A_214 = arith.constant 16 : index
        %get3A_215 = tpu.vector_load %arg14[%get3A_213, %get3A_214] {strides = array<i32>} : memref<128x128xf32, #tpu.memory_space<vmem>>, vector<16xf32>,
        %mul3A_216 = arith.mulf %get3A_215, %gather3A_145 : vector<16xf32>
        %add3A_217 = arith.constant 1 : i32
        %add3A_218 = arith.addi %mul3A_135, %add3A_217 : i32
        %swap3A_219 = arith.index_cast %add3A_218 : i32 to index
        %swap3A_220 = arith.constant 16 : index
        %swap3A_221 = tpu.vector_load %arg14[%swap3A_219, %swap3A_220] {strides = array<i32>} : memref<128x128xf32, #tpu.memory_space<vmem>>, vector<16xf32>,
        tpu.vector_store %arg14[%swap3A_219, %swap3A_220], %mul3A_216 {strides = array<i32>} : memref<128x128xf32, #tpu.memory_space<vmem>>, vector<16xf32>,
        %add3A_222 = arith.constant 1 : i32
        %add3A_223 = arith.addi %mul3A_135, %add3A_222 : i32
        %get3A_224 = arith.index_cast %add3A_223 : i32 to index
        %get3A_225 = arith.constant 32 : index
        %get3A_226 = tpu.vector_load %arg14[%get3A_224, %get3A_225] {strides = array<i32>} : memref<128x128xf32, #tpu.memory_space<vmem>>, vector<16xf32>,
        %mul3A_227 = arith.mulf %get3A_226, %gather3A_145 : vector<16xf32>
        %add3A_228 = arith.constant 1 : i32
        %add3A_229 = arith.addi %mul3A_135, %add3A_228 : i32
        %swap3A_230 = arith.index_cast %add3A_229 : i32 to index
        %swap3A_231 = arith.constant 32 : index
        %swap3A_232 = tpu.vector_load %arg14[%swap3A_230, %swap3A_231] {strides = array<i32>} : memref<128x128xf32, #tpu.memory_space<vmem>>, vector<16xf32>,
        tpu.vector_store %arg14[%swap3A_230, %swap3A_231], %mul3A_227 {strides = array<i32>} : memref<128x128xf32, #tpu.memory_space<vmem>>, vector<16xf32>,
        %add3A_233 = arith.constant 1 : i32
        %add3A_234 = arith.addi %mul3A_135, %add3A_233 : i32
        %get3A_235 = arith.index_cast %add3A_234 : i32 to index
        %get3A_236 = arith.constant 48 : index
        %get3A_237 = tpu.vector_load %arg14[%get3A_235, %get3A_236] {strides = array<i32>} : memref<128x128xf32, #tpu.memory_space<vmem>>, vector<16xf32>,
        %mul3A_238 = arith.mulf %get3A_237, %gather3A_145 : vector<16xf32>
        %add3A_239 = arith.constant 1 : i32
        %add3A_240 = arith.addi %mul3A_135, %add3A_239 : i32
        %swap3A_241 = arith.index_cast %add3A_240 : i32 to index
        %swap3A_242 = arith.constant 48 : index
        %swap3A_243 = tpu.vector_load %arg14[%swap3A_241, %swap3A_242] {strides = array<i32>} : memref<128x128xf32, #tpu.memory_space<vmem>>, vector<16xf32>,
        tpu.vector_store %arg14[%swap3A_241, %swap3A_242], %mul3A_238 {strides = array<i32>} : memref<128x128xf32, #tpu.memory_space<vmem>>, vector<16xf32>,
        %add3A_244 = arith.constant 1 : i32
        %add3A_245 = arith.addi %mul3A_135, %add3A_244 : i32
        %get3A_246 = arith.index_cast %add3A_245 : i32 to index
        %get3A_247 = arith.constant 64 : index
        %get3A_248 = tpu.vector_load %arg14[%get3A_246, %get3A_247] {strides = array<i32>} : memref<128x128xf32, #tpu.memory_space<vmem>>, vector<16xf32>,
        %mul3A_249 = arith.mulf %get3A_248, %gather3A_145 : vector<16xf32>
        %add3A_250 = arith.constant 1 : i32
        %add3A_251 = arith.addi %mul3A_135, %add3A_250 : i32
        %swap3A_252 = arith.index_cast %add3A_251 : i32 to index
        %swap3A_253 = arith.constant 64 : index
        %swap3A_254 = tpu.vector_load %arg14[%swap3A_252, %swap3A_253] {strides = array<i32>} : memref<128x128xf32, #tpu.memory_space<vmem>>, vector<16xf32>,
        tpu.vector_store %arg14[%swap3A_252, %swap3A_253], %mul3A_249 {strides = array<i32>} : memref<128x128xf32, #tpu.memory_space<vmem>>, vector<16xf32>,
        %add3A_255 = arith.constant 1 : i32
        %add3A_256 = arith.addi %mul3A_135, %add3A_255 : i32
        %get3A_257 = arith.index_cast %add3A_256 : i32 to index
        %get3A_258 = arith.constant 80 : index
        %get3A_259 = tpu.vector_load %arg14[%get3A_257, %get3A_258] {strides = array<i32>} : memref<128x128xf32, #tpu.memory_space<vmem>>, vector<16xf32>,
        %mul3A_260 = arith.mulf %get3A_259, %gather3A_145 : vector<16xf32>
        %add3A_261 = arith.constant 1 : i32
        %add3A_262 = arith.addi %mul3A_135, %add3A_261 : i32
        %swap3A_263 = arith.index_cast %add3A_262 : i32 to index
        %swap3A_264 = arith.constant 80 : index
        %swap3A_265 = tpu.vector_load %arg14[%swap3A_263, %swap3A_264] {strides = array<i32>} : memref<128x128xf32, #tpu.memory_space<vmem>>, vector<16xf32>,
        tpu.vector_store %arg14[%swap3A_263, %swap3A_264], %mul3A_260 {strides = array<i32>} : memref<128x128xf32, #tpu.memory_space<vmem>>, vector<16xf32>,
        %add3A_266 = arith.constant 1 : i32
        %add3A_267 = arith.addi %mul3A_135, %add3A_266 : i32
        %get3A_268 = arith.index_cast %add3A_267 : i32 to index
        %get3A_269 = arith.constant 96 : index
        %get3A_270 = tpu.vector_load %arg14[%get3A_268, %get3A_269] {strides = array<i32>} : memref<128x128xf32, #tpu.memory_space<vmem>>, vector<16xf32>,
        %mul3A_271 = arith.mulf %get3A_270, %gather3A_145 : vector<16xf32>
        %add3A_272 = arith.constant 1 : i32
        %add3A_273 = arith.addi %mul3A_135, %add3A_272 : i32
        %swap3A_274 = arith.index_cast %add3A_273 : i32 to index
        %swap3A_275 = arith.constant 96 : index
        %swap3A_276 = tpu.vector_load %arg14[%swap3A_274, %swap3A_275] {strides = array<i32>} : memref<128x128xf32, #tpu.memory_space<vmem>>, vector<16xf32>,
        tpu.vector_store %arg14[%swap3A_274, %swap3A_275], %mul3A_271 {strides = array<i32>} : memref<128x128xf32, #tpu.memory_space<vmem>>, vector<16xf32>,
        %add3A_277 = arith.constant 1 : i32
        %add3A_278 = arith.addi %mul3A_135, %add3A_277 : i32
        %get3A_279 = arith.index_cast %add3A_278 : i32 to index
        %get3A_280 = arith.constant 112 : index
        %get3A_281 = tpu.vector_load %arg14[%get3A_279, %get3A_280] {strides = array<i32>} : memref<128x128xf32, #tpu.memory_space<vmem>>, vector<16xf32>,
        %mul3A_282 = arith.mulf %get3A_281, %gather3A_145 : vector<16xf32>
        %add3A_283 = arith.constant 1 : i32
        %add3A_284 = arith.addi %mul3A_135, %add3A_283 : i32
        %swap3A_285 = arith.index_cast %add3A_284 : i32 to index
        %swap3A_286 = arith.constant 112 : index
        %swap3A_287 = tpu.vector_load %arg14[%swap3A_285, %swap3A_286] {strides = array<i32>} : memref<128x128xf32, #tpu.memory_space<vmem>>, vector<16xf32>,
        tpu.vector_store %arg14[%swap3A_285, %swap3A_286], %mul3A_282 {strides = array<i32>} : memref<128x128xf32, #tpu.memory_space<vmem>>, vector<16xf32>,
        %scan3A_288 = arith.constant 1 : i32
        %scan3A_289 = arith.addi %scan3A_133, %scan3A_288 : i32
        %mul3A_290 = arith.constant 2 : i32
        %mul3A_291 = arith.muli %mul3A_290, %scan3A_289 : i32
        %mul3A_292 = arith.constant 128 : i32
        %mul3A_293 = arith.muli %scan3A_119, %mul3A_292 : i32
        %add3A_294 = arith.addi %mul3A_293, %mul3A_291 : i32
        %broadcast_in_dim3A_295 = vector.broadcast %add3A_294 : i32 to vector<16xi32>
        %gather3A_296 = tpu.vector_load_idx %arg13[%broadcast_in_dim3A_295] : memref<10112xf32, #tpu.memory_space<vmem>>[vector<16xi32>], vector<16xf32>,
        %mul3A_297 = arith.constant 128 : i32
        %mul3A_298 = arith.muli %scan3A_119, %mul3A_297 : i32
        %add3A_299 = arith.addi %mul3A_298, %mul3A_291 : i32
        %add3A_300 = arith.constant 1 : i32
        %add3A_301 = arith.addi %add3A_299, %add3A_300 : i32
        %broadcast_in_dim3A_302 = vector.broadcast %add3A_301 : i32 to vector<16xi32>
        %gather3A_303 = tpu.vector_load_idx %arg13[%broadcast_in_dim3A_302] : memref<10112xf32, #tpu.memory_space<vmem>>[vector<16xi32>], vector<16xf32>,
        %get3A_304 = arith.index_cast %mul3A_291 : i32 to index
        %get3A_305 = arith.constant 0 : index
        %get3A_306 = tpu.vector_load %arg14[%get3A_304, %get3A_305] {strides = array<i32>} : memref<128x128xf32, #tpu.memory_space<vmem>>, vector<16xf32>,
        %mul3A_307 = arith.mulf %get3A_306, %gather3A_296 : vector<16xf32>
        %swap3A_308 = arith.index_cast %mul3A_291 : i32 to index
        %swap3A_309 = arith.constant 0 : index
        %swap3A_310 = tpu.vector_load %arg14[%swap3A_308, %swap3A_309] {strides = array<i32>} : memref<128x128xf32, #tpu.memory_space<vmem>>, vector<16xf32>,
        tpu.vector_store %arg14[%swap3A_308, %swap3A_309], %mul3A_307 {strides = array<i32>} : memref<128x128xf32, #tpu.memory_space<vmem>>, vector<16xf32>,
        %get3A_311 = arith.index_cast %mul3A_291 : i32 to index
        %get3A_312 = arith.constant 16 : index
        %get3A_313 = tpu.vector_load %arg14[%get3A_311, %get3A_312] {strides = array<i32>} : memref<128x128xf32, #tpu.memory_space<vmem>>, vector<16xf32>,
        %mul3A_314 = arith.mulf %get3A_313, %gather3A_296 : vector<16xf32>
        %swap3A_315 = arith.index_cast %mul3A_291 : i32 to index
        %swap3A_316 = arith.constant 16 : index
        %swap3A_317 = tpu.vector_load %arg14[%swap3A_315, %swap3A_316] {strides = array<i32>} : memref<128x128xf32, #tpu.memory_space<vmem>>, vector<16xf32>,
        tpu.vector_store %arg14[%swap3A_315, %swap3A_316], %mul3A_314 {strides = array<i32>} : memref<128x128xf32, #tpu.memory_space<vmem>>, vector<16xf32>,
        %get3A_318 = arith.index_cast %mul3A_291 : i32 to index
        %get3A_319 = arith.constant 32 : index
        %get3A_320 = tpu.vector_load %arg14[%get3A_318, %get3A_319] {strides = array<i32>} : memref<128x128xf32, #tpu.memory_space<vmem>>, vector<16xf32>,
        %mul3A_321 = arith.mulf %get3A_320, %gather3A_296 : vector<16xf32>
        %swap3A_322 = arith.index_cast %mul3A_291 : i32 to index
        %swap3A_323 = arith.constant 32 : index
        %swap3A_324 = tpu.vector_load %arg14[%swap3A_322, %swap3A_323] {strides = array<i32>} : memref<128x128xf32, #tpu.memory_space<vmem>>, vector<16xf32>,
        tpu.vector_store %arg14[%swap3A_322, %swap3A_323], %mul3A_321 {strides = array<i32>} : memref<128x128xf32, #tpu.memory_space<vmem>>, vector<16xf32>,
        %get3A_325 = arith.index_cast %mul3A_291 : i32 to index
        %get3A_326 = arith.constant 48 : index
        %get3A_327 = tpu.vector_load %arg14[%get3A_325, %get3A_326] {strides = array<i32>} : memref<128x128xf32, #tpu.memory_space<vmem>>, vector<16xf32>,
        %mul3A_328 = arith.mulf %get3A_327, %gather3A_296 : vector<16xf32>
        %swap3A_329 = arith.index_cast %mul3A_291 : i32 to index
        %swap3A_330 = arith.constant 48 : index
        %swap3A_331 = tpu.vector_load %arg14[%swap3A_329, %swap3A_330] {strides = array<i32>} : memref<128x128xf32, #tpu.memory_space<vmem>>, vector<16xf32>,
        tpu.vector_store %arg14[%swap3A_329, %swap3A_330], %mul3A_328 {strides = array<i32>} : memref<128x128xf32, #tpu.memory_space<vmem>>, vector<16xf32>,
        %get3A_332 = arith.index_cast %mul3A_291 : i32 to index
        %get3A_333 = arith.constant 64 : index
        %get3A_334 = tpu.vector_load %arg14[%get3A_332, %get3A_333] {strides = array<i32>} : memref<128x128xf32, #tpu.memory_space<vmem>>, vector<16xf32>,
        %mul3A_335 = arith.mulf %get3A_334, %gather3A_296 : vector<16xf32>
        %swap3A_336 = arith.index_cast %mul3A_291 : i32 to index
        %swap3A_337 = arith.constant 64 : index
        %swap3A_338 = tpu.vector_load %arg14[%swap3A_336, %swap3A_337] {strides = array<i32>} : memref<128x128xf32, #tpu.memory_space<vmem>>, vector<16xf32>,
        tpu.vector_store %arg14[%swap3A_336, %swap3A_337], %mul3A_335 {strides = array<i32>} : memref<128x128xf32, #tpu.memory_space<vmem>>, vector<16xf32>,
        %get3A_339 = arith.index_cast %mul3A_291 : i32 to index
        %get3A_340 = arith.constant 80 : index
        %get3A_341 = tpu.vector_load %arg14[%get3A_339, %get3A_340] {strides = array<i32>} : memref<128x128xf32, #tpu.memory_space<vmem>>, vector<16xf32>,
        %mul3A_342 = arith.mulf %get3A_341, %gather3A_296 : vector<16xf32>
        %swap3A_343 = arith.index_cast %mul3A_291 : i32 to index
        %swap3A_344 = arith.constant 80 : index
        %swap3A_345 = tpu.vector_load %arg14[%swap3A_343, %swap3A_344] {strides = array<i32>} : memref<128x128xf32, #tpu.memory_space<vmem>>, vector<16xf32>,
        tpu.vector_store %arg14[%swap3A_343, %swap3A_344], %mul3A_342 {strides = array<i32>} : memref<128x128xf32, #tpu.memory_space<vmem>>, vector<16xf32>,
        %get3A_346 = arith.index_cast %mul3A_291 : i32 to index
        %get3A_347 = arith.constant 96 : index
        %get3A_348 = tpu.vector_load %arg14[%get3A_346, %get3A_347] {strides = array<i32>} : memref<128x128xf32, #tpu.memory_space<vmem>>, vector<16xf32>,
        %mul3A_349 = arith.mulf %get3A_348, %gather3A_296 : vector<16xf32>
        %swap3A_350 = arith.index_cast %mul3A_291 : i32 to index
        %swap3A_351 = arith.constant 96 : index
        %swap3A_352 = tpu.vector_load %arg14[%swap3A_350, %swap3A_351] {strides = array<i32>} : memref<128x128xf32, #tpu.memory_space<vmem>>, vector<16xf32>,
        tpu.vector_store %arg14[%swap3A_350, %swap3A_351], %mul3A_349 {strides = array<i32>} : memref<128x128xf32, #tpu.memory_space<vmem>>, vector<16xf32>,
        %get3A_353 = arith.index_cast %mul3A_291 : i32 to index
        %get3A_354 = arith.constant 112 : index
        %get3A_355 = tpu.vector_load %arg14[%get3A_353, %get3A_354] {strides = array<i32>} : memref<128x128xf32, #tpu.memory_space<vmem>>, vector<16xf32>,
        %mul3A_356 = arith.mulf %get3A_355, %gather3A_296 : vector<16xf32>
        %swap3A_357 = arith.index_cast %mul3A_291 : i32 to index
        %swap3A_358 = arith.constant 112 : index
        %swap3A_359 = tpu.vector_load %arg14[%swap3A_357, %swap3A_358] {strides = array<i32>} : memref<128x128xf32, #tpu.memory_space<vmem>>, vector<16xf32>,
        tpu.vector_store %arg14[%swap3A_357, %swap3A_358], %mul3A_356 {strides = array<i32>} : memref<128x128xf32, #tpu.memory_space<vmem>>, vector<16xf32>,
        %add3A_360 = arith.constant 1 : i32
        %add3A_361 = arith.addi %mul3A_291, %add3A_360 : i32
        %get3A_362 = arith.index_cast %add3A_361 : i32 to index
        %get3A_363 = arith.constant 0 : index
        %get3A_364 = tpu.vector_load %arg14[%get3A_362, %get3A_363] {strides = array<i32>} : memref<128x128xf32, #tpu.memory_space<vmem>>, vector<16xf32>,
        %mul3A_365 = arith.mulf %get3A_364, %gather3A_303 : vector<16xf32>
        %add3A_366 = arith.constant 1 : i32
        %add3A_367 = arith.addi %mul3A_291, %add3A_366 : i32
        %swap3A_368 = arith.index_cast %add3A_367 : i32 to index
        %swap3A_369 = arith.constant 0 : index
        %swap3A_370 = tpu.vector_load %arg14[%swap3A_368, %swap3A_369] {strides = array<i32>} : memref<128x128xf32, #tpu.memory_space<vmem>>, vector<16xf32>,
        tpu.vector_store %arg14[%swap3A_368, %swap3A_369], %mul3A_365 {strides = array<i32>} : memref<128x128xf32, #tpu.memory_space<vmem>>, vector<16xf32>,
        %add3A_371 = arith.constant 1 : i32
        %add3A_372 = arith.addi %mul3A_291, %add3A_371 : i32
        %get3A_373 = arith.index_cast %add3A_372 : i32 to index
        %get3A_374 = arith.constant 16 : index
        %get3A_375 = tpu.vector_load %arg14[%get3A_373, %get3A_374] {strides = array<i32>} : memref<128x128xf32, #tpu.memory_space<vmem>>, vector<16xf32>,
        %mul3A_376 = arith.mulf %get3A_375, %gather3A_303 : vector<16xf32>
        %add3A_377 = arith.constant 1 : i32
        %add3A_378 = arith.addi %mul3A_291, %add3A_377 : i32
        %swap3A_379 = arith.index_cast %add3A_378 : i32 to index
        %swap3A_380 = arith.constant 16 : index
        %swap3A_381 = tpu.vector_load %arg14[%swap3A_379, %swap3A_380] {strides = array<i32>} : memref<128x128xf32, #tpu.memory_space<vmem>>, vector<16xf32>,
        tpu.vector_store %arg14[%swap3A_379, %swap3A_380], %mul3A_376 {strides = array<i32>} : memref<128x128xf32, #tpu.memory_space<vmem>>, vector<16xf32>,
        %add3A_382 = arith.constant 1 : i32
        %add3A_383 = arith.addi %mul3A_291, %add3A_382 : i32
        %get3A_384 = arith.index_cast %add3A_383 : i32 to index
        %get3A_385 = arith.constant 32 : index
        %get3A_386 = tpu.vector_load %arg14[%get3A_384, %get3A_385] {strides = array<i32>} : memref<128x128xf32, #tpu.memory_space<vmem>>, vector<16xf32>,
        %mul3A_387 = arith.mulf %get3A_386, %gather3A_303 : vector<16xf32>
        %add3A_388 = arith.constant 1 : i32
        %add3A_389 = arith.addi %mul3A_291, %add3A_388 : i32
        %swap3A_390 = arith.index_cast %add3A_389 : i32 to index
        %swap3A_391 = arith.constant 32 : index
        %swap3A_392 = tpu.vector_load %arg14[%swap3A_390, %swap3A_391] {strides = array<i32>} : memref<128x128xf32, #tpu.memory_space<vmem>>, vector<16xf32>,
        tpu.vector_store %arg14[%swap3A_390, %swap3A_391], %mul3A_387 {strides = array<i32>} : memref<128x128xf32, #tpu.memory_space<vmem>>, vector<16xf32>,
        %add3A_393 = arith.constant 1 : i32
        %add3A_394 = arith.addi %mul3A_291, %add3A_393 : i32
        %get3A_395 = arith.index_cast %add3A_394 : i32 to index
        %get3A_396 = arith.constant 48 : index
        %get3A_397 = tpu.vector_load %arg14[%get3A_395, %get3A_396] {strides = array<i32>} : memref<128x128xf32, #tpu.memory_space<vmem>>, vector<16xf32>,
        %mul3A_398 = arith.mulf %get3A_397, %gather3A_303 : vector<16xf32>
        %add3A_399 = arith.constant 1 : i32
        %add3A_400 = arith.addi %mul3A_291, %add3A_399 : i32
        %swap3A_401 = arith.index_cast %add3A_400 : i32 to index
        %swap3A_402 = arith.constant 48 : index
        %swap3A_403 = tpu.vector_load %arg14[%swap3A_401, %swap3A_402] {strides = array<i32>} : memref<128x128xf32, #tpu.memory_space<vmem>>, vector<16xf32>,
        tpu.vector_store %arg14[%swap3A_401, %swap3A_402], %mul3A_398 {strides = array<i32>} : memref<128x128xf32, #tpu.memory_space<vmem>>, vector<16xf32>,
        %add3A_404 = arith.constant 1 : i32
        %add3A_405 = arith.addi %mul3A_291, %add3A_404 : i32
        %get3A_406 = arith.index_cast %add3A_405 : i32 to index
        %get3A_407 = arith.constant 64 : index
        %get3A_408 = tpu.vector_load %arg14[%get3A_406, %get3A_407] {strides = array<i32>} : memref<128x128xf32, #tpu.memory_space<vmem>>, vector<16xf32>,
        %mul3A_409 = arith.mulf %get3A_408, %gather3A_303 : vector<16xf32>
        %add3A_410 = arith.constant 1 : i32
        %add3A_411 = arith.addi %mul3A_291, %add3A_410 : i32
        %swap3A_412 = arith.index_cast %add3A_411 : i32 to index
        %swap3A_413 = arith.constant 64 : index
        %swap3A_414 = tpu.vector_load %arg14[%swap3A_412, %swap3A_413] {strides = array<i32>} : memref<128x128xf32, #tpu.memory_space<vmem>>, vector<16xf32>,
        tpu.vector_store %arg14[%swap3A_412, %swap3A_413], %mul3A_409 {strides = array<i32>} : memref<128x128xf32, #tpu.memory_space<vmem>>, vector<16xf32>,
        %add3A_415 = arith.constant 1 : i32
        %add3A_416 = arith.addi %mul3A_291, %add3A_415 : i32
        %get3A_417 = arith.index_cast %add3A_416 : i32 to index
        %get3A_418 = arith.constant 80 : index
        %get3A_419 = tpu.vector_load %arg14[%get3A_417, %get3A_418] {strides = array<i32>} : memref<128x128xf32, #tpu.memory_space<vmem>>, vector<16xf32>,
        %mul3A_420 = arith.mulf %get3A_419, %gather3A_303 : vector<16xf32>
        %add3A_421 = arith.constant 1 : i32
        %add3A_422 = arith.addi %mul3A_291, %add3A_421 : i32
        %swap3A_423 = arith.index_cast %add3A_422 : i32 to index
        %swap3A_424 = arith.constant 80 : index
        %swap3A_425 = tpu.vector_load %arg14[%swap3A_423, %swap3A_424] {strides = array<i32>} : memref<128x128xf32, #tpu.memory_space<vmem>>, vector<16xf32>,
        tpu.vector_store %arg14[%swap3A_423, %swap3A_424], %mul3A_420 {strides = array<i32>} : memref<128x128xf32, #tpu.memory_space<vmem>>, vector<16xf32>,
        %add3A_426 = arith.constant 1 : i32
        %add3A_427 = arith.addi %mul3A_291, %add3A_426 : i32
        %get3A_428 = arith.index_cast %add3A_427 : i32 to index
        %get3A_429 = arith.constant 96 : index
        %get3A_430 = tpu.vector_load %arg14[%get3A_428, %get3A_429] {strides = array<i32>} : memref<128x128xf32, #tpu.memory_space<vmem>>, vector<16xf32>,
        %mul3A_431 = arith.mulf %get3A_430, %gather3A_303 : vector<16xf32>
        %add3A_432 = arith.constant 1 : i32
        %add3A_433 = arith.addi %mul3A_291, %add3A_432 : i32
        %swap3A_434 = arith.index_cast %add3A_433 : i32 to index
        %swap3A_435 = arith.constant 96 : index
        %swap3A_436 = tpu.vector_load %arg14[%swap3A_434, %swap3A_435] {strides = array<i32>} : memref<128x128xf32, #tpu.memory_space<vmem>>, vector<16xf32>,
        tpu.vector_store %arg14[%swap3A_434, %swap3A_435], %mul3A_431 {strides = array<i32>} : memref<128x128xf32, #tpu.memory_space<vmem>>, vector<16xf32>,
        %add3A_437 = arith.constant 1 : i32
        %add3A_438 = arith.addi %mul3A_291, %add3A_437 : i32
        %get3A_439 = arith.index_cast %add3A_438 : i32 to index
        %get3A_440 = arith.constant 112 : index
        %get3A_441 = tpu.vector_load %arg14[%get3A_439, %get3A_440] {strides = array<i32>} : memref<128x128xf32, #tpu.memory_space<vmem>>, vector<16xf32>,
        %mul3A_442 = arith.mulf %get3A_441, %gather3A_303 : vector<16xf32>
        %add3A_443 = arith.constant 1 : i32
        %add3A_444 = arith.addi %mul3A_291, %add3A_443 : i32
        %swap3A_445 = arith.index_cast %add3A_444 : i32 to index
        %swap3A_446 = arith.constant 112 : index
        %swap3A_447 = tpu.vector_load %arg14[%swap3A_445, %swap3A_446] {strides = array<i32>} : memref<128x128xf32, #tpu.memory_space<vmem>>, vector<16xf32>,
        tpu.vector_store %arg14[%swap3A_445, %swap3A_446], %mul3A_442 {strides = array<i32>} : memref<128x128xf32, #tpu.memory_space<vmem>>, vector<16xf32>,
      }
      %scan3A_132 = arith.constant 64 : i32
      "tpu.region"() ({
        %run_scoped3A = tpu.sem_alloc : memref<!tpu.dma_semaphore, #tpu.memory_space<semaphore_mem>>
        %dma_start3A_133 = arith.constant 0 : i32
        %dma_start3A_134 = tpu.memref_slice %arg12[%scan3A_119, %dma_start3A_133] : memref<79x128xi32, #tpu.memory_space<vmem>> -> memref<1x128xi32, #tpu.memory_space<vmem>>
        %dma_start3A_135 = tpu.memref_squeeze %dma_start3A_134 : memref<1x128xi32, #tpu.memory_space<vmem>> -> memref<128xi32, #tpu.memory_space<vmem>>
        %dma_start3A_136 = arith.constant 0 : i32
        %dma_start3A_137 = arith.constant 0 : i32
        %dma_start3A_138 = tpu.memref_slice %arg20[%dma_start3A_136, %dma_start3A_137] : memref<10240x128xf32, #tpu.memory_space<vmem_shared>> -> memref<10240x128xf32, #tpu.memory_space<vmem_shared>>
        tpu.enqueue_indirect_dma source(%arg14 : memref<128x128xf32, #tpu.memory_space<vmem>>) target(%dma_start3A_138 : memref<10240x128xf32, #tpu.memory_space<vmem_shared>>) offsets(%dma_start3A_135 : memref<128xi32, #tpu.memory_space<vmem>>) semaphore(%run_scoped3A : memref<!tpu.dma_semaphore, #tpu.memory_space<semaphore_mem>>) {add = true}
        %dma_wait3A_139 = arith.constant 0 : i32
        %dma_wait3A_140 = tpu.memref_slice %arg12[%scan3A_119, %dma_wait3A_139] : memref<79x128xi32, #tpu.memory_space<vmem>> -> memref<1x128xi32, #tpu.memory_space<vmem>>
        %dma_wait3A_141 = tpu.memref_squeeze %dma_wait3A_140 : memref<1x128xi32, #tpu.memory_space<vmem>> -> memref<128xi32, #tpu.memory_space<vmem>>
        %dma_wait3A_142 = arith.constant 0 : i32
        %dma_wait3A_143 = arith.constant 0 : i32
        %dma_wait3A_144 = tpu.memref_slice %arg20[%dma_wait3A_142, %dma_wait3A_143] : memref<10240x128xf32, #tpu.memory_space<vmem_shared>> -> memref<10240x128xf32, #tpu.memory_space<vmem_shared>>
        tpu.wait_indirect_dma semaphore(%run_scoped3A : memref<!tpu.dma_semaphore, #tpu.memory_space<semaphore_mem>>) src(%arg14 : memref<128x128xf32, #tpu.memory_space<vmem>>) dst(%dma_wait3A_144 : memref<10240x128xf32, #tpu.memory_space<vmem_shared>>)
        tpu.yield
      }) : () -> ()
    }
    %scan3A_111 = arith.constant 79 : i32
    %barrier3A_112 = arith.constant 0 : index
    tpu.barrier barrier_id(%barrier3A_112)
    %scan3A_113 = arith.constant 0 : i32
    %scan3A_114 = arith.constant 5 : i32
    %scan3A_115 = arith.addi %scan3A_113, %scan3A_114 : i32
    %scan3A_116 = arith.constant 1 : i32
    scf.for %scan3A_119 = %scan3A_113 to %scan3A_115 step %scan3A_116  : i32 {
      %mul3A_120 = arith.constant 128 : i32
      %mul3A_121 = arith.muli %scan3A_119, %mul3A_120 : i32
      %add3A_122 = arith.addi %mul3A_0, %mul3A_121 : i32
      %mul3A_123 = arith.constant 128 : i32
      %mul3A_124 = arith.muli %scan3A_119, %mul3A_123 : i32
      %add3A_125 = arith.addi %mul3A_0, %mul3A_124 : i32
      "tpu.region"() ({
        %run_scoped3A = tpu.sem_alloc : memref<!tpu.dma_semaphore, #tpu.memory_space<semaphore_mem>>
        %dma_start3A = arith.constant 0 : i32
        %dma_start3A_126 = tpu.memref_slice %arg9[%add3A_55, %add3A_125, %dma_start3A] : memref<4x10240x128xf32, #tpu.memory_space<hbm>> -> memref<1x128x128xf32, #tpu.memory_space<hbm>>
        %dma_start3A_127 = tpu.memref_squeeze %dma_start3A_126 : memref<1x128x128xf32, #tpu.memory_space<hbm>> -> memref<128x128xf32, #tpu.memory_space<hbm>>
        %dma_start3A_128 = arith.constant 0 : i32
        %dma_start3A_129 = tpu.memref_slice %arg20[%add3A_122, %dma_start3A_128] : memref<10240x128xf32, #tpu.memory_space<vmem_shared>> -> memref<128x128xf32, #tpu.memory_space<vmem_shared>>
        tpu.enqueue_dma source(%dma_start3A_129 : memref<128x128xf32, #tpu.memory_space<vmem_shared>>) target(%dma_start3A_127 : memref<128x128xf32, #tpu.memory_space<hbm>>) target_semaphore(%run_scoped3A : memref<!tpu.dma_semaphore, #tpu.memory_space<semaphore_mem>>)
        %dma_wait3A = arith.constant 0 : i32
        %dma_wait3A_130 = tpu.memref_slice %arg9[%add3A_55, %add3A_125, %dma_wait3A] : memref<4x10240x128xf32, #tpu.memory_space<hbm>> -> memref<1x128x128xf32, #tpu.memory_space<hbm>>
        %dma_wait3A_131 = tpu.memref_squeeze %dma_wait3A_130 : memref<1x128x128xf32, #tpu.memory_space<hbm>> -> memref<128x128xf32, #tpu.memory_space<hbm>>
        %dma_wait3A_132 = arith.constant 0 : i32
        %dma_wait3A_133 = tpu.memref_slice %arg20[%add3A_122, %dma_wait3A_132] : memref<10240x128xf32, #tpu.memory_space<vmem_shared>> -> memref<128x128xf32, #tpu.memory_space<vmem_shared>>
        tpu.wait_dma2 semaphore(%run_scoped3A : memref<!tpu.dma_semaphore, #tpu.memory_space<semaphore_mem>>) src(%dma_wait3A_133 : memref<128x128xf32, #tpu.memory_space<vmem_shared>>) dst(%dma_wait3A_131 : memref<128x128xf32, #tpu.memory_space<hbm>>)
        tpu.yield
      }) : () -> ()
    }
    %scan3A_117 = arith.constant 5 : i32
    %barrier3A_118 = arith.constant 0 : index
    tpu.barrier barrier_id(%barrier3A_118)
    return
  }
}

#map = affine_map<(d0, d1) -> (0, 0)>
#map1 = affine_map<(d0, d1) -> (0, 0, 0)>
#map2 = affine_map<(d0, d1) -> (0)>
module attributes {stable_mosaic.version = 14 : i64} {
  func.func @_edge_body(%arg0: i32, %arg1: i32, %arg2: memref<40960x128xf32, #tpu.memory_space<hbm>>, %arg3: memref<4x10240xf32, #tpu.memory_space<hbm>>, %arg4: memref<4x10240xf32, #tpu.memory_space<hbm>>, %arg5: memref<16x10112xi32, #tpu.memory_space<hbm>>, %arg6: memref<16x79x128xi32, #tpu.memory_space<hbm>>, %arg7: memref<128x128xf32, #tpu.memory_space<hbm>>, %arg8: memref<640xf32, #tpu.memory_space<hbm>>, %arg9: memref<4x10240x128xf32, #tpu.memory_space<hbm>>, %arg10: memref<4x10240xf32, #tpu.memory_space<hbm>>, %arg11: memref<10112xi32, #tpu.memory_space<vmem>>, %arg12: memref<79x128xi32, #tpu.memory_space<vmem>>, %arg13: memref<10112xf32, #tpu.memory_space<vmem>>, %arg14: memref<128x128xf32, #tpu.memory_space<vmem>>, %arg15: memref<128xf32, #tpu.memory_space<vmem>>, %arg16: memref<128xf32, #tpu.memory_space<vmem>>, %arg17: memref<10240xf32, #tpu.memory_space<vmem_shared>>, %arg18: memref<10240xf32, #tpu.memory_space<vmem_shared>>, %arg19: memref<10240xf32, #tpu.memory_space<vmem_shared>>, %arg20: memref<10240x128xf32, #tpu.memory_space<vmem_shared>>, %arg21: memref<!tpu.dma_semaphore, #tpu.memory_space<semaphore_mem>>, %arg22: memref<!tpu.dma_semaphore, #tpu.memory_space<semaphore_mem>>, %arg23: memref<!tpu.dma_semaphore, #tpu.memory_space<semaphore_mem>>, %arg24: memref<!tpu.dma_semaphore, #tpu.memory_space<semaphore_mem>>) attributes {dimension_semantics = [#tpu.dimension_semantics<core_parallel>, #tpu.dimension_semantics<subcore_parallel>], iteration_bounds = array<i64: 2, 16>, scalar_prefetch = 0 : i64, scratch_operands = 14 : i64, tpu.core_type = #tpu.core_type<sc_vector_subcore>, window_params = [{transform_indices = #map}, {transform_indices = #map}, {transform_indices = #map}, {transform_indices = #map}, {transform_indices = #map1}, {transform_indices = #map}, {transform_indices = #map2}, {transform_indices = #map1}, {transform_indices = #map}]} {
    "tpu.region"() ({
      %run_scoped3A = tpu.sem_alloc : memref<!tpu.dma_semaphore, #tpu.memory_space<semaphore_mem>>
      %dma_start3A = arith.constant 0 : i32
      %dma_start3A_119 = tpu.memref_slice %arg5[%arg1, %dma_start3A] : memref<16x10112xi32, #tpu.memory_space<hbm>> -> memref<1x10112xi32, #tpu.memory_space<hbm>>
      %dma_start3A_120 = tpu.memref_squeeze %dma_start3A_119 : memref<1x10112xi32, #tpu.memory_space<hbm>> -> memref<10112xi32, #tpu.memory_space<hbm>>
      %dma_start3A_121 = arith.constant 0 : i32
      %dma_start3A_122 = tpu.memref_slice %arg5[%arg1, %dma_start3A_121] : memref<16x10112xi32, #tpu.memory_space<hbm>> -> memref<1x10112xi32, #tpu.memory_space<hbm>>
      %dma_start3A_123 = tpu.memref_squeeze %dma_start3A_122 : memref<1x10112xi32, #tpu.memory_space<hbm>> -> memref<10112xi32, #tpu.memory_space<hbm>>
      tpu.enqueue_dma source(%dma_start3A_123 : memref<10112xi32, #tpu.memory_space<hbm>>) target(%arg11 : memref<10112xi32, #tpu.memory_space<vmem>>) target_semaphore(%run_scoped3A : memref<!tpu.dma_semaphore, #tpu.memory_space<semaphore_mem>>)
      %dma_wait3A = arith.constant 0 : i32
      %dma_wait3A_124 = tpu.memref_slice %arg5[%arg1, %dma_wait3A] : memref<16x10112xi32, #tpu.memory_space<hbm>> -> memref<1x10112xi32, #tpu.memory_space<hbm>>
      %dma_wait3A_125 = tpu.memref_squeeze %dma_wait3A_124 : memref<1x10112xi32, #tpu.memory_space<hbm>> -> memref<10112xi32, #tpu.memory_space<hbm>>
      %dma_wait3A_126 = arith.constant 0 : i32
      %dma_wait3A_127 = tpu.memref_slice %arg5[%arg1, %dma_wait3A_126] : memref<16x10112xi32, #tpu.memory_space<hbm>> -> memref<1x10112xi32, #tpu.memory_space<hbm>>
      %dma_wait3A_128 = tpu.memref_squeeze %dma_wait3A_127 : memref<1x10112xi32, #tpu.memory_space<hbm>> -> memref<10112xi32, #tpu.memory_space<hbm>>
      tpu.wait_dma2 semaphore(%run_scoped3A : memref<!tpu.dma_semaphore, #tpu.memory_space<semaphore_mem>>) src(%dma_wait3A_128 : memref<10112xi32, #tpu.memory_space<hbm>>) dst(%arg11 : memref<10112xi32, #tpu.memory_space<vmem>>)
      tpu.yield
    }) : () -> ()
    "tpu.region"() ({
      %run_scoped3A = tpu.sem_alloc : memref<!tpu.dma_semaphore, #tpu.memory_space<semaphore_mem>>
      %dma_start3A = arith.constant 0 : i32
      %dma_start3A_119 = arith.constant 0 : i32
      %dma_start3A_120 = tpu.memref_slice %arg6[%arg1, %dma_start3A, %dma_start3A_119] : memref<16x79x128xi32, #tpu.memory_space<hbm>> -> memref<1x79x128xi32, #tpu.memory_space<hbm>>
      %dma_start3A_121 = tpu.memref_squeeze %dma_start3A_120 : memref<1x79x128xi32, #tpu.memory_space<hbm>> -> memref<79x128xi32, #tpu.memory_space<hbm>>
      %dma_start3A_122 = arith.constant 0 : i32
      %dma_start3A_123 = arith.constant 0 : i32
      %dma_start3A_124 = tpu.memref_slice %arg6[%arg1, %dma_start3A_122, %dma_start3A_123] : memref<16x79x128xi32, #tpu.memory_space<hbm>> -> memref<1x79x128xi32, #tpu.memory_space<hbm>>
      %dma_start3A_125 = tpu.memref_squeeze %dma_start3A_124 : memref<1x79x128xi32, #tpu.memory_space<hbm>> -> memref<79x128xi32, #tpu.memory_space<hbm>>
      tpu.enqueue_dma source(%dma_start3A_125 : memref<79x128xi32, #tpu.memory_space<hbm>>) target(%arg12 : memref<79x128xi32, #tpu.memory_space<vmem>>) target_semaphore(%run_scoped3A : memref<!tpu.dma_semaphore, #tpu.memory_space<semaphore_mem>>)
      %dma_wait3A = arith.constant 0 : i32
      %dma_wait3A_126 = arith.constant 0 : i32
      %dma_wait3A_127 = tpu.memref_slice %arg6[%arg1, %dma_wait3A, %dma_wait3A_126] : memref<16x79x128xi32, #tpu.memory_space<hbm>> -> memref<1x79x128xi32, #tpu.memory_space<hbm>>
      %dma_wait3A_128 = tpu.memref_squeeze %dma_wait3A_127 : memref<1x79x128xi32, #tpu.memory_space<hbm>> -> memref<79x128xi32, #tpu.memory_space<hbm>>
      %dma_wait3A_129 = arith.constant 0 : i32
      %dma_wait3A_130 = arith.constant 0 : i32
      %dma_wait3A_131 = tpu.memref_slice %arg6[%arg1, %dma_wait3A_129, %dma_wait3A_130] : memref<16x79x128xi32, #tpu.memory_space<hbm>> -> memref<1x79x128xi32, #tpu.memory_space<hbm>>
      %dma_wait3A_132 = tpu.memref_squeeze %dma_wait3A_131 : memref<1x79x128xi32, #tpu.memory_space<hbm>> -> memref<79x128xi32, #tpu.memory_space<hbm>>
      tpu.wait_dma2 semaphore(%run_scoped3A : memref<!tpu.dma_semaphore, #tpu.memory_space<semaphore_mem>>) src(%dma_wait3A_132 : memref<79x128xi32, #tpu.memory_space<hbm>>) dst(%arg12 : memref<79x128xi32, #tpu.memory_space<vmem>>)
      tpu.yield
    }) : () -> ()
    %mul3A = arith.constant 640 : i32
    %mul3A_0 = arith.muli %arg1, %mul3A : i32
    %mul3A_1 = arith.constant 2 : i32
    %mul3A_2 = arith.muli %mul3A_1, %arg0 : i32
    %add3A = arith.constant 0 : i32
    %add3A_3 = arith.addi %mul3A_2, %add3A : i32
    %eq3A = arith.constant 0 : i32
    %eq3A_4 = arith.cmpi eq, %arg1, %eq3A : i32
    %convert_element_type3A = arith.extui %eq3A_4 : i1 to i32
    %cond3A = arith.constant 0 : i32
    %cond3A_5 = arith.cmpi ne, %convert_element_type3A, %cond3A : i32
    scf.if %cond3A_5 {
      "tpu.region"() ({
        %run_scoped3A = tpu.sem_alloc : memref<!tpu.dma_semaphore, #tpu.memory_space<semaphore_mem>>
        %dma_start3A = arith.constant 0 : i32
        %dma_start3A_119 = tpu.memref_slice %arg3[%add3A_3, %dma_start3A] : memref<4x10240xf32, #tpu.memory_space<hbm>> -> memref<1x10240xf32, #tpu.memory_space<hbm>>
        %dma_start3A_120 = tpu.memref_squeeze %dma_start3A_119 : memref<1x10240xf32, #tpu.memory_space<hbm>> -> memref<10240xf32, #tpu.memory_space<hbm>>
        tpu.enqueue_dma source(%dma_start3A_120 : memref<10240xf32, #tpu.memory_space<hbm>>) target(%arg17 : memref<10240xf32, #tpu.memory_space<vmem_shared>>) target_semaphore(%run_scoped3A : memref<!tpu.dma_semaphore, #tpu.memory_space<semaphore_mem>>)
        %dma_wait3A = arith.constant 0 : i32
        %dma_wait3A_121 = tpu.memref_slice %arg3[%add3A_3, %dma_wait3A] : memref<4x10240xf32, #tpu.memory_space<hbm>> -> memref<1x10240xf32, #tpu.memory_space<hbm>>
        %dma_wait3A_122 = tpu.memref_squeeze %dma_wait3A_121 : memref<1x10240xf32, #tpu.memory_space<hbm>> -> memref<10240xf32, #tpu.memory_space<hbm>>
        tpu.wait_dma2 semaphore(%run_scoped3A : memref<!tpu.dma_semaphore, #tpu.memory_space<semaphore_mem>>) src(%dma_wait3A_122 : memref<10240xf32, #tpu.memory_space<hbm>>) dst(%arg17 : memref<10240xf32, #tpu.memory_space<vmem_shared>>)
        tpu.yield
      }) : () -> ()
      "tpu.region"() ({
        %run_scoped3A = tpu.sem_alloc : memref<!tpu.dma_semaphore, #tpu.memory_space<semaphore_mem>>
        %dma_start3A = arith.constant 0 : i32
        %dma_start3A_119 = tpu.memref_slice %arg4[%add3A_3, %dma_start3A] : memref<4x10240xf32, #tpu.memory_space<hbm>> -> memref<1x10240xf32, #tpu.memory_space<hbm>>
        %dma_start3A_120 = tpu.memref_squeeze %dma_start3A_119 : memref<1x10240xf32, #tpu.memory_space<hbm>> -> memref<10240xf32, #tpu.memory_space<hbm>>
        tpu.enqueue_dma source(%dma_start3A_120 : memref<10240xf32, #tpu.memory_space<hbm>>) target(%arg18 : memref<10240xf32, #tpu.memory_space<vmem_shared>>) target_semaphore(%run_scoped3A : memref<!tpu.dma_semaphore, #tpu.memory_space<semaphore_mem>>)
        %dma_wait3A = arith.constant 0 : i32
        %dma_wait3A_121 = tpu.memref_slice %arg4[%add3A_3, %dma_wait3A] : memref<4x10240xf32, #tpu.memory_space<hbm>> -> memref<1x10240xf32, #tpu.memory_space<hbm>>
        %dma_wait3A_122 = tpu.memref_squeeze %dma_wait3A_121 : memref<1x10240xf32, #tpu.memory_space<hbm>> -> memref<10240xf32, #tpu.memory_space<hbm>>
        tpu.wait_dma2 semaphore(%run_scoped3A : memref<!tpu.dma_semaphore, #tpu.memory_space<semaphore_mem>>) src(%dma_wait3A_122 : memref<10240xf32, #tpu.memory_space<hbm>>) dst(%arg18 : memref<10240xf32, #tpu.memory_space<vmem_shared>>)
        tpu.yield
      }) : () -> ()
    } else {
    }
    %mul3A_6 = arith.constant 640 : i32
    %mul3A_7 = arith.muli %arg1, %mul3A_6 : i32
    "tpu.region"() ({
      %run_scoped3A = tpu.sem_alloc : memref<!tpu.dma_semaphore, #tpu.memory_space<semaphore_mem>>
      %dma_start3A = tpu.memref_slice %arg19[%mul3A_7] : memref<10240xf32, #tpu.memory_space<vmem_shared>> -> memref<640xf32, #tpu.memory_space<vmem_shared>>
      tpu.enqueue_dma source(%arg8 : memref<640xf32, #tpu.memory_space<hbm>>) target(%dma_start3A : memref<640xf32, #tpu.memory_space<vmem_shared>>) target_semaphore(%run_scoped3A : memref<!tpu.dma_semaphore, #tpu.memory_space<semaphore_mem>>)
      %dma_wait3A = tpu.memref_slice %arg19[%mul3A_7] : memref<10240xf32, #tpu.memory_space<vmem_shared>> -> memref<640xf32, #tpu.memory_space<vmem_shared>>
      tpu.wait_dma2 semaphore(%run_scoped3A : memref<!tpu.dma_semaphore, #tpu.memory_space<semaphore_mem>>) src(%arg8 : memref<640xf32, #tpu.memory_space<hbm>>) dst(%dma_wait3A : memref<640xf32, #tpu.memory_space<vmem_shared>>)
      tpu.yield
    }) : () -> ()
    %scan3A = arith.constant 0 : i32
    %scan3A_8 = arith.constant 5 : i32
    %scan3A_9 = arith.addi %scan3A, %scan3A_8 : i32
    %scan3A_10 = arith.constant 1 : i32
    scf.for %scan3A_119 = %scan3A to %scan3A_9 step %scan3A_10  : i32 {
      %mul3A_120 = arith.constant 128 : i32
      %mul3A_121 = arith.muli %scan3A_119, %mul3A_120 : i32
      %add3A_122 = arith.addi %mul3A_0, %mul3A_121 : i32
      "tpu.region"() ({
        %run_scoped3A = tpu.sem_alloc : memref<!tpu.dma_semaphore, #tpu.memory_space<semaphore_mem>>
        %dma_start3A = arith.constant 0 : i32
        %dma_start3A_123 = tpu.memref_slice %arg20[%add3A_122, %dma_start3A] : memref<10240x128xf32, #tpu.memory_space<vmem_shared>> -> memref<128x128xf32, #tpu.memory_space<vmem_shared>>
        tpu.enqueue_dma source(%arg7 : memref<128x128xf32, #tpu.memory_space<hbm>>) target(%dma_start3A_123 : memref<128x128xf32, #tpu.memory_space<vmem_shared>>) target_semaphore(%run_scoped3A : memref<!tpu.dma_semaphore, #tpu.memory_space<semaphore_mem>>)
        %dma_wait3A = arith.constant 0 : i32
        %dma_wait3A_124 = tpu.memref_slice %arg20[%add3A_122, %dma_wait3A] : memref<10240x128xf32, #tpu.memory_space<vmem_shared>> -> memref<128x128xf32, #tpu.memory_space<vmem_shared>>
        tpu.wait_dma2 semaphore(%run_scoped3A : memref<!tpu.dma_semaphore, #tpu.memory_space<semaphore_mem>>) src(%arg7 : memref<128x128xf32, #tpu.memory_space<hbm>>) dst(%dma_wait3A_124 : memref<128x128xf32, #tpu.memory_space<vmem_shared>>)
        tpu.yield
      }) : () -> ()
    }
    %scan3A_11 = arith.constant 5 : i32
    %barrier3A = arith.constant 0 : index
    tpu.barrier barrier_id(%barrier3A)
    %scan3A_12 = arith.constant 0 : i32
    %scan3A_13 = arith.constant 79 : i32
    %scan3A_14 = arith.addi %scan3A_12, %scan3A_13 : i32
    %scan3A_15 = arith.constant 1 : i32
    scf.for %scan3A_119 = %scan3A_12 to %scan3A_14 step %scan3A_15  : i32 {
      %mul3A_120 = arith.constant 128 : i32
      %mul3A_121 = arith.muli %scan3A_119, %mul3A_120 : i32
      %dma_start3A = tpu.memref_slice %arg11[%mul3A_121] : memref<10112xi32, #tpu.memory_space<vmem>> -> memref<128xi32, #tpu.memory_space<vmem>>
      %dma_start3A_122 = arith.constant 0 : i32
      %dma_start3A_123 = tpu.memref_slice %arg17[%dma_start3A_122] : memref<10240xf32, #tpu.memory_space<vmem_shared>> -> memref<10240xf32, #tpu.memory_space<vmem_shared>>
      tpu.enqueue_indirect_dma source(%dma_start3A_123 : memref<10240xf32, #tpu.memory_space<vmem_shared>>) target(%arg15 : memref<128xf32, #tpu.memory_space<vmem>>) offsets(%dma_start3A : memref<128xi32, #tpu.memory_space<vmem>>) semaphore(%arg23 : memref<!tpu.dma_semaphore, #tpu.memory_space<semaphore_mem>>)
      %dma_start3A_124 = arith.constant 0 : i32
      %dma_start3A_125 = tpu.memref_slice %arg12[%scan3A_119, %dma_start3A_124] : memref<79x128xi32, #tpu.memory_space<vmem>> -> memref<1x128xi32, #tpu.memory_space<vmem>>
      %dma_start3A_126 = tpu.memref_squeeze %dma_start3A_125 : memref<1x128xi32, #tpu.memory_space<vmem>> -> memref<128xi32, #tpu.memory_space<vmem>>
      %dma_start3A_127 = arith.constant 0 : i32
      %dma_start3A_128 = tpu.memref_slice %arg18[%dma_start3A_127] : memref<10240xf32, #tpu.memory_space<vmem_shared>> -> memref<10240xf32, #tpu.memory_space<vmem_shared>>
      tpu.enqueue_indirect_dma source(%dma_start3A_128 : memref<10240xf32, #tpu.memory_space<vmem_shared>>) target(%arg16 : memref<128xf32, #tpu.memory_space<vmem>>) offsets(%dma_start3A_126 : memref<128xi32, #tpu.memory_space<vmem>>) semaphore(%arg24 : memref<!tpu.dma_semaphore, #tpu.memory_space<semaphore_mem>>)
      %dma_wait3A = tpu.memref_slice %arg11[%mul3A_121] : memref<10112xi32, #tpu.memory_space<vmem>> -> memref<128xi32, #tpu.memory_space<vmem>>
      %dma_wait3A_129 = arith.constant 0 : i32
      %dma_wait3A_130 = tpu.memref_slice %arg17[%dma_wait3A_129] : memref<10240xf32, #tpu.memory_space<vmem_shared>> -> memref<10240xf32, #tpu.memory_space<vmem_shared>>
      tpu.wait_indirect_dma semaphore(%arg23 : memref<!tpu.dma_semaphore, #tpu.memory_space<semaphore_mem>>) src(%dma_wait3A_130 : memref<10240xf32, #tpu.memory_space<vmem_shared>>) dst(%arg15 : memref<128xf32, #tpu.memory_space<vmem>>)
      %dma_wait3A_131 = arith.constant 0 : i32
      %dma_wait3A_132 = tpu.memref_slice %arg12[%scan3A_119, %dma_wait3A_131] : memref<79x128xi32, #tpu.memory_space<vmem>> -> memref<1x128xi32, #tpu.memory_space<vmem>>
      %dma_wait3A_133 = tpu.memref_squeeze %dma_wait3A_132 : memref<1x128xi32, #tpu.memory_space<vmem>> -> memref<128xi32, #tpu.memory_space<vmem>>
      %dma_wait3A_134 = arith.constant 0 : i32
      %dma_wait3A_135 = tpu.memref_slice %arg18[%dma_wait3A_134] : memref<10240xf32, #tpu.memory_space<vmem_shared>> -> memref<10240xf32, #tpu.memory_space<vmem_shared>>
      tpu.wait_indirect_dma semaphore(%arg24 : memref<!tpu.dma_semaphore, #tpu.memory_space<semaphore_mem>>) src(%dma_wait3A_135 : memref<10240xf32, #tpu.memory_space<vmem_shared>>) dst(%arg16 : memref<128xf32, #tpu.memory_space<vmem>>)
      %mul3A_136 = arith.constant 128 : i32
      %mul3A_137 = arith.muli %scan3A_119, %mul3A_136 : i32
      %add3A_138 = arith.constant 0 : i32
      %add3A_139 = arith.addi %mul3A_137, %add3A_138 : i32
      %get3A = arith.constant 0 : index
      %get3A_140 = tpu.vector_load %arg15[%get3A] {strides = array<i32>} : memref<128xf32, #tpu.memory_space<vmem>>, vector<16xf32>,
      %get3A_141 = arith.constant 0 : index
      %get3A_142 = tpu.vector_load %arg16[%get3A_141] {strides = array<i32>} : memref<128xf32, #tpu.memory_space<vmem>>, vector<16xf32>,
      %add3A_143 = arith.addf %get3A_140, %get3A_142 : vector<16xf32>
      %mul3A_144 = arith.constant 2.000000e-01 : f32
      %mul3A_145 = vector.broadcast %mul3A_144 : f32 to vector<16xf32>
      %mul3A_146 = arith.mulf %mul3A_145, %add3A_143 : vector<16xf32>
      %max3A = arith.maximumf %add3A_143, %mul3A_146 : vector<16xf32>
      %exp3A = math.exp %max3A : vector<16xf32>
      %swap3A = arith.index_cast %add3A_139 : i32 to index
      %swap3A_147 = tpu.vector_load %arg13[%swap3A] {strides = array<i32>} : memref<10112xf32, #tpu.memory_space<vmem>>, vector<16xf32>,
      tpu.vector_store %arg13[%swap3A], %exp3A {strides = array<i32>} : memref<10112xf32, #tpu.memory_space<vmem>>, vector<16xf32>,
      %mul3A_148 = arith.constant 128 : i32
      %mul3A_149 = arith.muli %scan3A_119, %mul3A_148 : i32
      %add3A_150 = arith.constant 16 : i32
      %add3A_151 = arith.addi %mul3A_149, %add3A_150 : i32
      %get3A_152 = arith.constant 16 : index
      %get3A_153 = tpu.vector_load %arg15[%get3A_152] {strides = array<i32>} : memref<128xf32, #tpu.memory_space<vmem>>, vector<16xf32>,
      %get3A_154 = arith.constant 16 : index
      %get3A_155 = tpu.vector_load %arg16[%get3A_154] {strides = array<i32>} : memref<128xf32, #tpu.memory_space<vmem>>, vector<16xf32>,
      %add3A_156 = arith.addf %get3A_153, %get3A_155 : vector<16xf32>
      %mul3A_157 = arith.constant 2.000000e-01 : f32
      %mul3A_158 = vector.broadcast %mul3A_157 : f32 to vector<16xf32>
      %mul3A_159 = arith.mulf %mul3A_158, %add3A_156 : vector<16xf32>
      %max3A_160 = arith.maximumf %add3A_156, %mul3A_159 : vector<16xf32>
      %exp3A_161 = math.exp %max3A_160 : vector<16xf32>
      %swap3A_162 = arith.index_cast %add3A_151 : i32 to index
      %swap3A_163 = tpu.vector_load %arg13[%swap3A_162] {strides = array<i32>} : memref<10112xf32, #tpu.memory_space<vmem>>, vector<16xf32>,
      tpu.vector_store %arg13[%swap3A_162], %exp3A_161 {strides = array<i32>} : memref<10112xf32, #tpu.memory_space<vmem>>, vector<16xf32>,
      %mul3A_164 = arith.constant 128 : i32
      %mul3A_165 = arith.muli %scan3A_119, %mul3A_164 : i32
      %add3A_166 = arith.constant 32 : i32
      %add3A_167 = arith.addi %mul3A_165, %add3A_166 : i32
      %get3A_168 = arith.constant 32 : index
      %get3A_169 = tpu.vector_load %arg15[%get3A_168] {strides = array<i32>} : memref<128xf32, #tpu.memory_space<vmem>>, vector<16xf32>,
      %get3A_170 = arith.constant 32 : index
      %get3A_171 = tpu.vector_load %arg16[%get3A_170] {strides = array<i32>} : memref<128xf32, #tpu.memory_space<vmem>>, vector<16xf32>,
      %add3A_172 = arith.addf %get3A_169, %get3A_171 : vector<16xf32>
      %mul3A_173 = arith.constant 2.000000e-01 : f32
      %mul3A_174 = vector.broadcast %mul3A_173 : f32 to vector<16xf32>
      %mul3A_175 = arith.mulf %mul3A_174, %add3A_172 : vector<16xf32>
      %max3A_176 = arith.maximumf %add3A_172, %mul3A_175 : vector<16xf32>
      %exp3A_177 = math.exp %max3A_176 : vector<16xf32>
      %swap3A_178 = arith.index_cast %add3A_167 : i32 to index
      %swap3A_179 = tpu.vector_load %arg13[%swap3A_178] {strides = array<i32>} : memref<10112xf32, #tpu.memory_space<vmem>>, vector<16xf32>,
      tpu.vector_store %arg13[%swap3A_178], %exp3A_177 {strides = array<i32>} : memref<10112xf32, #tpu.memory_space<vmem>>, vector<16xf32>,
      %mul3A_180 = arith.constant 128 : i32
      %mul3A_181 = arith.muli %scan3A_119, %mul3A_180 : i32
      %add3A_182 = arith.constant 48 : i32
      %add3A_183 = arith.addi %mul3A_181, %add3A_182 : i32
      %get3A_184 = arith.constant 48 : index
      %get3A_185 = tpu.vector_load %arg15[%get3A_184] {strides = array<i32>} : memref<128xf32, #tpu.memory_space<vmem>>, vector<16xf32>,
      %get3A_186 = arith.constant 48 : index
      %get3A_187 = tpu.vector_load %arg16[%get3A_186] {strides = array<i32>} : memref<128xf32, #tpu.memory_space<vmem>>, vector<16xf32>,
      %add3A_188 = arith.addf %get3A_185, %get3A_187 : vector<16xf32>
      %mul3A_189 = arith.constant 2.000000e-01 : f32
      %mul3A_190 = vector.broadcast %mul3A_189 : f32 to vector<16xf32>
      %mul3A_191 = arith.mulf %mul3A_190, %add3A_188 : vector<16xf32>
      %max3A_192 = arith.maximumf %add3A_188, %mul3A_191 : vector<16xf32>
      %exp3A_193 = math.exp %max3A_192 : vector<16xf32>
      %swap3A_194 = arith.index_cast %add3A_183 : i32 to index
      %swap3A_195 = tpu.vector_load %arg13[%swap3A_194] {strides = array<i32>} : memref<10112xf32, #tpu.memory_space<vmem>>, vector<16xf32>,
      tpu.vector_store %arg13[%swap3A_194], %exp3A_193 {strides = array<i32>} : memref<10112xf32, #tpu.memory_space<vmem>>, vector<16xf32>,
      %mul3A_196 = arith.constant 128 : i32
      %mul3A_197 = arith.muli %scan3A_119, %mul3A_196 : i32
      %add3A_198 = arith.constant 64 : i32
      %add3A_199 = arith.addi %mul3A_197, %add3A_198 : i32
      %get3A_200 = arith.constant 64 : index
      %get3A_201 = tpu.vector_load %arg15[%get3A_200] {strides = array<i32>} : memref<128xf32, #tpu.memory_space<vmem>>, vector<16xf32>,
      %get3A_202 = arith.constant 64 : index
      %get3A_203 = tpu.vector_load %arg16[%get3A_202] {strides = array<i32>} : memref<128xf32, #tpu.memory_space<vmem>>, vector<16xf32>,
      %add3A_204 = arith.addf %get3A_201, %get3A_203 : vector<16xf32>
      %mul3A_205 = arith.constant 2.000000e-01 : f32
      %mul3A_206 = vector.broadcast %mul3A_205 : f32 to vector<16xf32>
      %mul3A_207 = arith.mulf %mul3A_206, %add3A_204 : vector<16xf32>
      %max3A_208 = arith.maximumf %add3A_204, %mul3A_207 : vector<16xf32>
      %exp3A_209 = math.exp %max3A_208 : vector<16xf32>
      %swap3A_210 = arith.index_cast %add3A_199 : i32 to index
      %swap3A_211 = tpu.vector_load %arg13[%swap3A_210] {strides = array<i32>} : memref<10112xf32, #tpu.memory_space<vmem>>, vector<16xf32>,
      tpu.vector_store %arg13[%swap3A_210], %exp3A_209 {strides = array<i32>} : memref<10112xf32, #tpu.memory_space<vmem>>, vector<16xf32>,
      %mul3A_212 = arith.constant 128 : i32
      %mul3A_213 = arith.muli %scan3A_119, %mul3A_212 : i32
      %add3A_214 = arith.constant 80 : i32
      %add3A_215 = arith.addi %mul3A_213, %add3A_214 : i32
      %get3A_216 = arith.constant 80 : index
      %get3A_217 = tpu.vector_load %arg15[%get3A_216] {strides = array<i32>} : memref<128xf32, #tpu.memory_space<vmem>>, vector<16xf32>,
      %get3A_218 = arith.constant 80 : index
      %get3A_219 = tpu.vector_load %arg16[%get3A_218] {strides = array<i32>} : memref<128xf32, #tpu.memory_space<vmem>>, vector<16xf32>,
      %add3A_220 = arith.addf %get3A_217, %get3A_219 : vector<16xf32>
      %mul3A_221 = arith.constant 2.000000e-01 : f32
      %mul3A_222 = vector.broadcast %mul3A_221 : f32 to vector<16xf32>
      %mul3A_223 = arith.mulf %mul3A_222, %add3A_220 : vector<16xf32>
      %max3A_224 = arith.maximumf %add3A_220, %mul3A_223 : vector<16xf32>
      %exp3A_225 = math.exp %max3A_224 : vector<16xf32>
      %swap3A_226 = arith.index_cast %add3A_215 : i32 to index
      %swap3A_227 = tpu.vector_load %arg13[%swap3A_226] {strides = array<i32>} : memref<10112xf32, #tpu.memory_space<vmem>>, vector<16xf32>,
      tpu.vector_store %arg13[%swap3A_226], %exp3A_225 {strides = array<i32>} : memref<10112xf32, #tpu.memory_space<vmem>>, vector<16xf32>,
      %mul3A_228 = arith.constant 128 : i32
      %mul3A_229 = arith.muli %scan3A_119, %mul3A_228 : i32
      %add3A_230 = arith.constant 96 : i32
      %add3A_231 = arith.addi %mul3A_229, %add3A_230 : i32
      %get3A_232 = arith.constant 96 : index
      %get3A_233 = tpu.vector_load %arg15[%get3A_232] {strides = array<i32>} : memref<128xf32, #tpu.memory_space<vmem>>, vector<16xf32>,
      %get3A_234 = arith.constant 96 : index
      %get3A_235 = tpu.vector_load %arg16[%get3A_234] {strides = array<i32>} : memref<128xf32, #tpu.memory_space<vmem>>, vector<16xf32>,
      %add3A_236 = arith.addf %get3A_233, %get3A_235 : vector<16xf32>
      %mul3A_237 = arith.constant 2.000000e-01 : f32
      %mul3A_238 = vector.broadcast %mul3A_237 : f32 to vector<16xf32>
      %mul3A_239 = arith.mulf %mul3A_238, %add3A_236 : vector<16xf32>
      %max3A_240 = arith.maximumf %add3A_236, %mul3A_239 : vector<16xf32>
      %exp3A_241 = math.exp %max3A_240 : vector<16xf32>
      %swap3A_242 = arith.index_cast %add3A_231 : i32 to index
      %swap3A_243 = tpu.vector_load %arg13[%swap3A_242] {strides = array<i32>} : memref<10112xf32, #tpu.memory_space<vmem>>, vector<16xf32>,
      tpu.vector_store %arg13[%swap3A_242], %exp3A_241 {strides = array<i32>} : memref<10112xf32, #tpu.memory_space<vmem>>, vector<16xf32>,
      %mul3A_244 = arith.constant 128 : i32
      %mul3A_245 = arith.muli %scan3A_119, %mul3A_244 : i32
      %add3A_246 = arith.constant 112 : i32
      %add3A_247 = arith.addi %mul3A_245, %add3A_246 : i32
      %get3A_248 = arith.constant 112 : index
      %get3A_249 = tpu.vector_load %arg15[%get3A_248] {strides = array<i32>} : memref<128xf32, #tpu.memory_space<vmem>>, vector<16xf32>,
      %get3A_250 = arith.constant 112 : index
      %get3A_251 = tpu.vector_load %arg16[%get3A_250] {strides = array<i32>} : memref<128xf32, #tpu.memory_space<vmem>>, vector<16xf32>,
      %add3A_252 = arith.addf %get3A_249, %get3A_251 : vector<16xf32>
      %mul3A_253 = arith.constant 2.000000e-01 : f32
      %mul3A_254 = vector.broadcast %mul3A_253 : f32 to vector<16xf32>
      %mul3A_255 = arith.mulf %mul3A_254, %add3A_252 : vector<16xf32>
      %max3A_256 = arith.maximumf %add3A_252, %mul3A_255 : vector<16xf32>
      %exp3A_257 = math.exp %max3A_256 : vector<16xf32>
      %swap3A_258 = arith.index_cast %add3A_247 : i32 to index
      %swap3A_259 = tpu.vector_load %arg13[%swap3A_258] {strides = array<i32>} : memref<10112xf32, #tpu.memory_space<vmem>>, vector<16xf32>,
      tpu.vector_store %arg13[%swap3A_258], %exp3A_257 {strides = array<i32>} : memref<10112xf32, #tpu.memory_space<vmem>>, vector<16xf32>,
    }
    %scan3A_16 = arith.constant 79 : i32
    %scan3A_17 = arith.constant 625 : i32
    %scan3A_18 = arith.constant 7 : i32
    %scan3A_19 = arith.addi %scan3A_17, %scan3A_18 : i32
    %scan3A_20 = arith.constant 1 : i32
    scf.for %scan3A_119 = %scan3A_17 to %scan3A_19 step %scan3A_20  : i32 {
      %broadcast_in_dim3A = arith.constant 0.000000e+00 : f32
      %broadcast_in_dim3A_120 = vector.broadcast %broadcast_in_dim3A : f32 to vector<16xf32>
      %mul3A_121 = arith.constant 16 : i32
      %mul3A_122 = arith.muli %scan3A_119, %mul3A_121 : i32
      %swap3A = arith.index_cast %mul3A_122 : i32 to index
      %swap3A_123 = tpu.vector_load %arg13[%swap3A] {strides = array<i32>} : memref<10112xf32, #tpu.memory_space<vmem>>, vector<16xf32>,
      tpu.vector_store %arg13[%swap3A], %broadcast_in_dim3A_120 {strides = array<i32>} : memref<10112xf32, #tpu.memory_space<vmem>>, vector<16xf32>,
    }
    %scan3A_21 = arith.constant 7 : i32
    %scan3A_22 = arith.constant 0 : i32
    %scan3A_23 = arith.constant 79 : i32
    %scan3A_24 = arith.addi %scan3A_22, %scan3A_23 : i32
    %scan3A_25 = arith.constant 1 : i32
    scf.for %scan3A_119 = %scan3A_22 to %scan3A_24 step %scan3A_25  : i32 {
      %mul3A_120 = arith.constant 128 : i32
      %mul3A_121 = arith.muli %scan3A_119, %mul3A_120 : i32
      "tpu.region"() ({
        %run_scoped3A = tpu.sem_alloc : memref<!tpu.dma_semaphore, #tpu.memory_space<semaphore_mem>>
        %dma_start3A = tpu.memref_slice %arg13[%mul3A_121] : memref<10112xf32, #tpu.memory_space<vmem>> -> memref<128xf32, #tpu.memory_space<vmem>>
        %dma_start3A_122 = arith.constant 0 : i32
        %dma_start3A_123 = tpu.memref_slice %arg12[%scan3A_119, %dma_start3A_122] : memref<79x128xi32, #tpu.memory_space<vmem>> -> memref<1x128xi32, #tpu.memory_space<vmem>>
        %dma_start3A_124 = tpu.memref_squeeze %dma_start3A_123 : memref<1x128xi32, #tpu.memory_space<vmem>> -> memref<128xi32, #tpu.memory_space<vmem>>
        %dma_start3A_125 = arith.constant 0 : i32
        %dma_start3A_126 = tpu.memref_slice %arg19[%dma_start3A_125] : memref<10240xf32, #tpu.memory_space<vmem_shared>> -> memref<10240xf32, #tpu.memory_space<vmem_shared>>
        tpu.enqueue_indirect_dma source(%dma_start3A : memref<128xf32, #tpu.memory_space<vmem>>) target(%dma_start3A_126 : memref<10240xf32, #tpu.memory_space<vmem_shared>>) offsets(%dma_start3A_124 : memref<128xi32, #tpu.memory_space<vmem>>) semaphore(%run_scoped3A : memref<!tpu.dma_semaphore, #tpu.memory_space<semaphore_mem>>) {add = true}
        %dma_wait3A = tpu.memref_slice %arg13[%mul3A_121] : memref<10112xf32, #tpu.memory_space<vmem>> -> memref<128xf32, #tpu.memory_space<vmem>>
        %dma_wait3A_127 = arith.constant 0 : i32
        %dma_wait3A_128 = tpu.memref_slice %arg12[%scan3A_119, %dma_wait3A_127] : memref<79x128xi32, #tpu.memory_space<vmem>> -> memref<1x128xi32, #tpu.memory_space<vmem>>
        %dma_wait3A_129 = tpu.memref_squeeze %dma_wait3A_128 : memref<1x128xi32, #tpu.memory_space<vmem>> -> memref<128xi32, #tpu.memory_space<vmem>>
        %dma_wait3A_130 = arith.constant 0 : i32
        %dma_wait3A_131 = tpu.memref_slice %arg19[%dma_wait3A_130] : memref<10240xf32, #tpu.memory_space<vmem_shared>> -> memref<10240xf32, #tpu.memory_space<vmem_shared>>
        tpu.wait_indirect_dma semaphore(%run_scoped3A : memref<!tpu.dma_semaphore, #tpu.memory_space<semaphore_mem>>) src(%dma_wait3A : memref<128xf32, #tpu.memory_space<vmem>>) dst(%dma_wait3A_131 : memref<10240xf32, #tpu.memory_space<vmem_shared>>)
        tpu.yield
      }) : () -> ()
    }
    %scan3A_26 = arith.constant 79 : i32
    %barrier3A_27 = arith.constant 0 : index
    tpu.barrier barrier_id(%barrier3A_27)
    %eq3A_28 = arith.constant 0 : i32
    %eq3A_29 = arith.cmpi eq, %arg1, %eq3A_28 : i32
    %convert_element_type3A_30 = arith.extui %eq3A_29 : i1 to i32
    %cond3A_31 = arith.constant 0 : i32
    %cond3A_32 = arith.cmpi ne, %convert_element_type3A_30, %cond3A_31 : i32
    scf.if %cond3A_32 {
      "tpu.region"() ({
        %run_scoped3A = tpu.sem_alloc : memref<!tpu.dma_semaphore, #tpu.memory_space<semaphore_mem>>
        %dma_start3A = arith.constant 0 : i32
        %dma_start3A_119 = tpu.memref_slice %arg10[%add3A_3, %dma_start3A] : memref<4x10240xf32, #tpu.memory_space<hbm>> -> memref<1x10240xf32, #tpu.memory_space<hbm>>
        %dma_start3A_120 = tpu.memref_squeeze %dma_start3A_119 : memref<1x10240xf32, #tpu.memory_space<hbm>> -> memref<10240xf32, #tpu.memory_space<hbm>>
        tpu.enqueue_dma source(%arg19 : memref<10240xf32, #tpu.memory_space<vmem_shared>>) target(%dma_start3A_120 : memref<10240xf32, #tpu.memory_space<hbm>>) target_semaphore(%run_scoped3A : memref<!tpu.dma_semaphore, #tpu.memory_space<semaphore_mem>>)
        %dma_wait3A = arith.constant 0 : i32
        %dma_wait3A_121 = tpu.memref_slice %arg10[%add3A_3, %dma_wait3A] : memref<4x10240xf32, #tpu.memory_space<hbm>> -> memref<1x10240xf32, #tpu.memory_space<hbm>>
        %dma_wait3A_122 = tpu.memref_squeeze %dma_wait3A_121 : memref<1x10240xf32, #tpu.memory_space<hbm>> -> memref<10240xf32, #tpu.memory_space<hbm>>
        tpu.wait_dma2 semaphore(%run_scoped3A : memref<!tpu.dma_semaphore, #tpu.memory_space<semaphore_mem>>) src(%arg19 : memref<10240xf32, #tpu.memory_space<vmem_shared>>) dst(%dma_wait3A_122 : memref<10240xf32, #tpu.memory_space<hbm>>)
        tpu.yield
      }) : () -> ()
    } else {
    }
    %mul3A_33 = arith.constant 10240 : i32
    %mul3A_34 = arith.muli %add3A_3, %mul3A_33 : i32
    %scan3A_35 = arith.constant 0 : i32
    %scan3A_36 = arith.constant 632 : i32
    %scan3A_37 = arith.addi %scan3A_35, %scan3A_36 : i32
    %scan3A_38 = arith.constant 1 : i32
    scf.for %scan3A_119 = %scan3A_35 to %scan3A_37 step %scan3A_38  : i32 {
      %mul3A_120 = arith.constant 16 : i32
      %mul3A_121 = arith.muli %scan3A_119, %mul3A_120 : i32
      %get3A = arith.index_cast %mul3A_121 : i32 to index
      %get3A_122 = tpu.vector_load %arg11[%get3A] {strides = array<i32>} : memref<10112xi32, #tpu.memory_space<vmem>>, vector<16xi32>,
      %add3A_123 = vector.broadcast %mul3A_34 : i32 to vector<16xi32>
      %add3A_124 = arith.addi %get3A_122, %add3A_123 : vector<16xi32>
      %swap3A = arith.index_cast %mul3A_121 : i32 to index
      %swap3A_125 = tpu.vector_load %arg11[%swap3A] {strides = array<i32>} : memref<10112xi32, #tpu.memory_space<vmem>>, vector<16xi32>,
      tpu.vector_store %arg11[%swap3A], %add3A_124 {strides = array<i32>} : memref<10112xi32, #tpu.memory_space<vmem>>, vector<16xi32>,
    }
    %scan3A_39 = arith.constant 632 : i32
    %scan3A_40 = arith.constant 0 : i32
    %scan3A_41 = arith.constant 79 : i32
    %scan3A_42 = arith.addi %scan3A_40, %scan3A_41 : i32
    %scan3A_43 = arith.constant 1 : i32
    scf.for %scan3A_119 = %scan3A_40 to %scan3A_42 step %scan3A_43  : i32 {
      %mul3A_120 = arith.constant 128 : i32
      %mul3A_121 = arith.muli %scan3A_119, %mul3A_120 : i32
      %dma_start3A = tpu.memref_slice %arg11[%mul3A_121] : memref<10112xi32, #tpu.memory_space<vmem>> -> memref<128xi32, #tpu.memory_space<vmem>>
      %dma_start3A_122 = arith.constant 0 : i32
      %dma_start3A_123 = arith.constant 0 : i32
      %dma_start3A_124 = tpu.memref_slice %arg2[%dma_start3A_122, %dma_start3A_123] : memref<40960x128xf32, #tpu.memory_space<hbm>> -> memref<40960x128xf32, #tpu.memory_space<hbm>>
      tpu.enqueue_indirect_dma source(%dma_start3A_124 : memref<40960x128xf32, #tpu.memory_space<hbm>>) target(%arg14 : memref<128x128xf32, #tpu.memory_space<vmem>>) offsets(%dma_start3A : memref<128xi32, #tpu.memory_space<vmem>>) semaphore(%arg21 : memref<!tpu.dma_semaphore, #tpu.memory_space<semaphore_mem>>)
      %dma_wait3A = tpu.memref_slice %arg11[%mul3A_121] : memref<10112xi32, #tpu.memory_space<vmem>> -> memref<128xi32, #tpu.memory_space<vmem>>
      %dma_wait3A_125 = arith.constant 0 : i32
      %dma_wait3A_126 = arith.constant 0 : i32
      %dma_wait3A_127 = tpu.memref_slice %arg2[%dma_wait3A_125, %dma_wait3A_126] : memref<40960x128xf32, #tpu.memory_space<hbm>> -> memref<40960x128xf32, #tpu.memory_space<hbm>>
      tpu.wait_indirect_dma semaphore(%arg21 : memref<!tpu.dma_semaphore, #tpu.memory_space<semaphore_mem>>) src(%dma_wait3A_127 : memref<40960x128xf32, #tpu.memory_space<hbm>>) dst(%arg14 : memref<128x128xf32, #tpu.memory_space<vmem>>)
      %scan3A_128 = arith.constant 0 : i32
      %scan3A_129 = arith.constant 64 : i32
      %scan3A_130 = arith.addi %scan3A_128, %scan3A_129 : i32
      %scan3A_131 = arith.constant 2 : i32
      scf.for %scan3A_133 = %scan3A_128 to %scan3A_130 step %scan3A_131  : i32 {
        %mul3A_134 = arith.constant 2 : i32
        %mul3A_135 = arith.muli %mul3A_134, %scan3A_133 : i32
        %mul3A_136 = arith.constant 128 : i32
        %mul3A_137 = arith.muli %scan3A_119, %mul3A_136 : i32
        %add3A_138 = arith.addi %mul3A_137, %mul3A_135 : i32
        %broadcast_in_dim3A = vector.broadcast %add3A_138 : i32 to vector<16xi32>
        %gather3A = tpu.vector_load_idx %arg13[%broadcast_in_dim3A] : memref<10112xf32, #tpu.memory_space<vmem>>[vector<16xi32>], vector<16xf32>,
        %mul3A_139 = arith.constant 128 : i32
        %mul3A_140 = arith.muli %scan3A_119, %mul3A_139 : i32
        %add3A_141 = arith.addi %mul3A_140, %mul3A_135 : i32
        %add3A_142 = arith.constant 1 : i32
        %add3A_143 = arith.addi %add3A_141, %add3A_142 : i32
        %broadcast_in_dim3A_144 = vector.broadcast %add3A_143 : i32 to vector<16xi32>
        %gather3A_145 = tpu.vector_load_idx %arg13[%broadcast_in_dim3A_144] : memref<10112xf32, #tpu.memory_space<vmem>>[vector<16xi32>], vector<16xf32>,
        %get3A = arith.index_cast %mul3A_135 : i32 to index
        %get3A_146 = arith.constant 0 : index
        %get3A_147 = tpu.vector_load %arg14[%get3A, %get3A_146] {strides = array<i32>} : memref<128x128xf32, #tpu.memory_space<vmem>>, vector<16xf32>,
        %mul3A_148 = arith.mulf %get3A_147, %gather3A : vector<16xf32>
        %swap3A = arith.index_cast %mul3A_135 : i32 to index
        %swap3A_149 = arith.constant 0 : index
        %swap3A_150 = tpu.vector_load %arg14[%swap3A, %swap3A_149] {strides = array<i32>} : memref<128x128xf32, #tpu.memory_space<vmem>>, vector<16xf32>,
        tpu.vector_store %arg14[%swap3A, %swap3A_149], %mul3A_148 {strides = array<i32>} : memref<128x128xf32, #tpu.memory_space<vmem>>, vector<16xf32>,
        %get3A_151 = arith.index_cast %mul3A_135 : i32 to index
        %get3A_152 = arith.constant 16 : index
        %get3A_153 = tpu.vector_load %arg14[%get3A_151, %get3A_152] {strides = array<i32>} : memref<128x128xf32, #tpu.memory_space<vmem>>, vector<16xf32>,
        %mul3A_154 = arith.mulf %get3A_153, %gather3A : vector<16xf32>
        %swap3A_155 = arith.index_cast %mul3A_135 : i32 to index
        %swap3A_156 = arith.constant 16 : index
        %swap3A_157 = tpu.vector_load %arg14[%swap3A_155, %swap3A_156] {strides = array<i32>} : memref<128x128xf32, #tpu.memory_space<vmem>>, vector<16xf32>,
        tpu.vector_store %arg14[%swap3A_155, %swap3A_156], %mul3A_154 {strides = array<i32>} : memref<128x128xf32, #tpu.memory_space<vmem>>, vector<16xf32>,
        %get3A_158 = arith.index_cast %mul3A_135 : i32 to index
        %get3A_159 = arith.constant 32 : index
        %get3A_160 = tpu.vector_load %arg14[%get3A_158, %get3A_159] {strides = array<i32>} : memref<128x128xf32, #tpu.memory_space<vmem>>, vector<16xf32>,
        %mul3A_161 = arith.mulf %get3A_160, %gather3A : vector<16xf32>
        %swap3A_162 = arith.index_cast %mul3A_135 : i32 to index
        %swap3A_163 = arith.constant 32 : index
        %swap3A_164 = tpu.vector_load %arg14[%swap3A_162, %swap3A_163] {strides = array<i32>} : memref<128x128xf32, #tpu.memory_space<vmem>>, vector<16xf32>,
        tpu.vector_store %arg14[%swap3A_162, %swap3A_163], %mul3A_161 {strides = array<i32>} : memref<128x128xf32, #tpu.memory_space<vmem>>, vector<16xf32>,
        %get3A_165 = arith.index_cast %mul3A_135 : i32 to index
        %get3A_166 = arith.constant 48 : index
        %get3A_167 = tpu.vector_load %arg14[%get3A_165, %get3A_166] {strides = array<i32>} : memref<128x128xf32, #tpu.memory_space<vmem>>, vector<16xf32>,
        %mul3A_168 = arith.mulf %get3A_167, %gather3A : vector<16xf32>
        %swap3A_169 = arith.index_cast %mul3A_135 : i32 to index
        %swap3A_170 = arith.constant 48 : index
        %swap3A_171 = tpu.vector_load %arg14[%swap3A_169, %swap3A_170] {strides = array<i32>} : memref<128x128xf32, #tpu.memory_space<vmem>>, vector<16xf32>,
        tpu.vector_store %arg14[%swap3A_169, %swap3A_170], %mul3A_168 {strides = array<i32>} : memref<128x128xf32, #tpu.memory_space<vmem>>, vector<16xf32>,
        %get3A_172 = arith.index_cast %mul3A_135 : i32 to index
        %get3A_173 = arith.constant 64 : index
        %get3A_174 = tpu.vector_load %arg14[%get3A_172, %get3A_173] {strides = array<i32>} : memref<128x128xf32, #tpu.memory_space<vmem>>, vector<16xf32>,
        %mul3A_175 = arith.mulf %get3A_174, %gather3A : vector<16xf32>
        %swap3A_176 = arith.index_cast %mul3A_135 : i32 to index
        %swap3A_177 = arith.constant 64 : index
        %swap3A_178 = tpu.vector_load %arg14[%swap3A_176, %swap3A_177] {strides = array<i32>} : memref<128x128xf32, #tpu.memory_space<vmem>>, vector<16xf32>,
        tpu.vector_store %arg14[%swap3A_176, %swap3A_177], %mul3A_175 {strides = array<i32>} : memref<128x128xf32, #tpu.memory_space<vmem>>, vector<16xf32>,
        %get3A_179 = arith.index_cast %mul3A_135 : i32 to index
        %get3A_180 = arith.constant 80 : index
        %get3A_181 = tpu.vector_load %arg14[%get3A_179, %get3A_180] {strides = array<i32>} : memref<128x128xf32, #tpu.memory_space<vmem>>, vector<16xf32>,
        %mul3A_182 = arith.mulf %get3A_181, %gather3A : vector<16xf32>
        %swap3A_183 = arith.index_cast %mul3A_135 : i32 to index
        %swap3A_184 = arith.constant 80 : index
        %swap3A_185 = tpu.vector_load %arg14[%swap3A_183, %swap3A_184] {strides = array<i32>} : memref<128x128xf32, #tpu.memory_space<vmem>>, vector<16xf32>,
        tpu.vector_store %arg14[%swap3A_183, %swap3A_184], %mul3A_182 {strides = array<i32>} : memref<128x128xf32, #tpu.memory_space<vmem>>, vector<16xf32>,
        %get3A_186 = arith.index_cast %mul3A_135 : i32 to index
        %get3A_187 = arith.constant 96 : index
        %get3A_188 = tpu.vector_load %arg14[%get3A_186, %get3A_187] {strides = array<i32>} : memref<128x128xf32, #tpu.memory_space<vmem>>, vector<16xf32>,
        %mul3A_189 = arith.mulf %get3A_188, %gather3A : vector<16xf32>
        %swap3A_190 = arith.index_cast %mul3A_135 : i32 to index
        %swap3A_191 = arith.constant 96 : index
        %swap3A_192 = tpu.vector_load %arg14[%swap3A_190, %swap3A_191] {strides = array<i32>} : memref<128x128xf32, #tpu.memory_space<vmem>>, vector<16xf32>,
        tpu.vector_store %arg14[%swap3A_190, %swap3A_191], %mul3A_189 {strides = array<i32>} : memref<128x128xf32, #tpu.memory_space<vmem>>, vector<16xf32>,
        %get3A_193 = arith.index_cast %mul3A_135 : i32 to index
        %get3A_194 = arith.constant 112 : index
        %get3A_195 = tpu.vector_load %arg14[%get3A_193, %get3A_194] {strides = array<i32>} : memref<128x128xf32, #tpu.memory_space<vmem>>, vector<16xf32>,
        %mul3A_196 = arith.mulf %get3A_195, %gather3A : vector<16xf32>
        %swap3A_197 = arith.index_cast %mul3A_135 : i32 to index
        %swap3A_198 = arith.constant 112 : index
        %swap3A_199 = tpu.vector_load %arg14[%swap3A_197, %swap3A_198] {strides = array<i32>} : memref<128x128xf32, #tpu.memory_space<vmem>>, vector<16xf32>,
        tpu.vector_store %arg14[%swap3A_197, %swap3A_198], %mul3A_196 {strides = array<i32>} : memref<128x128xf32, #tpu.memory_space<vmem>>, vector<16xf32>,
        %add3A_200 = arith.constant 1 : i32
        %add3A_201 = arith.addi %mul3A_135, %add3A_200 : i32
        %get3A_202 = arith.index_cast %add3A_201 : i32 to index
        %get3A_203 = arith.constant 0 : index
        %get3A_204 = tpu.vector_load %arg14[%get3A_202, %get3A_203] {strides = array<i32>} : memref<128x128xf32, #tpu.memory_space<vmem>>, vector<16xf32>,
        %mul3A_205 = arith.mulf %get3A_204, %gather3A_145 : vector<16xf32>
        %add3A_206 = arith.constant 1 : i32
        %add3A_207 = arith.addi %mul3A_135, %add3A_206 : i32
        %swap3A_208 = arith.index_cast %add3A_207 : i32 to index
        %swap3A_209 = arith.constant 0 : index
        %swap3A_210 = tpu.vector_load %arg14[%swap3A_208, %swap3A_209] {strides = array<i32>} : memref<128x128xf32, #tpu.memory_space<vmem>>, vector<16xf32>,
        tpu.vector_store %arg14[%swap3A_208, %swap3A_209], %mul3A_205 {strides = array<i32>} : memref<128x128xf32, #tpu.memory_space<vmem>>, vector<16xf32>,
        %add3A_211 = arith.constant 1 : i32
        %add3A_212 = arith.addi %mul3A_135, %add3A_211 : i32
        %get3A_213 = arith.index_cast %add3A_212 : i32 to index
        %get3A_214 = arith.constant 16 : index
        %get3A_215 = tpu.vector_load %arg14[%get3A_213, %get3A_214] {strides = array<i32>} : memref<128x128xf32, #tpu.memory_space<vmem>>, vector<16xf32>,
        %mul3A_216 = arith.mulf %get3A_215, %gather3A_145 : vector<16xf32>
        %add3A_217 = arith.constant 1 : i32
        %add3A_218 = arith.addi %mul3A_135, %add3A_217 : i32
        %swap3A_219 = arith.index_cast %add3A_218 : i32 to index
        %swap3A_220 = arith.constant 16 : index
        %swap3A_221 = tpu.vector_load %arg14[%swap3A_219, %swap3A_220] {strides = array<i32>} : memref<128x128xf32, #tpu.memory_space<vmem>>, vector<16xf32>,
        tpu.vector_store %arg14[%swap3A_219, %swap3A_220], %mul3A_216 {strides = array<i32>} : memref<128x128xf32, #tpu.memory_space<vmem>>, vector<16xf32>,
        %add3A_222 = arith.constant 1 : i32
        %add3A_223 = arith.addi %mul3A_135, %add3A_222 : i32
        %get3A_224 = arith.index_cast %add3A_223 : i32 to index
        %get3A_225 = arith.constant 32 : index
        %get3A_226 = tpu.vector_load %arg14[%get3A_224, %get3A_225] {strides = array<i32>} : memref<128x128xf32, #tpu.memory_space<vmem>>, vector<16xf32>,
        %mul3A_227 = arith.mulf %get3A_226, %gather3A_145 : vector<16xf32>
        %add3A_228 = arith.constant 1 : i32
        %add3A_229 = arith.addi %mul3A_135, %add3A_228 : i32
        %swap3A_230 = arith.index_cast %add3A_229 : i32 to index
        %swap3A_231 = arith.constant 32 : index
        %swap3A_232 = tpu.vector_load %arg14[%swap3A_230, %swap3A_231] {strides = array<i32>} : memref<128x128xf32, #tpu.memory_space<vmem>>, vector<16xf32>,
        tpu.vector_store %arg14[%swap3A_230, %swap3A_231], %mul3A_227 {strides = array<i32>} : memref<128x128xf32, #tpu.memory_space<vmem>>, vector<16xf32>,
        %add3A_233 = arith.constant 1 : i32
        %add3A_234 = arith.addi %mul3A_135, %add3A_233 : i32
        %get3A_235 = arith.index_cast %add3A_234 : i32 to index
        %get3A_236 = arith.constant 48 : index
        %get3A_237 = tpu.vector_load %arg14[%get3A_235, %get3A_236] {strides = array<i32>} : memref<128x128xf32, #tpu.memory_space<vmem>>, vector<16xf32>,
        %mul3A_238 = arith.mulf %get3A_237, %gather3A_145 : vector<16xf32>
        %add3A_239 = arith.constant 1 : i32
        %add3A_240 = arith.addi %mul3A_135, %add3A_239 : i32
        %swap3A_241 = arith.index_cast %add3A_240 : i32 to index
        %swap3A_242 = arith.constant 48 : index
        %swap3A_243 = tpu.vector_load %arg14[%swap3A_241, %swap3A_242] {strides = array<i32>} : memref<128x128xf32, #tpu.memory_space<vmem>>, vector<16xf32>,
        tpu.vector_store %arg14[%swap3A_241, %swap3A_242], %mul3A_238 {strides = array<i32>} : memref<128x128xf32, #tpu.memory_space<vmem>>, vector<16xf32>,
        %add3A_244 = arith.constant 1 : i32
        %add3A_245 = arith.addi %mul3A_135, %add3A_244 : i32
        %get3A_246 = arith.index_cast %add3A_245 : i32 to index
        %get3A_247 = arith.constant 64 : index
        %get3A_248 = tpu.vector_load %arg14[%get3A_246, %get3A_247] {strides = array<i32>} : memref<128x128xf32, #tpu.memory_space<vmem>>, vector<16xf32>,
        %mul3A_249 = arith.mulf %get3A_248, %gather3A_145 : vector<16xf32>
        %add3A_250 = arith.constant 1 : i32
        %add3A_251 = arith.addi %mul3A_135, %add3A_250 : i32
        %swap3A_252 = arith.index_cast %add3A_251 : i32 to index
        %swap3A_253 = arith.constant 64 : index
        %swap3A_254 = tpu.vector_load %arg14[%swap3A_252, %swap3A_253] {strides = array<i32>} : memref<128x128xf32, #tpu.memory_space<vmem>>, vector<16xf32>,
        tpu.vector_store %arg14[%swap3A_252, %swap3A_253], %mul3A_249 {strides = array<i32>} : memref<128x128xf32, #tpu.memory_space<vmem>>, vector<16xf32>,
        %add3A_255 = arith.constant 1 : i32
        %add3A_256 = arith.addi %mul3A_135, %add3A_255 : i32
        %get3A_257 = arith.index_cast %add3A_256 : i32 to index
        %get3A_258 = arith.constant 80 : index
        %get3A_259 = tpu.vector_load %arg14[%get3A_257, %get3A_258] {strides = array<i32>} : memref<128x128xf32, #tpu.memory_space<vmem>>, vector<16xf32>,
        %mul3A_260 = arith.mulf %get3A_259, %gather3A_145 : vector<16xf32>
        %add3A_261 = arith.constant 1 : i32
        %add3A_262 = arith.addi %mul3A_135, %add3A_261 : i32
        %swap3A_263 = arith.index_cast %add3A_262 : i32 to index
        %swap3A_264 = arith.constant 80 : index
        %swap3A_265 = tpu.vector_load %arg14[%swap3A_263, %swap3A_264] {strides = array<i32>} : memref<128x128xf32, #tpu.memory_space<vmem>>, vector<16xf32>,
        tpu.vector_store %arg14[%swap3A_263, %swap3A_264], %mul3A_260 {strides = array<i32>} : memref<128x128xf32, #tpu.memory_space<vmem>>, vector<16xf32>,
        %add3A_266 = arith.constant 1 : i32
        %add3A_267 = arith.addi %mul3A_135, %add3A_266 : i32
        %get3A_268 = arith.index_cast %add3A_267 : i32 to index
        %get3A_269 = arith.constant 96 : index
        %get3A_270 = tpu.vector_load %arg14[%get3A_268, %get3A_269] {strides = array<i32>} : memref<128x128xf32, #tpu.memory_space<vmem>>, vector<16xf32>,
        %mul3A_271 = arith.mulf %get3A_270, %gather3A_145 : vector<16xf32>
        %add3A_272 = arith.constant 1 : i32
        %add3A_273 = arith.addi %mul3A_135, %add3A_272 : i32
        %swap3A_274 = arith.index_cast %add3A_273 : i32 to index
        %swap3A_275 = arith.constant 96 : index
        %swap3A_276 = tpu.vector_load %arg14[%swap3A_274, %swap3A_275] {strides = array<i32>} : memref<128x128xf32, #tpu.memory_space<vmem>>, vector<16xf32>,
        tpu.vector_store %arg14[%swap3A_274, %swap3A_275], %mul3A_271 {strides = array<i32>} : memref<128x128xf32, #tpu.memory_space<vmem>>, vector<16xf32>,
        %add3A_277 = arith.constant 1 : i32
        %add3A_278 = arith.addi %mul3A_135, %add3A_277 : i32
        %get3A_279 = arith.index_cast %add3A_278 : i32 to index
        %get3A_280 = arith.constant 112 : index
        %get3A_281 = tpu.vector_load %arg14[%get3A_279, %get3A_280] {strides = array<i32>} : memref<128x128xf32, #tpu.memory_space<vmem>>, vector<16xf32>,
        %mul3A_282 = arith.mulf %get3A_281, %gather3A_145 : vector<16xf32>
        %add3A_283 = arith.constant 1 : i32
        %add3A_284 = arith.addi %mul3A_135, %add3A_283 : i32
        %swap3A_285 = arith.index_cast %add3A_284 : i32 to index
        %swap3A_286 = arith.constant 112 : index
        %swap3A_287 = tpu.vector_load %arg14[%swap3A_285, %swap3A_286] {strides = array<i32>} : memref<128x128xf32, #tpu.memory_space<vmem>>, vector<16xf32>,
        tpu.vector_store %arg14[%swap3A_285, %swap3A_286], %mul3A_282 {strides = array<i32>} : memref<128x128xf32, #tpu.memory_space<vmem>>, vector<16xf32>,
        %scan3A_288 = arith.constant 1 : i32
        %scan3A_289 = arith.addi %scan3A_133, %scan3A_288 : i32
        %mul3A_290 = arith.constant 2 : i32
        %mul3A_291 = arith.muli %mul3A_290, %scan3A_289 : i32
        %mul3A_292 = arith.constant 128 : i32
        %mul3A_293 = arith.muli %scan3A_119, %mul3A_292 : i32
        %add3A_294 = arith.addi %mul3A_293, %mul3A_291 : i32
        %broadcast_in_dim3A_295 = vector.broadcast %add3A_294 : i32 to vector<16xi32>
        %gather3A_296 = tpu.vector_load_idx %arg13[%broadcast_in_dim3A_295] : memref<10112xf32, #tpu.memory_space<vmem>>[vector<16xi32>], vector<16xf32>,
        %mul3A_297 = arith.constant 128 : i32
        %mul3A_298 = arith.muli %scan3A_119, %mul3A_297 : i32
        %add3A_299 = arith.addi %mul3A_298, %mul3A_291 : i32
        %add3A_300 = arith.constant 1 : i32
        %add3A_301 = arith.addi %add3A_299, %add3A_300 : i32
        %broadcast_in_dim3A_302 = vector.broadcast %add3A_301 : i32 to vector<16xi32>
        %gather3A_303 = tpu.vector_load_idx %arg13[%broadcast_in_dim3A_302] : memref<10112xf32, #tpu.memory_space<vmem>>[vector<16xi32>], vector<16xf32>,
        %get3A_304 = arith.index_cast %mul3A_291 : i32 to index
        %get3A_305 = arith.constant 0 : index
        %get3A_306 = tpu.vector_load %arg14[%get3A_304, %get3A_305] {strides = array<i32>} : memref<128x128xf32, #tpu.memory_space<vmem>>, vector<16xf32>,
        %mul3A_307 = arith.mulf %get3A_306, %gather3A_296 : vector<16xf32>
        %swap3A_308 = arith.index_cast %mul3A_291 : i32 to index
        %swap3A_309 = arith.constant 0 : index
        %swap3A_310 = tpu.vector_load %arg14[%swap3A_308, %swap3A_309] {strides = array<i32>} : memref<128x128xf32, #tpu.memory_space<vmem>>, vector<16xf32>,
        tpu.vector_store %arg14[%swap3A_308, %swap3A_309], %mul3A_307 {strides = array<i32>} : memref<128x128xf32, #tpu.memory_space<vmem>>, vector<16xf32>,
        %get3A_311 = arith.index_cast %mul3A_291 : i32 to index
        %get3A_312 = arith.constant 16 : index
        %get3A_313 = tpu.vector_load %arg14[%get3A_311, %get3A_312] {strides = array<i32>} : memref<128x128xf32, #tpu.memory_space<vmem>>, vector<16xf32>,
        %mul3A_314 = arith.mulf %get3A_313, %gather3A_296 : vector<16xf32>
        %swap3A_315 = arith.index_cast %mul3A_291 : i32 to index
        %swap3A_316 = arith.constant 16 : index
        %swap3A_317 = tpu.vector_load %arg14[%swap3A_315, %swap3A_316] {strides = array<i32>} : memref<128x128xf32, #tpu.memory_space<vmem>>, vector<16xf32>,
        tpu.vector_store %arg14[%swap3A_315, %swap3A_316], %mul3A_314 {strides = array<i32>} : memref<128x128xf32, #tpu.memory_space<vmem>>, vector<16xf32>,
        %get3A_318 = arith.index_cast %mul3A_291 : i32 to index
        %get3A_319 = arith.constant 32 : index
        %get3A_320 = tpu.vector_load %arg14[%get3A_318, %get3A_319] {strides = array<i32>} : memref<128x128xf32, #tpu.memory_space<vmem>>, vector<16xf32>,
        %mul3A_321 = arith.mulf %get3A_320, %gather3A_296 : vector<16xf32>
        %swap3A_322 = arith.index_cast %mul3A_291 : i32 to index
        %swap3A_323 = arith.constant 32 : index
        %swap3A_324 = tpu.vector_load %arg14[%swap3A_322, %swap3A_323] {strides = array<i32>} : memref<128x128xf32, #tpu.memory_space<vmem>>, vector<16xf32>,
        tpu.vector_store %arg14[%swap3A_322, %swap3A_323], %mul3A_321 {strides = array<i32>} : memref<128x128xf32, #tpu.memory_space<vmem>>, vector<16xf32>,
        %get3A_325 = arith.index_cast %mul3A_291 : i32 to index
        %get3A_326 = arith.constant 48 : index
        %get3A_327 = tpu.vector_load %arg14[%get3A_325, %get3A_326] {strides = array<i32>} : memref<128x128xf32, #tpu.memory_space<vmem>>, vector<16xf32>,
        %mul3A_328 = arith.mulf %get3A_327, %gather3A_296 : vector<16xf32>
        %swap3A_329 = arith.index_cast %mul3A_291 : i32 to index
        %swap3A_330 = arith.constant 48 : index
        %swap3A_331 = tpu.vector_load %arg14[%swap3A_329, %swap3A_330] {strides = array<i32>} : memref<128x128xf32, #tpu.memory_space<vmem>>, vector<16xf32>,
        tpu.vector_store %arg14[%swap3A_329, %swap3A_330], %mul3A_328 {strides = array<i32>} : memref<128x128xf32, #tpu.memory_space<vmem>>, vector<16xf32>,
        %get3A_332 = arith.index_cast %mul3A_291 : i32 to index
        %get3A_333 = arith.constant 64 : index
        %get3A_334 = tpu.vector_load %arg14[%get3A_332, %get3A_333] {strides = array<i32>} : memref<128x128xf32, #tpu.memory_space<vmem>>, vector<16xf32>,
        %mul3A_335 = arith.mulf %get3A_334, %gather3A_296 : vector<16xf32>
        %swap3A_336 = arith.index_cast %mul3A_291 : i32 to index
        %swap3A_337 = arith.constant 64 : index
        %swap3A_338 = tpu.vector_load %arg14[%swap3A_336, %swap3A_337] {strides = array<i32>} : memref<128x128xf32, #tpu.memory_space<vmem>>, vector<16xf32>,
        tpu.vector_store %arg14[%swap3A_336, %swap3A_337], %mul3A_335 {strides = array<i32>} : memref<128x128xf32, #tpu.memory_space<vmem>>, vector<16xf32>,
        %get3A_339 = arith.index_cast %mul3A_291 : i32 to index
        %get3A_340 = arith.constant 80 : index
        %get3A_341 = tpu.vector_load %arg14[%get3A_339, %get3A_340] {strides = array<i32>} : memref<128x128xf32, #tpu.memory_space<vmem>>, vector<16xf32>,
        %mul3A_342 = arith.mulf %get3A_341, %gather3A_296 : vector<16xf32>
        %swap3A_343 = arith.index_cast %mul3A_291 : i32 to index
        %swap3A_344 = arith.constant 80 : index
        %swap3A_345 = tpu.vector_load %arg14[%swap3A_343, %swap3A_344] {strides = array<i32>} : memref<128x128xf32, #tpu.memory_space<vmem>>, vector<16xf32>,
        tpu.vector_store %arg14[%swap3A_343, %swap3A_344], %mul3A_342 {strides = array<i32>} : memref<128x128xf32, #tpu.memory_space<vmem>>, vector<16xf32>,
        %get3A_346 = arith.index_cast %mul3A_291 : i32 to index
        %get3A_347 = arith.constant 96 : index
        %get3A_348 = tpu.vector_load %arg14[%get3A_346, %get3A_347] {strides = array<i32>} : memref<128x128xf32, #tpu.memory_space<vmem>>, vector<16xf32>,
        %mul3A_349 = arith.mulf %get3A_348, %gather3A_296 : vector<16xf32>
        %swap3A_350 = arith.index_cast %mul3A_291 : i32 to index
        %swap3A_351 = arith.constant 96 : index
        %swap3A_352 = tpu.vector_load %arg14[%swap3A_350, %swap3A_351] {strides = array<i32>} : memref<128x128xf32, #tpu.memory_space<vmem>>, vector<16xf32>,
        tpu.vector_store %arg14[%swap3A_350, %swap3A_351], %mul3A_349 {strides = array<i32>} : memref<128x128xf32, #tpu.memory_space<vmem>>, vector<16xf32>,
        %get3A_353 = arith.index_cast %mul3A_291 : i32 to index
        %get3A_354 = arith.constant 112 : index
        %get3A_355 = tpu.vector_load %arg14[%get3A_353, %get3A_354] {strides = array<i32>} : memref<128x128xf32, #tpu.memory_space<vmem>>, vector<16xf32>,
        %mul3A_356 = arith.mulf %get3A_355, %gather3A_296 : vector<16xf32>
        %swap3A_357 = arith.index_cast %mul3A_291 : i32 to index
        %swap3A_358 = arith.constant 112 : index
        %swap3A_359 = tpu.vector_load %arg14[%swap3A_357, %swap3A_358] {strides = array<i32>} : memref<128x128xf32, #tpu.memory_space<vmem>>, vector<16xf32>,
        tpu.vector_store %arg14[%swap3A_357, %swap3A_358], %mul3A_356 {strides = array<i32>} : memref<128x128xf32, #tpu.memory_space<vmem>>, vector<16xf32>,
        %add3A_360 = arith.constant 1 : i32
        %add3A_361 = arith.addi %mul3A_291, %add3A_360 : i32
        %get3A_362 = arith.index_cast %add3A_361 : i32 to index
        %get3A_363 = arith.constant 0 : index
        %get3A_364 = tpu.vector_load %arg14[%get3A_362, %get3A_363] {strides = array<i32>} : memref<128x128xf32, #tpu.memory_space<vmem>>, vector<16xf32>,
        %mul3A_365 = arith.mulf %get3A_364, %gather3A_303 : vector<16xf32>
        %add3A_366 = arith.constant 1 : i32
        %add3A_367 = arith.addi %mul3A_291, %add3A_366 : i32
        %swap3A_368 = arith.index_cast %add3A_367 : i32 to index
        %swap3A_369 = arith.constant 0 : index
        %swap3A_370 = tpu.vector_load %arg14[%swap3A_368, %swap3A_369] {strides = array<i32>} : memref<128x128xf32, #tpu.memory_space<vmem>>, vector<16xf32>,
        tpu.vector_store %arg14[%swap3A_368, %swap3A_369], %mul3A_365 {strides = array<i32>} : memref<128x128xf32, #tpu.memory_space<vmem>>, vector<16xf32>,
        %add3A_371 = arith.constant 1 : i32
        %add3A_372 = arith.addi %mul3A_291, %add3A_371 : i32
        %get3A_373 = arith.index_cast %add3A_372 : i32 to index
        %get3A_374 = arith.constant 16 : index
        %get3A_375 = tpu.vector_load %arg14[%get3A_373, %get3A_374] {strides = array<i32>} : memref<128x128xf32, #tpu.memory_space<vmem>>, vector<16xf32>,
        %mul3A_376 = arith.mulf %get3A_375, %gather3A_303 : vector<16xf32>
        %add3A_377 = arith.constant 1 : i32
        %add3A_378 = arith.addi %mul3A_291, %add3A_377 : i32
        %swap3A_379 = arith.index_cast %add3A_378 : i32 to index
        %swap3A_380 = arith.constant 16 : index
        %swap3A_381 = tpu.vector_load %arg14[%swap3A_379, %swap3A_380] {strides = array<i32>} : memref<128x128xf32, #tpu.memory_space<vmem>>, vector<16xf32>,
        tpu.vector_store %arg14[%swap3A_379, %swap3A_380], %mul3A_376 {strides = array<i32>} : memref<128x128xf32, #tpu.memory_space<vmem>>, vector<16xf32>,
        %add3A_382 = arith.constant 1 : i32
        %add3A_383 = arith.addi %mul3A_291, %add3A_382 : i32
        %get3A_384 = arith.index_cast %add3A_383 : i32 to index
        %get3A_385 = arith.constant 32 : index
        %get3A_386 = tpu.vector_load %arg14[%get3A_384, %get3A_385] {strides = array<i32>} : memref<128x128xf32, #tpu.memory_space<vmem>>, vector<16xf32>,
        %mul3A_387 = arith.mulf %get3A_386, %gather3A_303 : vector<16xf32>
        %add3A_388 = arith.constant 1 : i32
        %add3A_389 = arith.addi %mul3A_291, %add3A_388 : i32
        %swap3A_390 = arith.index_cast %add3A_389 : i32 to index
        %swap3A_391 = arith.constant 32 : index
        %swap3A_392 = tpu.vector_load %arg14[%swap3A_390, %swap3A_391] {strides = array<i32>} : memref<128x128xf32, #tpu.memory_space<vmem>>, vector<16xf32>,
        tpu.vector_store %arg14[%swap3A_390, %swap3A_391], %mul3A_387 {strides = array<i32>} : memref<128x128xf32, #tpu.memory_space<vmem>>, vector<16xf32>,
        %add3A_393 = arith.constant 1 : i32
        %add3A_394 = arith.addi %mul3A_291, %add3A_393 : i32
        %get3A_395 = arith.index_cast %add3A_394 : i32 to index
        %get3A_396 = arith.constant 48 : index
        %get3A_397 = tpu.vector_load %arg14[%get3A_395, %get3A_396] {strides = array<i32>} : memref<128x128xf32, #tpu.memory_space<vmem>>, vector<16xf32>,
        %mul3A_398 = arith.mulf %get3A_397, %gather3A_303 : vector<16xf32>
        %add3A_399 = arith.constant 1 : i32
        %add3A_400 = arith.addi %mul3A_291, %add3A_399 : i32
        %swap3A_401 = arith.index_cast %add3A_400 : i32 to index
        %swap3A_402 = arith.constant 48 : index
        %swap3A_403 = tpu.vector_load %arg14[%swap3A_401, %swap3A_402] {strides = array<i32>} : memref<128x128xf32, #tpu.memory_space<vmem>>, vector<16xf32>,
        tpu.vector_store %arg14[%swap3A_401, %swap3A_402], %mul3A_398 {strides = array<i32>} : memref<128x128xf32, #tpu.memory_space<vmem>>, vector<16xf32>,
        %add3A_404 = arith.constant 1 : i32
        %add3A_405 = arith.addi %mul3A_291, %add3A_404 : i32
        %get3A_406 = arith.index_cast %add3A_405 : i32 to index
        %get3A_407 = arith.constant 64 : index
        %get3A_408 = tpu.vector_load %arg14[%get3A_406, %get3A_407] {strides = array<i32>} : memref<128x128xf32, #tpu.memory_space<vmem>>, vector<16xf32>,
        %mul3A_409 = arith.mulf %get3A_408, %gather3A_303 : vector<16xf32>
        %add3A_410 = arith.constant 1 : i32
        %add3A_411 = arith.addi %mul3A_291, %add3A_410 : i32
        %swap3A_412 = arith.index_cast %add3A_411 : i32 to index
        %swap3A_413 = arith.constant 64 : index
        %swap3A_414 = tpu.vector_load %arg14[%swap3A_412, %swap3A_413] {strides = array<i32>} : memref<128x128xf32, #tpu.memory_space<vmem>>, vector<16xf32>,
        tpu.vector_store %arg14[%swap3A_412, %swap3A_413], %mul3A_409 {strides = array<i32>} : memref<128x128xf32, #tpu.memory_space<vmem>>, vector<16xf32>,
        %add3A_415 = arith.constant 1 : i32
        %add3A_416 = arith.addi %mul3A_291, %add3A_415 : i32
        %get3A_417 = arith.index_cast %add3A_416 : i32 to index
        %get3A_418 = arith.constant 80 : index
        %get3A_419 = tpu.vector_load %arg14[%get3A_417, %get3A_418] {strides = array<i32>} : memref<128x128xf32, #tpu.memory_space<vmem>>, vector<16xf32>,
        %mul3A_420 = arith.mulf %get3A_419, %gather3A_303 : vector<16xf32>
        %add3A_421 = arith.constant 1 : i32
        %add3A_422 = arith.addi %mul3A_291, %add3A_421 : i32
        %swap3A_423 = arith.index_cast %add3A_422 : i32 to index
        %swap3A_424 = arith.constant 80 : index
        %swap3A_425 = tpu.vector_load %arg14[%swap3A_423, %swap3A_424] {strides = array<i32>} : memref<128x128xf32, #tpu.memory_space<vmem>>, vector<16xf32>,
        tpu.vector_store %arg14[%swap3A_423, %swap3A_424], %mul3A_420 {strides = array<i32>} : memref<128x128xf32, #tpu.memory_space<vmem>>, vector<16xf32>,
        %add3A_426 = arith.constant 1 : i32
        %add3A_427 = arith.addi %mul3A_291, %add3A_426 : i32
        %get3A_428 = arith.index_cast %add3A_427 : i32 to index
        %get3A_429 = arith.constant 96 : index
        %get3A_430 = tpu.vector_load %arg14[%get3A_428, %get3A_429] {strides = array<i32>} : memref<128x128xf32, #tpu.memory_space<vmem>>, vector<16xf32>,
        %mul3A_431 = arith.mulf %get3A_430, %gather3A_303 : vector<16xf32>
        %add3A_432 = arith.constant 1 : i32
        %add3A_433 = arith.addi %mul3A_291, %add3A_432 : i32
        %swap3A_434 = arith.index_cast %add3A_433 : i32 to index
        %swap3A_435 = arith.constant 96 : index
        %swap3A_436 = tpu.vector_load %arg14[%swap3A_434, %swap3A_435] {strides = array<i32>} : memref<128x128xf32, #tpu.memory_space<vmem>>, vector<16xf32>,
        tpu.vector_store %arg14[%swap3A_434, %swap3A_435], %mul3A_431 {strides = array<i32>} : memref<128x128xf32, #tpu.memory_space<vmem>>, vector<16xf32>,
        %add3A_437 = arith.constant 1 : i32
        %add3A_438 = arith.addi %mul3A_291, %add3A_437 : i32
        %get3A_439 = arith.index_cast %add3A_438 : i32 to index
        %get3A_440 = arith.constant 112 : index
        %get3A_441 = tpu.vector_load %arg14[%get3A_439, %get3A_440] {strides = array<i32>} : memref<128x128xf32, #tpu.memory_space<vmem>>, vector<16xf32>,
        %mul3A_442 = arith.mulf %get3A_441, %gather3A_303 : vector<16xf32>
        %add3A_443 = arith.constant 1 : i32
        %add3A_444 = arith.addi %mul3A_291, %add3A_443 : i32
        %swap3A_445 = arith.index_cast %add3A_444 : i32 to index
        %swap3A_446 = arith.constant 112 : index
        %swap3A_447 = tpu.vector_load %arg14[%swap3A_445, %swap3A_446] {strides = array<i32>} : memref<128x128xf32, #tpu.memory_space<vmem>>, vector<16xf32>,
        tpu.vector_store %arg14[%swap3A_445, %swap3A_446], %mul3A_442 {strides = array<i32>} : memref<128x128xf32, #tpu.memory_space<vmem>>, vector<16xf32>,
      }
      %scan3A_132 = arith.constant 64 : i32
      "tpu.region"() ({
        %run_scoped3A = tpu.sem_alloc : memref<!tpu.dma_semaphore, #tpu.memory_space<semaphore_mem>>
        %dma_start3A_133 = arith.constant 0 : i32
        %dma_start3A_134 = tpu.memref_slice %arg12[%scan3A_119, %dma_start3A_133] : memref<79x128xi32, #tpu.memory_space<vmem>> -> memref<1x128xi32, #tpu.memory_space<vmem>>
        %dma_start3A_135 = tpu.memref_squeeze %dma_start3A_134 : memref<1x128xi32, #tpu.memory_space<vmem>> -> memref<128xi32, #tpu.memory_space<vmem>>
        %dma_start3A_136 = arith.constant 0 : i32
        %dma_start3A_137 = arith.constant 0 : i32
        %dma_start3A_138 = tpu.memref_slice %arg20[%dma_start3A_136, %dma_start3A_137] : memref<10240x128xf32, #tpu.memory_space<vmem_shared>> -> memref<10240x128xf32, #tpu.memory_space<vmem_shared>>
        tpu.enqueue_indirect_dma source(%arg14 : memref<128x128xf32, #tpu.memory_space<vmem>>) target(%dma_start3A_138 : memref<10240x128xf32, #tpu.memory_space<vmem_shared>>) offsets(%dma_start3A_135 : memref<128xi32, #tpu.memory_space<vmem>>) semaphore(%run_scoped3A : memref<!tpu.dma_semaphore, #tpu.memory_space<semaphore_mem>>) {add = true}
        %dma_wait3A_139 = arith.constant 0 : i32
        %dma_wait3A_140 = tpu.memref_slice %arg12[%scan3A_119, %dma_wait3A_139] : memref<79x128xi32, #tpu.memory_space<vmem>> -> memref<1x128xi32, #tpu.memory_space<vmem>>
        %dma_wait3A_141 = tpu.memref_squeeze %dma_wait3A_140 : memref<1x128xi32, #tpu.memory_space<vmem>> -> memref<128xi32, #tpu.memory_space<vmem>>
        %dma_wait3A_142 = arith.constant 0 : i32
        %dma_wait3A_143 = arith.constant 0 : i32
        %dma_wait3A_144 = tpu.memref_slice %arg20[%dma_wait3A_142, %dma_wait3A_143] : memref<10240x128xf32, #tpu.memory_space<vmem_shared>> -> memref<10240x128xf32, #tpu.memory_space<vmem_shared>>
        tpu.wait_indirect_dma semaphore(%run_scoped3A : memref<!tpu.dma_semaphore, #tpu.memory_space<semaphore_mem>>) src(%arg14 : memref<128x128xf32, #tpu.memory_space<vmem>>) dst(%dma_wait3A_144 : memref<10240x128xf32, #tpu.memory_space<vmem_shared>>)
        tpu.yield
      }) : () -> ()
    }
    %scan3A_44 = arith.constant 79 : i32
    %barrier3A_45 = arith.constant 0 : index
    tpu.barrier barrier_id(%barrier3A_45)
    %scan3A_46 = arith.constant 0 : i32
    %scan3A_47 = arith.constant 5 : i32
    %scan3A_48 = arith.addi %scan3A_46, %scan3A_47 : i32
    %scan3A_49 = arith.constant 1 : i32
    scf.for %scan3A_119 = %scan3A_46 to %scan3A_48 step %scan3A_49  : i32 {
      %mul3A_120 = arith.constant 128 : i32
      %mul3A_121 = arith.muli %scan3A_119, %mul3A_120 : i32
      %add3A_122 = arith.addi %mul3A_0, %mul3A_121 : i32
      %mul3A_123 = arith.constant 128 : i32
      %mul3A_124 = arith.muli %scan3A_119, %mul3A_123 : i32
      %add3A_125 = arith.addi %mul3A_0, %mul3A_124 : i32
      "tpu.region"() ({
        %run_scoped3A = tpu.sem_alloc : memref<!tpu.dma_semaphore, #tpu.memory_space<semaphore_mem>>
        %dma_start3A = arith.constant 0 : i32
        %dma_start3A_126 = tpu.memref_slice %arg9[%add3A_3, %add3A_125, %dma_start3A] : memref<4x10240x128xf32, #tpu.memory_space<hbm>> -> memref<1x128x128xf32, #tpu.memory_space<hbm>>
        %dma_start3A_127 = tpu.memref_squeeze %dma_start3A_126 : memref<1x128x128xf32, #tpu.memory_space<hbm>> -> memref<128x128xf32, #tpu.memory_space<hbm>>
        %dma_start3A_128 = arith.constant 0 : i32
        %dma_start3A_129 = tpu.memref_slice %arg20[%add3A_122, %dma_start3A_128] : memref<10240x128xf32, #tpu.memory_space<vmem_shared>> -> memref<128x128xf32, #tpu.memory_space<vmem_shared>>
        tpu.enqueue_dma source(%dma_start3A_129 : memref<128x128xf32, #tpu.memory_space<vmem_shared>>) target(%dma_start3A_127 : memref<128x128xf32, #tpu.memory_space<hbm>>) target_semaphore(%run_scoped3A : memref<!tpu.dma_semaphore, #tpu.memory_space<semaphore_mem>>)
        %dma_wait3A = arith.constant 0 : i32
        %dma_wait3A_130 = tpu.memref_slice %arg9[%add3A_3, %add3A_125, %dma_wait3A] : memref<4x10240x128xf32, #tpu.memory_space<hbm>> -> memref<1x128x128xf32, #tpu.memory_space<hbm>>
        %dma_wait3A_131 = tpu.memref_squeeze %dma_wait3A_130 : memref<1x128x128xf32, #tpu.memory_space<hbm>> -> memref<128x128xf32, #tpu.memory_space<hbm>>
        %dma_wait3A_132 = arith.constant 0 : i32
        %dma_wait3A_133 = tpu.memref_slice %arg20[%add3A_122, %dma_wait3A_132] : memref<10240x128xf32, #tpu.memory_space<vmem_shared>> -> memref<128x128xf32, #tpu.memory_space<vmem_shared>>
        tpu.wait_dma2 semaphore(%run_scoped3A : memref<!tpu.dma_semaphore, #tpu.memory_space<semaphore_mem>>) src(%dma_wait3A_133 : memref<128x128xf32, #tpu.memory_space<vmem_shared>>) dst(%dma_wait3A_131 : memref<128x128xf32, #tpu.memory_space<hbm>>)
        tpu.yield
      }) : () -> ()
    }
    %scan3A_50 = arith.constant 5 : i32
    %barrier3A_51 = arith.constant 0 : index
    tpu.barrier barrier_id(%barrier3A_51)
    %mul3A_52 = arith.constant 2 : i32
    %mul3A_53 = arith.muli %mul3A_52, %arg0 : i32
    %add3A_54 = arith.constant 1 : i32
    %add3A_55 = arith.addi %mul3A_53, %add3A_54 : i32
    %eq3A_56 = arith.constant 0 : i32
    %eq3A_57 = arith.cmpi eq, %arg1, %eq3A_56 : i32
    %convert_element_type3A_58 = arith.extui %eq3A_57 : i1 to i32
    %cond3A_59 = arith.constant 0 : i32
    %cond3A_60 = arith.cmpi ne, %convert_element_type3A_58, %cond3A_59 : i32
    scf.if %cond3A_60 {
      "tpu.region"() ({
        %run_scoped3A = tpu.sem_alloc : memref<!tpu.dma_semaphore, #tpu.memory_space<semaphore_mem>>
        %dma_start3A = arith.constant 0 : i32
        %dma_start3A_119 = tpu.memref_slice %arg3[%add3A_55, %dma_start3A] : memref<4x10240xf32, #tpu.memory_space<hbm>> -> memref<1x10240xf32, #tpu.memory_space<hbm>>
        %dma_start3A_120 = tpu.memref_squeeze %dma_start3A_119 : memref<1x10240xf32, #tpu.memory_space<hbm>> -> memref<10240xf32, #tpu.memory_space<hbm>>
        tpu.enqueue_dma source(%dma_start3A_120 : memref<10240xf32, #tpu.memory_space<hbm>>) target(%arg17 : memref<10240xf32, #tpu.memory_space<vmem_shared>>) target_semaphore(%run_scoped3A : memref<!tpu.dma_semaphore, #tpu.memory_space<semaphore_mem>>)
        %dma_wait3A = arith.constant 0 : i32
        %dma_wait3A_121 = tpu.memref_slice %arg3[%add3A_55, %dma_wait3A] : memref<4x10240xf32, #tpu.memory_space<hbm>> -> memref<1x10240xf32, #tpu.memory_space<hbm>>
        %dma_wait3A_122 = tpu.memref_squeeze %dma_wait3A_121 : memref<1x10240xf32, #tpu.memory_space<hbm>> -> memref<10240xf32, #tpu.memory_space<hbm>>
        tpu.wait_dma2 semaphore(%run_scoped3A : memref<!tpu.dma_semaphore, #tpu.memory_space<semaphore_mem>>) src(%dma_wait3A_122 : memref<10240xf32, #tpu.memory_space<hbm>>) dst(%arg17 : memref<10240xf32, #tpu.memory_space<vmem_shared>>)
        tpu.yield
      }) : () -> ()
      "tpu.region"() ({
        %run_scoped3A = tpu.sem_alloc : memref<!tpu.dma_semaphore, #tpu.memory_space<semaphore_mem>>
        %dma_start3A = arith.constant 0 : i32
        %dma_start3A_119 = tpu.memref_slice %arg4[%add3A_55, %dma_start3A] : memref<4x10240xf32, #tpu.memory_space<hbm>> -> memref<1x10240xf32, #tpu.memory_space<hbm>>
        %dma_start3A_120 = tpu.memref_squeeze %dma_start3A_119 : memref<1x10240xf32, #tpu.memory_space<hbm>> -> memref<10240xf32, #tpu.memory_space<hbm>>
        tpu.enqueue_dma source(%dma_start3A_120 : memref<10240xf32, #tpu.memory_space<hbm>>) target(%arg18 : memref<10240xf32, #tpu.memory_space<vmem_shared>>) target_semaphore(%run_scoped3A : memref<!tpu.dma_semaphore, #tpu.memory_space<semaphore_mem>>)
        %dma_wait3A = arith.constant 0 : i32
        %dma_wait3A_121 = tpu.memref_slice %arg4[%add3A_55, %dma_wait3A] : memref<4x10240xf32, #tpu.memory_space<hbm>> -> memref<1x10240xf32, #tpu.memory_space<hbm>>
        %dma_wait3A_122 = tpu.memref_squeeze %dma_wait3A_121 : memref<1x10240xf32, #tpu.memory_space<hbm>> -> memref<10240xf32, #tpu.memory_space<hbm>>
        tpu.wait_dma2 semaphore(%run_scoped3A : memref<!tpu.dma_semaphore, #tpu.memory_space<semaphore_mem>>) src(%dma_wait3A_122 : memref<10240xf32, #tpu.memory_space<hbm>>) dst(%arg18 : memref<10240xf32, #tpu.memory_space<vmem_shared>>)
        tpu.yield
      }) : () -> ()
    } else {
    }
    %mul3A_61 = arith.constant 640 : i32
    %mul3A_62 = arith.muli %arg1, %mul3A_61 : i32
    "tpu.region"() ({
      %run_scoped3A = tpu.sem_alloc : memref<!tpu.dma_semaphore, #tpu.memory_space<semaphore_mem>>
      %dma_start3A = tpu.memref_slice %arg19[%mul3A_62] : memref<10240xf32, #tpu.memory_space<vmem_shared>> -> memref<640xf32, #tpu.memory_space<vmem_shared>>
      tpu.enqueue_dma source(%arg8 : memref<640xf32, #tpu.memory_space<hbm>>) target(%dma_start3A : memref<640xf32, #tpu.memory_space<vmem_shared>>) target_semaphore(%run_scoped3A : memref<!tpu.dma_semaphore, #tpu.memory_space<semaphore_mem>>)
      %dma_wait3A = tpu.memref_slice %arg19[%mul3A_62] : memref<10240xf32, #tpu.memory_space<vmem_shared>> -> memref<640xf32, #tpu.memory_space<vmem_shared>>
      tpu.wait_dma2 semaphore(%run_scoped3A : memref<!tpu.dma_semaphore, #tpu.memory_space<semaphore_mem>>) src(%arg8 : memref<640xf32, #tpu.memory_space<hbm>>) dst(%dma_wait3A : memref<640xf32, #tpu.memory_space<vmem_shared>>)
      tpu.yield
    }) : () -> ()
    %scan3A_63 = arith.constant 0 : i32
    %scan3A_64 = arith.constant 5 : i32
    %scan3A_65 = arith.addi %scan3A_63, %scan3A_64 : i32
    %scan3A_66 = arith.constant 1 : i32
    scf.for %scan3A_119 = %scan3A_63 to %scan3A_65 step %scan3A_66  : i32 {
      %mul3A_120 = arith.constant 128 : i32
      %mul3A_121 = arith.muli %scan3A_119, %mul3A_120 : i32
      %add3A_122 = arith.addi %mul3A_0, %mul3A_121 : i32
      "tpu.region"() ({
        %run_scoped3A = tpu.sem_alloc : memref<!tpu.dma_semaphore, #tpu.memory_space<semaphore_mem>>
        %dma_start3A = arith.constant 0 : i32
        %dma_start3A_123 = tpu.memref_slice %arg20[%add3A_122, %dma_start3A] : memref<10240x128xf32, #tpu.memory_space<vmem_shared>> -> memref<128x128xf32, #tpu.memory_space<vmem_shared>>
        tpu.enqueue_dma source(%arg7 : memref<128x128xf32, #tpu.memory_space<hbm>>) target(%dma_start3A_123 : memref<128x128xf32, #tpu.memory_space<vmem_shared>>) target_semaphore(%run_scoped3A : memref<!tpu.dma_semaphore, #tpu.memory_space<semaphore_mem>>)
        %dma_wait3A = arith.constant 0 : i32
        %dma_wait3A_124 = tpu.memref_slice %arg20[%add3A_122, %dma_wait3A] : memref<10240x128xf32, #tpu.memory_space<vmem_shared>> -> memref<128x128xf32, #tpu.memory_space<vmem_shared>>
        tpu.wait_dma2 semaphore(%run_scoped3A : memref<!tpu.dma_semaphore, #tpu.memory_space<semaphore_mem>>) src(%arg7 : memref<128x128xf32, #tpu.memory_space<hbm>>) dst(%dma_wait3A_124 : memref<128x128xf32, #tpu.memory_space<vmem_shared>>)
        tpu.yield
      }) : () -> ()
    }
    %scan3A_67 = arith.constant 5 : i32
    %mul3A_68 = arith.constant 2 : i32
    %mul3A_69 = arith.muli %mul3A_68, %arg0 : i32
    %neg3A = arith.constant 0 : i32
    %neg3A_70 = arith.subi %neg3A, %mul3A_69 : i32
    %mul3A_71 = arith.constant 10240 : i32
    %mul3A_72 = arith.muli %neg3A_70, %mul3A_71 : i32
    %scan3A_73 = arith.constant 0 : i32
    %scan3A_74 = arith.constant 632 : i32
    %scan3A_75 = arith.addi %scan3A_73, %scan3A_74 : i32
    %scan3A_76 = arith.constant 1 : i32
    scf.for %scan3A_119 = %scan3A_73 to %scan3A_75 step %scan3A_76  : i32 {
      %mul3A_120 = arith.constant 16 : i32
      %mul3A_121 = arith.muli %scan3A_119, %mul3A_120 : i32
      %get3A = arith.index_cast %mul3A_121 : i32 to index
      %get3A_122 = tpu.vector_load %arg11[%get3A] {strides = array<i32>} : memref<10112xi32, #tpu.memory_space<vmem>>, vector<16xi32>,
      %add3A_123 = vector.broadcast %mul3A_72 : i32 to vector<16xi32>
      %add3A_124 = arith.addi %get3A_122, %add3A_123 : vector<16xi32>
      %swap3A = arith.index_cast %mul3A_121 : i32 to index
      %swap3A_125 = tpu.vector_load %arg11[%swap3A] {strides = array<i32>} : memref<10112xi32, #tpu.memory_space<vmem>>, vector<16xi32>,
      tpu.vector_store %arg11[%swap3A], %add3A_124 {strides = array<i32>} : memref<10112xi32, #tpu.memory_space<vmem>>, vector<16xi32>,
    }
    %scan3A_77 = arith.constant 632 : i32
    %barrier3A_78 = arith.constant 0 : index
    tpu.barrier barrier_id(%barrier3A_78)
    %scan3A_79 = arith.constant 0 : i32
    %scan3A_80 = arith.constant 79 : i32
    %scan3A_81 = arith.addi %scan3A_79, %scan3A_80 : i32
    %scan3A_82 = arith.constant 1 : i32
    scf.for %scan3A_119 = %scan3A_79 to %scan3A_81 step %scan3A_82  : i32 {
      %mul3A_120 = arith.constant 128 : i32
      %mul3A_121 = arith.muli %scan3A_119, %mul3A_120 : i32
      %dma_start3A = tpu.memref_slice %arg11[%mul3A_121] : memref<10112xi32, #tpu.memory_space<vmem>> -> memref<128xi32, #tpu.memory_space<vmem>>
      %dma_start3A_122 = arith.constant 0 : i32
      %dma_start3A_123 = tpu.memref_slice %arg17[%dma_start3A_122] : memref<10240xf32, #tpu.memory_space<vmem_shared>> -> memref<10240xf32, #tpu.memory_space<vmem_shared>>
      tpu.enqueue_indirect_dma source(%dma_start3A_123 : memref<10240xf32, #tpu.memory_space<vmem_shared>>) target(%arg15 : memref<128xf32, #tpu.memory_space<vmem>>) offsets(%dma_start3A : memref<128xi32, #tpu.memory_space<vmem>>) semaphore(%arg23 : memref<!tpu.dma_semaphore, #tpu.memory_space<semaphore_mem>>)
      %dma_start3A_124 = arith.constant 0 : i32
      %dma_start3A_125 = tpu.memref_slice %arg12[%scan3A_119, %dma_start3A_124] : memref<79x128xi32, #tpu.memory_space<vmem>> -> memref<1x128xi32, #tpu.memory_space<vmem>>
      %dma_start3A_126 = tpu.memref_squeeze %dma_start3A_125 : memref<1x128xi32, #tpu.memory_space<vmem>> -> memref<128xi32, #tpu.memory_space<vmem>>
      %dma_start3A_127 = arith.constant 0 : i32
      %dma_start3A_128 = tpu.memref_slice %arg18[%dma_start3A_127] : memref<10240xf32, #tpu.memory_space<vmem_shared>> -> memref<10240xf32, #tpu.memory_space<vmem_shared>>
      tpu.enqueue_indirect_dma source(%dma_start3A_128 : memref<10240xf32, #tpu.memory_space<vmem_shared>>) target(%arg16 : memref<128xf32, #tpu.memory_space<vmem>>) offsets(%dma_start3A_126 : memref<128xi32, #tpu.memory_space<vmem>>) semaphore(%arg24 : memref<!tpu.dma_semaphore, #tpu.memory_space<semaphore_mem>>)
      %dma_wait3A = tpu.memref_slice %arg11[%mul3A_121] : memref<10112xi32, #tpu.memory_space<vmem>> -> memref<128xi32, #tpu.memory_space<vmem>>
      %dma_wait3A_129 = arith.constant 0 : i32
      %dma_wait3A_130 = tpu.memref_slice %arg17[%dma_wait3A_129] : memref<10240xf32, #tpu.memory_space<vmem_shared>> -> memref<10240xf32, #tpu.memory_space<vmem_shared>>
      tpu.wait_indirect_dma semaphore(%arg23 : memref<!tpu.dma_semaphore, #tpu.memory_space<semaphore_mem>>) src(%dma_wait3A_130 : memref<10240xf32, #tpu.memory_space<vmem_shared>>) dst(%arg15 : memref<128xf32, #tpu.memory_space<vmem>>)
      %dma_wait3A_131 = arith.constant 0 : i32
      %dma_wait3A_132 = tpu.memref_slice %arg12[%scan3A_119, %dma_wait3A_131] : memref<79x128xi32, #tpu.memory_space<vmem>> -> memref<1x128xi32, #tpu.memory_space<vmem>>
      %dma_wait3A_133 = tpu.memref_squeeze %dma_wait3A_132 : memref<1x128xi32, #tpu.memory_space<vmem>> -> memref<128xi32, #tpu.memory_space<vmem>>
      %dma_wait3A_134 = arith.constant 0 : i32
      %dma_wait3A_135 = tpu.memref_slice %arg18[%dma_wait3A_134] : memref<10240xf32, #tpu.memory_space<vmem_shared>> -> memref<10240xf32, #tpu.memory_space<vmem_shared>>
      tpu.wait_indirect_dma semaphore(%arg24 : memref<!tpu.dma_semaphore, #tpu.memory_space<semaphore_mem>>) src(%dma_wait3A_135 : memref<10240xf32, #tpu.memory_space<vmem_shared>>) dst(%arg16 : memref<128xf32, #tpu.memory_space<vmem>>)
      %mul3A_136 = arith.constant 128 : i32
      %mul3A_137 = arith.muli %scan3A_119, %mul3A_136 : i32
      %add3A_138 = arith.constant 0 : i32
      %add3A_139 = arith.addi %mul3A_137, %add3A_138 : i32
      %get3A = arith.constant 0 : index
      %get3A_140 = tpu.vector_load %arg15[%get3A] {strides = array<i32>} : memref<128xf32, #tpu.memory_space<vmem>>, vector<16xf32>,
      %get3A_141 = arith.constant 0 : index
      %get3A_142 = tpu.vector_load %arg16[%get3A_141] {strides = array<i32>} : memref<128xf32, #tpu.memory_space<vmem>>, vector<16xf32>,
      %add3A_143 = arith.addf %get3A_140, %get3A_142 : vector<16xf32>
      %mul3A_144 = arith.constant 2.000000e-01 : f32
      %mul3A_145 = vector.broadcast %mul3A_144 : f32 to vector<16xf32>
      %mul3A_146 = arith.mulf %mul3A_145, %add3A_143 : vector<16xf32>
      %max3A = arith.maximumf %add3A_143, %mul3A_146 : vector<16xf32>
      %exp3A = math.exp %max3A : vector<16xf32>
      %swap3A = arith.index_cast %add3A_139 : i32 to index
      %swap3A_147 = tpu.vector_load %arg13[%swap3A] {strides = array<i32>} : memref<10112xf32, #tpu.memory_space<vmem>>, vector<16xf32>,
      tpu.vector_store %arg13[%swap3A], %exp3A {strides = array<i32>} : memref<10112xf32, #tpu.memory_space<vmem>>, vector<16xf32>,
      %mul3A_148 = arith.constant 128 : i32
      %mul3A_149 = arith.muli %scan3A_119, %mul3A_148 : i32
      %add3A_150 = arith.constant 16 : i32
      %add3A_151 = arith.addi %mul3A_149, %add3A_150 : i32
      %get3A_152 = arith.constant 16 : index
      %get3A_153 = tpu.vector_load %arg15[%get3A_152] {strides = array<i32>} : memref<128xf32, #tpu.memory_space<vmem>>, vector<16xf32>,
      %get3A_154 = arith.constant 16 : index
      %get3A_155 = tpu.vector_load %arg16[%get3A_154] {strides = array<i32>} : memref<128xf32, #tpu.memory_space<vmem>>, vector<16xf32>,
      %add3A_156 = arith.addf %get3A_153, %get3A_155 : vector<16xf32>
      %mul3A_157 = arith.constant 2.000000e-01 : f32
      %mul3A_158 = vector.broadcast %mul3A_157 : f32 to vector<16xf32>
      %mul3A_159 = arith.mulf %mul3A_158, %add3A_156 : vector<16xf32>
      %max3A_160 = arith.maximumf %add3A_156, %mul3A_159 : vector<16xf32>
      %exp3A_161 = math.exp %max3A_160 : vector<16xf32>
      %swap3A_162 = arith.index_cast %add3A_151 : i32 to index
      %swap3A_163 = tpu.vector_load %arg13[%swap3A_162] {strides = array<i32>} : memref<10112xf32, #tpu.memory_space<vmem>>, vector<16xf32>,
      tpu.vector_store %arg13[%swap3A_162], %exp3A_161 {strides = array<i32>} : memref<10112xf32, #tpu.memory_space<vmem>>, vector<16xf32>,
      %mul3A_164 = arith.constant 128 : i32
      %mul3A_165 = arith.muli %scan3A_119, %mul3A_164 : i32
      %add3A_166 = arith.constant 32 : i32
      %add3A_167 = arith.addi %mul3A_165, %add3A_166 : i32
      %get3A_168 = arith.constant 32 : index
      %get3A_169 = tpu.vector_load %arg15[%get3A_168] {strides = array<i32>} : memref<128xf32, #tpu.memory_space<vmem>>, vector<16xf32>,
      %get3A_170 = arith.constant 32 : index
      %get3A_171 = tpu.vector_load %arg16[%get3A_170] {strides = array<i32>} : memref<128xf32, #tpu.memory_space<vmem>>, vector<16xf32>,
      %add3A_172 = arith.addf %get3A_169, %get3A_171 : vector<16xf32>
      %mul3A_173 = arith.constant 2.000000e-01 : f32
      %mul3A_174 = vector.broadcast %mul3A_173 : f32 to vector<16xf32>
      %mul3A_175 = arith.mulf %mul3A_174, %add3A_172 : vector<16xf32>
      %max3A_176 = arith.maximumf %add3A_172, %mul3A_175 : vector<16xf32>
      %exp3A_177 = math.exp %max3A_176 : vector<16xf32>
      %swap3A_178 = arith.index_cast %add3A_167 : i32 to index
      %swap3A_179 = tpu.vector_load %arg13[%swap3A_178] {strides = array<i32>} : memref<10112xf32, #tpu.memory_space<vmem>>, vector<16xf32>,
      tpu.vector_store %arg13[%swap3A_178], %exp3A_177 {strides = array<i32>} : memref<10112xf32, #tpu.memory_space<vmem>>, vector<16xf32>,
      %mul3A_180 = arith.constant 128 : i32
      %mul3A_181 = arith.muli %scan3A_119, %mul3A_180 : i32
      %add3A_182 = arith.constant 48 : i32
      %add3A_183 = arith.addi %mul3A_181, %add3A_182 : i32
      %get3A_184 = arith.constant 48 : index
      %get3A_185 = tpu.vector_load %arg15[%get3A_184] {strides = array<i32>} : memref<128xf32, #tpu.memory_space<vmem>>, vector<16xf32>,
      %get3A_186 = arith.constant 48 : index
      %get3A_187 = tpu.vector_load %arg16[%get3A_186] {strides = array<i32>} : memref<128xf32, #tpu.memory_space<vmem>>, vector<16xf32>,
      %add3A_188 = arith.addf %get3A_185, %get3A_187 : vector<16xf32>
      %mul3A_189 = arith.constant 2.000000e-01 : f32
      %mul3A_190 = vector.broadcast %mul3A_189 : f32 to vector<16xf32>
      %mul3A_191 = arith.mulf %mul3A_190, %add3A_188 : vector<16xf32>
      %max3A_192 = arith.maximumf %add3A_188, %mul3A_191 : vector<16xf32>
      %exp3A_193 = math.exp %max3A_192 : vector<16xf32>
      %swap3A_194 = arith.index_cast %add3A_183 : i32 to index
      %swap3A_195 = tpu.vector_load %arg13[%swap3A_194] {strides = array<i32>} : memref<10112xf32, #tpu.memory_space<vmem>>, vector<16xf32>,
      tpu.vector_store %arg13[%swap3A_194], %exp3A_193 {strides = array<i32>} : memref<10112xf32, #tpu.memory_space<vmem>>, vector<16xf32>,
      %mul3A_196 = arith.constant 128 : i32
      %mul3A_197 = arith.muli %scan3A_119, %mul3A_196 : i32
      %add3A_198 = arith.constant 64 : i32
      %add3A_199 = arith.addi %mul3A_197, %add3A_198 : i32
      %get3A_200 = arith.constant 64 : index
      %get3A_201 = tpu.vector_load %arg15[%get3A_200] {strides = array<i32>} : memref<128xf32, #tpu.memory_space<vmem>>, vector<16xf32>,
      %get3A_202 = arith.constant 64 : index
      %get3A_203 = tpu.vector_load %arg16[%get3A_202] {strides = array<i32>} : memref<128xf32, #tpu.memory_space<vmem>>, vector<16xf32>,
      %add3A_204 = arith.addf %get3A_201, %get3A_203 : vector<16xf32>
      %mul3A_205 = arith.constant 2.000000e-01 : f32
      %mul3A_206 = vector.broadcast %mul3A_205 : f32 to vector<16xf32>
      %mul3A_207 = arith.mulf %mul3A_206, %add3A_204 : vector<16xf32>
      %max3A_208 = arith.maximumf %add3A_204, %mul3A_207 : vector<16xf32>
      %exp3A_209 = math.exp %max3A_208 : vector<16xf32>
      %swap3A_210 = arith.index_cast %add3A_199 : i32 to index
      %swap3A_211 = tpu.vector_load %arg13[%swap3A_210] {strides = array<i32>} : memref<10112xf32, #tpu.memory_space<vmem>>, vector<16xf32>,
      tpu.vector_store %arg13[%swap3A_210], %exp3A_209 {strides = array<i32>} : memref<10112xf32, #tpu.memory_space<vmem>>, vector<16xf32>,
      %mul3A_212 = arith.constant 128 : i32
      %mul3A_213 = arith.muli %scan3A_119, %mul3A_212 : i32
      %add3A_214 = arith.constant 80 : i32
      %add3A_215 = arith.addi %mul3A_213, %add3A_214 : i32
      %get3A_216 = arith.constant 80 : index
      %get3A_217 = tpu.vector_load %arg15[%get3A_216] {strides = array<i32>} : memref<128xf32, #tpu.memory_space<vmem>>, vector<16xf32>,
      %get3A_218 = arith.constant 80 : index
      %get3A_219 = tpu.vector_load %arg16[%get3A_218] {strides = array<i32>} : memref<128xf32, #tpu.memory_space<vmem>>, vector<16xf32>,
      %add3A_220 = arith.addf %get3A_217, %get3A_219 : vector<16xf32>
      %mul3A_221 = arith.constant 2.000000e-01 : f32
      %mul3A_222 = vector.broadcast %mul3A_221 : f32 to vector<16xf32>
      %mul3A_223 = arith.mulf %mul3A_222, %add3A_220 : vector<16xf32>
      %max3A_224 = arith.maximumf %add3A_220, %mul3A_223 : vector<16xf32>
      %exp3A_225 = math.exp %max3A_224 : vector<16xf32>
      %swap3A_226 = arith.index_cast %add3A_215 : i32 to index
      %swap3A_227 = tpu.vector_load %arg13[%swap3A_226] {strides = array<i32>} : memref<10112xf32, #tpu.memory_space<vmem>>, vector<16xf32>,
      tpu.vector_store %arg13[%swap3A_226], %exp3A_225 {strides = array<i32>} : memref<10112xf32, #tpu.memory_space<vmem>>, vector<16xf32>,
      %mul3A_228 = arith.constant 128 : i32
      %mul3A_229 = arith.muli %scan3A_119, %mul3A_228 : i32
      %add3A_230 = arith.constant 96 : i32
      %add3A_231 = arith.addi %mul3A_229, %add3A_230 : i32
      %get3A_232 = arith.constant 96 : index
      %get3A_233 = tpu.vector_load %arg15[%get3A_232] {strides = array<i32>} : memref<128xf32, #tpu.memory_space<vmem>>, vector<16xf32>,
      %get3A_234 = arith.constant 96 : index
      %get3A_235 = tpu.vector_load %arg16[%get3A_234] {strides = array<i32>} : memref<128xf32, #tpu.memory_space<vmem>>, vector<16xf32>,
      %add3A_236 = arith.addf %get3A_233, %get3A_235 : vector<16xf32>
      %mul3A_237 = arith.constant 2.000000e-01 : f32
      %mul3A_238 = vector.broadcast %mul3A_237 : f32 to vector<16xf32>
      %mul3A_239 = arith.mulf %mul3A_238, %add3A_236 : vector<16xf32>
      %max3A_240 = arith.maximumf %add3A_236, %mul3A_239 : vector<16xf32>
      %exp3A_241 = math.exp %max3A_240 : vector<16xf32>
      %swap3A_242 = arith.index_cast %add3A_231 : i32 to index
      %swap3A_243 = tpu.vector_load %arg13[%swap3A_242] {strides = array<i32>} : memref<10112xf32, #tpu.memory_space<vmem>>, vector<16xf32>,
      tpu.vector_store %arg13[%swap3A_242], %exp3A_241 {strides = array<i32>} : memref<10112xf32, #tpu.memory_space<vmem>>, vector<16xf32>,
      %mul3A_244 = arith.constant 128 : i32
      %mul3A_245 = arith.muli %scan3A_119, %mul3A_244 : i32
      %add3A_246 = arith.constant 112 : i32
      %add3A_247 = arith.addi %mul3A_245, %add3A_246 : i32
      %get3A_248 = arith.constant 112 : index
      %get3A_249 = tpu.vector_load %arg15[%get3A_248] {strides = array<i32>} : memref<128xf32, #tpu.memory_space<vmem>>, vector<16xf32>,
      %get3A_250 = arith.constant 112 : index
      %get3A_251 = tpu.vector_load %arg16[%get3A_250] {strides = array<i32>} : memref<128xf32, #tpu.memory_space<vmem>>, vector<16xf32>,
      %add3A_252 = arith.addf %get3A_249, %get3A_251 : vector<16xf32>
      %mul3A_253 = arith.constant 2.000000e-01 : f32
      %mul3A_254 = vector.broadcast %mul3A_253 : f32 to vector<16xf32>
      %mul3A_255 = arith.mulf %mul3A_254, %add3A_252 : vector<16xf32>
      %max3A_256 = arith.maximumf %add3A_252, %mul3A_255 : vector<16xf32>
      %exp3A_257 = math.exp %max3A_256 : vector<16xf32>
      %swap3A_258 = arith.index_cast %add3A_247 : i32 to index
      %swap3A_259 = tpu.vector_load %arg13[%swap3A_258] {strides = array<i32>} : memref<10112xf32, #tpu.memory_space<vmem>>, vector<16xf32>,
      tpu.vector_store %arg13[%swap3A_258], %exp3A_257 {strides = array<i32>} : memref<10112xf32, #tpu.memory_space<vmem>>, vector<16xf32>,
    }
    %scan3A_83 = arith.constant 79 : i32
    %scan3A_84 = arith.constant 625 : i32
    %scan3A_85 = arith.constant 7 : i32
    %scan3A_86 = arith.addi %scan3A_84, %scan3A_85 : i32
    %scan3A_87 = arith.constant 1 : i32
    scf.for %scan3A_119 = %scan3A_84 to %scan3A_86 step %scan3A_87  : i32 {
      %broadcast_in_dim3A = arith.constant 0.000000e+00 : f32
      %broadcast_in_dim3A_120 = vector.broadcast %broadcast_in_dim3A : f32 to vector<16xf32>
      %mul3A_121 = arith.constant 16 : i32
      %mul3A_122 = arith.muli %scan3A_119, %mul3A_121 : i32
      %swap3A = arith.index_cast %mul3A_122 : i32 to index
      %swap3A_123 = tpu.vector_load %arg13[%swap3A] {strides = array<i32>} : memref<10112xf32, #tpu.memory_space<vmem>>, vector<16xf32>,
      tpu.vector_store %arg13[%swap3A], %broadcast_in_dim3A_120 {strides = array<i32>} : memref<10112xf32, #tpu.memory_space<vmem>>, vector<16xf32>,
    }
    %scan3A_88 = arith.constant 7 : i32
    %scan3A_89 = arith.constant 0 : i32
    %scan3A_90 = arith.constant 79 : i32
    %scan3A_91 = arith.addi %scan3A_89, %scan3A_90 : i32
    %scan3A_92 = arith.constant 1 : i32
    scf.for %scan3A_119 = %scan3A_89 to %scan3A_91 step %scan3A_92  : i32 {
      %mul3A_120 = arith.constant 128 : i32
      %mul3A_121 = arith.muli %scan3A_119, %mul3A_120 : i32
      "tpu.region"() ({
        %run_scoped3A = tpu.sem_alloc : memref<!tpu.dma_semaphore, #tpu.memory_space<semaphore_mem>>
        %dma_start3A = tpu.memref_slice %arg13[%mul3A_121] : memref<10112xf32, #tpu.memory_space<vmem>> -> memref<128xf32, #tpu.memory_space<vmem>>
        %dma_start3A_122 = arith.constant 0 : i32
        %dma_start3A_123 = tpu.memref_slice %arg12[%scan3A_119, %dma_start3A_122] : memref<79x128xi32, #tpu.memory_space<vmem>> -> memref<1x128xi32, #tpu.memory_space<vmem>>
        %dma_start3A_124 = tpu.memref_squeeze %dma_start3A_123 : memref<1x128xi32, #tpu.memory_space<vmem>> -> memref<128xi32, #tpu.memory_space<vmem>>
        %dma_start3A_125 = arith.constant 0 : i32
        %dma_start3A_126 = tpu.memref_slice %arg19[%dma_start3A_125] : memref<10240xf32, #tpu.memory_space<vmem_shared>> -> memref<10240xf32, #tpu.memory_space<vmem_shared>>
        tpu.enqueue_indirect_dma source(%dma_start3A : memref<128xf32, #tpu.memory_space<vmem>>) target(%dma_start3A_126 : memref<10240xf32, #tpu.memory_space<vmem_shared>>) offsets(%dma_start3A_124 : memref<128xi32, #tpu.memory_space<vmem>>) semaphore(%run_scoped3A : memref<!tpu.dma_semaphore, #tpu.memory_space<semaphore_mem>>) {add = true}
        %dma_wait3A = tpu.memref_slice %arg13[%mul3A_121] : memref<10112xf32, #tpu.memory_space<vmem>> -> memref<128xf32, #tpu.memory_space<vmem>>
        %dma_wait3A_127 = arith.constant 0 : i32
        %dma_wait3A_128 = tpu.memref_slice %arg12[%scan3A_119, %dma_wait3A_127] : memref<79x128xi32, #tpu.memory_space<vmem>> -> memref<1x128xi32, #tpu.memory_space<vmem>>
        %dma_wait3A_129 = tpu.memref_squeeze %dma_wait3A_128 : memref<1x128xi32, #tpu.memory_space<vmem>> -> memref<128xi32, #tpu.memory_space<vmem>>
        %dma_wait3A_130 = arith.constant 0 : i32
        %dma_wait3A_131 = tpu.memref_slice %arg19[%dma_wait3A_130] : memref<10240xf32, #tpu.memory_space<vmem_shared>> -> memref<10240xf32, #tpu.memory_space<vmem_shared>>
        tpu.wait_indirect_dma semaphore(%run_scoped3A : memref<!tpu.dma_semaphore, #tpu.memory_space<semaphore_mem>>) src(%dma_wait3A : memref<128xf32, #tpu.memory_space<vmem>>) dst(%dma_wait3A_131 : memref<10240xf32, #tpu.memory_space<vmem_shared>>)
        tpu.yield
      }) : () -> ()
    }
    %scan3A_93 = arith.constant 79 : i32
    %barrier3A_94 = arith.constant 0 : index
    tpu.barrier barrier_id(%barrier3A_94)
    %eq3A_95 = arith.constant 0 : i32
    %eq3A_96 = arith.cmpi eq, %arg1, %eq3A_95 : i32
    %convert_element_type3A_97 = arith.extui %eq3A_96 : i1 to i32
    %cond3A_98 = arith.constant 0 : i32
    %cond3A_99 = arith.cmpi ne, %convert_element_type3A_97, %cond3A_98 : i32
    scf.if %cond3A_99 {
      "tpu.region"() ({
        %run_scoped3A = tpu.sem_alloc : memref<!tpu.dma_semaphore, #tpu.memory_space<semaphore_mem>>
        %dma_start3A = arith.constant 0 : i32
        %dma_start3A_119 = tpu.memref_slice %arg10[%add3A_55, %dma_start3A] : memref<4x10240xf32, #tpu.memory_space<hbm>> -> memref<1x10240xf32, #tpu.memory_space<hbm>>
        %dma_start3A_120 = tpu.memref_squeeze %dma_start3A_119 : memref<1x10240xf32, #tpu.memory_space<hbm>> -> memref<10240xf32, #tpu.memory_space<hbm>>
        tpu.enqueue_dma source(%arg19 : memref<10240xf32, #tpu.memory_space<vmem_shared>>) target(%dma_start3A_120 : memref<10240xf32, #tpu.memory_space<hbm>>) target_semaphore(%run_scoped3A : memref<!tpu.dma_semaphore, #tpu.memory_space<semaphore_mem>>)
        %dma_wait3A = arith.constant 0 : i32
        %dma_wait3A_121 = tpu.memref_slice %arg10[%add3A_55, %dma_wait3A] : memref<4x10240xf32, #tpu.memory_space<hbm>> -> memref<1x10240xf32, #tpu.memory_space<hbm>>
        %dma_wait3A_122 = tpu.memref_squeeze %dma_wait3A_121 : memref<1x10240xf32, #tpu.memory_space<hbm>> -> memref<10240xf32, #tpu.memory_space<hbm>>
        tpu.wait_dma2 semaphore(%run_scoped3A : memref<!tpu.dma_semaphore, #tpu.memory_space<semaphore_mem>>) src(%arg19 : memref<10240xf32, #tpu.memory_space<vmem_shared>>) dst(%dma_wait3A_122 : memref<10240xf32, #tpu.memory_space<hbm>>)
        tpu.yield
      }) : () -> ()
    } else {
    }
    %mul3A_100 = arith.constant 10240 : i32
    %mul3A_101 = arith.muli %add3A_55, %mul3A_100 : i32
    %scan3A_102 = arith.constant 0 : i32
    %scan3A_103 = arith.constant 632 : i32
    %scan3A_104 = arith.addi %scan3A_102, %scan3A_103 : i32
    %scan3A_105 = arith.constant 1 : i32
    scf.for %scan3A_119 = %scan3A_102 to %scan3A_104 step %scan3A_105  : i32 {
      %mul3A_120 = arith.constant 16 : i32
      %mul3A_121 = arith.muli %scan3A_119, %mul3A_120 : i32
      %get3A = arith.index_cast %mul3A_121 : i32 to index
      %get3A_122 = tpu.vector_load %arg11[%get3A] {strides = array<i32>} : memref<10112xi32, #tpu.memory_space<vmem>>, vector<16xi32>,
      %add3A_123 = vector.broadcast %mul3A_101 : i32 to vector<16xi32>
      %add3A_124 = arith.addi %get3A_122, %add3A_123 : vector<16xi32>
      %swap3A = arith.index_cast %mul3A_121 : i32 to index
      %swap3A_125 = tpu.vector_load %arg11[%swap3A] {strides = array<i32>} : memref<10112xi32, #tpu.memory_space<vmem>>, vector<16xi32>,
      tpu.vector_store %arg11[%swap3A], %add3A_124 {strides = array<i32>} : memref<10112xi32, #tpu.memory_space<vmem>>, vector<16xi32>,
    }
    %scan3A_106 = arith.constant 632 : i32
    %scan3A_107 = arith.constant 0 : i32
    %scan3A_108 = arith.constant 79 : i32
    %scan3A_109 = arith.addi %scan3A_107, %scan3A_108 : i32
    %scan3A_110 = arith.constant 1 : i32
    scf.for %scan3A_119 = %scan3A_107 to %scan3A_109 step %scan3A_110  : i32 {
      %mul3A_120 = arith.constant 128 : i32
      %mul3A_121 = arith.muli %scan3A_119, %mul3A_120 : i32
      %dma_start3A = tpu.memref_slice %arg11[%mul3A_121] : memref<10112xi32, #tpu.memory_space<vmem>> -> memref<128xi32, #tpu.memory_space<vmem>>
      %dma_start3A_122 = arith.constant 0 : i32
      %dma_start3A_123 = arith.constant 0 : i32
      %dma_start3A_124 = tpu.memref_slice %arg2[%dma_start3A_122, %dma_start3A_123] : memref<40960x128xf32, #tpu.memory_space<hbm>> -> memref<40960x128xf32, #tpu.memory_space<hbm>>
      tpu.enqueue_indirect_dma source(%dma_start3A_124 : memref<40960x128xf32, #tpu.memory_space<hbm>>) target(%arg14 : memref<128x128xf32, #tpu.memory_space<vmem>>) offsets(%dma_start3A : memref<128xi32, #tpu.memory_space<vmem>>) semaphore(%arg21 : memref<!tpu.dma_semaphore, #tpu.memory_space<semaphore_mem>>)
      %dma_wait3A = tpu.memref_slice %arg11[%mul3A_121] : memref<10112xi32, #tpu.memory_space<vmem>> -> memref<128xi32, #tpu.memory_space<vmem>>
      %dma_wait3A_125 = arith.constant 0 : i32
      %dma_wait3A_126 = arith.constant 0 : i32
      %dma_wait3A_127 = tpu.memref_slice %arg2[%dma_wait3A_125, %dma_wait3A_126] : memref<40960x128xf32, #tpu.memory_space<hbm>> -> memref<40960x128xf32, #tpu.memory_space<hbm>>
      tpu.wait_indirect_dma semaphore(%arg21 : memref<!tpu.dma_semaphore, #tpu.memory_space<semaphore_mem>>) src(%dma_wait3A_127 : memref<40960x128xf32, #tpu.memory_space<hbm>>) dst(%arg14 : memref<128x128xf32, #tpu.memory_space<vmem>>)
      %scan3A_128 = arith.constant 0 : i32
      %scan3A_129 = arith.constant 64 : i32
      %scan3A_130 = arith.addi %scan3A_128, %scan3A_129 : i32
      %scan3A_131 = arith.constant 2 : i32
      scf.for %scan3A_133 = %scan3A_128 to %scan3A_130 step %scan3A_131  : i32 {
        %mul3A_134 = arith.constant 2 : i32
        %mul3A_135 = arith.muli %mul3A_134, %scan3A_133 : i32
        %mul3A_136 = arith.constant 128 : i32
        %mul3A_137 = arith.muli %scan3A_119, %mul3A_136 : i32
        %add3A_138 = arith.addi %mul3A_137, %mul3A_135 : i32
        %broadcast_in_dim3A = vector.broadcast %add3A_138 : i32 to vector<16xi32>
        %gather3A = tpu.vector_load_idx %arg13[%broadcast_in_dim3A] : memref<10112xf32, #tpu.memory_space<vmem>>[vector<16xi32>], vector<16xf32>,
        %mul3A_139 = arith.constant 128 : i32
        %mul3A_140 = arith.muli %scan3A_119, %mul3A_139 : i32
        %add3A_141 = arith.addi %mul3A_140, %mul3A_135 : i32
        %add3A_142 = arith.constant 1 : i32
        %add3A_143 = arith.addi %add3A_141, %add3A_142 : i32
        %broadcast_in_dim3A_144 = vector.broadcast %add3A_143 : i32 to vector<16xi32>
        %gather3A_145 = tpu.vector_load_idx %arg13[%broadcast_in_dim3A_144] : memref<10112xf32, #tpu.memory_space<vmem>>[vector<16xi32>], vector<16xf32>,
        %get3A = arith.index_cast %mul3A_135 : i32 to index
        %get3A_146 = arith.constant 0 : index
        %get3A_147 = tpu.vector_load %arg14[%get3A, %get3A_146] {strides = array<i32>} : memref<128x128xf32, #tpu.memory_space<vmem>>, vector<16xf32>,
        %mul3A_148 = arith.mulf %get3A_147, %gather3A : vector<16xf32>
        %swap3A = arith.index_cast %mul3A_135 : i32 to index
        %swap3A_149 = arith.constant 0 : index
        %swap3A_150 = tpu.vector_load %arg14[%swap3A, %swap3A_149] {strides = array<i32>} : memref<128x128xf32, #tpu.memory_space<vmem>>, vector<16xf32>,
        tpu.vector_store %arg14[%swap3A, %swap3A_149], %mul3A_148 {strides = array<i32>} : memref<128x128xf32, #tpu.memory_space<vmem>>, vector<16xf32>,
        %get3A_151 = arith.index_cast %mul3A_135 : i32 to index
        %get3A_152 = arith.constant 16 : index
        %get3A_153 = tpu.vector_load %arg14[%get3A_151, %get3A_152] {strides = array<i32>} : memref<128x128xf32, #tpu.memory_space<vmem>>, vector<16xf32>,
        %mul3A_154 = arith.mulf %get3A_153, %gather3A : vector<16xf32>
        %swap3A_155 = arith.index_cast %mul3A_135 : i32 to index
        %swap3A_156 = arith.constant 16 : index
        %swap3A_157 = tpu.vector_load %arg14[%swap3A_155, %swap3A_156] {strides = array<i32>} : memref<128x128xf32, #tpu.memory_space<vmem>>, vector<16xf32>,
        tpu.vector_store %arg14[%swap3A_155, %swap3A_156], %mul3A_154 {strides = array<i32>} : memref<128x128xf32, #tpu.memory_space<vmem>>, vector<16xf32>,
        %get3A_158 = arith.index_cast %mul3A_135 : i32 to index
        %get3A_159 = arith.constant 32 : index
        %get3A_160 = tpu.vector_load %arg14[%get3A_158, %get3A_159] {strides = array<i32>} : memref<128x128xf32, #tpu.memory_space<vmem>>, vector<16xf32>,
        %mul3A_161 = arith.mulf %get3A_160, %gather3A : vector<16xf32>
        %swap3A_162 = arith.index_cast %mul3A_135 : i32 to index
        %swap3A_163 = arith.constant 32 : index
        %swap3A_164 = tpu.vector_load %arg14[%swap3A_162, %swap3A_163] {strides = array<i32>} : memref<128x128xf32, #tpu.memory_space<vmem>>, vector<16xf32>,
        tpu.vector_store %arg14[%swap3A_162, %swap3A_163], %mul3A_161 {strides = array<i32>} : memref<128x128xf32, #tpu.memory_space<vmem>>, vector<16xf32>,
        %get3A_165 = arith.index_cast %mul3A_135 : i32 to index
        %get3A_166 = arith.constant 48 : index
        %get3A_167 = tpu.vector_load %arg14[%get3A_165, %get3A_166] {strides = array<i32>} : memref<128x128xf32, #tpu.memory_space<vmem>>, vector<16xf32>,
        %mul3A_168 = arith.mulf %get3A_167, %gather3A : vector<16xf32>
        %swap3A_169 = arith.index_cast %mul3A_135 : i32 to index
        %swap3A_170 = arith.constant 48 : index
        %swap3A_171 = tpu.vector_load %arg14[%swap3A_169, %swap3A_170] {strides = array<i32>} : memref<128x128xf32, #tpu.memory_space<vmem>>, vector<16xf32>,
        tpu.vector_store %arg14[%swap3A_169, %swap3A_170], %mul3A_168 {strides = array<i32>} : memref<128x128xf32, #tpu.memory_space<vmem>>, vector<16xf32>,
        %get3A_172 = arith.index_cast %mul3A_135 : i32 to index
        %get3A_173 = arith.constant 64 : index
        %get3A_174 = tpu.vector_load %arg14[%get3A_172, %get3A_173] {strides = array<i32>} : memref<128x128xf32, #tpu.memory_space<vmem>>, vector<16xf32>,
        %mul3A_175 = arith.mulf %get3A_174, %gather3A : vector<16xf32>
        %swap3A_176 = arith.index_cast %mul3A_135 : i32 to index
        %swap3A_177 = arith.constant 64 : index
        %swap3A_178 = tpu.vector_load %arg14[%swap3A_176, %swap3A_177] {strides = array<i32>} : memref<128x128xf32, #tpu.memory_space<vmem>>, vector<16xf32>,
        tpu.vector_store %arg14[%swap3A_176, %swap3A_177], %mul3A_175 {strides = array<i32>} : memref<128x128xf32, #tpu.memory_space<vmem>>, vector<16xf32>,
        %get3A_179 = arith.index_cast %mul3A_135 : i32 to index
        %get3A_180 = arith.constant 80 : index
        %get3A_181 = tpu.vector_load %arg14[%get3A_179, %get3A_180] {strides = array<i32>} : memref<128x128xf32, #tpu.memory_space<vmem>>, vector<16xf32>,
        %mul3A_182 = arith.mulf %get3A_181, %gather3A : vector<16xf32>
        %swap3A_183 = arith.index_cast %mul3A_135 : i32 to index
        %swap3A_184 = arith.constant 80 : index
        %swap3A_185 = tpu.vector_load %arg14[%swap3A_183, %swap3A_184] {strides = array<i32>} : memref<128x128xf32, #tpu.memory_space<vmem>>, vector<16xf32>,
        tpu.vector_store %arg14[%swap3A_183, %swap3A_184], %mul3A_182 {strides = array<i32>} : memref<128x128xf32, #tpu.memory_space<vmem>>, vector<16xf32>,
        %get3A_186 = arith.index_cast %mul3A_135 : i32 to index
        %get3A_187 = arith.constant 96 : index
        %get3A_188 = tpu.vector_load %arg14[%get3A_186, %get3A_187] {strides = array<i32>} : memref<128x128xf32, #tpu.memory_space<vmem>>, vector<16xf32>,
        %mul3A_189 = arith.mulf %get3A_188, %gather3A : vector<16xf32>
        %swap3A_190 = arith.index_cast %mul3A_135 : i32 to index
        %swap3A_191 = arith.constant 96 : index
        %swap3A_192 = tpu.vector_load %arg14[%swap3A_190, %swap3A_191] {strides = array<i32>} : memref<128x128xf32, #tpu.memory_space<vmem>>, vector<16xf32>,
        tpu.vector_store %arg14[%swap3A_190, %swap3A_191], %mul3A_189 {strides = array<i32>} : memref<128x128xf32, #tpu.memory_space<vmem>>, vector<16xf32>,
        %get3A_193 = arith.index_cast %mul3A_135 : i32 to index
        %get3A_194 = arith.constant 112 : index
        %get3A_195 = tpu.vector_load %arg14[%get3A_193, %get3A_194] {strides = array<i32>} : memref<128x128xf32, #tpu.memory_space<vmem>>, vector<16xf32>,
        %mul3A_196 = arith.mulf %get3A_195, %gather3A : vector<16xf32>
        %swap3A_197 = arith.index_cast %mul3A_135 : i32 to index
        %swap3A_198 = arith.constant 112 : index
        %swap3A_199 = tpu.vector_load %arg14[%swap3A_197, %swap3A_198] {strides = array<i32>} : memref<128x128xf32, #tpu.memory_space<vmem>>, vector<16xf32>,
        tpu.vector_store %arg14[%swap3A_197, %swap3A_198], %mul3A_196 {strides = array<i32>} : memref<128x128xf32, #tpu.memory_space<vmem>>, vector<16xf32>,
        %add3A_200 = arith.constant 1 : i32
        %add3A_201 = arith.addi %mul3A_135, %add3A_200 : i32
        %get3A_202 = arith.index_cast %add3A_201 : i32 to index
        %get3A_203 = arith.constant 0 : index
        %get3A_204 = tpu.vector_load %arg14[%get3A_202, %get3A_203] {strides = array<i32>} : memref<128x128xf32, #tpu.memory_space<vmem>>, vector<16xf32>,
        %mul3A_205 = arith.mulf %get3A_204, %gather3A_145 : vector<16xf32>
        %add3A_206 = arith.constant 1 : i32
        %add3A_207 = arith.addi %mul3A_135, %add3A_206 : i32
        %swap3A_208 = arith.index_cast %add3A_207 : i32 to index
        %swap3A_209 = arith.constant 0 : index
        %swap3A_210 = tpu.vector_load %arg14[%swap3A_208, %swap3A_209] {strides = array<i32>} : memref<128x128xf32, #tpu.memory_space<vmem>>, vector<16xf32>,
        tpu.vector_store %arg14[%swap3A_208, %swap3A_209], %mul3A_205 {strides = array<i32>} : memref<128x128xf32, #tpu.memory_space<vmem>>, vector<16xf32>,
        %add3A_211 = arith.constant 1 : i32
        %add3A_212 = arith.addi %mul3A_135, %add3A_211 : i32
        %get3A_213 = arith.index_cast %add3A_212 : i32 to index
        %get3A_214 = arith.constant 16 : index
        %get3A_215 = tpu.vector_load %arg14[%get3A_213, %get3A_214] {strides = array<i32>} : memref<128x128xf32, #tpu.memory_space<vmem>>, vector<16xf32>,
        %mul3A_216 = arith.mulf %get3A_215, %gather3A_145 : vector<16xf32>
        %add3A_217 = arith.constant 1 : i32
        %add3A_218 = arith.addi %mul3A_135, %add3A_217 : i32
        %swap3A_219 = arith.index_cast %add3A_218 : i32 to index
        %swap3A_220 = arith.constant 16 : index
        %swap3A_221 = tpu.vector_load %arg14[%swap3A_219, %swap3A_220] {strides = array<i32>} : memref<128x128xf32, #tpu.memory_space<vmem>>, vector<16xf32>,
        tpu.vector_store %arg14[%swap3A_219, %swap3A_220], %mul3A_216 {strides = array<i32>} : memref<128x128xf32, #tpu.memory_space<vmem>>, vector<16xf32>,
        %add3A_222 = arith.constant 1 : i32
        %add3A_223 = arith.addi %mul3A_135, %add3A_222 : i32
        %get3A_224 = arith.index_cast %add3A_223 : i32 to index
        %get3A_225 = arith.constant 32 : index
        %get3A_226 = tpu.vector_load %arg14[%get3A_224, %get3A_225] {strides = array<i32>} : memref<128x128xf32, #tpu.memory_space<vmem>>, vector<16xf32>,
        %mul3A_227 = arith.mulf %get3A_226, %gather3A_145 : vector<16xf32>
        %add3A_228 = arith.constant 1 : i32
        %add3A_229 = arith.addi %mul3A_135, %add3A_228 : i32
        %swap3A_230 = arith.index_cast %add3A_229 : i32 to index
        %swap3A_231 = arith.constant 32 : index
        %swap3A_232 = tpu.vector_load %arg14[%swap3A_230, %swap3A_231] {strides = array<i32>} : memref<128x128xf32, #tpu.memory_space<vmem>>, vector<16xf32>,
        tpu.vector_store %arg14[%swap3A_230, %swap3A_231], %mul3A_227 {strides = array<i32>} : memref<128x128xf32, #tpu.memory_space<vmem>>, vector<16xf32>,
        %add3A_233 = arith.constant 1 : i32
        %add3A_234 = arith.addi %mul3A_135, %add3A_233 : i32
        %get3A_235 = arith.index_cast %add3A_234 : i32 to index
        %get3A_236 = arith.constant 48 : index
        %get3A_237 = tpu.vector_load %arg14[%get3A_235, %get3A_236] {strides = array<i32>} : memref<128x128xf32, #tpu.memory_space<vmem>>, vector<16xf32>,
        %mul3A_238 = arith.mulf %get3A_237, %gather3A_145 : vector<16xf32>
        %add3A_239 = arith.constant 1 : i32
        %add3A_240 = arith.addi %mul3A_135, %add3A_239 : i32
        %swap3A_241 = arith.index_cast %add3A_240 : i32 to index
        %swap3A_242 = arith.constant 48 : index
        %swap3A_243 = tpu.vector_load %arg14[%swap3A_241, %swap3A_242] {strides = array<i32>} : memref<128x128xf32, #tpu.memory_space<vmem>>, vector<16xf32>,
        tpu.vector_store %arg14[%swap3A_241, %swap3A_242], %mul3A_238 {strides = array<i32>} : memref<128x128xf32, #tpu.memory_space<vmem>>, vector<16xf32>,
        %add3A_244 = arith.constant 1 : i32
        %add3A_245 = arith.addi %mul3A_135, %add3A_244 : i32
        %get3A_246 = arith.index_cast %add3A_245 : i32 to index
        %get3A_247 = arith.constant 64 : index
        %get3A_248 = tpu.vector_load %arg14[%get3A_246, %get3A_247] {strides = array<i32>} : memref<128x128xf32, #tpu.memory_space<vmem>>, vector<16xf32>,
        %mul3A_249 = arith.mulf %get3A_248, %gather3A_145 : vector<16xf32>
        %add3A_250 = arith.constant 1 : i32
        %add3A_251 = arith.addi %mul3A_135, %add3A_250 : i32
        %swap3A_252 = arith.index_cast %add3A_251 : i32 to index
        %swap3A_253 = arith.constant 64 : index
        %swap3A_254 = tpu.vector_load %arg14[%swap3A_252, %swap3A_253] {strides = array<i32>} : memref<128x128xf32, #tpu.memory_space<vmem>>, vector<16xf32>,
        tpu.vector_store %arg14[%swap3A_252, %swap3A_253], %mul3A_249 {strides = array<i32>} : memref<128x128xf32, #tpu.memory_space<vmem>>, vector<16xf32>,
        %add3A_255 = arith.constant 1 : i32
        %add3A_256 = arith.addi %mul3A_135, %add3A_255 : i32
        %get3A_257 = arith.index_cast %add3A_256 : i32 to index
        %get3A_258 = arith.constant 80 : index
        %get3A_259 = tpu.vector_load %arg14[%get3A_257, %get3A_258] {strides = array<i32>} : memref<128x128xf32, #tpu.memory_space<vmem>>, vector<16xf32>,
        %mul3A_260 = arith.mulf %get3A_259, %gather3A_145 : vector<16xf32>
        %add3A_261 = arith.constant 1 : i32
        %add3A_262 = arith.addi %mul3A_135, %add3A_261 : i32
        %swap3A_263 = arith.index_cast %add3A_262 : i32 to index
        %swap3A_264 = arith.constant 80 : index
        %swap3A_265 = tpu.vector_load %arg14[%swap3A_263, %swap3A_264] {strides = array<i32>} : memref<128x128xf32, #tpu.memory_space<vmem>>, vector<16xf32>,
        tpu.vector_store %arg14[%swap3A_263, %swap3A_264], %mul3A_260 {strides = array<i32>} : memref<128x128xf32, #tpu.memory_space<vmem>>, vector<16xf32>,
        %add3A_266 = arith.constant 1 : i32
        %add3A_267 = arith.addi %mul3A_135, %add3A_266 : i32
        %get3A_268 = arith.index_cast %add3A_267 : i32 to index
        %get3A_269 = arith.constant 96 : index
        %get3A_270 = tpu.vector_load %arg14[%get3A_268, %get3A_269] {strides = array<i32>} : memref<128x128xf32, #tpu.memory_space<vmem>>, vector<16xf32>,
        %mul3A_271 = arith.mulf %get3A_270, %gather3A_145 : vector<16xf32>
        %add3A_272 = arith.constant 1 : i32
        %add3A_273 = arith.addi %mul3A_135, %add3A_272 : i32
        %swap3A_274 = arith.index_cast %add3A_273 : i32 to index
        %swap3A_275 = arith.constant 96 : index
        %swap3A_276 = tpu.vector_load %arg14[%swap3A_274, %swap3A_275] {strides = array<i32>} : memref<128x128xf32, #tpu.memory_space<vmem>>, vector<16xf32>,
        tpu.vector_store %arg14[%swap3A_274, %swap3A_275], %mul3A_271 {strides = array<i32>} : memref<128x128xf32, #tpu.memory_space<vmem>>, vector<16xf32>,
        %add3A_277 = arith.constant 1 : i32
        %add3A_278 = arith.addi %mul3A_135, %add3A_277 : i32
        %get3A_279 = arith.index_cast %add3A_278 : i32 to index
        %get3A_280 = arith.constant 112 : index
        %get3A_281 = tpu.vector_load %arg14[%get3A_279, %get3A_280] {strides = array<i32>} : memref<128x128xf32, #tpu.memory_space<vmem>>, vector<16xf32>,
        %mul3A_282 = arith.mulf %get3A_281, %gather3A_145 : vector<16xf32>
        %add3A_283 = arith.constant 1 : i32
        %add3A_284 = arith.addi %mul3A_135, %add3A_283 : i32
        %swap3A_285 = arith.index_cast %add3A_284 : i32 to index
        %swap3A_286 = arith.constant 112 : index
        %swap3A_287 = tpu.vector_load %arg14[%swap3A_285, %swap3A_286] {strides = array<i32>} : memref<128x128xf32, #tpu.memory_space<vmem>>, vector<16xf32>,
        tpu.vector_store %arg14[%swap3A_285, %swap3A_286], %mul3A_282 {strides = array<i32>} : memref<128x128xf32, #tpu.memory_space<vmem>>, vector<16xf32>,
        %scan3A_288 = arith.constant 1 : i32
        %scan3A_289 = arith.addi %scan3A_133, %scan3A_288 : i32
        %mul3A_290 = arith.constant 2 : i32
        %mul3A_291 = arith.muli %mul3A_290, %scan3A_289 : i32
        %mul3A_292 = arith.constant 128 : i32
        %mul3A_293 = arith.muli %scan3A_119, %mul3A_292 : i32
        %add3A_294 = arith.addi %mul3A_293, %mul3A_291 : i32
        %broadcast_in_dim3A_295 = vector.broadcast %add3A_294 : i32 to vector<16xi32>
        %gather3A_296 = tpu.vector_load_idx %arg13[%broadcast_in_dim3A_295] : memref<10112xf32, #tpu.memory_space<vmem>>[vector<16xi32>], vector<16xf32>,
        %mul3A_297 = arith.constant 128 : i32
        %mul3A_298 = arith.muli %scan3A_119, %mul3A_297 : i32
        %add3A_299 = arith.addi %mul3A_298, %mul3A_291 : i32
        %add3A_300 = arith.constant 1 : i32
        %add3A_301 = arith.addi %add3A_299, %add3A_300 : i32
        %broadcast_in_dim3A_302 = vector.broadcast %add3A_301 : i32 to vector<16xi32>
        %gather3A_303 = tpu.vector_load_idx %arg13[%broadcast_in_dim3A_302] : memref<10112xf32, #tpu.memory_space<vmem>>[vector<16xi32>], vector<16xf32>,
        %get3A_304 = arith.index_cast %mul3A_291 : i32 to index
        %get3A_305 = arith.constant 0 : index
        %get3A_306 = tpu.vector_load %arg14[%get3A_304, %get3A_305] {strides = array<i32>} : memref<128x128xf32, #tpu.memory_space<vmem>>, vector<16xf32>,
        %mul3A_307 = arith.mulf %get3A_306, %gather3A_296 : vector<16xf32>
        %swap3A_308 = arith.index_cast %mul3A_291 : i32 to index
        %swap3A_309 = arith.constant 0 : index
        %swap3A_310 = tpu.vector_load %arg14[%swap3A_308, %swap3A_309] {strides = array<i32>} : memref<128x128xf32, #tpu.memory_space<vmem>>, vector<16xf32>,
        tpu.vector_store %arg14[%swap3A_308, %swap3A_309], %mul3A_307 {strides = array<i32>} : memref<128x128xf32, #tpu.memory_space<vmem>>, vector<16xf32>,
        %get3A_311 = arith.index_cast %mul3A_291 : i32 to index
        %get3A_312 = arith.constant 16 : index
        %get3A_313 = tpu.vector_load %arg14[%get3A_311, %get3A_312] {strides = array<i32>} : memref<128x128xf32, #tpu.memory_space<vmem>>, vector<16xf32>,
        %mul3A_314 = arith.mulf %get3A_313, %gather3A_296 : vector<16xf32>
        %swap3A_315 = arith.index_cast %mul3A_291 : i32 to index
        %swap3A_316 = arith.constant 16 : index
        %swap3A_317 = tpu.vector_load %arg14[%swap3A_315, %swap3A_316] {strides = array<i32>} : memref<128x128xf32, #tpu.memory_space<vmem>>, vector<16xf32>,
        tpu.vector_store %arg14[%swap3A_315, %swap3A_316], %mul3A_314 {strides = array<i32>} : memref<128x128xf32, #tpu.memory_space<vmem>>, vector<16xf32>,
        %get3A_318 = arith.index_cast %mul3A_291 : i32 to index
        %get3A_319 = arith.constant 32 : index
        %get3A_320 = tpu.vector_load %arg14[%get3A_318, %get3A_319] {strides = array<i32>} : memref<128x128xf32, #tpu.memory_space<vmem>>, vector<16xf32>,
        %mul3A_321 = arith.mulf %get3A_320, %gather3A_296 : vector<16xf32>
        %swap3A_322 = arith.index_cast %mul3A_291 : i32 to index
        %swap3A_323 = arith.constant 32 : index
        %swap3A_324 = tpu.vector_load %arg14[%swap3A_322, %swap3A_323] {strides = array<i32>} : memref<128x128xf32, #tpu.memory_space<vmem>>, vector<16xf32>,
        tpu.vector_store %arg14[%swap3A_322, %swap3A_323], %mul3A_321 {strides = array<i32>} : memref<128x128xf32, #tpu.memory_space<vmem>>, vector<16xf32>,
        %get3A_325 = arith.index_cast %mul3A_291 : i32 to index
        %get3A_326 = arith.constant 48 : index
        %get3A_327 = tpu.vector_load %arg14[%get3A_325, %get3A_326] {strides = array<i32>} : memref<128x128xf32, #tpu.memory_space<vmem>>, vector<16xf32>,
        %mul3A_328 = arith.mulf %get3A_327, %gather3A_296 : vector<16xf32>
        %swap3A_329 = arith.index_cast %mul3A_291 : i32 to index
        %swap3A_330 = arith.constant 48 : index
        %swap3A_331 = tpu.vector_load %arg14[%swap3A_329, %swap3A_330] {strides = array<i32>} : memref<128x128xf32, #tpu.memory_space<vmem>>, vector<16xf32>,
        tpu.vector_store %arg14[%swap3A_329, %swap3A_330], %mul3A_328 {strides = array<i32>} : memref<128x128xf32, #tpu.memory_space<vmem>>, vector<16xf32>,
        %get3A_332 = arith.index_cast %mul3A_291 : i32 to index
        %get3A_333 = arith.constant 64 : index
        %get3A_334 = tpu.vector_load %arg14[%get3A_332, %get3A_333] {strides = array<i32>} : memref<128x128xf32, #tpu.memory_space<vmem>>, vector<16xf32>,
        %mul3A_335 = arith.mulf %get3A_334, %gather3A_296 : vector<16xf32>
        %swap3A_336 = arith.index_cast %mul3A_291 : i32 to index
        %swap3A_337 = arith.constant 64 : index
        %swap3A_338 = tpu.vector_load %arg14[%swap3A_336, %swap3A_337] {strides = array<i32>} : memref<128x128xf32, #tpu.memory_space<vmem>>, vector<16xf32>,
        tpu.vector_store %arg14[%swap3A_336, %swap3A_337], %mul3A_335 {strides = array<i32>} : memref<128x128xf32, #tpu.memory_space<vmem>>, vector<16xf32>,
        %get3A_339 = arith.index_cast %mul3A_291 : i32 to index
        %get3A_340 = arith.constant 80 : index
        %get3A_341 = tpu.vector_load %arg14[%get3A_339, %get3A_340] {strides = array<i32>} : memref<128x128xf32, #tpu.memory_space<vmem>>, vector<16xf32>,
        %mul3A_342 = arith.mulf %get3A_341, %gather3A_296 : vector<16xf32>
        %swap3A_343 = arith.index_cast %mul3A_291 : i32 to index
        %swap3A_344 = arith.constant 80 : index
        %swap3A_345 = tpu.vector_load %arg14[%swap3A_343, %swap3A_344] {strides = array<i32>} : memref<128x128xf32, #tpu.memory_space<vmem>>, vector<16xf32>,
        tpu.vector_store %arg14[%swap3A_343, %swap3A_344], %mul3A_342 {strides = array<i32>} : memref<128x128xf32, #tpu.memory_space<vmem>>, vector<16xf32>,
        %get3A_346 = arith.index_cast %mul3A_291 : i32 to index
        %get3A_347 = arith.constant 96 : index
        %get3A_348 = tpu.vector_load %arg14[%get3A_346, %get3A_347] {strides = array<i32>} : memref<128x128xf32, #tpu.memory_space<vmem>>, vector<16xf32>,
        %mul3A_349 = arith.mulf %get3A_348, %gather3A_296 : vector<16xf32>
        %swap3A_350 = arith.index_cast %mul3A_291 : i32 to index
        %swap3A_351 = arith.constant 96 : index
        %swap3A_352 = tpu.vector_load %arg14[%swap3A_350, %swap3A_351] {strides = array<i32>} : memref<128x128xf32, #tpu.memory_space<vmem>>, vector<16xf32>,
        tpu.vector_store %arg14[%swap3A_350, %swap3A_351], %mul3A_349 {strides = array<i32>} : memref<128x128xf32, #tpu.memory_space<vmem>>, vector<16xf32>,
        %get3A_353 = arith.index_cast %mul3A_291 : i32 to index
        %get3A_354 = arith.constant 112 : index
        %get3A_355 = tpu.vector_load %arg14[%get3A_353, %get3A_354] {strides = array<i32>} : memref<128x128xf32, #tpu.memory_space<vmem>>, vector<16xf32>,
        %mul3A_356 = arith.mulf %get3A_355, %gather3A_296 : vector<16xf32>
        %swap3A_357 = arith.index_cast %mul3A_291 : i32 to index
        %swap3A_358 = arith.constant 112 : index
        %swap3A_359 = tpu.vector_load %arg14[%swap3A_357, %swap3A_358] {strides = array<i32>} : memref<128x128xf32, #tpu.memory_space<vmem>>, vector<16xf32>,
        tpu.vector_store %arg14[%swap3A_357, %swap3A_358], %mul3A_356 {strides = array<i32>} : memref<128x128xf32, #tpu.memory_space<vmem>>, vector<16xf32>,
        %add3A_360 = arith.constant 1 : i32
        %add3A_361 = arith.addi %mul3A_291, %add3A_360 : i32
        %get3A_362 = arith.index_cast %add3A_361 : i32 to index
        %get3A_363 = arith.constant 0 : index
        %get3A_364 = tpu.vector_load %arg14[%get3A_362, %get3A_363] {strides = array<i32>} : memref<128x128xf32, #tpu.memory_space<vmem>>, vector<16xf32>,
        %mul3A_365 = arith.mulf %get3A_364, %gather3A_303 : vector<16xf32>
        %add3A_366 = arith.constant 1 : i32
        %add3A_367 = arith.addi %mul3A_291, %add3A_366 : i32
        %swap3A_368 = arith.index_cast %add3A_367 : i32 to index
        %swap3A_369 = arith.constant 0 : index
        %swap3A_370 = tpu.vector_load %arg14[%swap3A_368, %swap3A_369] {strides = array<i32>} : memref<128x128xf32, #tpu.memory_space<vmem>>, vector<16xf32>,
        tpu.vector_store %arg14[%swap3A_368, %swap3A_369], %mul3A_365 {strides = array<i32>} : memref<128x128xf32, #tpu.memory_space<vmem>>, vector<16xf32>,
        %add3A_371 = arith.constant 1 : i32
        %add3A_372 = arith.addi %mul3A_291, %add3A_371 : i32
        %get3A_373 = arith.index_cast %add3A_372 : i32 to index
        %get3A_374 = arith.constant 16 : index
        %get3A_375 = tpu.vector_load %arg14[%get3A_373, %get3A_374] {strides = array<i32>} : memref<128x128xf32, #tpu.memory_space<vmem>>, vector<16xf32>,
        %mul3A_376 = arith.mulf %get3A_375, %gather3A_303 : vector<16xf32>
        %add3A_377 = arith.constant 1 : i32
        %add3A_378 = arith.addi %mul3A_291, %add3A_377 : i32
        %swap3A_379 = arith.index_cast %add3A_378 : i32 to index
        %swap3A_380 = arith.constant 16 : index
        %swap3A_381 = tpu.vector_load %arg14[%swap3A_379, %swap3A_380] {strides = array<i32>} : memref<128x128xf32, #tpu.memory_space<vmem>>, vector<16xf32>,
        tpu.vector_store %arg14[%swap3A_379, %swap3A_380], %mul3A_376 {strides = array<i32>} : memref<128x128xf32, #tpu.memory_space<vmem>>, vector<16xf32>,
        %add3A_382 = arith.constant 1 : i32
        %add3A_383 = arith.addi %mul3A_291, %add3A_382 : i32
        %get3A_384 = arith.index_cast %add3A_383 : i32 to index
        %get3A_385 = arith.constant 32 : index
        %get3A_386 = tpu.vector_load %arg14[%get3A_384, %get3A_385] {strides = array<i32>} : memref<128x128xf32, #tpu.memory_space<vmem>>, vector<16xf32>,
        %mul3A_387 = arith.mulf %get3A_386, %gather3A_303 : vector<16xf32>
        %add3A_388 = arith.constant 1 : i32
        %add3A_389 = arith.addi %mul3A_291, %add3A_388 : i32
        %swap3A_390 = arith.index_cast %add3A_389 : i32 to index
        %swap3A_391 = arith.constant 32 : index
        %swap3A_392 = tpu.vector_load %arg14[%swap3A_390, %swap3A_391] {strides = array<i32>} : memref<128x128xf32, #tpu.memory_space<vmem>>, vector<16xf32>,
        tpu.vector_store %arg14[%swap3A_390, %swap3A_391], %mul3A_387 {strides = array<i32>} : memref<128x128xf32, #tpu.memory_space<vmem>>, vector<16xf32>,
        %add3A_393 = arith.constant 1 : i32
        %add3A_394 = arith.addi %mul3A_291, %add3A_393 : i32
        %get3A_395 = arith.index_cast %add3A_394 : i32 to index
        %get3A_396 = arith.constant 48 : index
        %get3A_397 = tpu.vector_load %arg14[%get3A_395, %get3A_396] {strides = array<i32>} : memref<128x128xf32, #tpu.memory_space<vmem>>, vector<16xf32>,
        %mul3A_398 = arith.mulf %get3A_397, %gather3A_303 : vector<16xf32>
        %add3A_399 = arith.constant 1 : i32
        %add3A_400 = arith.addi %mul3A_291, %add3A_399 : i32
        %swap3A_401 = arith.index_cast %add3A_400 : i32 to index
        %swap3A_402 = arith.constant 48 : index
        %swap3A_403 = tpu.vector_load %arg14[%swap3A_401, %swap3A_402] {strides = array<i32>} : memref<128x128xf32, #tpu.memory_space<vmem>>, vector<16xf32>,
        tpu.vector_store %arg14[%swap3A_401, %swap3A_402], %mul3A_398 {strides = array<i32>} : memref<128x128xf32, #tpu.memory_space<vmem>>, vector<16xf32>,
        %add3A_404 = arith.constant 1 : i32
        %add3A_405 = arith.addi %mul3A_291, %add3A_404 : i32
        %get3A_406 = arith.index_cast %add3A_405 : i32 to index
        %get3A_407 = arith.constant 64 : index
        %get3A_408 = tpu.vector_load %arg14[%get3A_406, %get3A_407] {strides = array<i32>} : memref<128x128xf32, #tpu.memory_space<vmem>>, vector<16xf32>,
        %mul3A_409 = arith.mulf %get3A_408, %gather3A_303 : vector<16xf32>
        %add3A_410 = arith.constant 1 : i32
        %add3A_411 = arith.addi %mul3A_291, %add3A_410 : i32
        %swap3A_412 = arith.index_cast %add3A_411 : i32 to index
        %swap3A_413 = arith.constant 64 : index
        %swap3A_414 = tpu.vector_load %arg14[%swap3A_412, %swap3A_413] {strides = array<i32>} : memref<128x128xf32, #tpu.memory_space<vmem>>, vector<16xf32>,
        tpu.vector_store %arg14[%swap3A_412, %swap3A_413], %mul3A_409 {strides = array<i32>} : memref<128x128xf32, #tpu.memory_space<vmem>>, vector<16xf32>,
        %add3A_415 = arith.constant 1 : i32
        %add3A_416 = arith.addi %mul3A_291, %add3A_415 : i32
        %get3A_417 = arith.index_cast %add3A_416 : i32 to index
        %get3A_418 = arith.constant 80 : index
        %get3A_419 = tpu.vector_load %arg14[%get3A_417, %get3A_418] {strides = array<i32>} : memref<128x128xf32, #tpu.memory_space<vmem>>, vector<16xf32>,
        %mul3A_420 = arith.mulf %get3A_419, %gather3A_303 : vector<16xf32>
        %add3A_421 = arith.constant 1 : i32
        %add3A_422 = arith.addi %mul3A_291, %add3A_421 : i32
        %swap3A_423 = arith.index_cast %add3A_422 : i32 to index
        %swap3A_424 = arith.constant 80 : index
        %swap3A_425 = tpu.vector_load %arg14[%swap3A_423, %swap3A_424] {strides = array<i32>} : memref<128x128xf32, #tpu.memory_space<vmem>>, vector<16xf32>,
        tpu.vector_store %arg14[%swap3A_423, %swap3A_424], %mul3A_420 {strides = array<i32>} : memref<128x128xf32, #tpu.memory_space<vmem>>, vector<16xf32>,
        %add3A_426 = arith.constant 1 : i32
        %add3A_427 = arith.addi %mul3A_291, %add3A_426 : i32
        %get3A_428 = arith.index_cast %add3A_427 : i32 to index
        %get3A_429 = arith.constant 96 : index
        %get3A_430 = tpu.vector_load %arg14[%get3A_428, %get3A_429] {strides = array<i32>} : memref<128x128xf32, #tpu.memory_space<vmem>>, vector<16xf32>,
        %mul3A_431 = arith.mulf %get3A_430, %gather3A_303 : vector<16xf32>
        %add3A_432 = arith.constant 1 : i32
        %add3A_433 = arith.addi %mul3A_291, %add3A_432 : i32
        %swap3A_434 = arith.index_cast %add3A_433 : i32 to index
        %swap3A_435 = arith.constant 96 : index
        %swap3A_436 = tpu.vector_load %arg14[%swap3A_434, %swap3A_435] {strides = array<i32>} : memref<128x128xf32, #tpu.memory_space<vmem>>, vector<16xf32>,
        tpu.vector_store %arg14[%swap3A_434, %swap3A_435], %mul3A_431 {strides = array<i32>} : memref<128x128xf32, #tpu.memory_space<vmem>>, vector<16xf32>,
        %add3A_437 = arith.constant 1 : i32
        %add3A_438 = arith.addi %mul3A_291, %add3A_437 : i32
        %get3A_439 = arith.index_cast %add3A_438 : i32 to index
        %get3A_440 = arith.constant 112 : index
        %get3A_441 = tpu.vector_load %arg14[%get3A_439, %get3A_440] {strides = array<i32>} : memref<128x128xf32, #tpu.memory_space<vmem>>, vector<16xf32>,
        %mul3A_442 = arith.mulf %get3A_441, %gather3A_303 : vector<16xf32>
        %add3A_443 = arith.constant 1 : i32
        %add3A_444 = arith.addi %mul3A_291, %add3A_443 : i32
        %swap3A_445 = arith.index_cast %add3A_444 : i32 to index
        %swap3A_446 = arith.constant 112 : index
        %swap3A_447 = tpu.vector_load %arg14[%swap3A_445, %swap3A_446] {strides = array<i32>} : memref<128x128xf32, #tpu.memory_space<vmem>>, vector<16xf32>,
        tpu.vector_store %arg14[%swap3A_445, %swap3A_446], %mul3A_442 {strides = array<i32>} : memref<128x128xf32, #tpu.memory_space<vmem>>, vector<16xf32>,
      }
      %scan3A_132 = arith.constant 64 : i32
      "tpu.region"() ({
        %run_scoped3A = tpu.sem_alloc : memref<!tpu.dma_semaphore, #tpu.memory_space<semaphore_mem>>
        %dma_start3A_133 = arith.constant 0 : i32
        %dma_start3A_134 = tpu.memref_slice %arg12[%scan3A_119, %dma_start3A_133] : memref<79x128xi32, #tpu.memory_space<vmem>> -> memref<1x128xi32, #tpu.memory_space<vmem>>
        %dma_start3A_135 = tpu.memref_squeeze %dma_start3A_134 : memref<1x128xi32, #tpu.memory_space<vmem>> -> memref<128xi32, #tpu.memory_space<vmem>>
        %dma_start3A_136 = arith.constant 0 : i32
        %dma_start3A_137 = arith.constant 0 : i32
        %dma_start3A_138 = tpu.memref_slice %arg20[%dma_start3A_136, %dma_start3A_137] : memref<10240x128xf32, #tpu.memory_space<vmem_shared>> -> memref<10240x128xf32, #tpu.memory_space<vmem_shared>>
        tpu.enqueue_indirect_dma source(%arg14 : memref<128x128xf32, #tpu.memory_space<vmem>>) target(%dma_start3A_138 : memref<10240x128xf32, #tpu.memory_space<vmem_shared>>) offsets(%dma_start3A_135 : memref<128xi32, #tpu.memory_space<vmem>>) semaphore(%run_scoped3A : memref<!tpu.dma_semaphore, #tpu.memory_space<semaphore_mem>>) {add = true}
        %dma_wait3A_139 = arith.constant 0 : i32
        %dma_wait3A_140 = tpu.memref_slice %arg12[%scan3A_119, %dma_wait3A_139] : memref<79x128xi32, #tpu.memory_space<vmem>> -> memref<1x128xi32, #tpu.memory_space<vmem>>
        %dma_wait3A_141 = tpu.memref_squeeze %dma_wait3A_140 : memref<1x128xi32, #tpu.memory_space<vmem>> -> memref<128xi32, #tpu.memory_space<vmem>>
        %dma_wait3A_142 = arith.constant 0 : i32
        %dma_wait3A_143 = arith.constant 0 : i32
        %dma_wait3A_144 = tpu.memref_slice %arg20[%dma_wait3A_142, %dma_wait3A_143] : memref<10240x128xf32, #tpu.memory_space<vmem_shared>> -> memref<10240x128xf32, #tpu.memory_space<vmem_shared>>
        tpu.wait_indirect_dma semaphore(%run_scoped3A : memref<!tpu.dma_semaphore, #tpu.memory_space<semaphore_mem>>) src(%arg14 : memref<128x128xf32, #tpu.memory_space<vmem>>) dst(%dma_wait3A_144 : memref<10240x128xf32, #tpu.memory_space<vmem_shared>>)
        tpu.yield
      }) : () -> ()
    }
    %scan3A_111 = arith.constant 79 : i32
    %barrier3A_112 = arith.constant 0 : index
    tpu.barrier barrier_id(%barrier3A_112)
    %scan3A_113 = arith.constant 0 : i32
    %scan3A_114 = arith.constant 5 : i32
    %scan3A_115 = arith.addi %scan3A_113, %scan3A_114 : i32
    %scan3A_116 = arith.constant 1 : i32
    scf.for %scan3A_119 = %scan3A_113 to %scan3A_115 step %scan3A_116  : i32 {
      %mul3A_120 = arith.constant 128 : i32
      %mul3A_121 = arith.muli %scan3A_119, %mul3A_120 : i32
      %add3A_122 = arith.addi %mul3A_0, %mul3A_121 : i32
      %mul3A_123 = arith.constant 128 : i32
      %mul3A_124 = arith.muli %scan3A_119, %mul3A_123 : i32
      %add3A_125 = arith.addi %mul3A_0, %mul3A_124 : i32
      "tpu.region"() ({
        %run_scoped3A = tpu.sem_alloc : memref<!tpu.dma_semaphore, #tpu.memory_space<semaphore_mem>>
        %dma_start3A = arith.constant 0 : i32
        %dma_start3A_126 = tpu.memref_slice %arg9[%add3A_55, %add3A_125, %dma_start3A] : memref<4x10240x128xf32, #tpu.memory_space<hbm>> -> memref<1x128x128xf32, #tpu.memory_space<hbm>>
        %dma_start3A_127 = tpu.memref_squeeze %dma_start3A_126 : memref<1x128x128xf32, #tpu.memory_space<hbm>> -> memref<128x128xf32, #tpu.memory_space<hbm>>
        %dma_start3A_128 = arith.constant 0 : i32
        %dma_start3A_129 = tpu.memref_slice %arg20[%add3A_122, %dma_start3A_128] : memref<10240x128xf32, #tpu.memory_space<vmem_shared>> -> memref<128x128xf32, #tpu.memory_space<vmem_shared>>
        tpu.enqueue_dma source(%dma_start3A_129 : memref<128x128xf32, #tpu.memory_space<vmem_shared>>) target(%dma_start3A_127 : memref<128x128xf32, #tpu.memory_space<hbm>>) target_semaphore(%run_scoped3A : memref<!tpu.dma_semaphore, #tpu.memory_space<semaphore_mem>>)
        %dma_wait3A = arith.constant 0 : i32
        %dma_wait3A_130 = tpu.memref_slice %arg9[%add3A_55, %add3A_125, %dma_wait3A] : memref<4x10240x128xf32, #tpu.memory_space<hbm>> -> memref<1x128x128xf32, #tpu.memory_space<hbm>>
        %dma_wait3A_131 = tpu.memref_squeeze %dma_wait3A_130 : memref<1x128x128xf32, #tpu.memory_space<hbm>> -> memref<128x128xf32, #tpu.memory_space<hbm>>
        %dma_wait3A_132 = arith.constant 0 : i32
        %dma_wait3A_133 = tpu.memref_slice %arg20[%add3A_122, %dma_wait3A_132] : memref<10240x128xf32, #tpu.memory_space<vmem_shared>> -> memref<128x128xf32, #tpu.memory_space<vmem_shared>>
        tpu.wait_dma2 semaphore(%run_scoped3A : memref<!tpu.dma_semaphore, #tpu.memory_space<semaphore_mem>>) src(%dma_wait3A_133 : memref<128x128xf32, #tpu.memory_space<vmem_shared>>) dst(%dma_wait3A_131 : memref<128x128xf32, #tpu.memory_space<hbm>>)
        tpu.yield
      }) : () -> ()
    }
    %scan3A_117 = arith.constant 5 : i32
    %barrier3A_118 = arith.constant 0 : index
    tpu.barrier barrier_id(%barrier3A_118)
    return
  }
}

module attributes {stable_mosaic.version = 14 : i64} {
  func.func @_mm0_body(%arg0: i32, %arg1: memref<1024x256xf32, #tpu.memory_space<vmem>>, %arg2: memref<256x512xf32, #tpu.memory_space<vmem>>, %arg3: memref<256x512xf32, #tpu.memory_space<vmem>>, %arg4: memref<4x128xf32, #tpu.memory_space<vmem>>, %arg5: memref<4x128xf32, #tpu.memory_space<vmem>>, %arg6: memref<4x1024x128xf32, #tpu.memory_space<vmem>>, %arg7: memref<4x1024xf32, #tpu.memory_space<vmem>>, %arg8: memref<4x1024xf32, #tpu.memory_space<vmem>>, %arg9: memref<1024x512xf32, #tpu.memory_space<vmem>>) attributes {dimension_semantics = [#tpu.dimension_semantics<arbitrary>], iteration_bounds = array<i64: 10>, scalar_prefetch = 0 : i64, scratch_operands = 0 : i64, tpu.core_type = #tpu.core_type<tc>, window_params = [{transform_indices = @transform_0, window_bounds = array<i64: 1024, 256>}, {pipeline_mode = #tpu.pipeline_mode<synchronous>, transform_indices = @transform_1, window_bounds = array<i64: 256, 512>}, {pipeline_mode = #tpu.pipeline_mode<synchronous>, transform_indices = @transform_2, window_bounds = array<i64: 256, 512>}, {pipeline_mode = #tpu.pipeline_mode<synchronous>, transform_indices = @transform_3, window_bounds = array<i64: 4, 128>}, {pipeline_mode = #tpu.pipeline_mode<synchronous>, transform_indices = @transform_4, window_bounds = array<i64: 4, 128>}, {transform_indices = @transform_5, window_bounds = array<i64: 4, 1024, 128>}, {transform_indices = @transform_6, window_bounds = array<i64: 4, 1024>}, {transform_indices = @transform_7, window_bounds = array<i64: 4, 1024>}, {transform_indices = @transform_8, window_bounds = array<i64: 1024, 512>}]} {
    %get3A = arith.constant 0 : index
    %get3A_0 = arith.constant 0 : index
    %get3A_1 = vector.load %arg1[%get3A, %get3A_0] : memref<1024x256xf32, #tpu.memory_space<vmem>>, vector<1024x256xf32>
    %get3A_2 = arith.constant 0 : index
    %get3A_3 = arith.constant 0 : index
    %get3A_4 = vector.load %arg2[%get3A_2, %get3A_3] : memref<256x512xf32, #tpu.memory_space<vmem>>, vector<256x512xf32>
    %dot_general3A = arith.constant dense<0.000000e+00> : vector<1024x512xf32>
    %dot_general3A_5 = tpu.matmul %get3A_1, %get3A_4, %dot_general3A {dimension_numbers = #tpu.dot_dimension_numbers<[1], [0], [0], [1], [0, 0, 1, 1], [], []>, transpose_lhs_hint = false} : vector<1024x256xf32>, vector<256x512xf32>, vector<1024x512xf32> -> vector<1024x512xf32>
    %get3A_6 = arith.constant 0 : index
    %get3A_7 = arith.constant 0 : index
    %get3A_8 = vector.load %arg3[%get3A_6, %get3A_7] : memref<256x512xf32, #tpu.memory_space<vmem>>, vector<256x512xf32>
    %dot_general3A_9 = arith.constant dense<0.000000e+00> : vector<1024x512xf32>
    %dot_general3A_10 = tpu.matmul %get3A_1, %get3A_8, %dot_general3A_9 {dimension_numbers = #tpu.dot_dimension_numbers<[1], [0], [0], [1], [0, 0, 1, 1], [], []>, transpose_lhs_hint = false} : vector<1024x256xf32>, vector<256x512xf32>, vector<1024x512xf32> -> vector<1024x512xf32>
    %swap3A = arith.constant 0 : index
    %swap3A_11 = arith.constant 0 : index
    %swap3A_12 = vector.load %arg9[%swap3A, %swap3A_11] : memref<1024x512xf32, #tpu.memory_space<vmem>>, vector<1024x512xf32>
    tpu.vector_store %arg9[%swap3A, %swap3A_11], %dot_general3A_10 {strides = array<i32>} : memref<1024x512xf32, #tpu.memory_space<vmem>>, vector<1024x512xf32>,
    %get3A_13 = arith.constant 0 : index
    %get3A_14 = arith.constant 0 : index
    %get3A_15 = vector.load %arg4[%get3A_13, %get3A_14] : memref<4x128xf32, #tpu.memory_space<vmem>>, vector<4x128xf32>
    %get3A_16 = arith.constant 0 : index
    %get3A_17 = arith.constant 0 : index
    %get3A_18 = vector.load %arg5[%get3A_16, %get3A_17] : memref<4x128xf32, #tpu.memory_space<vmem>>, vector<4x128xf32>
    %slice3A = vector.extract_strided_slice %dot_general3A_5 {offsets = [0, 0], sizes = [1024, 128], strides = [1, 1]} : vector<1024x512xf32> to vector<1024x128xf32>
    %swap3A_19 = arith.constant 0 : index
    %swap3A_20 = arith.constant 0 : index
    %swap3A_21 = arith.constant 0 : index
    %swap3A_22 = vector.load %arg6[%swap3A_19, %swap3A_20, %swap3A_21] : memref<4x1024x128xf32, #tpu.memory_space<vmem>>, vector<1x1024x128xf32>
    %swap3A_23 = vector.shape_cast %swap3A_22 : vector<1x1024x128xf32> to vector<1024x128xf32>
    %swap3A_24 = vector.shape_cast %slice3A : vector<1024x128xf32> to vector<1x1024x128xf32>
    tpu.vector_store %arg6[%swap3A_19, %swap3A_20, %swap3A_21], %swap3A_24 {strides = array<i32>} : memref<4x1024x128xf32, #tpu.memory_space<vmem>>, vector<1x1024x128xf32>,
    %slice3A_25 = vector.extract_strided_slice %get3A_15 {offsets = [0, 0], sizes = [1, 128], strides = [1, 1]} : vector<4x128xf32> to vector<1x128xf32>
    %squeeze3A = vector.shape_cast %slice3A_25 : vector<1x128xf32> to vector<128xf32>
    %broadcast_in_dim3A = vector.shape_cast %squeeze3A : vector<128xf32> to vector<1x128xf32>
    %mul3A = vector.broadcast %broadcast_in_dim3A : vector<1x128xf32> to vector<1024x128xf32>
    %mul3A_26 = arith.mulf %slice3A, %mul3A : vector<1024x128xf32>
    %reduce_sum3A = arith.constant dense<0.000000e+00> : vector<1024xf32>
    %reduce_sum3A_27 = vector.multi_reduction <add>, %mul3A_26, %reduce_sum3A [1] : vector<1024x128xf32> to vector<1024xf32>
    %swap3A_28 = arith.constant 0 : index
    %swap3A_29 = arith.constant 0 : index
    %swap3A_30 = vector.load %arg7[%swap3A_28, %swap3A_29] : memref<4x1024xf32, #tpu.memory_space<vmem>>, vector<1x1024xf32>
    %swap3A_31 = vector.shape_cast %swap3A_30 : vector<1x1024xf32> to vector<1024xf32>
    %swap3A_32 = vector.shape_cast %reduce_sum3A_27 : vector<1024xf32> to vector<1x1024xf32>
    tpu.vector_store %arg7[%swap3A_28, %swap3A_29], %swap3A_32 {strides = array<i32>} : memref<4x1024xf32, #tpu.memory_space<vmem>>, vector<1x1024xf32>,
    %slice3A_33 = vector.extract_strided_slice %get3A_18 {offsets = [0, 0], sizes = [1, 128], strides = [1, 1]} : vector<4x128xf32> to vector<1x128xf32>
    %squeeze3A_34 = vector.shape_cast %slice3A_33 : vector<1x128xf32> to vector<128xf32>
    %broadcast_in_dim3A_35 = vector.shape_cast %squeeze3A_34 : vector<128xf32> to vector<1x128xf32>
    %mul3A_36 = vector.broadcast %broadcast_in_dim3A_35 : vector<1x128xf32> to vector<1024x128xf32>
    %mul3A_37 = arith.mulf %slice3A, %mul3A_36 : vector<1024x128xf32>
    %reduce_sum3A_38 = arith.constant dense<0.000000e+00> : vector<1024xf32>
    %reduce_sum3A_39 = vector.multi_reduction <add>, %mul3A_37, %reduce_sum3A_38 [1] : vector<1024x128xf32> to vector<1024xf32>
    %swap3A_40 = arith.constant 0 : index
    %swap3A_41 = arith.constant 0 : index
    %swap3A_42 = vector.load %arg8[%swap3A_40, %swap3A_41] : memref<4x1024xf32, #tpu.memory_space<vmem>>, vector<1x1024xf32>
    %swap3A_43 = vector.shape_cast %swap3A_42 : vector<1x1024xf32> to vector<1024xf32>
    %swap3A_44 = vector.shape_cast %reduce_sum3A_39 : vector<1024xf32> to vector<1x1024xf32>
    tpu.vector_store %arg8[%swap3A_40, %swap3A_41], %swap3A_44 {strides = array<i32>} : memref<4x1024xf32, #tpu.memory_space<vmem>>, vector<1x1024xf32>,
    %slice3A_45 = vector.extract_strided_slice %dot_general3A_5 {offsets = [0, 128], sizes = [1024, 128], strides = [1, 1]} : vector<1024x512xf32> to vector<1024x128xf32>
    %swap3A_46 = arith.constant 1 : index
    %swap3A_47 = arith.constant 0 : index
    %swap3A_48 = arith.constant 0 : index
    %swap3A_49 = vector.load %arg6[%swap3A_46, %swap3A_47, %swap3A_48] : memref<4x1024x128xf32, #tpu.memory_space<vmem>>, vector<1x1024x128xf32>
    %swap3A_50 = vector.shape_cast %swap3A_49 : vector<1x1024x128xf32> to vector<1024x128xf32>
    %swap3A_51 = vector.shape_cast %slice3A_45 : vector<1024x128xf32> to vector<1x1024x128xf32>
    tpu.vector_store %arg6[%swap3A_46, %swap3A_47, %swap3A_48], %swap3A_51 {strides = array<i32>} : memref<4x1024x128xf32, #tpu.memory_space<vmem>>, vector<1x1024x128xf32>,
    %slice3A_52 = vector.extract_strided_slice %get3A_15 {offsets = [1, 0], sizes = [1, 128], strides = [1, 1]} : vector<4x128xf32> to vector<1x128xf32>
    %squeeze3A_53 = vector.shape_cast %slice3A_52 : vector<1x128xf32> to vector<128xf32>
    %broadcast_in_dim3A_54 = vector.shape_cast %squeeze3A_53 : vector<128xf32> to vector<1x128xf32>
    %mul3A_55 = vector.broadcast %broadcast_in_dim3A_54 : vector<1x128xf32> to vector<1024x128xf32>
    %mul3A_56 = arith.mulf %slice3A_45, %mul3A_55 : vector<1024x128xf32>
    %reduce_sum3A_57 = arith.constant dense<0.000000e+00> : vector<1024xf32>
    %reduce_sum3A_58 = vector.multi_reduction <add>, %mul3A_56, %reduce_sum3A_57 [1] : vector<1024x128xf32> to vector<1024xf32>
    %swap3A_59 = arith.constant 1 : index
    %swap3A_60 = arith.constant 0 : index
    %swap3A_61 = vector.load %arg7[%swap3A_59, %swap3A_60] : memref<4x1024xf32, #tpu.memory_space<vmem>>, vector<1x1024xf32>
    %swap3A_62 = vector.shape_cast %swap3A_61 : vector<1x1024xf32> to vector<1024xf32>
    %swap3A_63 = vector.shape_cast %reduce_sum3A_58 : vector<1024xf32> to vector<1x1024xf32>
    tpu.vector_store %arg7[%swap3A_59, %swap3A_60], %swap3A_63 {strides = array<i32>} : memref<4x1024xf32, #tpu.memory_space<vmem>>, vector<1x1024xf32>,
    %slice3A_64 = vector.extract_strided_slice %get3A_18 {offsets = [1, 0], sizes = [1, 128], strides = [1, 1]} : vector<4x128xf32> to vector<1x128xf32>
    %squeeze3A_65 = vector.shape_cast %slice3A_64 : vector<1x128xf32> to vector<128xf32>
    %broadcast_in_dim3A_66 = vector.shape_cast %squeeze3A_65 : vector<128xf32> to vector<1x128xf32>
    %mul3A_67 = vector.broadcast %broadcast_in_dim3A_66 : vector<1x128xf32> to vector<1024x128xf32>
    %mul3A_68 = arith.mulf %slice3A_45, %mul3A_67 : vector<1024x128xf32>
    %reduce_sum3A_69 = arith.constant dense<0.000000e+00> : vector<1024xf32>
    %reduce_sum3A_70 = vector.multi_reduction <add>, %mul3A_68, %reduce_sum3A_69 [1] : vector<1024x128xf32> to vector<1024xf32>
    %swap3A_71 = arith.constant 1 : index
    %swap3A_72 = arith.constant 0 : index
    %swap3A_73 = vector.load %arg8[%swap3A_71, %swap3A_72] : memref<4x1024xf32, #tpu.memory_space<vmem>>, vector<1x1024xf32>
    %swap3A_74 = vector.shape_cast %swap3A_73 : vector<1x1024xf32> to vector<1024xf32>
    %swap3A_75 = vector.shape_cast %reduce_sum3A_70 : vector<1024xf32> to vector<1x1024xf32>
    tpu.vector_store %arg8[%swap3A_71, %swap3A_72], %swap3A_75 {strides = array<i32>} : memref<4x1024xf32, #tpu.memory_space<vmem>>, vector<1x1024xf32>,
    %slice3A_76 = vector.extract_strided_slice %dot_general3A_5 {offsets = [0, 256], sizes = [1024, 128], strides = [1, 1]} : vector<1024x512xf32> to vector<1024x128xf32>
    %swap3A_77 = arith.constant 2 : index
    %swap3A_78 = arith.constant 0 : index
    %swap3A_79 = arith.constant 0 : index
    %swap3A_80 = vector.load %arg6[%swap3A_77, %swap3A_78, %swap3A_79] : memref<4x1024x128xf32, #tpu.memory_space<vmem>>, vector<1x1024x128xf32>
    %swap3A_81 = vector.shape_cast %swap3A_80 : vector<1x1024x128xf32> to vector<1024x128xf32>
    %swap3A_82 = vector.shape_cast %slice3A_76 : vector<1024x128xf32> to vector<1x1024x128xf32>
    tpu.vector_store %arg6[%swap3A_77, %swap3A_78, %swap3A_79], %swap3A_82 {strides = array<i32>} : memref<4x1024x128xf32, #tpu.memory_space<vmem>>, vector<1x1024x128xf32>,
    %slice3A_83 = vector.extract_strided_slice %get3A_15 {offsets = [2, 0], sizes = [1, 128], strides = [1, 1]} : vector<4x128xf32> to vector<1x128xf32>
    %squeeze3A_84 = vector.shape_cast %slice3A_83 : vector<1x128xf32> to vector<128xf32>
    %broadcast_in_dim3A_85 = vector.shape_cast %squeeze3A_84 : vector<128xf32> to vector<1x128xf32>
    %mul3A_86 = vector.broadcast %broadcast_in_dim3A_85 : vector<1x128xf32> to vector<1024x128xf32>
    %mul3A_87 = arith.mulf %slice3A_76, %mul3A_86 : vector<1024x128xf32>
    %reduce_sum3A_88 = arith.constant dense<0.000000e+00> : vector<1024xf32>
    %reduce_sum3A_89 = vector.multi_reduction <add>, %mul3A_87, %reduce_sum3A_88 [1] : vector<1024x128xf32> to vector<1024xf32>
    %swap3A_90 = arith.constant 2 : index
    %swap3A_91 = arith.constant 0 : index
    %swap3A_92 = vector.load %arg7[%swap3A_90, %swap3A_91] : memref<4x1024xf32, #tpu.memory_space<vmem>>, vector<1x1024xf32>
    %swap3A_93 = vector.shape_cast %swap3A_92 : vector<1x1024xf32> to vector<1024xf32>
    %swap3A_94 = vector.shape_cast %reduce_sum3A_89 : vector<1024xf32> to vector<1x1024xf32>
    tpu.vector_store %arg7[%swap3A_90, %swap3A_91], %swap3A_94 {strides = array<i32>} : memref<4x1024xf32, #tpu.memory_space<vmem>>, vector<1x1024xf32>,
    %slice3A_95 = vector.extract_strided_slice %get3A_18 {offsets = [2, 0], sizes = [1, 128], strides = [1, 1]} : vector<4x128xf32> to vector<1x128xf32>
    %squeeze3A_96 = vector.shape_cast %slice3A_95 : vector<1x128xf32> to vector<128xf32>
    %broadcast_in_dim3A_97 = vector.shape_cast %squeeze3A_96 : vector<128xf32> to vector<1x128xf32>
    %mul3A_98 = vector.broadcast %broadcast_in_dim3A_97 : vector<1x128xf32> to vector<1024x128xf32>
    %mul3A_99 = arith.mulf %slice3A_76, %mul3A_98 : vector<1024x128xf32>
    %reduce_sum3A_100 = arith.constant dense<0.000000e+00> : vector<1024xf32>
    %reduce_sum3A_101 = vector.multi_reduction <add>, %mul3A_99, %reduce_sum3A_100 [1] : vector<1024x128xf32> to vector<1024xf32>
    %swap3A_102 = arith.constant 2 : index
    %swap3A_103 = arith.constant 0 : index
    %swap3A_104 = vector.load %arg8[%swap3A_102, %swap3A_103] : memref<4x1024xf32, #tpu.memory_space<vmem>>, vector<1x1024xf32>
    %swap3A_105 = vector.shape_cast %swap3A_104 : vector<1x1024xf32> to vector<1024xf32>
    %swap3A_106 = vector.shape_cast %reduce_sum3A_101 : vector<1024xf32> to vector<1x1024xf32>
    tpu.vector_store %arg8[%swap3A_102, %swap3A_103], %swap3A_106 {strides = array<i32>} : memref<4x1024xf32, #tpu.memory_space<vmem>>, vector<1x1024xf32>,
    %slice3A_107 = vector.extract_strided_slice %dot_general3A_5 {offsets = [0, 384], sizes = [1024, 128], strides = [1, 1]} : vector<1024x512xf32> to vector<1024x128xf32>
    %swap3A_108 = arith.constant 3 : index
    %swap3A_109 = arith.constant 0 : index
    %swap3A_110 = arith.constant 0 : index
    %swap3A_111 = vector.load %arg6[%swap3A_108, %swap3A_109, %swap3A_110] : memref<4x1024x128xf32, #tpu.memory_space<vmem>>, vector<1x1024x128xf32>
    %swap3A_112 = vector.shape_cast %swap3A_111 : vector<1x1024x128xf32> to vector<1024x128xf32>
    %swap3A_113 = vector.shape_cast %slice3A_107 : vector<1024x128xf32> to vector<1x1024x128xf32>
    tpu.vector_store %arg6[%swap3A_108, %swap3A_109, %swap3A_110], %swap3A_113 {strides = array<i32>} : memref<4x1024x128xf32, #tpu.memory_space<vmem>>, vector<1x1024x128xf32>,
    %slice3A_114 = vector.extract_strided_slice %get3A_15 {offsets = [3, 0], sizes = [1, 128], strides = [1, 1]} : vector<4x128xf32> to vector<1x128xf32>
    %squeeze3A_115 = vector.shape_cast %slice3A_114 : vector<1x128xf32> to vector<128xf32>
    %broadcast_in_dim3A_116 = vector.shape_cast %squeeze3A_115 : vector<128xf32> to vector<1x128xf32>
    %mul3A_117 = vector.broadcast %broadcast_in_dim3A_116 : vector<1x128xf32> to vector<1024x128xf32>
    %mul3A_118 = arith.mulf %slice3A_107, %mul3A_117 : vector<1024x128xf32>
    %reduce_sum3A_119 = arith.constant dense<0.000000e+00> : vector<1024xf32>
    %reduce_sum3A_120 = vector.multi_reduction <add>, %mul3A_118, %reduce_sum3A_119 [1] : vector<1024x128xf32> to vector<1024xf32>
    %swap3A_121 = arith.constant 3 : index
    %swap3A_122 = arith.constant 0 : index
    %swap3A_123 = vector.load %arg7[%swap3A_121, %swap3A_122] : memref<4x1024xf32, #tpu.memory_space<vmem>>, vector<1x1024xf32>
    %swap3A_124 = vector.shape_cast %swap3A_123 : vector<1x1024xf32> to vector<1024xf32>
    %swap3A_125 = vector.shape_cast %reduce_sum3A_120 : vector<1024xf32> to vector<1x1024xf32>
    tpu.vector_store %arg7[%swap3A_121, %swap3A_122], %swap3A_125 {strides = array<i32>} : memref<4x1024xf32, #tpu.memory_space<vmem>>, vector<1x1024xf32>,
    %slice3A_126 = vector.extract_strided_slice %get3A_18 {offsets = [3, 0], sizes = [1, 128], strides = [1, 1]} : vector<4x128xf32> to vector<1x128xf32>
    %squeeze3A_127 = vector.shape_cast %slice3A_126 : vector<1x128xf32> to vector<128xf32>
    %broadcast_in_dim3A_128 = vector.shape_cast %squeeze3A_127 : vector<128xf32> to vector<1x128xf32>
    %mul3A_129 = vector.broadcast %broadcast_in_dim3A_128 : vector<1x128xf32> to vector<1024x128xf32>
    %mul3A_130 = arith.mulf %slice3A_107, %mul3A_129 : vector<1024x128xf32>
    %reduce_sum3A_131 = arith.constant dense<0.000000e+00> : vector<1024xf32>
    %reduce_sum3A_132 = vector.multi_reduction <add>, %mul3A_130, %reduce_sum3A_131 [1] : vector<1024x128xf32> to vector<1024xf32>
    %swap3A_133 = arith.constant 3 : index
    %swap3A_134 = arith.constant 0 : index
    %swap3A_135 = vector.load %arg8[%swap3A_133, %swap3A_134] : memref<4x1024xf32, #tpu.memory_space<vmem>>, vector<1x1024xf32>
    %swap3A_136 = vector.shape_cast %swap3A_135 : vector<1x1024xf32> to vector<1024xf32>
    %swap3A_137 = vector.shape_cast %reduce_sum3A_132 : vector<1024xf32> to vector<1x1024xf32>
    tpu.vector_store %arg8[%swap3A_133, %swap3A_134], %swap3A_137 {strides = array<i32>} : memref<4x1024xf32, #tpu.memory_space<vmem>>, vector<1x1024xf32>,
    return
  }
  func.func @transform_0(%arg0: i32) -> (i32, i32) {
    %c0_i32 = arith.constant 0 : i32
    %c0_i32_0 = arith.constant 0 : i32
    return %arg0, %c0_i32 : i32, i32
  }
  func.func @transform_1(%arg0: i32) -> (i32, i32) {
    %c0_i32 = arith.constant 0 : i32
    %c0_i32_0 = arith.constant 0 : i32
    %c0_i32_1 = arith.constant 0 : i32
    return %c0_i32, %c0_i32_0 : i32, i32
  }
  func.func @transform_2(%arg0: i32) -> (i32, i32) {
    %c0_i32 = arith.constant 0 : i32
    %c0_i32_0 = arith.constant 0 : i32
    %c0_i32_1 = arith.constant 0 : i32
    return %c0_i32, %c0_i32_0 : i32, i32
  }
  func.func @transform_3(%arg0: i32) -> (i32, i32) {
    %c0_i32 = arith.constant 0 : i32
    %c0_i32_0 = arith.constant 0 : i32
    %c0_i32_1 = arith.constant 0 : i32
    return %c0_i32, %c0_i32_0 : i32, i32
  }
  func.func @transform_4(%arg0: i32) -> (i32, i32) {
    %c0_i32 = arith.constant 0 : i32
    %c0_i32_0 = arith.constant 0 : i32
    %c0_i32_1 = arith.constant 0 : i32
    return %c0_i32, %c0_i32_0 : i32, i32
  }
  func.func @transform_5(%arg0: i32) -> (i32, i32, i32) {
    %c0_i32 = arith.constant 0 : i32
    %c0_i32_0 = arith.constant 0 : i32
    %c0_i32_1 = arith.constant 0 : i32
    return %c0_i32, %arg0, %c0_i32_0 : i32, i32, i32
  }
  func.func @transform_6(%arg0: i32) -> (i32, i32) {
    %c0_i32 = arith.constant 0 : i32
    %c0_i32_0 = arith.constant 0 : i32
    return %c0_i32, %arg0 : i32, i32
  }
  func.func @transform_7(%arg0: i32) -> (i32, i32) {
    %c0_i32 = arith.constant 0 : i32
    %c0_i32_0 = arith.constant 0 : i32
    return %c0_i32, %arg0 : i32, i32
  }
  func.func @transform_8(%arg0: i32) -> (i32, i32) {
    %c0_i32 = arith.constant 0 : i32
    %c0_i32_0 = arith.constant 0 : i32
    return %arg0, %c0_i32 : i32, i32
  }
}

module attributes {stable_mosaic.version = 14 : i64} {
  func.func @_mm1_body(%arg0: i32, %arg1: memref<4x1024x128xf32, #tpu.memory_space<vmem>>, %arg2: memref<4x1024xf32, #tpu.memory_space<vmem>>, %arg3: memref<1024x512xf32, #tpu.memory_space<vmem>>, %arg4: memref<512xf32, #tpu.memory_space<vmem>>, %arg5: memref<512x512xf32, #tpu.memory_space<vmem>>, %arg6: memref<4x128xf32, #tpu.memory_space<vmem>>, %arg7: memref<4x128xf32, #tpu.memory_space<vmem>>, %arg8: memref<1024x512xf32, #tpu.memory_space<vmem>>, %arg9: memref<4x1024x128xf32, #tpu.memory_space<vmem>>, %arg10: memref<4x1024xf32, #tpu.memory_space<vmem>>, %arg11: memref<4x1024xf32, #tpu.memory_space<vmem>>) attributes {dimension_semantics = [#tpu.dimension_semantics<arbitrary>], iteration_bounds = array<i64: 10>, scalar_prefetch = 0 : i64, scratch_operands = 0 : i64, tpu.core_type = #tpu.core_type<tc>, window_params = [{transform_indices = @transform_0, window_bounds = array<i64: 4, 1024, 128>}, {transform_indices = @transform_1, window_bounds = array<i64: 4, 1024>}, {transform_indices = @transform_2, window_bounds = array<i64: 1024, 512>}, {pipeline_mode = #tpu.pipeline_mode<synchronous>, transform_indices = @transform_3, window_bounds = array<i64: 512>}, {pipeline_mode = #tpu.pipeline_mode<synchronous>, transform_indices = @transform_4, window_bounds = array<i64: 512, 512>}, {pipeline_mode = #tpu.pipeline_mode<synchronous>, transform_indices = @transform_5, window_bounds = array<i64: 4, 128>}, {pipeline_mode = #tpu.pipeline_mode<synchronous>, transform_indices = @transform_6, window_bounds = array<i64: 4, 128>}, {transform_indices = @transform_7, window_bounds = array<i64: 1024, 512>}, {transform_indices = @transform_8, window_bounds = array<i64: 4, 1024, 128>}, {transform_indices = @transform_9, window_bounds = array<i64: 4, 1024>}, {transform_indices = @transform_10, window_bounds = array<i64: 4, 1024>}]} {
    %get3A = arith.constant 0 : index
    %get3A_0 = arith.constant 0 : index
    %get3A_1 = vector.load %arg2[%get3A, %get3A_0] : memref<4x1024xf32, #tpu.memory_space<vmem>>, vector<4x1024xf32>
    %max3A = arith.constant 1.000000e-30 : f32
    %max3A_2 = vector.broadcast %max3A : f32 to vector<4x1024xf32>
    %max3A_3 = arith.maximumf %get3A_1, %max3A_2 : vector<4x1024xf32>
    %get3A_4 = arith.constant 0 : index
    %get3A_5 = arith.constant 0 : index
    %get3A_6 = arith.constant 0 : index
    %get3A_7 = vector.load %arg1[%get3A_4, %get3A_5, %get3A_6] : memref<4x1024x128xf32, #tpu.memory_space<vmem>>, vector<1x1024x128xf32>
    %get3A_8 = vector.shape_cast %get3A_7 : vector<1x1024x128xf32> to vector<1024x128xf32>
    %slice3A = vector.extract_strided_slice %max3A_3 {offsets = [0, 0], sizes = [1, 1024], strides = [1, 1]} : vector<4x1024xf32> to vector<1x1024xf32>
    %squeeze3A = vector.shape_cast %slice3A : vector<1x1024xf32> to vector<1024xf32>
    %broadcast_in_dim3A = vector.shape_cast %squeeze3A : vector<1024xf32> to vector<1024x1xf32>
    %div3A = vector.broadcast %broadcast_in_dim3A : vector<1024x1xf32> to vector<1024x128xf32>
    %div3A_9 = arith.divf %get3A_8, %div3A : vector<1024x128xf32>
    %get3A_10 = arith.constant 1 : index
    %get3A_11 = arith.constant 0 : index
    %get3A_12 = arith.constant 0 : index
    %get3A_13 = vector.load %arg1[%get3A_10, %get3A_11, %get3A_12] : memref<4x1024x128xf32, #tpu.memory_space<vmem>>, vector<1x1024x128xf32>
    %get3A_14 = vector.shape_cast %get3A_13 : vector<1x1024x128xf32> to vector<1024x128xf32>
    %slice3A_15 = vector.extract_strided_slice %max3A_3 {offsets = [1, 0], sizes = [1, 1024], strides = [1, 1]} : vector<4x1024xf32> to vector<1x1024xf32>
    %squeeze3A_16 = vector.shape_cast %slice3A_15 : vector<1x1024xf32> to vector<1024xf32>
    %broadcast_in_dim3A_17 = vector.shape_cast %squeeze3A_16 : vector<1024xf32> to vector<1024x1xf32>
    %div3A_18 = vector.broadcast %broadcast_in_dim3A_17 : vector<1024x1xf32> to vector<1024x128xf32>
    %div3A_19 = arith.divf %get3A_14, %div3A_18 : vector<1024x128xf32>
    %get3A_20 = arith.constant 2 : index
    %get3A_21 = arith.constant 0 : index
    %get3A_22 = arith.constant 0 : index
    %get3A_23 = vector.load %arg1[%get3A_20, %get3A_21, %get3A_22] : memref<4x1024x128xf32, #tpu.memory_space<vmem>>, vector<1x1024x128xf32>
    %get3A_24 = vector.shape_cast %get3A_23 : vector<1x1024x128xf32> to vector<1024x128xf32>
    %slice3A_25 = vector.extract_strided_slice %max3A_3 {offsets = [2, 0], sizes = [1, 1024], strides = [1, 1]} : vector<4x1024xf32> to vector<1x1024xf32>
    %squeeze3A_26 = vector.shape_cast %slice3A_25 : vector<1x1024xf32> to vector<1024xf32>
    %broadcast_in_dim3A_27 = vector.shape_cast %squeeze3A_26 : vector<1024xf32> to vector<1024x1xf32>
    %div3A_28 = vector.broadcast %broadcast_in_dim3A_27 : vector<1024x1xf32> to vector<1024x128xf32>
    %div3A_29 = arith.divf %get3A_24, %div3A_28 : vector<1024x128xf32>
    %get3A_30 = arith.constant 3 : index
    %get3A_31 = arith.constant 0 : index
    %get3A_32 = arith.constant 0 : index
    %get3A_33 = vector.load %arg1[%get3A_30, %get3A_31, %get3A_32] : memref<4x1024x128xf32, #tpu.memory_space<vmem>>, vector<1x1024x128xf32>
    %get3A_34 = vector.shape_cast %get3A_33 : vector<1x1024x128xf32> to vector<1024x128xf32>
    %slice3A_35 = vector.extract_strided_slice %max3A_3 {offsets = [3, 0], sizes = [1, 1024], strides = [1, 1]} : vector<4x1024xf32> to vector<1x1024xf32>
    %squeeze3A_36 = vector.shape_cast %slice3A_35 : vector<1x1024xf32> to vector<1024xf32>
    %broadcast_in_dim3A_37 = vector.shape_cast %squeeze3A_36 : vector<1024xf32> to vector<1024x1xf32>
    %div3A_38 = vector.broadcast %broadcast_in_dim3A_37 : vector<1024x1xf32> to vector<1024x128xf32>
    %div3A_39 = arith.divf %get3A_34, %div3A_38 : vector<1024x128xf32>
    %concatenate3A = tpu.concatenate %div3A_9, %div3A_19, %div3A_29, %div3A_39 in 1 : vector<1024x128xf32>, vector<1024x128xf32>, vector<1024x128xf32>, vector<1024x128xf32> -> vector<1024x512xf32>
    %get3A_40 = arith.constant 0 : index
    %get3A_41 = arith.constant 0 : index
    %get3A_42 = vector.load %arg3[%get3A_40, %get3A_41] : memref<1024x512xf32, #tpu.memory_space<vmem>>, vector<1024x512xf32>
    %add3A = arith.addf %concatenate3A, %get3A_42 : vector<1024x512xf32>
    %get3A_43 = arith.constant 0 : index
    %get3A_44 = vector.load %arg4[%get3A_43] : memref<512xf32, #tpu.memory_space<vmem>>, vector<512xf32>
    %broadcast_in_dim3A_45 = vector.shape_cast %get3A_44 : vector<512xf32> to vector<1x512xf32>
    %add3A_46 = vector.broadcast %broadcast_in_dim3A_45 : vector<1x512xf32> to vector<1024x512xf32>
    %add3A_47 = arith.addf %add3A, %add3A_46 : vector<1024x512xf32>
    %max3A_48 = arith.constant 0.000000e+00 : f32
    %max3A_49 = vector.broadcast %max3A_48 : f32 to vector<1024x512xf32>
    %max3A_50 = arith.maximumf %add3A_47, %max3A_49 : vector<1024x512xf32>
    %swap3A = arith.constant 0 : index
    %swap3A_51 = arith.constant 0 : index
    %swap3A_52 = vector.load %arg8[%swap3A, %swap3A_51] : memref<1024x512xf32, #tpu.memory_space<vmem>>, vector<1024x512xf32>
    tpu.vector_store %arg8[%swap3A, %swap3A_51], %max3A_50 {strides = array<i32>} : memref<1024x512xf32, #tpu.memory_space<vmem>>, vector<1024x512xf32>,
    %get3A_53 = arith.constant 0 : index
    %get3A_54 = arith.constant 0 : index
    %get3A_55 = vector.load %arg5[%get3A_53, %get3A_54] : memref<512x512xf32, #tpu.memory_space<vmem>>, vector<512x512xf32>
    %dot_general3A = arith.constant dense<0.000000e+00> : vector<1024x512xf32>
    %dot_general3A_56 = tpu.matmul %max3A_50, %get3A_55, %dot_general3A {dimension_numbers = #tpu.dot_dimension_numbers<[1], [0], [0], [1], [0, 0, 1, 1], [], []>, transpose_lhs_hint = false} : vector<1024x512xf32>, vector<512x512xf32>, vector<1024x512xf32> -> vector<1024x512xf32>
    %get3A_57 = arith.constant 0 : index
    %get3A_58 = arith.constant 0 : index
    %get3A_59 = vector.load %arg6[%get3A_57, %get3A_58] : memref<4x128xf32, #tpu.memory_space<vmem>>, vector<4x128xf32>
    %get3A_60 = arith.constant 0 : index
    %get3A_61 = arith.constant 0 : index
    %get3A_62 = vector.load %arg7[%get3A_60, %get3A_61] : memref<4x128xf32, #tpu.memory_space<vmem>>, vector<4x128xf32>
    %slice3A_63 = vector.extract_strided_slice %dot_general3A_56 {offsets = [0, 0], sizes = [1024, 128], strides = [1, 1]} : vector<1024x512xf32> to vector<1024x128xf32>
    %swap3A_64 = arith.constant 0 : index
    %swap3A_65 = arith.constant 0 : index
    %swap3A_66 = arith.constant 0 : index
    %swap3A_67 = vector.load %arg9[%swap3A_64, %swap3A_65, %swap3A_66] : memref<4x1024x128xf32, #tpu.memory_space<vmem>>, vector<1x1024x128xf32>
    %swap3A_68 = vector.shape_cast %swap3A_67 : vector<1x1024x128xf32> to vector<1024x128xf32>
    %swap3A_69 = vector.shape_cast %slice3A_63 : vector<1024x128xf32> to vector<1x1024x128xf32>
    tpu.vector_store %arg9[%swap3A_64, %swap3A_65, %swap3A_66], %swap3A_69 {strides = array<i32>} : memref<4x1024x128xf32, #tpu.memory_space<vmem>>, vector<1x1024x128xf32>,
    %slice3A_70 = vector.extract_strided_slice %get3A_59 {offsets = [0, 0], sizes = [1, 128], strides = [1, 1]} : vector<4x128xf32> to vector<1x128xf32>
    %squeeze3A_71 = vector.shape_cast %slice3A_70 : vector<1x128xf32> to vector<128xf32>
    %broadcast_in_dim3A_72 = vector.shape_cast %squeeze3A_71 : vector<128xf32> to vector<1x128xf32>
    %mul3A = vector.broadcast %broadcast_in_dim3A_72 : vector<1x128xf32> to vector<1024x128xf32>
    %mul3A_73 = arith.mulf %slice3A_63, %mul3A : vector<1024x128xf32>
    %reduce_sum3A = arith.constant dense<0.000000e+00> : vector<1024xf32>
    %reduce_sum3A_74 = vector.multi_reduction <add>, %mul3A_73, %reduce_sum3A [1] : vector<1024x128xf32> to vector<1024xf32>
    %swap3A_75 = arith.constant 0 : index
    %swap3A_76 = arith.constant 0 : index
    %swap3A_77 = vector.load %arg10[%swap3A_75, %swap3A_76] : memref<4x1024xf32, #tpu.memory_space<vmem>>, vector<1x1024xf32>
    %swap3A_78 = vector.shape_cast %swap3A_77 : vector<1x1024xf32> to vector<1024xf32>
    %swap3A_79 = vector.shape_cast %reduce_sum3A_74 : vector<1024xf32> to vector<1x1024xf32>
    tpu.vector_store %arg10[%swap3A_75, %swap3A_76], %swap3A_79 {strides = array<i32>} : memref<4x1024xf32, #tpu.memory_space<vmem>>, vector<1x1024xf32>,
    %slice3A_80 = vector.extract_strided_slice %get3A_62 {offsets = [0, 0], sizes = [1, 128], strides = [1, 1]} : vector<4x128xf32> to vector<1x128xf32>
    %squeeze3A_81 = vector.shape_cast %slice3A_80 : vector<1x128xf32> to vector<128xf32>
    %broadcast_in_dim3A_82 = vector.shape_cast %squeeze3A_81 : vector<128xf32> to vector<1x128xf32>
    %mul3A_83 = vector.broadcast %broadcast_in_dim3A_82 : vector<1x128xf32> to vector<1024x128xf32>
    %mul3A_84 = arith.mulf %slice3A_63, %mul3A_83 : vector<1024x128xf32>
    %reduce_sum3A_85 = arith.constant dense<0.000000e+00> : vector<1024xf32>
    %reduce_sum3A_86 = vector.multi_reduction <add>, %mul3A_84, %reduce_sum3A_85 [1] : vector<1024x128xf32> to vector<1024xf32>
    %swap3A_87 = arith.constant 0 : index
    %swap3A_88 = arith.constant 0 : index
    %swap3A_89 = vector.load %arg11[%swap3A_87, %swap3A_88] : memref<4x1024xf32, #tpu.memory_space<vmem>>, vector<1x1024xf32>
    %swap3A_90 = vector.shape_cast %swap3A_89 : vector<1x1024xf32> to vector<1024xf32>
    %swap3A_91 = vector.shape_cast %reduce_sum3A_86 : vector<1024xf32> to vector<1x1024xf32>
    tpu.vector_store %arg11[%swap3A_87, %swap3A_88], %swap3A_91 {strides = array<i32>} : memref<4x1024xf32, #tpu.memory_space<vmem>>, vector<1x1024xf32>,
    %slice3A_92 = vector.extract_strided_slice %dot_general3A_56 {offsets = [0, 128], sizes = [1024, 128], strides = [1, 1]} : vector<1024x512xf32> to vector<1024x128xf32>
    %swap3A_93 = arith.constant 1 : index
    %swap3A_94 = arith.constant 0 : index
    %swap3A_95 = arith.constant 0 : index
    %swap3A_96 = vector.load %arg9[%swap3A_93, %swap3A_94, %swap3A_95] : memref<4x1024x128xf32, #tpu.memory_space<vmem>>, vector<1x1024x128xf32>
    %swap3A_97 = vector.shape_cast %swap3A_96 : vector<1x1024x128xf32> to vector<1024x128xf32>
    %swap3A_98 = vector.shape_cast %slice3A_92 : vector<1024x128xf32> to vector<1x1024x128xf32>
    tpu.vector_store %arg9[%swap3A_93, %swap3A_94, %swap3A_95], %swap3A_98 {strides = array<i32>} : memref<4x1024x128xf32, #tpu.memory_space<vmem>>, vector<1x1024x128xf32>,
    %slice3A_99 = vector.extract_strided_slice %get3A_59 {offsets = [1, 0], sizes = [1, 128], strides = [1, 1]} : vector<4x128xf32> to vector<1x128xf32>
    %squeeze3A_100 = vector.shape_cast %slice3A_99 : vector<1x128xf32> to vector<128xf32>
    %broadcast_in_dim3A_101 = vector.shape_cast %squeeze3A_100 : vector<128xf32> to vector<1x128xf32>
    %mul3A_102 = vector.broadcast %broadcast_in_dim3A_101 : vector<1x128xf32> to vector<1024x128xf32>
    %mul3A_103 = arith.mulf %slice3A_92, %mul3A_102 : vector<1024x128xf32>
    %reduce_sum3A_104 = arith.constant dense<0.000000e+00> : vector<1024xf32>
    %reduce_sum3A_105 = vector.multi_reduction <add>, %mul3A_103, %reduce_sum3A_104 [1] : vector<1024x128xf32> to vector<1024xf32>
    %swap3A_106 = arith.constant 1 : index
    %swap3A_107 = arith.constant 0 : index
    %swap3A_108 = vector.load %arg10[%swap3A_106, %swap3A_107] : memref<4x1024xf32, #tpu.memory_space<vmem>>, vector<1x1024xf32>
    %swap3A_109 = vector.shape_cast %swap3A_108 : vector<1x1024xf32> to vector<1024xf32>
    %swap3A_110 = vector.shape_cast %reduce_sum3A_105 : vector<1024xf32> to vector<1x1024xf32>
    tpu.vector_store %arg10[%swap3A_106, %swap3A_107], %swap3A_110 {strides = array<i32>} : memref<4x1024xf32, #tpu.memory_space<vmem>>, vector<1x1024xf32>,
    %slice3A_111 = vector.extract_strided_slice %get3A_62 {offsets = [1, 0], sizes = [1, 128], strides = [1, 1]} : vector<4x128xf32> to vector<1x128xf32>
    %squeeze3A_112 = vector.shape_cast %slice3A_111 : vector<1x128xf32> to vector<128xf32>
    %broadcast_in_dim3A_113 = vector.shape_cast %squeeze3A_112 : vector<128xf32> to vector<1x128xf32>
    %mul3A_114 = vector.broadcast %broadcast_in_dim3A_113 : vector<1x128xf32> to vector<1024x128xf32>
    %mul3A_115 = arith.mulf %slice3A_92, %mul3A_114 : vector<1024x128xf32>
    %reduce_sum3A_116 = arith.constant dense<0.000000e+00> : vector<1024xf32>
    %reduce_sum3A_117 = vector.multi_reduction <add>, %mul3A_115, %reduce_sum3A_116 [1] : vector<1024x128xf32> to vector<1024xf32>
    %swap3A_118 = arith.constant 1 : index
    %swap3A_119 = arith.constant 0 : index
    %swap3A_120 = vector.load %arg11[%swap3A_118, %swap3A_119] : memref<4x1024xf32, #tpu.memory_space<vmem>>, vector<1x1024xf32>
    %swap3A_121 = vector.shape_cast %swap3A_120 : vector<1x1024xf32> to vector<1024xf32>
    %swap3A_122 = vector.shape_cast %reduce_sum3A_117 : vector<1024xf32> to vector<1x1024xf32>
    tpu.vector_store %arg11[%swap3A_118, %swap3A_119], %swap3A_122 {strides = array<i32>} : memref<4x1024xf32, #tpu.memory_space<vmem>>, vector<1x1024xf32>,
    %slice3A_123 = vector.extract_strided_slice %dot_general3A_56 {offsets = [0, 256], sizes = [1024, 128], strides = [1, 1]} : vector<1024x512xf32> to vector<1024x128xf32>
    %swap3A_124 = arith.constant 2 : index
    %swap3A_125 = arith.constant 0 : index
    %swap3A_126 = arith.constant 0 : index
    %swap3A_127 = vector.load %arg9[%swap3A_124, %swap3A_125, %swap3A_126] : memref<4x1024x128xf32, #tpu.memory_space<vmem>>, vector<1x1024x128xf32>
    %swap3A_128 = vector.shape_cast %swap3A_127 : vector<1x1024x128xf32> to vector<1024x128xf32>
    %swap3A_129 = vector.shape_cast %slice3A_123 : vector<1024x128xf32> to vector<1x1024x128xf32>
    tpu.vector_store %arg9[%swap3A_124, %swap3A_125, %swap3A_126], %swap3A_129 {strides = array<i32>} : memref<4x1024x128xf32, #tpu.memory_space<vmem>>, vector<1x1024x128xf32>,
    %slice3A_130 = vector.extract_strided_slice %get3A_59 {offsets = [2, 0], sizes = [1, 128], strides = [1, 1]} : vector<4x128xf32> to vector<1x128xf32>
    %squeeze3A_131 = vector.shape_cast %slice3A_130 : vector<1x128xf32> to vector<128xf32>
    %broadcast_in_dim3A_132 = vector.shape_cast %squeeze3A_131 : vector<128xf32> to vector<1x128xf32>
    %mul3A_133 = vector.broadcast %broadcast_in_dim3A_132 : vector<1x128xf32> to vector<1024x128xf32>
    %mul3A_134 = arith.mulf %slice3A_123, %mul3A_133 : vector<1024x128xf32>
    %reduce_sum3A_135 = arith.constant dense<0.000000e+00> : vector<1024xf32>
    %reduce_sum3A_136 = vector.multi_reduction <add>, %mul3A_134, %reduce_sum3A_135 [1] : vector<1024x128xf32> to vector<1024xf32>
    %swap3A_137 = arith.constant 2 : index
    %swap3A_138 = arith.constant 0 : index
    %swap3A_139 = vector.load %arg10[%swap3A_137, %swap3A_138] : memref<4x1024xf32, #tpu.memory_space<vmem>>, vector<1x1024xf32>
    %swap3A_140 = vector.shape_cast %swap3A_139 : vector<1x1024xf32> to vector<1024xf32>
    %swap3A_141 = vector.shape_cast %reduce_sum3A_136 : vector<1024xf32> to vector<1x1024xf32>
    tpu.vector_store %arg10[%swap3A_137, %swap3A_138], %swap3A_141 {strides = array<i32>} : memref<4x1024xf32, #tpu.memory_space<vmem>>, vector<1x1024xf32>,
    %slice3A_142 = vector.extract_strided_slice %get3A_62 {offsets = [2, 0], sizes = [1, 128], strides = [1, 1]} : vector<4x128xf32> to vector<1x128xf32>
    %squeeze3A_143 = vector.shape_cast %slice3A_142 : vector<1x128xf32> to vector<128xf32>
    %broadcast_in_dim3A_144 = vector.shape_cast %squeeze3A_143 : vector<128xf32> to vector<1x128xf32>
    %mul3A_145 = vector.broadcast %broadcast_in_dim3A_144 : vector<1x128xf32> to vector<1024x128xf32>
    %mul3A_146 = arith.mulf %slice3A_123, %mul3A_145 : vector<1024x128xf32>
    %reduce_sum3A_147 = arith.constant dense<0.000000e+00> : vector<1024xf32>
    %reduce_sum3A_148 = vector.multi_reduction <add>, %mul3A_146, %reduce_sum3A_147 [1] : vector<1024x128xf32> to vector<1024xf32>
    %swap3A_149 = arith.constant 2 : index
    %swap3A_150 = arith.constant 0 : index
    %swap3A_151 = vector.load %arg11[%swap3A_149, %swap3A_150] : memref<4x1024xf32, #tpu.memory_space<vmem>>, vector<1x1024xf32>
    %swap3A_152 = vector.shape_cast %swap3A_151 : vector<1x1024xf32> to vector<1024xf32>
    %swap3A_153 = vector.shape_cast %reduce_sum3A_148 : vector<1024xf32> to vector<1x1024xf32>
    tpu.vector_store %arg11[%swap3A_149, %swap3A_150], %swap3A_153 {strides = array<i32>} : memref<4x1024xf32, #tpu.memory_space<vmem>>, vector<1x1024xf32>,
    %slice3A_154 = vector.extract_strided_slice %dot_general3A_56 {offsets = [0, 384], sizes = [1024, 128], strides = [1, 1]} : vector<1024x512xf32> to vector<1024x128xf32>
    %swap3A_155 = arith.constant 3 : index
    %swap3A_156 = arith.constant 0 : index
    %swap3A_157 = arith.constant 0 : index
    %swap3A_158 = vector.load %arg9[%swap3A_155, %swap3A_156, %swap3A_157] : memref<4x1024x128xf32, #tpu.memory_space<vmem>>, vector<1x1024x128xf32>
    %swap3A_159 = vector.shape_cast %swap3A_158 : vector<1x1024x128xf32> to vector<1024x128xf32>
    %swap3A_160 = vector.shape_cast %slice3A_154 : vector<1024x128xf32> to vector<1x1024x128xf32>
    tpu.vector_store %arg9[%swap3A_155, %swap3A_156, %swap3A_157], %swap3A_160 {strides = array<i32>} : memref<4x1024x128xf32, #tpu.memory_space<vmem>>, vector<1x1024x128xf32>,
    %slice3A_161 = vector.extract_strided_slice %get3A_59 {offsets = [3, 0], sizes = [1, 128], strides = [1, 1]} : vector<4x128xf32> to vector<1x128xf32>
    %squeeze3A_162 = vector.shape_cast %slice3A_161 : vector<1x128xf32> to vector<128xf32>
    %broadcast_in_dim3A_163 = vector.shape_cast %squeeze3A_162 : vector<128xf32> to vector<1x128xf32>
    %mul3A_164 = vector.broadcast %broadcast_in_dim3A_163 : vector<1x128xf32> to vector<1024x128xf32>
    %mul3A_165 = arith.mulf %slice3A_154, %mul3A_164 : vector<1024x128xf32>
    %reduce_sum3A_166 = arith.constant dense<0.000000e+00> : vector<1024xf32>
    %reduce_sum3A_167 = vector.multi_reduction <add>, %mul3A_165, %reduce_sum3A_166 [1] : vector<1024x128xf32> to vector<1024xf32>
    %swap3A_168 = arith.constant 3 : index
    %swap3A_169 = arith.constant 0 : index
    %swap3A_170 = vector.load %arg10[%swap3A_168, %swap3A_169] : memref<4x1024xf32, #tpu.memory_space<vmem>>, vector<1x1024xf32>
    %swap3A_171 = vector.shape_cast %swap3A_170 : vector<1x1024xf32> to vector<1024xf32>
    %swap3A_172 = vector.shape_cast %reduce_sum3A_167 : vector<1024xf32> to vector<1x1024xf32>
    tpu.vector_store %arg10[%swap3A_168, %swap3A_169], %swap3A_172 {strides = array<i32>} : memref<4x1024xf32, #tpu.memory_space<vmem>>, vector<1x1024xf32>,
    %slice3A_173 = vector.extract_strided_slice %get3A_62 {offsets = [3, 0], sizes = [1, 128], strides = [1, 1]} : vector<4x128xf32> to vector<1x128xf32>
    %squeeze3A_174 = vector.shape_cast %slice3A_173 : vector<1x128xf32> to vector<128xf32>
    %broadcast_in_dim3A_175 = vector.shape_cast %squeeze3A_174 : vector<128xf32> to vector<1x128xf32>
    %mul3A_176 = vector.broadcast %broadcast_in_dim3A_175 : vector<1x128xf32> to vector<1024x128xf32>
    %mul3A_177 = arith.mulf %slice3A_154, %mul3A_176 : vector<1024x128xf32>
    %reduce_sum3A_178 = arith.constant dense<0.000000e+00> : vector<1024xf32>
    %reduce_sum3A_179 = vector.multi_reduction <add>, %mul3A_177, %reduce_sum3A_178 [1] : vector<1024x128xf32> to vector<1024xf32>
    %swap3A_180 = arith.constant 3 : index
    %swap3A_181 = arith.constant 0 : index
    %swap3A_182 = vector.load %arg11[%swap3A_180, %swap3A_181] : memref<4x1024xf32, #tpu.memory_space<vmem>>, vector<1x1024xf32>
    %swap3A_183 = vector.shape_cast %swap3A_182 : vector<1x1024xf32> to vector<1024xf32>
    %swap3A_184 = vector.shape_cast %reduce_sum3A_179 : vector<1024xf32> to vector<1x1024xf32>
    tpu.vector_store %arg11[%swap3A_180, %swap3A_181], %swap3A_184 {strides = array<i32>} : memref<4x1024xf32, #tpu.memory_space<vmem>>, vector<1x1024xf32>,
    return
  }
  func.func @transform_0(%arg0: i32) -> (i32, i32, i32) {
    %c0_i32 = arith.constant 0 : i32
    %c0_i32_0 = arith.constant 0 : i32
    %c0_i32_1 = arith.constant 0 : i32
    return %c0_i32, %arg0, %c0_i32_0 : i32, i32, i32
  }
  func.func @transform_1(%arg0: i32) -> (i32, i32) {
    %c0_i32 = arith.constant 0 : i32
    %c0_i32_0 = arith.constant 0 : i32
    return %c0_i32, %arg0 : i32, i32
  }
  func.func @transform_2(%arg0: i32) -> (i32, i32) {
    %c0_i32 = arith.constant 0 : i32
    %c0_i32_0 = arith.constant 0 : i32
    return %arg0, %c0_i32 : i32, i32
  }
  func.func @transform_3(%arg0: i32) -> i32 {
    %c0_i32 = arith.constant 0 : i32
    %c0_i32_0 = arith.constant 0 : i32
    return %c0_i32 : i32
  }
  func.func @transform_4(%arg0: i32) -> (i32, i32) {
    %c0_i32 = arith.constant 0 : i32
    %c0_i32_0 = arith.constant 0 : i32
    %c0_i32_1 = arith.constant 0 : i32
    return %c0_i32, %c0_i32_0 : i32, i32
  }
  func.func @transform_5(%arg0: i32) -> (i32, i32) {
    %c0_i32 = arith.constant 0 : i32
    %c0_i32_0 = arith.constant 0 : i32
    %c0_i32_1 = arith.constant 0 : i32
    return %c0_i32, %c0_i32_0 : i32, i32
  }
  func.func @transform_6(%arg0: i32) -> (i32, i32) {
    %c0_i32 = arith.constant 0 : i32
    %c0_i32_0 = arith.constant 0 : i32
    %c0_i32_1 = arith.constant 0 : i32
    return %c0_i32, %c0_i32_0 : i32, i32
  }
  func.func @transform_7(%arg0: i32) -> (i32, i32) {
    %c0_i32 = arith.constant 0 : i32
    %c0_i32_0 = arith.constant 0 : i32
    return %arg0, %c0_i32 : i32, i32
  }
  func.func @transform_8(%arg0: i32) -> (i32, i32, i32) {
    %c0_i32 = arith.constant 0 : i32
    %c0_i32_0 = arith.constant 0 : i32
    %c0_i32_1 = arith.constant 0 : i32
    return %c0_i32, %arg0, %c0_i32_0 : i32, i32, i32
  }
  func.func @transform_9(%arg0: i32) -> (i32, i32) {
    %c0_i32 = arith.constant 0 : i32
    %c0_i32_0 = arith.constant 0 : i32
    return %c0_i32, %arg0 : i32, i32
  }
  func.func @transform_10(%arg0: i32) -> (i32, i32) {
    %c0_i32 = arith.constant 0 : i32
    %c0_i32_0 = arith.constant 0 : i32
    return %c0_i32, %arg0 : i32, i32
  }
}

module attributes {stable_mosaic.version = 14 : i64} {
  func.func @_head_body(%arg0: i32, %arg1: memref<4x1024x128xf32, #tpu.memory_space<vmem>>, %arg2: memref<4x1024xf32, #tpu.memory_space<vmem>>, %arg3: memref<1024x512xf32, #tpu.memory_space<vmem>>, %arg4: memref<512xf32, #tpu.memory_space<vmem>>, %arg5: memref<512x256xf32, #tpu.memory_space<vmem>>, %arg6: memref<256xf32, #tpu.memory_space<vmem>>, %arg7: memref<256x128xf32, #tpu.memory_space<vmem>>, %arg8: memref<128xf32, #tpu.memory_space<vmem>>, %arg9: memref<1024x128xf32, #tpu.memory_space<vmem>>) attributes {dimension_semantics = [#tpu.dimension_semantics<arbitrary>], iteration_bounds = array<i64: 10>, scalar_prefetch = 0 : i64, scratch_operands = 0 : i64, tpu.core_type = #tpu.core_type<tc>, window_params = [{transform_indices = @transform_0, window_bounds = array<i64: 4, 1024, 128>}, {transform_indices = @transform_1, window_bounds = array<i64: 4, 1024>}, {transform_indices = @transform_2, window_bounds = array<i64: 1024, 512>}, {pipeline_mode = #tpu.pipeline_mode<synchronous>, transform_indices = @transform_3, window_bounds = array<i64: 512>}, {pipeline_mode = #tpu.pipeline_mode<synchronous>, transform_indices = @transform_4, window_bounds = array<i64: 512, 256>}, {pipeline_mode = #tpu.pipeline_mode<synchronous>, transform_indices = @transform_5, window_bounds = array<i64: 256>}, {pipeline_mode = #tpu.pipeline_mode<synchronous>, transform_indices = @transform_6, window_bounds = array<i64: 256, 128>}, {pipeline_mode = #tpu.pipeline_mode<synchronous>, transform_indices = @transform_7, window_bounds = array<i64: 128>}, {transform_indices = @transform_8, window_bounds = array<i64: 1024, 128>}]} {
    %get3A = arith.constant 0 : index
    %get3A_0 = arith.constant 0 : index
    %get3A_1 = vector.load %arg2[%get3A, %get3A_0] : memref<4x1024xf32, #tpu.memory_space<vmem>>, vector<4x1024xf32>
    %max3A = arith.constant 1.000000e-30 : f32
    %max3A_2 = vector.broadcast %max3A : f32 to vector<4x1024xf32>
    %max3A_3 = arith.maximumf %get3A_1, %max3A_2 : vector<4x1024xf32>
    %get3A_4 = arith.constant 0 : index
    %get3A_5 = arith.constant 0 : index
    %get3A_6 = arith.constant 0 : index
    %get3A_7 = vector.load %arg1[%get3A_4, %get3A_5, %get3A_6] : memref<4x1024x128xf32, #tpu.memory_space<vmem>>, vector<1x1024x128xf32>
    %get3A_8 = vector.shape_cast %get3A_7 : vector<1x1024x128xf32> to vector<1024x128xf32>
    %slice3A = vector.extract_strided_slice %max3A_3 {offsets = [0, 0], sizes = [1, 1024], strides = [1, 1]} : vector<4x1024xf32> to vector<1x1024xf32>
    %squeeze3A = vector.shape_cast %slice3A : vector<1x1024xf32> to vector<1024xf32>
    %broadcast_in_dim3A = vector.shape_cast %squeeze3A : vector<1024xf32> to vector<1024x1xf32>
    %div3A = vector.broadcast %broadcast_in_dim3A : vector<1024x1xf32> to vector<1024x128xf32>
    %div3A_9 = arith.divf %get3A_8, %div3A : vector<1024x128xf32>
    %get3A_10 = arith.constant 1 : index
    %get3A_11 = arith.constant 0 : index
    %get3A_12 = arith.constant 0 : index
    %get3A_13 = vector.load %arg1[%get3A_10, %get3A_11, %get3A_12] : memref<4x1024x128xf32, #tpu.memory_space<vmem>>, vector<1x1024x128xf32>
    %get3A_14 = vector.shape_cast %get3A_13 : vector<1x1024x128xf32> to vector<1024x128xf32>
    %slice3A_15 = vector.extract_strided_slice %max3A_3 {offsets = [1, 0], sizes = [1, 1024], strides = [1, 1]} : vector<4x1024xf32> to vector<1x1024xf32>
    %squeeze3A_16 = vector.shape_cast %slice3A_15 : vector<1x1024xf32> to vector<1024xf32>
    %broadcast_in_dim3A_17 = vector.shape_cast %squeeze3A_16 : vector<1024xf32> to vector<1024x1xf32>
    %div3A_18 = vector.broadcast %broadcast_in_dim3A_17 : vector<1024x1xf32> to vector<1024x128xf32>
    %div3A_19 = arith.divf %get3A_14, %div3A_18 : vector<1024x128xf32>
    %get3A_20 = arith.constant 2 : index
    %get3A_21 = arith.constant 0 : index
    %get3A_22 = arith.constant 0 : index
    %get3A_23 = vector.load %arg1[%get3A_20, %get3A_21, %get3A_22] : memref<4x1024x128xf32, #tpu.memory_space<vmem>>, vector<1x1024x128xf32>
    %get3A_24 = vector.shape_cast %get3A_23 : vector<1x1024x128xf32> to vector<1024x128xf32>
    %slice3A_25 = vector.extract_strided_slice %max3A_3 {offsets = [2, 0], sizes = [1, 1024], strides = [1, 1]} : vector<4x1024xf32> to vector<1x1024xf32>
    %squeeze3A_26 = vector.shape_cast %slice3A_25 : vector<1x1024xf32> to vector<1024xf32>
    %broadcast_in_dim3A_27 = vector.shape_cast %squeeze3A_26 : vector<1024xf32> to vector<1024x1xf32>
    %div3A_28 = vector.broadcast %broadcast_in_dim3A_27 : vector<1024x1xf32> to vector<1024x128xf32>
    %div3A_29 = arith.divf %get3A_24, %div3A_28 : vector<1024x128xf32>
    %get3A_30 = arith.constant 3 : index
    %get3A_31 = arith.constant 0 : index
    %get3A_32 = arith.constant 0 : index
    %get3A_33 = vector.load %arg1[%get3A_30, %get3A_31, %get3A_32] : memref<4x1024x128xf32, #tpu.memory_space<vmem>>, vector<1x1024x128xf32>
    %get3A_34 = vector.shape_cast %get3A_33 : vector<1x1024x128xf32> to vector<1024x128xf32>
    %slice3A_35 = vector.extract_strided_slice %max3A_3 {offsets = [3, 0], sizes = [1, 1024], strides = [1, 1]} : vector<4x1024xf32> to vector<1x1024xf32>
    %squeeze3A_36 = vector.shape_cast %slice3A_35 : vector<1x1024xf32> to vector<1024xf32>
    %broadcast_in_dim3A_37 = vector.shape_cast %squeeze3A_36 : vector<1024xf32> to vector<1024x1xf32>
    %div3A_38 = vector.broadcast %broadcast_in_dim3A_37 : vector<1024x1xf32> to vector<1024x128xf32>
    %div3A_39 = arith.divf %get3A_34, %div3A_38 : vector<1024x128xf32>
    %concatenate3A = tpu.concatenate %div3A_9, %div3A_19, %div3A_29, %div3A_39 in 1 : vector<1024x128xf32>, vector<1024x128xf32>, vector<1024x128xf32>, vector<1024x128xf32> -> vector<1024x512xf32>
    %get3A_40 = arith.constant 0 : index
    %get3A_41 = arith.constant 0 : index
    %get3A_42 = vector.load %arg3[%get3A_40, %get3A_41] : memref<1024x512xf32, #tpu.memory_space<vmem>>, vector<1024x512xf32>
    %add3A = arith.addf %concatenate3A, %get3A_42 : vector<1024x512xf32>
    %get3A_43 = arith.constant 0 : index
    %get3A_44 = vector.load %arg4[%get3A_43] : memref<512xf32, #tpu.memory_space<vmem>>, vector<512xf32>
    %broadcast_in_dim3A_45 = vector.shape_cast %get3A_44 : vector<512xf32> to vector<1x512xf32>
    %add3A_46 = vector.broadcast %broadcast_in_dim3A_45 : vector<1x512xf32> to vector<1024x512xf32>
    %add3A_47 = arith.addf %add3A, %add3A_46 : vector<1024x512xf32>
    %max3A_48 = arith.constant 0.000000e+00 : f32
    %max3A_49 = vector.broadcast %max3A_48 : f32 to vector<1024x512xf32>
    %max3A_50 = arith.maximumf %add3A_47, %max3A_49 : vector<1024x512xf32>
    %get3A_51 = arith.constant 0 : index
    %get3A_52 = arith.constant 0 : index
    %get3A_53 = vector.load %arg5[%get3A_51, %get3A_52] : memref<512x256xf32, #tpu.memory_space<vmem>>, vector<512x256xf32>
    %dot_general3A = arith.constant dense<0.000000e+00> : vector<1024x256xf32>
    %dot_general3A_54 = tpu.matmul %max3A_50, %get3A_53, %dot_general3A {dimension_numbers = #tpu.dot_dimension_numbers<[1], [0], [0], [1], [0, 0, 1, 1], [], []>, transpose_lhs_hint = false} : vector<1024x512xf32>, vector<512x256xf32>, vector<1024x256xf32> -> vector<1024x256xf32>
    %get3A_55 = arith.constant 0 : index
    %get3A_56 = vector.load %arg6[%get3A_55] : memref<256xf32, #tpu.memory_space<vmem>>, vector<256xf32>
    %broadcast_in_dim3A_57 = vector.shape_cast %get3A_56 : vector<256xf32> to vector<1x256xf32>
    %add3A_58 = vector.broadcast %broadcast_in_dim3A_57 : vector<1x256xf32> to vector<1024x256xf32>
    %add3A_59 = arith.addf %dot_general3A_54, %add3A_58 : vector<1024x256xf32>
    %mul3A = arith.constant 0.00999999977 : f32
    %mul3A_60 = vector.broadcast %mul3A : f32 to vector<1024x256xf32>
    %mul3A_61 = arith.mulf %mul3A_60, %add3A_59 : vector<1024x256xf32>
    %max3A_62 = arith.maximumf %add3A_59, %mul3A_61 : vector<1024x256xf32>
    %get3A_63 = arith.constant 0 : index
    %get3A_64 = arith.constant 0 : index
    %get3A_65 = vector.load %arg7[%get3A_63, %get3A_64] : memref<256x128xf32, #tpu.memory_space<vmem>>, vector<256x128xf32>
    %dot_general3A_66 = arith.constant dense<0.000000e+00> : vector<1024x128xf32>
    %dot_general3A_67 = tpu.matmul %max3A_62, %get3A_65, %dot_general3A_66 {dimension_numbers = #tpu.dot_dimension_numbers<[1], [0], [0], [1], [0, 0, 1, 1], [], []>, transpose_lhs_hint = false} : vector<1024x256xf32>, vector<256x128xf32>, vector<1024x128xf32> -> vector<1024x128xf32>
    %get3A_68 = arith.constant 0 : index
    %get3A_69 = vector.load %arg8[%get3A_68] : memref<128xf32, #tpu.memory_space<vmem>>, vector<128xf32>
    %broadcast_in_dim3A_70 = vector.shape_cast %get3A_69 : vector<128xf32> to vector<1x128xf32>
    %add3A_71 = vector.broadcast %broadcast_in_dim3A_70 : vector<1x128xf32> to vector<1024x128xf32>
    %add3A_72 = arith.addf %dot_general3A_67, %add3A_71 : vector<1024x128xf32>
    %mul3A_73 = arith.constant 0.00999999977 : f32
    %mul3A_74 = vector.broadcast %mul3A_73 : f32 to vector<1024x128xf32>
    %mul3A_75 = arith.mulf %mul3A_74, %add3A_72 : vector<1024x128xf32>
    %max3A_76 = arith.maximumf %add3A_72, %mul3A_75 : vector<1024x128xf32>
    %swap3A = arith.constant 0 : index
    %swap3A_77 = arith.constant 0 : index
    %swap3A_78 = vector.load %arg9[%swap3A, %swap3A_77] : memref<1024x128xf32, #tpu.memory_space<vmem>>, vector<1024x128xf32>
    tpu.vector_store %arg9[%swap3A, %swap3A_77], %max3A_76 {strides = array<i32>} : memref<1024x128xf32, #tpu.memory_space<vmem>>, vector<1024x128xf32>,
    return
  }
  func.func @transform_0(%arg0: i32) -> (i32, i32, i32) {
    %c0_i32 = arith.constant 0 : i32
    %c0_i32_0 = arith.constant 0 : i32
    %c0_i32_1 = arith.constant 0 : i32
    return %c0_i32, %arg0, %c0_i32_0 : i32, i32, i32
  }
  func.func @transform_1(%arg0: i32) -> (i32, i32) {
    %c0_i32 = arith.constant 0 : i32
    %c0_i32_0 = arith.constant 0 : i32
    return %c0_i32, %arg0 : i32, i32
  }
  func.func @transform_2(%arg0: i32) -> (i32, i32) {
    %c0_i32 = arith.constant 0 : i32
    %c0_i32_0 = arith.constant 0 : i32
    return %arg0, %c0_i32 : i32, i32
  }
  func.func @transform_3(%arg0: i32) -> i32 {
    %c0_i32 = arith.constant 0 : i32
    %c0_i32_0 = arith.constant 0 : i32
    return %c0_i32 : i32
  }
  func.func @transform_4(%arg0: i32) -> (i32, i32) {
    %c0_i32 = arith.constant 0 : i32
    %c0_i32_0 = arith.constant 0 : i32
    %c0_i32_1 = arith.constant 0 : i32
    return %c0_i32, %c0_i32_0 : i32, i32
  }
  func.func @transform_5(%arg0: i32) -> i32 {
    %c0_i32 = arith.constant 0 : i32
    %c0_i32_0 = arith.constant 0 : i32
    return %c0_i32 : i32
  }
  func.func @transform_6(%arg0: i32) -> (i32, i32) {
    %c0_i32 = arith.constant 0 : i32
    %c0_i32_0 = arith.constant 0 : i32
    %c0_i32_1 = arith.constant 0 : i32
    return %c0_i32, %c0_i32_0 : i32, i32
  }
  func.func @transform_7(%arg0: i32) -> i32 {
    %c0_i32 = arith.constant 0 : i32
    %c0_i32_0 = arith.constant 0 : i32
    return %c0_i32 : i32
  }
  func.func @transform_8(%arg0: i32) -> (i32, i32) {
    %c0_i32 = arith.constant 0 : i32
    %c0_i32_0 = arith.constant 0 : i32
    return %arg0, %c0_i32 : i32, i32
  }
}

</mosaic_0001>

<sc_bundles>
// kernel: kernel.10.cloned.1.call-start
scs
__scs_entry_jumppad:
0x0: {  	(pc) =	sbr.rel $0x88, $3  }
0x1: {  	(tag) =	ssettag $0x0;
	lr =	simm.s32 $0x1  }
0x2: {  	[smem:$0x3F92] =	sst lr;
	_ =	strace $0xD0000000  }
0x3: {  	_ = 	snop  }
0x4: {  	_ = 	snop  }
0x5: {  	_ = 	snop  }
0x6: {  	_ = 	snop  }
0x7: {  	_ = 	snop  }
__scs_overlays_trampoline_lowered:
0x8: {  	[smem:$0x3FA1] =	sst s0  }
0x9: {  	[smem:$0x3FA2] =	sst s1  }
0xa: {  	[smem:$0x3FA3] =	sst s2  }
0xb: {  	[smem:$0x3FA4] =	sst s3  }
0xc: {  	[smem:$0x3FA5] =	sst s4  }
0xd: {  	[smem:$0x3FA6] =	sst s5  }
0xe: {  	[smem:$0x3FA7] =	sst s6  }
0xf: {  	[smem:$0x3FA8] =	sst s7  }
0x10: {  	[smem:$0x3FA9] =	sst s8  }
0x11: {  	[smem:$0x3FAA] =	sst s9;
	s0 =	simm.s32 @!p0 $0x0  }
0x12: {  	s1 =	sld [smem:$0x3F90];
	s0 =	simm.s32 @p0 $0x1  }
0x13: {  	[smem:$0x3FAB] =	sst s0;
	s0 =	simm.s32 @!p1 $0x0  }
0x14: {  	s2 =	sld [smem:$0x3F8F];
	s0 =	simm.s32 @p1 $0x1  }
0x15: {  	[smem:$0x3FAC] =	sst s0;
	s0 =	simm.s32 @!p2 $0x0  }
0x16: {  	s3 =	sld [smem:$0x3FDB];
	s0 =	simm.s32 @p2 $0x1  }
0x17: {  	s4 =	simm.s32 $0x1BF5;
	[smem:$0x3FAE] =	sst s0  }
0x18: {  	s0 =	sld [smem:$0x3F91];
	_ =	swait.ge [sflag:s4], $0x0  }
0x19: {  	s7 =	sld [smem:$0x3F92]  }
0x1a: {  	s8 =	sadd.s32 $0xFFFFE003, lr  }
0x1b: {  	s9 =	sadd.s32 $0xFFFFFEF7, lr;
	s5 =	simm.s32 $0xFFFFFFFF;
	p2 =	slt.u32 s8, $0xFFFFF086  }
0x1c: {  	p1 =	slt.u32 s9, $0xF7A;
	s5 =	simm.s32 @!p2 $0x0  }
0x1d: {  	s5 =	simm.s32 @p1 $0x1;
	p0 =	seq.s32 s7, s2  }
0x1e: {  	s7 =	smul.u32 @!p0 $0xF7A, s2;
	p2 =	seq.s32 @!p0 s5, $0x0  }
0x1f: {  	s9 =	smul.u32 $0xF7A, s1;
	s8 =	simm.s32 @!p0 $0x1BF5;
	p2 =	por !p2, p0  }
0x20: {  	[sflag:s8] =	ssyncset.s32 @!p0 $0xFFFFF086;
	s6 =	sadd.s32 @!p0 s3, s7;
	s7 =	simm.s32 @!p0 $0x108  }
0x21: {  	s3 =	sadd.s32 s3, s9;
	s6 =	sadd.s32 @!p0 $0x88, s6;
	s7 =	simm.s32 @p2 $0x1082  }
0x22: {  	[simem:s7], [sflag:s8] =	dma.local @!p0 [hbm:s6], $0xF7A  }
0x23: {  	s9 =	sor.u32 $0xD0000000, s2;
	s6 =	simm.s32 $0x108;
	_ =	swait.ge @!p0 [sflag:s8], $0x0  }
0x24: {  	s3 =	sadd.s32 $0x88, s3;
	s6 =	simm.s32 @!p1 $0x1082;
	[sflag:s4] =	ssyncset.s32 $0xFFFFF086  }
0x25: {  	[simem:s6], [sflag:s4] =	dma.local [hbm:s3], $0xF7A  }
0x26: {  	[smem:$0x3F92] =	sst s1;
	(tag) =	ssettag s2;
	_ =	strace s9  }
0x27: {  	s1 =	sld [smem:$0x3FA2]  }
0x28: {  	s2 =	sld [smem:$0x3FA3]  }
0x29: {  	s4 =	sld [smem:$0x3FA5]  }
0x2a: {  	p0 =	seq.s32 s5, $0x0;
	s5 =	sld [smem:$0x3FA6]  }
0x2b: {  	s6 =	sld [smem:$0x3FA7]  }
0x2c: {  	s7 =	sld [smem:$0x3FA8]  }
0x2d: {  	s3 =	simm.s32 $0x108;
	s8 =	sld [smem:$0x3FA9]  }
0x2e: {  	s3 =	simm.s32 @!p0 $0x1082;
	s9 =	sld [smem:$0x3FAA]  }
0x2f: {  	lr =	sadd.s32 s0, s3;
	s0 =	sld [smem:$0x3FA1]  }
0x30: {  	s3 =	sld [smem:$0x3FA4]  }
0x31: {  	[smem:$0x3FAD] =	sst s10  }
0x32: {  	s10 =	sld [smem:$0x3FAB];
	_ =	sdelay $0x3  }
0x33: {  	p0 =	seq.s32 s10, $0x1;
	s10 =	sld [smem:$0x3FAD];
	_ =	sdelay $0x3  }
0x34: {  	[smem:$0x3FAD] =	sst s10  }
0x35: {  	s10 =	sld [smem:$0x3FAC];
	_ =	sdelay $0x3  }
0x36: {  	p1 =	seq.s32 s10, $0x1;
	s10 =	sld [smem:$0x3FAD];
	_ =	sdelay $0x3  }
0x37: {  	[smem:$0x3FAD] =	sst s10  }
0x38: {  	s10 =	sld [smem:$0x3FAE]  }
0x39: {  	_ = 	snop;
	(pc) =	sbr.ind lr, $3  }
0x3a: {  	_ = 	snop  }
0x3b: {  	_ = 	snop  }
0x3c: {  	p2 =	seq.s32 s10, $0x1;
	s10 =	sld [smem:$0x3FAD]  }
0x3d: {  	_ =	shalt  }
0x3e: {  	_ =	shalt  }
0x3f: {  	_ =	shalt  }
0x40: {  	_ =	shalt  }
0x41: {  	_ =	shalt  }
0x42: {  	_ =	shalt  }
0x43: {  	_ =	shalt  }
0x44: {  	_ =	shalt  }
0x45: {  	_ =	shalt  }
0x46: {  	_ =	shalt  }
0x47: {  	_ =	shalt  }
0x48: {  	_ =	shalt  }
0x49: {  	_ =	shalt  }
0x4a: {  	_ =	shalt  }
0x4b: {  	_ =	shalt  }
0x4c: {  	_ =	shalt  }
0x4d: {  	_ =	shalt  }
0x4e: {  	_ =	shalt  }
0x4f: {  	_ =	shalt  }
0x50: {  	_ =	shalt  }
0x51: {  	_ =	shalt  }
0x52: {  	_ =	shalt  }
0x53: {  	_ =	shalt  }
0x54: {  	_ =	shalt  }
0x55: {  	_ =	shalt  }
0x56: {  	_ =	shalt  }
0x57: {  	_ =	shalt  }
0x58: {  	_ =	shalt  }
0x59: {  	_ =	shalt  }
0x5a: {  	_ =	shalt  }
0x5b: {  	_ =	shalt  }
0x5c: {  	_ =	shalt  }
0x5d: {  	_ =	shalt  }
0x5e: {  	_ =	shalt  }
0x5f: {  	_ =	shalt  }
0x60: {  	_ =	shalt  }
0x61: {  	_ =	shalt  }
0x62: {  	_ =	shalt  }
0x63: {  	_ =	shalt  }
0x64: {  	_ =	shalt  }
0x65: {  	_ =	shalt  }
0x66: {  	_ =	shalt  }
0x67: {  	_ =	shalt  }
0x68: {  	_ =	shalt  }
0x69: {  	_ =	shalt  }
0x6a: {  	_ =	shalt  }
0x6b: {  	_ =	shalt  }
0x6c: {  	_ =	shalt  }
0x6d: {  	_ =	shalt  }
0x6e: {  	_ =	shalt  }
0x6f: {  	_ =	shalt  }
0x70: {  	_ =	shalt  }
0x71: {  	_ =	shalt  }
0x72: {  	_ =	shalt  }
0x73: {  	_ =	shalt  }
0x74: {  	_ =	shalt  }
0x75: {  	_ =	shalt  }
0x76: {  	_ =	shalt  }
0x77: {  	_ =	shalt  }
0x78: {  	_ =	shalt  }
0x79: {  	_ =	shalt  }
0x7a: {  	_ =	shalt  }
0x7b: {  	_ =	shalt  }
0x7c: {  	_ =	shalt  }
0x7d: {  	_ =	shalt  }
0x7e: {  	_ =	shalt  }
0x7f: {  	_ =	shalt  }
0x80: {  	_ =	shalt  }
0x81: {  	_ =	shalt  }
0x82: {  	_ =	shalt  }
0x83: {  	_ =	shalt  }
0x84: {  	_ =	shalt  }
0x85: {  	_ =	shalt  }
0x86: {  	_ =	shalt  }
0x87: {  	_ =	shalt  }
.Lfunc_end0:
.L_simem_size_0:
called_computation.1_lowered:
.L_overlay_start_0:
0x88: {  	s2 =	sld [smem:$0x3FD9]  }
0x89: {  	s3 =	sld [smem:$0x3FFE];
	_ =	sdelay $0x1  }
0x8a: {  	s1 =	srdreg.scid  }
0x8b: {  	s0 =	sand.u32 $0x1, s1  }
0x8c: {  	s17 =	sshll.u32 s0, $0xA;
	s2 =	sadd.s32 s3, s2  }
0x8d: {  	s2 =	sadd.s32 s2, s17  }
0x8e: {  	[smem:$0x3FB9] =	sst s2  }
0x8f: {  	_ = 	snop  }
0x90: {  	s2 =	sld [smem:$0x3FD0];
	(tm) =	ssettm $0x1  }
0x91: {  	s18 =	sld [smem:$0x3FFB];
	_ =	sdelay $0x3  }
0x92: {  	_ =	strace s18  }
0x93: {  	s3 =	sld [smem:$0x3FFC];
	_ =	sdelay $0x3  }
0x94: {  	_ =	strace s3  }
0x95: {  	s3 =	sld [smem:$0x3FFD];
	_ =	sdelay $0x3  }
0x96: {  	_ =	strace s3  }
0x97: {  	_ =	strace $0x8FFFFFFF  }
0x98: {  	s19 =	sld [smem:$0x3FDB];
	_ =	sdelay $0x1  }
0x99: {  	s4 =	simm.s32 $_scs_section_size  }
0x9a: {  	s5 =	simm.s32 $_size__tile_overlayer_lowered;
	s6 =	simm.s32 $_tile_overlayer_lowered  }
0x9b: {  	s22 =	simm.s32 $0x1BFF;
	s21 =	sshll.u32 s6, $0x1;
	s3 =	sadd.s32 s4, s19  }
0x9c: {  	s7 =	simm.s32 $0x0;
	s20 =	sshll.u32 s5, $0x1;
	s5 =	sadd.s32 s21, s3  }
0x9d: {  	[timem:s7], [sflag:s22] =	dma.local [hbm:s5], s20  }
0x9e: {  	_ =	swait.ge [sflag:s22], s20  }
0x9f: {  	s4 =	ssub.s32 $0x0, s20;
	[sflag:s22] =	ssyncset.done $0x0  }
0xa0: {  	[sflag:s22] =	ssyncadd.s32 s4;
	_ =	sdelay $0x1  }
0xa1: {  	s23 =	simm.s32 $0x1B8B  }
0xa2: {  	_ =	swait.ge [sflag:s23], $0x1  }
0xa3: {  	[sflag:s23] =	ssyncset.done $0x0  }
0xa4: {  	s25 =	simm.s32 $0x1B8E;
	s24 =	sld [smem:$0x3FFE];
	[sflag:s23] =	ssyncadd.s32 $0xFFFFFFFF  }
0xa5: {  	s26 =	simm.s32 $execute0_lowered;
	[smem:$0x3FD2] =	sst s25  }
0xa6: {  	s5 =	sshll.u32 s26, $0x1;
	_ =	strace $0x80000049;
	[dreg:$0x1] =	wrdreg $0xFFFFFFFF  }
0xa7: {  	s28 =	simm.s32 $_size_execute0_lowered;
	s3 =	sadd.s32 s3, s5;
	[dreg:$0x0] =	wrdreg $0x0  }
0xa8: {  	s5 =	sshll.u32 s28, $0x1;
	[dreg:$0x2] =	wrdreg s3  }
0xa9: {  	[dreg:$0x3] =	wrdreg s5  }
0xaa: {  	[dreg:$0x4] =	wrdreg $0xC0  }
0xab: {  	_ =	task [dreg:s7], $0x5FFFF  }
0xac: {  	[dreg:$0x1] =	wrdreg $0xFFFFFFFF  }
0xad: {  	[dreg:$0x0] =	wrdreg $0x60  }
0xae: {  	[dreg:$0x2] =	wrdreg s24  }
0xaf: {  	[dreg:$0x3] =	wrdreg s2  }
0xb0: {  	[dreg:$0x4] =	wrdreg $0xBF800  }
0xb1: {  	[dreg:$0x5] =	wrdreg $0xB8000  }
0xb2: {  	[dreg:$0x6] =	wrdreg $0xBA800  }
0xb3: {  	[dreg:$0x7] =	wrdreg $0xBD000  }
0xb4: {  	[dreg:$0x8] =	wrdreg $0x9  }
0xb5: {  	_ =	task.clear_ibuf [dreg:s7], $0x9FFFF;
	_ =	strace $0x90000049  }
0xb6: {  	s29 =	simm.s32 $0x9;
	_ =	strace $0x8000004B  }
0xb7: {  	_ =	swait.ge [sflag:s29], $0x1  }
0xb8: {  	[sflag:s29] =	ssyncadd.s32 $0xFFFFFFFF  }
0xb9: {  	_ =	strace $0x9000004B  }
0xba: {  	_ =	sfence  }
0xbb: {  	s30 =	sld [smem:$0x0];
	_ =	sdelay $0x2  }
0xbc: {  	s31 =	sshll.u32 s1, $0xD;
	s1 =	sshrl.u32 s1, $0x2  }
0xbd: {  	s3 =	sand.u32 $0x4000, s31;
	s1 =	sadd.s32 s1, s30  }
0xbe: {  	s0 =	sor.u32 s3, s0;
	s1 =	sshll.u32 s1, $0x11  }
0xbf: {  	s0 =	sor.u32 s1, s0  }
0xc0: {  	s0 =	sadd.s32 $0x8F2B, s0  }
0xc1: {  	[sflag:s0] =	ssyncadd.remote.s32 $0x1  }
0xc2: {  	_ =	sfence.sel $0xFFFF  }
0xc3: {  	[dreg:$0x0] =	wrdreg $0xFFFFFFFF;
	(pc) =	sbr.abs _section_cstart, $3  }
0xc4: {  	[dreg:$0x1] =	wrdreg $0xFFFFFFFF  }
0xc5: {  	_ =	task.clear_ibuf [dreg:s7], $0x2FFFF;
	_ =	strace $0x9FFFFFFF  }
0xc6: {  	(tm) =	ssettm $0x7FFFFFFF  }
0xc7: {  	_ =	shalt  }
tec
execute0_lowered:
.L_overlay_start_1:
0x0: {  	(tag) =	ssettag $0x1  }
0x1: {  	s0 =	rddreg [dreg:$0x0];
	s16 =	stileid.u32  }
0x2: {  	s3 =	rddreg [dreg:$0x1];
	s2 =	simm.s32 $0x0;
	s5 =	srdreg.scid  }
0x3: {  	s1 =	sshrl.u32 s16, $0x3;
	[smem:$0x7FF] =	sst s2;
	s23 =	sshll.u32 s16, $0x7  }
0x4: {  	s4 =	sadd.s32 $0xA8400, s0;
	s7 =	smul.u32 $0x500, s16;
	s8 =	sadd.s32 $0x14CA00, s0  }
0x5: {  	s6 =	sadd.s32 $0xA9800, s0;
	s9 =	sadd.s32 $0x14B600, s0;
	s1 =	smul.u32 $0x13C00, s1  }
0x6: {  	s13 =	smul.u32 $0x14000, s16;
	p0 =	sne.s32 s16, $0x0;
	s2 =	sand.u32 $0x380, s23  }
0x7: {  	s3 =	sadd.s32 s3, s7;
	s2 =	sor.u32 s2, s1;
	s1 =	sand.u32 $0x1, s5  }
0x8: {  	[dreg:$0x7] =	wrdreg s3;
	s3 =	smul.u32 $0x280, s16;
	s5 =	sshrl.u32 s2, $0x3  }
0x9: {  	s24 =	ssub.s32 $0x2, s1;
	s25 =	sshll.u32 s1, $0x5;
	s26 =	smul.u32 $0x280000, s1  }
0xa: {  	s11 =	sshllo.u32 s1, $0x1;
	s10 =	sshrl.u32 s24, $0x1;
	s12 =	sadd.s32 s4, s25  }
0xb: {  	s28 =	sadd.s32 s6, s25;
	s7 =	sadd.s32 s9, s25;
	[dreg:$0x8] =	wrdreg s12  }
0xc: {  	s29 =	sshll.u32 s11, $0x4;
	s31 =	sshll.u32 s3, $0x7;
	[dreg:$0x9] =	wrdreg s28  }
0xd: {  	s5 =	sadd.s32 s5, s0;
	[dreg:$0xa] =	wrdreg s7;
	s4 =	sadd.s32 s4, s29  }
0xe: {  	s2 =	ssub.s32 s24, s10;
	s30 =	sadd.s32 s6, s29;
	[dreg:$0xb] =	wrdreg s4  }
0xf: {  	s12 =	smul.u32 $0x140000, s11;
	s14 =	sadd.s32 s9, s29;
	[dreg:$0xc] =	wrdreg s30  }
0x10: {  	s7 =	sadd.s32 $0x4000, s31;
	s17 =	sadd.s32 s26, s13;
	[dreg:$0xd] =	wrdreg s14  }
0x11: {  	s18 =	sadd.s32 s26, s7;
	s19 =	sshrl.u32 s17, $0x3;
	s4 =	sadd.s32 $0x10000, s31  }
0x12: {  	s17 =	rddreg [dreg:$0x3];
	s2 =	smax.u32 s2, $0x1;
	s15 =	sadd.s32 s12, s13  }
0x13: {  	s20 =	sshrl.u32 s18, $0x3;
	s13 =	sadd.s32 $0xC000, s31;
	s6 =	sshrl.u32 s15, $0x3  }
0x14: {  	s10 =	sadd.s32 s26, s4;
	s25 =	sadd.s32 s12, s7;
	s6 =	sadd.s32 s8, s6  }
0x15: {  	s30 =	sadd.s32 s12, s4;
	[dreg:$0xe] =	wrdreg s6;
	s6 =	sadd.s32 s8, s19  }
0x16: {  	s21 =	sadd.s32 s8, s20;
	[dreg:$0xf] =	wrdreg s6;
	s6 =	sadd.s32 $0x8000, s31  }
0x17: {  	s14 =	sadd.s32 s26, s13;
	s15 =	rddreg [dreg:$0x2];
	s22 =	sadd.s32 s26, s6  }
0x18: {  	s10 =	sshrl.u32 s10, $0x3;
	[dreg:$0x10] =	wrdreg s21;
	s9 =	sshrl.u32 s22, $0x3  }
0x19: {  	s23 =	sshrl.u32 s14, $0x3;
	s21 =	rddreg [dreg:$0x5];
	s9 =	sadd.s32 s8, s9  }
0x1a: {  	s24 =	sadd.s32 s8, s10;
	[dreg:$0x11] =	wrdreg s9;
	s9 =	sadd.s32 s8, s23  }
0x1b: {  	s26 =	sadd.s32 s12, s6;
	[dreg:$0x12] =	wrdreg s9;
	s9 =	sshrl.u32 s25, $0x3  }
0x1c: {  	[dreg:$0x13] =	wrdreg s24;
	s28 =	sshrl.u32 s26, $0x3;
	s9 =	sadd.s32 s8, s9  }
0x1d: {  	s29 =	sadd.s32 s12, s13;
	[dreg:$0x14] =	wrdreg s9;
	s9 =	sadd.s32 s8, s28  }
0x1e: {  	s18 =	smul.u32 $0x2800, s11;
	[dreg:$0x15] =	wrdreg s9;
	s9 =	sshrl.u32 s29, $0x3  }
0x1f: {  	s19 =	rddreg [dreg:$0x4];
	s31 =	sshrl.u32 s30, $0x3;
	s9 =	sadd.s32 s8, s9  }
0x20: {  	s24 =	sadd.s32 $0x8400, s0;
	s8 =	sadd.s32 s8, s31;
	[dreg:$0x16] =	wrdreg s9  }
0x21: {  	s25 =	sadd.s32 $0x14AE00, s0;
	s0 =	sadd.s32 $0x14AC00, s0;
	[dreg:$0x17] =	wrdreg s8  }
0x22: {  	s10 =	sadd.s32 $0x3400, s5;
	_ =	strace $0x8000004A;
	[dreg:$0x18] =	wrdreg s0  }
0x23: {  	s11 =	simm.s32 $0x2;
	s3 =	sadd.s32 s3, s21;
	[dreg:$0x19] =	wrdreg s10  }
0x24: {  	s20 =	sadd.s32 s7, s15;
	s7 =	simm.s32 $0x80;
	[dreg:$0x1a] =	wrdreg s3  }
0x25: {  	v2 =	vmov s18;
	s18 =	simm.s32 $0x0;
	s22 =	sadd.s32 s6, s15;
	[dreg:$0x1c] =	wrdreg s2  }
0x26: {  	s26 =	sadd.s32 s4, s15;
	s9 =	smul.u32 $0x50000, s16;
	[dreg:$0x1d] =	wrdreg s20  }
0x27: {  	s23 =	sadd.s32 s13, s15;
	s13 =	simm.s32 $0x7700;
	[dreg:$0x1e] =	wrdreg s22  }
0x28: {  	s8 =	simm.s32 $0x4;
	[dreg:$0x1f] =	wrdreg s23;
	s12 =	sshrl.u32 s9, $0x2  }
0x29: {  	s16 =	simm.s32 $0x4F80;
	[smem:$0x7F9] =	sst s26;
	s14 =	sadd.s32 s12, s15  }
0x2a: {  	s0 =	smul.u32 $0x5000, s1;
	s28 =	sadd.s32 $0x4000, s14;
	[dreg:$0x1b] =	wrdreg s14  }
0x2b: {  	s1 =	smul.u32 $0xFFFFB000, s1;
	s29 =	sadd.s32 $0x8000, s14;
	[smem:$0x7FA] =	sst s28  }
0x2c: {  	s10 =	simm.s32 $0xB780;
	s30 =	sadd.s32 $0xC000, s14;
	[smem:$0x7FB] =	sst s29  }
0x2d: {  	s9 =	simm.s32 $0xB700;
	s31 =	sadd.s32 $0x10000, s14;
	[smem:$0x7FC] =	sst s30  }
0x2e: {  	v3 =	vimm.f32 $0.0e+00;
	v0 =	vmov s0;
	s12 =	simm.s32 $0x3;
	v1 =	vmov s1;
	s14 =	simm.s32 $0x1;
	[smem:$0x7FD] =	sst s31  }
.LBB2_1:
0x2f: {  	s0 =	simm.s32 $0x0;
	s1 =	rddreg [dreg:$0x19];
	s2 =	simm.s32 $0x400  }
0x30: {  	[tilespmem:s0], [sflag:$0x4] =	stream.strided.gather [hbm4b:s1+s7], $0x2780, s2, s7, $0x38;
	[tilespmem:$0x1FF80] =	vst v63  }
0x31: {  	_ =	swait.ge [sflag:s8], $0x2780  }
0x32: {  	s3 =	simm.s32 $0x2780;
	[sflag:s8] =	ssyncset.done $0x0  }
0x33: {  	s5 =	sshrl.u32 @!p0 s17, $0x3;
	s2 =	rddreg [dreg:$0x7];
	[sflag:s8] =	ssyncadd.s32 $0xFFFFD880  }
0x34: {  	[tilespmem:s3], [sflag:$0x4] =	stream.linear.gather [hbm4b:s2+s0], $0x2780, $0x38;
	[tilespmem:$0x1FF80] =	vst v63  }
0x35: {  	s4 =	simm.s32 @!p0 $0x1C04;
	s1 =	simm.s32 @!p0 $0x10;
	_ =	swait.ge [sflag:s8], $0x2780  }
0x36: {  	s0 =	simm.s32 @!p0 $0x1;
	[sflag:s8] =	ssyncset.done $0x0;
	s2 =	rddreg [dreg:$0x8]  }
0x37: {  	s3 =	simm.s32 @!p0 $0x40;
	[smem:$0x7F6] =	sst s5;
	[sflag:s8] =	ssyncadd.s32 $0xFFFFD880  }
0x38: {  	[spmem:s5@s1], [sflag:s4] =	dma.strided @!p0 [hbm:s2@s3], $0x500, s0, $0x10   }
0x39: {  	s5 =	simm.s32 @!p0 $0x4  }
0x3a: {  	_ =	swait.ge @!p0 [sflag:s5], $0x500  }
0x3b: {  	s6 =	sshrl.u32 @!p0 s19, $0x3;
	[sflag:s5] =	ssyncset.done @!p0 $0x0;
	s2 =	rddreg [dreg:$0x9]  }
0x3c: {  	[smem:$0x7F7] =	sst s6;
	[sflag:s5] =	ssyncadd.s32 @!p0 $0xFFFFFB00  }
0x3d: {  	[spmem:s6@s1], [sflag:s4] =	dma.strided @!p0 [hbm:s2@s3], $0x500, s0, $0x10   }
0x3e: {  	_ =	swait.ge @!p0 [sflag:s5], $0x500  }
0x3f: {  	s4 =	stileid.u32;
	[sflag:s5] =	ssyncset.done @!p0 $0x0  }
0x40: {  	s0 =	sshll.u32 s4, $0x6;
	[sflag:s5] =	ssyncadd.s32 @!p0 $0xFFFFFB00;
	s5 =	rddreg [dreg:$0x1a]  }
0x41: {  	s22 =	sor.u32 $0x1C04, s0;
	s6 =	rddreg [dreg:$0x18];
	s3 =	sshrl.u32 s5, $0x3  }
0x42: {  	[spmem:s3], [sflag:s22] =	dma.local [hbm:s6], $0x50  }
0x43: {  	_ =	swait.ge [sflag:s8], $0x50  }
0x44: {  	s20 =	rddreg [dreg:$0x1b]  }
0x45: {  	[sflag:s8] =	ssyncset.done $0x0;
	s0 =	sshrl.u32 s20, $0x3  }
0x46: {  	[sflag:s8] =	ssyncadd.s32 $0xFFFFFFB0;
	[smem:$0x7F8] =	sst s0  }
0x47: {  	[spmem:s0], [sflag:s22] =	dma.local [hbm:s25], $0x800  }
0x48: {  	_ =	swait.ge [sflag:s8], $0x800  }
0x49: {  	s23 =	sld [smem:$0x7FA];
	_ =	sdelay $0x1  }
0x4a: {  	[sflag:s8] =	ssyncset.done $0x0  }
0x4b: {  	[sflag:s8] =	ssyncadd.s32 $0xFFFFF800;
	s4 =	sshrl.u32 s23, $0x3  }
0x4c: {  	[spmem:s4], [sflag:s22] =	dma.local [hbm:s25], $0x800  }
0x4d: {  	_ =	swait.ge [sflag:s8], $0x800  }
0x4e: {  	s26 =	sld [smem:$0x7FB];
	_ =	sdelay $0x1  }
0x4f: {  	[sflag:s8] =	ssyncset.done $0x0  }
0x50: {  	[sflag:s8] =	ssyncadd.s32 $0xFFFFF800;
	s5 =	sshrl.u32 s26, $0x3  }
0x51: {  	[spmem:s5], [sflag:s22] =	dma.local [hbm:s25], $0x800  }
0x52: {  	_ =	swait.ge [sflag:s8], $0x800  }
0x53: {  	s28 =	sld [smem:$0x7FC];
	_ =	sdelay $0x1  }
0x54: {  	[sflag:s8] =	ssyncset.done $0x0  }
0x55: {  	[sflag:s8] =	ssyncadd.s32 $0xFFFFF800;
	s6 =	sshrl.u32 s28, $0x3  }
0x56: {  	[spmem:s6], [sflag:s22] =	dma.local [hbm:s25], $0x800  }
0x57: {  	_ =	swait.ge [sflag:s8], $0x800  }
0x58: {  	s29 =	sld [smem:$0x7FD];
	_ =	sdelay $0x1  }
0x59: {  	[sflag:s8] =	ssyncset.done $0x0  }
0x5a: {  	[sflag:s8] =	ssyncadd.s32 $0xFFFFF800;
	s30 =	sshrl.u32 s29, $0x3  }
0x5b: {  	[spmem:s30], [sflag:s22] =	dma.local [hbm:s25], $0x800  }
0x5c: {  	_ =	swait.ge [sflag:s8], $0x800  }
0x5d: {  	[sflag:s8] =	ssyncset.done $0x0  }
0x5e: {  	[sflag:s8] =	ssyncadd.s32 $0xFFFFF800  }
0x5f: {  	s0 =	simm.s32 $0x0;
	[bflag:$0x0] =	sbarrier.arrive $0xFFFF  }
0x60: {  	[tilespmem:s9], [sflag:$0x2] =	stream.indirect.gather [spmem:s17], $0x1, s0, s7, $0xb8;
	[tilespmem:$0x1FF80] =	vst v63  }
0x61: {  	s31 =	simm.s32 $0x2780  }
0x62: {  	[tilespmem:s10], [sflag:$0x3] =	stream.indirect.gather [spmem:s19], $0x1, s31, s7, $0xb8;
	[tilespmem:$0x1FF80] =	vst v63  }
0x63: {  	_ =	swait.ge [sflag:s11], $0x80  }
0x64: {  	[sflag:s11] =	ssyncset.done $0x0  }
0x65: {  	[sflag:s11] =	ssyncadd.s32 $0xFFFFFF80  }
0x66: {  	_ =	swait.ge [sflag:s12], $0x80  }
0x67: {  	[sflag:s12] =	ssyncset.done $0x0  }
0x68: {  	[sflag:s12] =	ssyncadd.s32 $0xFFFFFF80  }
0x69: {  	v4 =	vld [tilespmem:$0xB700]  }
0x6a: {  	v5 =	vld [tilespmem:$0xB780];
	_ =	sdelay $0x4  }
0x6b: {  	v4 =	vadd.f32 v5, v4;
	_ =	sdelay $0x1  }
0x6c: {  	v5 =	vmul.f32 $2.000000030e-01, v4;
	_ =	sdelay $0x1  }
0x6d: {  	v4 =	vmax.f32 v4, v5  }
0x6e: {  	v4 =	vmul.f32 $1.442695020e+00, v4;
	_ =	sdelay $0x1  }
0x6f: {  	(erf) = vpow2.f32 v4;
	_ =	sdelay $0x8  }
0x70: {  	v4 =	vpop (erf)  }
0x71: {  	[tilespmem:s0+$0x4F80] =	vst v4  }
0x72: {  	v4 =	vld [tilespmem:$0xB710]  }
0x73: {  	v5 =	vld [tilespmem:$0xB790];
	_ =	sdelay $0x4  }
0x74: {  	v4 =	vadd.f32 v5, v4;
	_ =	sdelay $0x1  }
0x75: {  	v5 =	vmul.f32 $2.000000030e-01, v4;
	_ =	sdelay $0x1  }
0x76: {  	v4 =	vmax.f32 v4, v5  }
0x77: {  	v4 =	vmul.f32 $1.442695020e+00, v4;
	_ =	sdelay $0x1  }
0x78: {  	(erf) = vpow2.f32 v4;
	_ =	sdelay $0x8  }
0x79: {  	v4 =	vpop (erf)  }
0x7a: {  	[tilespmem:s0+$0x4F90] =	vst v4  }
0x7b: {  	v4 =	vld [tilespmem:$0xB720]  }
0x7c: {  	v5 =	vld [tilespmem:$0xB7A0];
	_ =	sdelay $0x4  }
0x7d: {  	v4 =	vadd.f32 v5, v4;
	_ =	sdelay $0x1  }
0x7e: {  	v5 =	vmul.f32 $2.000000030e-01, v4;
	_ =	sdelay $0x1  }
0x7f: {  	v4 =	vmax.f32 v4, v5  }
0x80: {  	v4 =	vmul.f32 $1.442695020e+00, v4;
	_ =	sdelay $0x1  }
0x81: {  	(erf) = vpow2.f32 v4;
	_ =	sdelay $0x8  }
0x82: {  	v4 =	vpop (erf)  }
0x83: {  	[tilespmem:s0+$0x4FA0] =	vst v4  }
0x84: {  	v4 =	vld [tilespmem:$0xB730]  }
0x85: {  	v5 =	vld [tilespmem:$0xB7B0];
	_ =	sdelay $0x4  }
0x86: {  	v4 =	vadd.f32 v5, v4;
	_ =	sdelay $0x1  }
0x87: {  	v5 =	vmul.f32 $2.000000030e-01, v4;
	_ =	sdelay $0x1  }
0x88: {  	v4 =	vmax.f32 v4, v5  }
0x89: {  	v4 =	vmul.f32 $1.442695020e+00, v4;
	_ =	sdelay $0x1  }
0x8a: {  	(erf) = vpow2.f32 v4;
	_ =	sdelay $0x8  }
0x8b: {  	v4 =	vpop (erf)  }
0x8c: {  	[tilespmem:s0+$0x4FB0] =	vst v4  }
0x8d: {  	v4 =	vld [tilespmem:$0xB740]  }
0x8e: {  	v5 =	vld [tilespmem:$0xB7C0];
	_ =	sdelay $0x4  }
0x8f: {  	v4 =	vadd.f32 v5, v4;
	_ =	sdelay $0x1  }
0x90: {  	v5 =	vmul.f32 $2.000000030e-01, v4;
	_ =	sdelay $0x1  }
0x91: {  	v4 =	vmax.f32 v4, v5  }
0x92: {  	v4 =	vmul.f32 $1.442695020e+00, v4;
	_ =	sdelay $0x1  }
0x93: {  	(erf) = vpow2.f32 v4;
	_ =	sdelay $0x8  }
0x94: {  	v4 =	vpop (erf)  }
0x95: {  	[tilespmem:s0+$0x4FC0] =	vst v4  }
0x96: {  	v4 =	vld [tilespmem:$0xB750]  }
0x97: {  	v5 =	vld [tilespmem:$0xB7D0];
	_ =	sdelay $0x4  }
0x98: {  	v4 =	vadd.f32 v5, v4;
	_ =	sdelay $0x1  }
0x99: {  	v5 =	vmul.f32 $2.000000030e-01, v4;
	_ =	sdelay $0x1  }
0x9a: {  	v4 =	vmax.f32 v4, v5  }
0x9b: {  	v4 =	vmul.f32 $1.442695020e+00, v4;
	_ =	sdelay $0x1  }
0x9c: {  	(erf) = vpow2.f32 v4;
	_ =	sdelay $0x8  }
0x9d: {  	v4 =	vpop (erf)  }
0x9e: {  	[tilespmem:s0+$0x4FD0] =	vst v4  }
0x9f: {  	v4 =	vld [tilespmem:$0xB760]  }
0xa0: {  	v5 =	vld [tilespmem:$0xB7E0];
	_ =	sdelay $0x4  }
0xa1: {  	v4 =	vadd.f32 v5, v4;
	_ =	sdelay $0x1  }
0xa2: {  	v5 =	vmul.f32 $2.000000030e-01, v4;
	_ =	sdelay $0x1  }
0xa3: {  	v4 =	vmax.f32 v4, v5  }
0xa4: {  	v4 =	vmul.f32 $1.442695020e+00, v4;
	_ =	sdelay $0x1  }
0xa5: {  	(erf) = vpow2.f32 v4;
	_ =	sdelay $0x8  }
0xa6: {  	v4 =	vpop (erf)  }
0xa7: {  	[tilespmem:s0+$0x4FE0] =	vst v4  }
0xa8: {  	v4 =	vld [tilespmem:$0xB770]  }
0xa9: {  	v5 =	vld [tilespmem:$0xB7F0];
	_ =	sdelay $0x4  }
0xaa: {  	v4 =	vadd.f32 v5, v4;
	_ =	sdelay $0x1  }
0xab: {  	v5 =	vmul.f32 $2.000000030e-01, v4;
	_ =	sdelay $0x1  }
0xac: {  	v4 =	vmax.f32 v4, v5  }
0xad: {  	v4 =	vmul.f32 $1.442695020e+00, v4;
	_ =	sdelay $0x1  }
0xae: {  	s20 =	simm.s32 $0x200;
	(erf) = vpow2.f32 v4  }
.LBB2_2:
0xaf: {  	_ = 	snop  }
0xb0: {  	p1 =	sne.s32 s20, $0x9C00;
	s1 =	smov.u32 s20;
	s20 =	sadd.s32 $0x200, s20  }
0xb1: {  	_ =	sdelay $0x5  }
0xb2: {  	v4 =	vpop (erf)  }
0xb3: {  	[tilespmem:s0+$0x4FF0] =	vst v4;
	s0 =	sshra.s32 s1, $0x2  }
0xb4: {  	[tilespmem:s9], [sflag:$0x2] =	stream.indirect.gather [spmem:s17], $0x1, s0, s7, $0xb8;
	[tilespmem:$0x1FF80] =	vst v63  }
0xb5: {  	s1 =	sadd.s32 $0x2780, s0  }
0xb6: {  	[tilespmem:s10], [sflag:$0x3] =	stream.indirect.gather [spmem:s19], $0x1, s1, s7, $0xb8;
	[tilespmem:$0x1FF80] =	vst v63  }
0xb7: {  	_ =	swait.ge [sflag:s11], $0x80  }
0xb8: {  	[sflag:s11] =	ssyncset.done $0x0  }
0xb9: {  	[sflag:s11] =	ssyncadd.s32 $0xFFFFFF80  }
0xba: {  	_ =	swait.ge [sflag:s12], $0x80  }
0xbb: {  	[sflag:s12] =	ssyncset.done $0x0  }
0xbc: {  	[sflag:s12] =	ssyncadd.s32 $0xFFFFFF80  }
0xbd: {  	v4 =	vld [tilespmem:$0xB700]  }
0xbe: {  	v5 =	vld [tilespmem:$0xB780];
	_ =	sdelay $0x4  }
0xbf: {  	v4 =	vadd.f32 v5, v4;
	_ =	sdelay $0x1  }
0xc0: {  	v5 =	vmul.f32 $2.000000030e-01, v4;
	_ =	sdelay $0x1  }
0xc1: {  	v4 =	vmax.f32 v4, v5  }
0xc2: {  	v4 =	vmul.f32 $1.442695020e+00, v4;
	_ =	sdelay $0x1  }
0xc3: {  	(erf) = vpow2.f32 v4;
	_ =	sdelay $0x8  }
0xc4: {  	v4 =	vpop (erf)  }
0xc5: {  	[tilespmem:s0+$0x4F80] =	vst v4  }
0xc6: {  	v4 =	vld [tilespmem:$0xB710]  }
0xc7: {  	v5 =	vld [tilespmem:$0xB790];
	_ =	sdelay $0x4  }
0xc8: {  	v4 =	vadd.f32 v5, v4;
	_ =	sdelay $0x1  }
0xc9: {  	v5 =	vmul.f32 $2.000000030e-01, v4;
	_ =	sdelay $0x1  }
0xca: {  	v4 =	vmax.f32 v4, v5  }
0xcb: {  	v4 =	vmul.f32 $1.442695020e+00, v4;
	_ =	sdelay $0x1  }
0xcc: {  	(erf) = vpow2.f32 v4;
	_ =	sdelay $0x8  }
0xcd: {  	v4 =	vpop (erf)  }
0xce: {  	[tilespmem:s0+$0x4F90] =	vst v4  }
0xcf: {  	v4 =	vld [tilespmem:$0xB720]  }
0xd0: {  	v5 =	vld [tilespmem:$0xB7A0];
	_ =	sdelay $0x4  }
0xd1: {  	v4 =	vadd.f32 v5, v4;
	_ =	sdelay $0x1  }
0xd2: {  	v5 =	vmul.f32 $2.000000030e-01, v4;
	_ =	sdelay $0x1  }
0xd3: {  	v4 =	vmax.f32 v4, v5  }
0xd4: {  	v4 =	vmul.f32 $1.442695020e+00, v4;
	_ =	sdelay $0x1  }
0xd5: {  	(erf) = vpow2.f32 v4;
	_ =	sdelay $0x8  }
0xd6: {  	v4 =	vpop (erf)  }
0xd7: {  	[tilespmem:s0+$0x4FA0] =	vst v4  }
0xd8: {  	v4 =	vld [tilespmem:$0xB730]  }
0xd9: {  	v5 =	vld [tilespmem:$0xB7B0];
	_ =	sdelay $0x4  }
0xda: {  	v4 =	vadd.f32 v5, v4;
	_ =	sdelay $0x1  }
0xdb: {  	v5 =	vmul.f32 $2.000000030e-01, v4;
	_ =	sdelay $0x1  }
0xdc: {  	v4 =	vmax.f32 v4, v5  }
0xdd: {  	v4 =	vmul.f32 $1.442695020e+00, v4;
	_ =	sdelay $0x1  }
0xde: {  	(erf) = vpow2.f32 v4;
	_ =	sdelay $0x8  }
0xdf: {  	v4 =	vpop (erf)  }
0xe0: {  	[tilespmem:s0+$0x4FB0] =	vst v4  }
0xe1: {  	v4 =	vld [tilespmem:$0xB740]  }
0xe2: {  	v5 =	vld [tilespmem:$0xB7C0];
	_ =	sdelay $0x4  }
0xe3: {  	v4 =	vadd.f32 v5, v4;
	_ =	sdelay $0x1  }
0xe4: {  	v5 =	vmul.f32 $2.000000030e-01, v4;
	_ =	sdelay $0x1  }
0xe5: {  	v4 =	vmax.f32 v4, v5  }
0xe6: {  	v4 =	vmul.f32 $1.442695020e+00, v4;
	_ =	sdelay $0x1  }
0xe7: {  	(erf) = vpow2.f32 v4;
	_ =	sdelay $0x8  }
0xe8: {  	v4 =	vpop (erf)  }
0xe9: {  	[tilespmem:s0+$0x4FC0] =	vst v4  }
0xea: {  	v4 =	vld [tilespmem:$0xB750]  }
0xeb: {  	v5 =	vld [tilespmem:$0xB7D0];
	_ =	sdelay $0x4  }
0xec: {  	v4 =	vadd.f32 v5, v4;
	_ =	sdelay $0x1  }
0xed: {  	v5 =	vmul.f32 $2.000000030e-01, v4;
	_ =	sdelay $0x1  }
0xee: {  	v4 =	vmax.f32 v4, v5  }
0xef: {  	v4 =	vmul.f32 $1.442695020e+00, v4;
	_ =	sdelay $0x1  }
0xf0: {  	(erf) = vpow2.f32 v4;
	_ =	sdelay $0x8  }
0xf1: {  	v4 =	vpop (erf)  }
0xf2: {  	[tilespmem:s0+$0x4FD0] =	vst v4  }
0xf3: {  	v4 =	vld [tilespmem:$0xB760]  }
0xf4: {  	v5 =	vld [tilespmem:$0xB7E0];
	_ =	sdelay $0x4  }
0xf5: {  	v4 =	vadd.f32 v5, v4;
	_ =	sdelay $0x1  }
0xf6: {  	v5 =	vmul.f32 $2.000000030e-01, v4;
	_ =	sdelay $0x1  }
0xf7: {  	v4 =	vmax.f32 v4, v5  }
0xf8: {  	v4 =	vmul.f32 $1.442695020e+00, v4;
	_ =	sdelay $0x1  }
0xf9: {  	(erf) = vpow2.f32 v4;
	_ =	sdelay $0x8  }
0xfa: {  	v4 =	vpop (erf)  }
0xfb: {  	[tilespmem:s0+$0x4FE0] =	vst v4  }
0xfc: {  	v4 =	vld [tilespmem:$0xB770]  }
0xfd: {  	v5 =	vld [tilespmem:$0xB7F0];
	_ =	sdelay $0x4  }
0xfe: {  	v4 =	vadd.f32 v5, v4;
	_ =	sdelay $0x1  }
0xff: {  	v5 =	vmul.f32 $2.000000030e-01, v4  }
.Ltmp0:
0x100: {  	(pc) =	sbr.rel @p1 .LBB2_2-.Ltmp0, $3  }
0x101: {  	v4 =	vmax.f32 v4, v5  }
0x102: {  	v4 =	vmul.f32 $1.442695020e+00, v4;
	_ =	sdelay $0x1  }
0x103: {  	(erf) = vpow2.f32 v4  }
0x104: {  	_ =	sdelay $0x7  }
0x105: {  	v4 =	vpop (erf)  }
0x106: {  	[tilespmem:s0+$0x4FF0] =	vst v4  }
0x107: {  	[tilespmem:$0x7690] =	vst v3  }
0x108: {  	[tilespmem:$0x76A0] =	vst v3  }
0x109: {  	[tilespmem:$0x76B0] =	vst v3  }
0x10a: {  	[tilespmem:$0x76C0] =	vst v3  }
0x10b: {  	[tilespmem:$0x76D0] =	vst v3  }
0x10c: {  	[tilespmem:$0x76E0] =	vst v3  }
0x10d: {  	s31 =	simm.s32 $0x4F80;
	s1 =	simm.s32 $0x2780;
	[tilespmem:$0x76F0] =	vst v3  }
0x10e: {  	[spmem:s21] =	stream.indirect.scatter.add.f32 [tilespmem:s31], [sflag:$0x4], $0x1, s1, s7, $0xb8;
	[tilespmem:$0x1FF80] =	vst v63  }
0x10f: {  	s0 =	simm.s32 $0x200;
	_ =	swait.ge [sflag:s8], $0x80  }
.LBB2_4:
0x110: {  	s1 =	sshra.s32 s0, $0x2  }
0x111: {  	[sflag:s8] =	ssyncset.done $0x0;
	p1 =	sne.s32 s0, $0x9C00;
	s20 =	sadd.s32 $0x4F80, s1  }
.Ltmp1:
0x112: {  	s1 =	sadd.s32 $0x2780, s1;
	[sflag:s8] =	ssyncadd.s32 $0xFFFFFF80;
	(pc) =	sbr.rel @p1 .LBB2_4-.Ltmp1, $3  }
0x113: {  	[spmem:s21] =	stream.indirect.scatter.add.f32 [tilespmem:s20], [sflag:$0x4], $0x1, s1, s7, $0xb8;
	[tilespmem:$0x1FF80] =	vst v63  }
0x114: {  	s0 =	sadd.s32 $0x200, s0;
	_ =	sdelay $0x1  }
0x115: {  	_ =	swait.ge [sflag:s8], $0x80  }
0x116: {  	[sflag:s8] =	ssyncset.done $0x0  }
0x117: {  	[sflag:s8] =	ssyncadd.s32 $0xFFFFFF80  }
0x118: {  	[bflag:$0x0] =	sbarrier.arrive $0xFFFF  }
0x119: {  	s23 =	sshrl.u32 @!p0 s21, $0x3;
	s0 =	simm.s32 @!p0 $0x1;
	s2 =	rddreg [dreg:$0xa]  }
0x11a: {  	s1 =	simm.s32 @!p0 $0x40;
	s20 =	simm.s32 @!p0 $0x10;
	[smem:$0x7F5] =	sst s23  }
0x11b: {  	[hbm:s2@s1], [sflag:s22] =	dma.strided @!p0 [spmem:s23@s20], $0x500, s0, $0x10   }
0x11c: {  	s0 =	simm.s32 @!p0 $0x4  }
0x11d: {  	_ =	swait.ge @!p0 [sflag:s0], $0x500  }
0x11e: {  	s1 =	simm.s32 $0x0;
	[sflag:s0] =	ssyncset.done @!p0 $0x0  }
0x11f: {  	s20 =	simm.s32 $0x40;
	[sflag:s0] =	ssyncadd.s32 @!p0 $0xFFFFFB00;
	s0 =	simm.s32 $0x0  }
.LBB2_6:
0x120: {  	p1 =	sne.s32 s20, $0x9DC0;
	v4 =	vld [tilespmem:s1+$0x0];
	_ =	sdelay $0x1  }
.Ltmp2:
0x121: {  	(pc) =	sbr.rel @p1 .LBB2_6-.Ltmp2, $3  }
0x122: {  	_ =	sdelay $0x1  }
0x123: {  	v4 =	vadd.s32 v0, v4  }
0x124: {  	[tilespmem:s1+$0x0] =	vst v4;
	s1 =	sshra.s32 s20, $0x2;
	s20 =	sadd.s32 $0x40, s20  }
0x125: {  	v4 =	vld [tilespmem:s1+$0x0];
	_ =	sdelay $0x4  }
0x126: {  	v4 =	vadd.s32 v0, v4  }
0x127: {  	[tilespmem:s1+$0x0] =	vst v4;
	s1 =	simm.s32 $0x1  }
.LBB2_8:
0x128: {  	s29 =	sshll.u32 s0, $0x7  }
0x129: {  	s20 =	sand.u32 $0x3FFFFF80, s29  }
0x12a: {  	[tilespmem:s13], [sflag:$0x1] =	stream.indirect.gather [hbm4b:s24+s7], $0x80, s20, s7, $0xb8;
	[tilespmem:$0x1FF80] =	vst v63  }
0x12b: {  	_ =	swait.ge [sflag:s14], $0x4000  }
0x12c: {  	[sflag:s14] =	ssyncset.done $0x0  }
0x12d: {  	s31 =	simm.s32 $0x7800;
	v7 =	vmov s1;
	[sflag:s14] =	ssyncadd.s32 $0xFFFFC000  }
0x12e: {  	s26 =	sadd.s32 $0xFFFFFFFF, s1;
	v7 =	vand.u32 $0xFFFFFFFD, v7;
	v4 =	vld [tilespmem:s31+$0xFFFFFFD0]  }
0x12f: {  	v5 =	vmov s26;
	v7 =	vbroadcast v7, $0x0;
	v6 =	vld [tilespmem:s31+$0xFFFFFFF0]  }
0x130: {  	v5 =	vand.u32 $0xFFFFFFFC, v5;
	v8 =	vld [tilespmem:s31+$0xFFFFFFA0]  }
0x131: {  	v5 =	vbroadcast v5, $0x0;
	v10 =	vld [tilespmem:s31+$0xFFFFFF40]  }
0x132: {  	v9 =	vld [tilespmem:s31+$0xFFFFFF90]  }
0x133: {  	v11 =	vld [tilespmem:s31+$0xFFFFFF20]  }
0x134: {  	v12 =	vld [tilespmem:s31+$0xFFFFFF70]  }
0x135: {  	v15 =	vld.idx.msk [tilespmem:v7+s16+$0x0], $0xffff  }
0x136: {  	v13 =	vld [tilespmem:s31+$0xFFFFFF00]  }
0x137: {  	v14 =	vld.idx.msk [tilespmem:v5+s16+$0x0], $0xffff  }
0x138: {  	v16 =	vld [tilespmem:s31+$0xFFFFFF10]  }
0x139: {  	v17 =	vld [tilespmem:s31+$0xFFFFFF80]  }
0x13a: {  	v18 =	vld [tilespmem:s31+$0xFFFFFFB0];
	v9 =	vmul.f32 v9, v15  }
0x13b: {  	v7 =	vld [tilespmem:s31+$0xFFFFFF30];
	v8 =	vmul.f32 v8, v15  }
0x13c: {  	v5 =	vld [tilespmem:s31+$0xFFFFFF50];
	v13 =	vmul.f32 v13, v14;
	[tilespmem:s31+$0xFFFFFF90] =	vst v9  }
0x13d: {  	v19 =	vld [tilespmem:s31+$0xFFFFFF60];
	v12 =	vmul.f32 v12, v14;
	[tilespmem:s31+$0xFFFFFFA0] =	vst v8  }
0x13e: {  	v6 =	vmul.f32 v6, v15;
	[tilespmem:s31+$0xFFFFFF00] =	vst v13;
	v13 =	vld [tilespmem:s31+$0xFFFFFFC0]  }
0x13f: {  	v4 =	vmul.f32 v4, v15;
	[tilespmem:s31+$0xFFFFFF70] =	vst v12;
	v12 =	vld [tilespmem:s31+$0xFFFFFFE0]  }
0x140: {  	v7 =	vmul.f32 v7, v14;
	v11 =	vmul.f32 v11, v14;
	[tilespmem:s31+$0xFFFFFFF0] =	vst v6  }
0x141: {  	v63 =	vmul.f32 v10, v14;
	v9 =	vmul.f32 v5, v14;
	[tilespmem:s31+$0xFFFFFFD0] =	vst v4  }
0x142: {  	v5 =	vmul.f32 v17, v15;
	v8 =	vmul.f32 v18, v15;
	[tilespmem:s31+$0xFFFFFF30] =	vst v7  }
0x143: {  	s2 =	sadd.s32 $0x1, s1;
	s23 =	simm.s32 $0x0;
	v4 =	vld [tilespmem:s31+$0xA0];
	[tilespmem:s31+$0xFFFFFF20] =	vst v11;
	v7 =	vmul.f32 v16, v14;
	v11 =	vmul.f32 v19, v14  }
0x144: {  	s28 =	simm.s32 $0x7800;
	s26 =	sadd.s32 $0x2, s1;
	s20 =	smov.u32 s1;
	v6 =	vld [tilespmem:s31+$0x90];
	[tilespmem:s31+$0xFFFFFF40] =	vst v63;
	v12 =	vmul.f32 v12, v15;
	v10 =	vmul.f32 v13, v15;
	v13 =	vmov s2  }
.LBB2_9:
0x145: {  	s23 =	sadd.s32 $0x2, s23;
	[tilespmem:s31+$0xFFFFFF50] =	vst v9;
	v9 =	vand.u32 $0xFFFFFFFE, v13;
	v13 =	vld [tilespmem:s31+$0xE0];
	s28 =	sadd.s32 $0x200, s28;
	s20 =	sadd.s32 $0x4, s20  }
0x146: {  	s2 =	sadd.s32 $0x2, s20;
	p1 =	slt.u32 s23, $0x3E;
	[tilespmem:s31+$0xFFFFFFE0] =	vst v12;
	v9 =	vbroadcast v9, $0x0;
	v12 =	vld [tilespmem:s31+$0xD0]  }
0x147: {  	[tilespmem:s31+$0xFFFFFF10] =	vst v7;
	v7 =	vld [tilespmem:s31+$0xB0]  }
0x148: {  	[tilespmem:s31+$0xFFFFFF60] =	vst v11;
	v11 =	vmov s26;
	v14 =	vld [tilespmem:s31+$0xF0];
	s26 =	smov.u32 s2  }
0x149: {  	[tilespmem:s31+$0xFFFFFFB0] =	vst v8;
	v8 =	vld [tilespmem:s31+$0x80]  }
0x14a: {  	[tilespmem:s31+$0xFFFFFFC0] =	vst v10;
	v10 =	vld [tilespmem:s31+$0x10]  }
0x14b: {  	[tilespmem:s31+$0xFFFFFF80] =	vst v5;
	v5 =	vld [tilespmem:s31+$0x0]  }
0x14c: {  	v9 =	vld.idx.msk [tilespmem:v9+s16+$0x0], $0xffff  }
0x14d: {  	v11 =	vld.idx.msk [tilespmem:v11+s16+$0x0], $0xffff  }
0x14e: {  	v15 =	vld [tilespmem:s31+$0x60]  }
0x14f: {  	v16 =	vld [tilespmem:s31+$0xC0]  }
0x150: {  	v17 =	vld [tilespmem:s31+$0x20]  }
0x151: {  	v18 =	vld [tilespmem:s31+$0x30]  }
0x152: {  	v5 =	vmul.f32 v5, v9;
	v10 =	vmul.f32 v10, v9;
	v19 =	vld [tilespmem:s31+$0x40]  }
0x153: {  	v8 =	vmul.f32 v8, v11;
	v6 =	vmul.f32 v6, v11;
	v20 =	vld [tilespmem:s31+$0x50]  }
0x154: {  	v4 =	vmul.f32 v4, v11;
	v7 =	vmul.f32 v7, v11;
	[tilespmem:s31+$0x0] =	vst v5;
	v5 =	vld [tilespmem:s31+$0x70]  }
0x155: {  	v17 =	vmul.f32 v17, v9;
	[tilespmem:s31+$0x90] =	vst v6;
	v6 =	vmul.f32 v16, v11  }
0x156: {  	v16 =	vmul.f32 v18, v9;
	[tilespmem:s31+$0xA0] =	vst v4;
	v4 =	vmul.f32 v12, v11  }
0x157: {  	[tilespmem:s31+$0xB0] =	vst v7;
	v7 =	vmul.f32 v13, v11;
	v11 =	vmul.f32 v14, v11  }
0x158: {  	v12 =	vmul.f32 v19, v9;
	[tilespmem:s31+$0x20] =	vst v17;
	v13 =	vmul.f32 v20, v9  }
0x159: {  	v14 =	vmul.f32 v15, v9;
	v5 =	vmul.f32 v5, v9;
	[tilespmem:s31+$0xD0] =	vst v4  }
0x15a: {  	[tilespmem:s31+$0xE0] =	vst v7  }
0x15b: {  	s2 =	sadd.s32 $0xFFFFFFFF, s20;
	v4 =	vld [tilespmem:s28+$0xFFFFFFD0];
	[tilespmem:s31+$0xF0] =	vst v11  }
0x15c: {  	v7 =	vmov s2;
	v11 =	vld [tilespmem:s28+$0xFFFFFFF0];
	[tilespmem:s31+$0x30] =	vst v16  }
0x15d: {  	v9 =	vmov s20;
	v7 =	vand.u32 $0xFFFFFFFC, v7;
	v15 =	vld [tilespmem:s28+$0xFFFFFFE0];
	[tilespmem:s31+$0x40] =	vst v12  }
0x15e: {  	v9 =	vand.u32 $0xFFFFFFFD, v9;
	v7 =	vbroadcast v7, $0x0;
	v12 =	vld [tilespmem:s28+$0xFFFFFFA0];
	[tilespmem:s31+$0x50] =	vst v13  }
0x15f: {  	v9 =	vbroadcast v9, $0x0;
	v13 =	vld [tilespmem:s28+$0xFFFFFF40];
	[tilespmem:s31+$0x60] =	vst v14  }
0x160: {  	v14 =	vld [tilespmem:s28+$0xFFFFFF90];
	[tilespmem:s31+$0x70] =	vst v5  }
0x161: {  	v5 =	vld [tilespmem:s28+$0xFFFFFF20];
	[tilespmem:s31+$0x80] =	vst v8  }
0x162: {  	v8 =	vld [tilespmem:s28+$0xFFFFFF70];
	[tilespmem:s31+$0x10] =	vst v10  }
0x163: {  	v10 =	vld [tilespmem:s28+$0xFFFFFF00];
	[tilespmem:s31+$0xC0] =	vst v6;
	s31 =	smov.u32 s28  }
0x164: {  	v6 =	vld.idx.msk [tilespmem:v7+s16+$0x0], $0xffff  }
0x165: {  	v16 =	vld.idx.msk [tilespmem:v9+s16+$0x0], $0xffff  }
0x166: {  	v7 =	vld [tilespmem:s28+$0xFFFFFF50]  }
0x167: {  	v17 =	vld [tilespmem:s28+$0xFFFFFF10]  }
0x168: {  	v18 =	vld [tilespmem:s28+$0xFFFFFF30]  }
0x169: {  	v19 =	vld [tilespmem:s28+$0xFFFFFF80]  }
0x16a: {  	v10 =	vmul.f32 v10, v6;
	v8 =	vmul.f32 v8, v6;
	v20 =	vld [tilespmem:s28+$0xFFFFFFB0]  }
0x16b: {  	v21 =	vmul.f32 v5, v6;
	v9 =	vmul.f32 v7, v6;
	v22 =	vld [tilespmem:s28+$0xFFFFFF60]  }
0x16c: {  	[tilespmem:s28+$0xFFFFFF00] =	vst v10;
	v7 =	vmul.f32 v17, v6;
	v10 =	vmul.f32 v14, v16;
	v14 =	vld [tilespmem:s28+$0xFFFFFFC0]  }
0x16d: {  	v13 =	vmul.f32 v13, v6;
	v17 =	vmul.f32 v18, v6;
	[tilespmem:s28+$0xFFFFFF70] =	vst v8  }
0x16e: {  	v5 =	vmul.f32 v19, v16;
	[tilespmem:s28+$0xFFFFFF90] =	vst v10;
	v10 =	vmul.f32 v12, v16  }
0x16f: {  	v4 =	vmul.f32 v4, v16;
	[tilespmem:s28+$0xFFFFFF30] =	vst v17;
	v8 =	vmul.f32 v20, v16  }
.Ltmp3:
0x170: {  	v12 =	vmul.f32 v15, v16;
	v15 =	vmul.f32 v11, v16;
	[tilespmem:s28+$0xFFFFFF20] =	vst v21;
	(pc) =	sbr.rel @p1 .LBB2_9-.Ltmp3, $4  }
0x171: {  	v11 =	vmul.f32 v22, v6;
	[tilespmem:s28+$0xFFFFFFA0] =	vst v10;
	v10 =	vmul.f32 v14, v16  }
0x172: {  	[tilespmem:s28+$0xFFFFFFF0] =	vst v15  }
0x173: {  	s2 =	sadd.s32 $0x1, s20;
	[tilespmem:s28+$0xFFFFFFD0] =	vst v4;
	v4 =	vld [tilespmem:s28+$0xA0]  }
0x174: {  	[tilespmem:s28+$0xFFFFFF40] =	vst v13;
	v13 =	vmov s2;
	v6 =	vld [tilespmem:s28+$0x90]  }
0x175: {  	[tilespmem:s31+$0xFFFFFF50] =	vst v9  }
0x176: {  	[tilespmem:s31+$0xFFFFFFE0] =	vst v12  }
0x177: {  	[tilespmem:s31+$0xFFFFFF10] =	vst v7;
	v55 =	vmov s26  }
0x178: {  	[tilespmem:s31+$0xFFFFFF60] =	vst v11  }
0x179: {  	[tilespmem:s31+$0xFFFFFFB0] =	vst v8  }
0x17a: {  	[tilespmem:s31+$0xFFFFFFC0] =	vst v10  }
0x17b: {  	v51 =	vand.u32 $0xFFFFFFFE, v13;
	[tilespmem:s31+$0xFFFFFF80] =	vst v5  }
0x17c: {  	v9 =	vbroadcast v51, $0x0;
	v10 =	vld.idx.msk [tilespmem:v55+s16+$0x0], $0xffff  }
0x17d: {  	v52 =	vld [tilespmem:s31+$0xE0]  }
0x17e: {  	v54 =	vld [tilespmem:s31+$0xB0]  }
0x17f: {  	v53 =	vld [tilespmem:s31+$0xD0]  }
0x180: {  	v14 =	vld [tilespmem:s31+$0xF0]  }
0x181: {  	v5 =	vld [tilespmem:s31+$0x0];
	v6 =	vmul.f32 v6, v10  }
0x182: {  	v9 =	vld.idx.msk [tilespmem:v9+s16+$0x0], $0xffff;
	v4 =	vmul.f32 v4, v10  }
0x183: {  	v16 =	vld [tilespmem:s31+$0x20];
	v7 =	vmul.f32 v54, v10;
	[tilespmem:s31+$0x90] =	vst v6  }
0x184: {  	v18 =	vld [tilespmem:s31+$0x30];
	v12 =	vmul.f32 v53, v10;
	[tilespmem:s31+$0xA0] =	vst v4  }
0x185: {  	v58 =	vld [tilespmem:s31+$0x40];
	v59 =	vmul.f32 v52, v10;
	[tilespmem:s31+$0xB0] =	vst v7  }
0x186: {  	v15 =	vld [tilespmem:s31+$0x60];
	v60 =	vmul.f32 v14, v10;
	[tilespmem:s31+$0xD0] =	vst v12  }
0x187: {  	v57 =	vld [tilespmem:s31+$0x10];
	v5 =	vmul.f32 v5, v9;
	[tilespmem:s31+$0xE0] =	vst v59  }
0x188: {  	v16 =	vmul.f32 v16, v9;
	v4 =	vld [tilespmem:s31+$0x50];
	[tilespmem:s31+$0xF0] =	vst v60  }
0x189: {  	v61 =	vmul.f32 v18, v9;
	[tilespmem:s31+$0x0] =	vst v5;
	v5 =	vld [tilespmem:s31+$0x70]  }
0x18a: {  	v56 =	vld [tilespmem:s31+$0x80];
	v6 =	vmul.f32 v58, v9;
	[tilespmem:s31+$0x20] =	vst v16  }
0x18b: {  	v17 =	vld [tilespmem:s31+$0xC0];
	v62 =	vmul.f32 v15, v9;
	[tilespmem:s31+$0x30] =	vst v61  }
0x18c: {  	v63 =	vmul.f32 v57, v9;
	[tilespmem:s31+$0x40] =	vst v6  }
0x18d: {  	[tilespmem:s31+$0x60] =	vst v62;
	v4 =	vmul.f32 v4, v9  }
0x18e: {  	[tilespmem:s31+$0x10] =	vst v63;
	v5 =	vmul.f32 v5, v9  }
0x18f: {  	[tilespmem:s31+$0x50] =	vst v4;
	v4 =	vmul.f32 v56, v10  }
0x190: {  	s0 =	sadd.s32 $0x1, s0;
	[tilespmem:s31+$0x70] =	vst v5;
	v5 =	vmul.f32 v17, v10  }
0x191: {  	p1 =	sne.s32 s0, $0x4F;
	[tilespmem:s31+$0x80] =	vst v4  }
.Ltmp4:
0x192: {  	s2 =	sadd.s32 $0x2780, s29;
	[tilespmem:s31+$0xC0] =	vst v5;
	(pc) =	sbr.rel @p1 .LBB2_8-.Ltmp4, $4  }
0x193: {  	[spmem:s15] =	stream.indirect.scatter.add.f32 [tilespmem:s13], [sflag:$0x4], $0x80, s2, s7, $0xb8;
	[tilespmem:$0x1FF80] =	vst v63  }
0x194: {  	_ =	swait.ge [sflag:s8], $0x4000  }
0x195: {  	[sflag:s8] =	ssyncset.done $0x0  }
0x196: {  	s1 =	sadd.s32 $0x80, s1;
	[sflag:s8] =	ssyncadd.s32 $0xFFFFC000  }
0x197: {  	[bflag:$0x0] =	sbarrier.arrive $0xFFFF  }
0x198: {  	s29 =	sld [smem:$0x7F8];
	_ =	sdelay $0x1  }
0x199: {  	s0 =	rddreg [dreg:$0xf]  }
0x19a: {  	[hbm:s0], [sflag:s22] =	dma.local [spmem:s29], $0x800  }
0x19b: {  	_ =	swait.ge [sflag:s8], $0x800  }
0x19c: {  	s26 =	rddreg [dreg:$0x1d]  }
0x19d: {  	[sflag:s8] =	ssyncset.done $0x0;
	s28 =	rddreg [dreg:$0x10];
	s1 =	sshrl.u32 s26, $0x3  }
0x19e: {  	[sflag:s8] =	ssyncadd.s32 $0xFFFFF800;
	[smem:$0x7F3] =	sst s1  }
0x19f: {  	[hbm:s28], [sflag:s22] =	dma.local [spmem:s1], $0x800  }
0x1a0: {  	_ =	swait.ge [sflag:s8], $0x800  }
0x1a1: {  	s31 =	rddreg [dreg:$0x1e]  }
0x1a2: {  	[sflag:s8] =	ssyncset.done $0x0;
	s2 =	rddreg [dreg:$0x11];
	s0 =	sshrl.u32 s31, $0x3  }
0x1a3: {  	[sflag:s8] =	ssyncadd.s32 $0xFFFFF800;
	[smem:$0x7F4] =	sst s0  }
0x1a4: {  	[hbm:s2], [sflag:s22] =	dma.local [spmem:s0], $0x800  }
0x1a5: {  	_ =	swait.ge [sflag:s8], $0x800  }
0x1a6: {  	[sflag:s8] =	ssyncset.done $0x0;
	s20 =	rddreg [dreg:$0x1f]  }
0x1a7: {  	s23 =	rddreg [dreg:$0x12];
	[sflag:s8] =	ssyncadd.s32 $0xFFFFF800;
	s20 =	sshrl.u32 s20, $0x3  }
0x1a8: {  	[hbm:s23], [sflag:s22] =	dma.local [spmem:s20], $0x800  }
0x1a9: {  	_ =	swait.ge [sflag:s8], $0x800  }
0x1aa: {  	s26 =	sld [smem:$0x7F9];
	_ =	sdelay $0x1  }
0x1ab: {  	[sflag:s8] =	ssyncset.done $0x0  }
0x1ac: {  	s28 =	rddreg [dreg:$0x13];
	[sflag:s8] =	ssyncadd.s32 $0xFFFFF800;
	s0 =	sshrl.u32 s26, $0x3  }
0x1ad: {  	[hbm:s28], [sflag:s22] =	dma.local [spmem:s0], $0x800  }
0x1ae: {  	_ =	swait.ge [sflag:s8], $0x800  }
0x1af: {  	[sflag:s8] =	ssyncset.done $0x0  }
0x1b0: {  	[sflag:s8] =	ssyncadd.s32 $0xFFFFF800  }
0x1b1: {  	[bflag:$0x0] =	sbarrier.arrive $0xFFFF  }
0x1b2: {  	s28 =	sld [smem:$0x7F6]  }
0x1b3: {  	s1 =	simm.s32 @!p0 $0x1  }
0x1b4: {  	s2 =	simm.s32 @!p0 $0x10;
	s23 =	simm.s32 @!p0 $0x40;
	s26 =	rddreg [dreg:$0xb]  }
0x1b5: {  	[spmem:s28@s2], [sflag:s22] =	dma.strided @!p0 [hbm:s26@s23], $0x500, s1, $0x10   }
0x1b6: {  	s26 =	simm.s32 @!p0 $0x4  }
0x1b7: {  	_ =	swait.ge @!p0 [sflag:s26], $0x500  }
0x1b8: {  	s31 =	sld [smem:$0x7F7]  }
0x1b9: {  	[sflag:s26] =	ssyncset.done @!p0 $0x0  }
0x1ba: {  	s28 =	rddreg [dreg:$0xc];
	[sflag:s26] =	ssyncadd.s32 @!p0 $0xFFFFFB00  }
0x1bb: {  	[spmem:s31@s2], [sflag:s22] =	dma.strided @!p0 [hbm:s28@s23], $0x500, s1, $0x10   }
0x1bc: {  	_ =	swait.ge @!p0 [sflag:s26], $0x500  }
0x1bd: {  	[sflag:s26] =	ssyncset.done @!p0 $0x0  }
0x1be: {  	s31 =	rddreg [dreg:$0x18];
	[sflag:s26] =	ssyncadd.s32 @!p0 $0xFFFFFB00  }
0x1bf: {  	[spmem:s3], [sflag:s22] =	dma.local [hbm:s31], $0x50  }
0x1c0: {  	_ =	swait.ge [sflag:s8], $0x50  }
0x1c1: {  	[sflag:s8] =	ssyncset.done $0x0  }
0x1c2: {  	[sflag:s8] =	ssyncadd.s32 $0xFFFFFFB0  }
0x1c3: {  	[spmem:s29], [sflag:s22] =	dma.local [hbm:s25], $0x800  }
0x1c4: {  	_ =	swait.ge [sflag:s8], $0x800  }
0x1c5: {  	[sflag:s8] =	ssyncset.done $0x0  }
0x1c6: {  	[sflag:s8] =	ssyncadd.s32 $0xFFFFF800  }
0x1c7: {  	[spmem:s4], [sflag:s22] =	dma.local [hbm:s25], $0x800  }
0x1c8: {  	_ =	swait.ge [sflag:s8], $0x800  }
0x1c9: {  	[sflag:s8] =	ssyncset.done $0x0  }
0x1ca: {  	[sflag:s8] =	ssyncadd.s32 $0xFFFFF800  }
0x1cb: {  	[spmem:s5], [sflag:s22] =	dma.local [hbm:s25], $0x800  }
0x1cc: {  	_ =	swait.ge [sflag:s8], $0x800  }
0x1cd: {  	[sflag:s8] =	ssyncset.done $0x0  }
0x1ce: {  	[sflag:s8] =	ssyncadd.s32 $0xFFFFF800  }
0x1cf: {  	[spmem:s6], [sflag:s22] =	dma.local [hbm:s25], $0x800  }
0x1d0: {  	_ =	swait.ge [sflag:s8], $0x800  }
0x1d1: {  	[sflag:s8] =	ssyncset.done $0x0  }
0x1d2: {  	[sflag:s8] =	ssyncadd.s32 $0xFFFFF800  }
0x1d3: {  	[spmem:s30], [sflag:s22] =	dma.local [hbm:s25], $0x800  }
0x1d4: {  	_ =	swait.ge [sflag:s8], $0x800  }
0x1d5: {  	[sflag:s8] =	ssyncset.done $0x0  }
0x1d6: {  	s1 =	simm.s32 $0x0;
	s2 =	simm.s32 $0x40;
	[sflag:s8] =	ssyncadd.s32 $0xFFFFF800  }
.LBB2_12:
0x1d7: {  	p1 =	sne.s32 s2, $0x9DC0;
	v4 =	vld [tilespmem:s1+$0x0];
	_ =	sdelay $0x1  }
.Ltmp5:
0x1d8: {  	(pc) =	sbr.rel @p1 .LBB2_12-.Ltmp5, $3  }
0x1d9: {  	_ =	sdelay $0x1  }
0x1da: {  	v4 =	vadd.s32 v1, v4  }
0x1db: {  	[tilespmem:s1+$0x0] =	vst v4;
	s1 =	sshra.s32 s2, $0x2;
	s2 =	sadd.s32 $0x40, s2  }
0x1dc: {  	v4 =	vld [tilespmem:s1+$0x0];
	_ =	sdelay $0x4  }
0x1dd: {  	v4 =	vadd.s32 v1, v4  }
0x1de: {  	[tilespmem:s1+$0x0] =	vst v4  }
0x1df: {  	s1 =	simm.s32 $0x0;
	[bflag:$0x0] =	sbarrier.arrive $0xFFFF  }
0x1e0: {  	[tilespmem:s9], [sflag:$0x2] =	stream.indirect.gather [spmem:s17], $0x1, s1, s7, $0xb8;
	[tilespmem:$0x1FF80] =	vst v63  }
0x1e1: {  	s2 =	simm.s32 $0x2780  }
0x1e2: {  	[tilespmem:s10], [sflag:$0x3] =	stream.indirect.gather [spmem:s19], $0x1, s2, s7, $0xb8;
	[tilespmem:$0x1FF80] =	vst v63  }
0x1e3: {  	_ =	swait.ge [sflag:s11], $0x80  }
0x1e4: {  	[sflag:s11] =	ssyncset.done $0x0  }
0x1e5: {  	[sflag:s11] =	ssyncadd.s32 $0xFFFFFF80  }
0x1e6: {  	_ =	swait.ge [sflag:s12], $0x80  }
0x1e7: {  	[sflag:s12] =	ssyncset.done $0x0  }
0x1e8: {  	[sflag:s12] =	ssyncadd.s32 $0xFFFFFF80  }
0x1e9: {  	v4 =	vld [tilespmem:$0xB700]  }
0x1ea: {  	v5 =	vld [tilespmem:$0xB780];
	_ =	sdelay $0x4  }
0x1eb: {  	v4 =	vadd.f32 v5, v4;
	_ =	sdelay $0x1  }
0x1ec: {  	v5 =	vmul.f32 $2.000000030e-01, v4;
	_ =	sdelay $0x1  }
0x1ed: {  	v4 =	vmax.f32 v4, v5  }
0x1ee: {  	v4 =	vmul.f32 $1.442695020e+00, v4;
	_ =	sdelay $0x1  }
0x1ef: {  	(erf) = vpow2.f32 v4;
	_ =	sdelay $0x8  }
0x1f0: {  	v4 =	vpop (erf)  }
0x1f1: {  	[tilespmem:s1+$0x4F80] =	vst v4  }
0x1f2: {  	v4 =	vld [tilespmem:$0xB710]  }
0x1f3: {  	v5 =	vld [tilespmem:$0xB790];
	_ =	sdelay $0x4  }
0x1f4: {  	v4 =	vadd.f32 v5, v4;
	_ =	sdelay $0x1  }
0x1f5: {  	v5 =	vmul.f32 $2.000000030e-01, v4;
	_ =	sdelay $0x1  }
0x1f6: {  	v4 =	vmax.f32 v4, v5  }
0x1f7: {  	v4 =	vmul.f32 $1.442695020e+00, v4;
	_ =	sdelay $0x1  }
0x1f8: {  	(erf) = vpow2.f32 v4;
	_ =	sdelay $0x8  }
0x1f9: {  	v4 =	vpop (erf)  }
0x1fa: {  	[tilespmem:s1+$0x4F90] =	vst v4  }
0x1fb: {  	v4 =	vld [tilespmem:$0xB720]  }
0x1fc: {  	v5 =	vld [tilespmem:$0xB7A0];
	_ =	sdelay $0x4  }
0x1fd: {  	v4 =	vadd.f32 v5, v4;
	_ =	sdelay $0x1  }
0x1fe: {  	v5 =	vmul.f32 $2.000000030e-01, v4;
	_ =	sdelay $0x1  }
0x1ff: {  	v4 =	vmax.f32 v4, v5  }
0x200: {  	v4 =	vmul.f32 $1.442695020e+00, v4;
	_ =	sdelay $0x1  }
0x201: {  	(erf) = vpow2.f32 v4;
	_ =	sdelay $0x8  }
0x202: {  	v4 =	vpop (erf)  }
0x203: {  	[tilespmem:s1+$0x4FA0] =	vst v4  }
0x204: {  	v4 =	vld [tilespmem:$0xB730]  }
0x205: {  	v5 =	vld [tilespmem:$0xB7B0];
	_ =	sdelay $0x4  }
0x206: {  	v4 =	vadd.f32 v5, v4;
	_ =	sdelay $0x1  }
0x207: {  	v5 =	vmul.f32 $2.000000030e-01, v4;
	_ =	sdelay $0x1  }
0x208: {  	v4 =	vmax.f32 v4, v5  }
0x209: {  	v4 =	vmul.f32 $1.442695020e+00, v4;
	_ =	sdelay $0x1  }
0x20a: {  	(erf) = vpow2.f32 v4;
	_ =	sdelay $0x8  }
0x20b: {  	v4 =	vpop (erf)  }
0x20c: {  	[tilespmem:s1+$0x4FB0] =	vst v4  }
0x20d: {  	v4 =	vld [tilespmem:$0xB740]  }
0x20e: {  	v5 =	vld [tilespmem:$0xB7C0];
	_ =	sdelay $0x4  }
0x20f: {  	v4 =	vadd.f32 v5, v4;
	_ =	sdelay $0x1  }
0x210: {  	v5 =	vmul.f32 $2.000000030e-01, v4;
	_ =	sdelay $0x1  }
0x211: {  	v4 =	vmax.f32 v4, v5  }
0x212: {  	v4 =	vmul.f32 $1.442695020e+00, v4;
	_ =	sdelay $0x1  }
0x213: {  	(erf) = vpow2.f32 v4;
	_ =	sdelay $0x8  }
0x214: {  	v4 =	vpop (erf)  }
0x215: {  	[tilespmem:s1+$0x4FC0] =	vst v4  }
0x216: {  	v4 =	vld [tilespmem:$0xB750]  }
0x217: {  	v5 =	vld [tilespmem:$0xB7D0];
	_ =	sdelay $0x4  }
0x218: {  	v4 =	vadd.f32 v5, v4;
	_ =	sdelay $0x1  }
0x219: {  	v5 =	vmul.f32 $2.000000030e-01, v4;
	_ =	sdelay $0x1  }
0x21a: {  	v4 =	vmax.f32 v4, v5  }
0x21b: {  	v4 =	vmul.f32 $1.442695020e+00, v4;
	_ =	sdelay $0x1  }
0x21c: {  	(erf) = vpow2.f32 v4;
	_ =	sdelay $0x8  }
0x21d: {  	v4 =	vpop (erf)  }
0x21e: {  	[tilespmem:s1+$0x4FD0] =	vst v4  }
0x21f: {  	v4 =	vld [tilespmem:$0xB760]  }
0x220: {  	v5 =	vld [tilespmem:$0xB7E0];
	_ =	sdelay $0x4  }
0x221: {  	v4 =	vadd.f32 v5, v4;
	_ =	sdelay $0x1  }
0x222: {  	v5 =	vmul.f32 $2.000000030e-01, v4;
	_ =	sdelay $0x1  }
0x223: {  	v4 =	vmax.f32 v4, v5  }
0x224: {  	v4 =	vmul.f32 $1.442695020e+00, v4;
	_ =	sdelay $0x1  }
0x225: {  	(erf) = vpow2.f32 v4;
	_ =	sdelay $0x8  }
0x226: {  	v4 =	vpop (erf)  }
0x227: {  	[tilespmem:s1+$0x4FE0] =	vst v4  }
0x228: {  	v4 =	vld [tilespmem:$0xB770]  }
0x229: {  	v5 =	vld [tilespmem:$0xB7F0];
	_ =	sdelay $0x4  }
0x22a: {  	v4 =	vadd.f32 v5, v4;
	_ =	sdelay $0x1  }
0x22b: {  	v5 =	vmul.f32 $2.000000030e-01, v4;
	_ =	sdelay $0x1  }
0x22c: {  	v4 =	vmax.f32 v4, v5  }
0x22d: {  	v4 =	vmul.f32 $1.442695020e+00, v4;
	_ =	sdelay $0x1  }
0x22e: {  	s2 =	simm.s32 $0x200;
	(erf) = vpow2.f32 v4  }
.LBB2_14:
0x22f: {  	_ = 	snop  }
0x230: {  	p1 =	sne.s32 s2, $0x9C00;
	s3 =	smov.u32 s2;
	s2 =	sadd.s32 $0x200, s2  }
0x231: {  	_ =	sdelay $0x5  }
0x232: {  	v4 =	vpop (erf)  }
0x233: {  	[tilespmem:s1+$0x4FF0] =	vst v4;
	s1 =	sshra.s32 s3, $0x2  }
0x234: {  	[tilespmem:s9], [sflag:$0x2] =	stream.indirect.gather [spmem:s17], $0x1, s1, s7, $0xb8;
	[tilespmem:$0x1FF80] =	vst v63  }
0x235: {  	s3 =	sadd.s32 $0x2780, s1  }
0x236: {  	[tilespmem:s10], [sflag:$0x3] =	stream.indirect.gather [spmem:s19], $0x1, s3, s7, $0xb8;
	[tilespmem:$0x1FF80] =	vst v63  }
0x237: {  	_ =	swait.ge [sflag:s11], $0x80  }
0x238: {  	[sflag:s11] =	ssyncset.done $0x0  }
0x239: {  	[sflag:s11] =	ssyncadd.s32 $0xFFFFFF80  }
0x23a: {  	_ =	swait.ge [sflag:s12], $0x80  }
0x23b: {  	[sflag:s12] =	ssyncset.done $0x0  }
0x23c: {  	[sflag:s12] =	ssyncadd.s32 $0xFFFFFF80  }
0x23d: {  	v4 =	vld [tilespmem:$0xB700]  }
0x23e: {  	v5 =	vld [tilespmem:$0xB780];
	_ =	sdelay $0x4  }
0x23f: {  	v4 =	vadd.f32 v5, v4;
	_ =	sdelay $0x1  }
0x240: {  	v5 =	vmul.f32 $2.000000030e-01, v4;
	_ =	sdelay $0x1  }
0x241: {  	v4 =	vmax.f32 v4, v5  }
0x242: {  	v4 =	vmul.f32 $1.442695020e+00, v4;
	_ =	sdelay $0x1  }
0x243: {  	(erf) = vpow2.f32 v4;
	_ =	sdelay $0x8  }
0x244: {  	v4 =	vpop (erf)  }
0x245: {  	[tilespmem:s1+$0x4F80] =	vst v4  }
0x246: {  	v4 =	vld [tilespmem:$0xB710]  }
0x247: {  	v5 =	vld [tilespmem:$0xB790];
	_ =	sdelay $0x4  }
0x248: {  	v4 =	vadd.f32 v5, v4;
	_ =	sdelay $0x1  }
0x249: {  	v5 =	vmul.f32 $2.000000030e-01, v4;
	_ =	sdelay $0x1  }
0x24a: {  	v4 =	vmax.f32 v4, v5  }
0x24b: {  	v4 =	vmul.f32 $1.442695020e+00, v4;
	_ =	sdelay $0x1  }
0x24c: {  	(erf) = vpow2.f32 v4;
	_ =	sdelay $0x8  }
0x24d: {  	v4 =	vpop (erf)  }
0x24e: {  	[tilespmem:s1+$0x4F90] =	vst v4  }
0x24f: {  	v4 =	vld [tilespmem:$0xB720]  }
0x250: {  	v5 =	vld [tilespmem:$0xB7A0];
	_ =	sdelay $0x4  }
0x251: {  	v4 =	vadd.f32 v5, v4;
	_ =	sdelay $0x1  }
0x252: {  	v5 =	vmul.f32 $2.000000030e-01, v4;
	_ =	sdelay $0x1  }
0x253: {  	v4 =	vmax.f32 v4, v5  }
0x254: {  	v4 =	vmul.f32 $1.442695020e+00, v4;
	_ =	sdelay $0x1  }
0x255: {  	(erf) = vpow2.f32 v4;
	_ =	sdelay $0x8  }
0x256: {  	v4 =	vpop (erf)  }
0x257: {  	[tilespmem:s1+$0x4FA0] =	vst v4  }
0x258: {  	v4 =	vld [tilespmem:$0xB730]  }
0x259: {  	v5 =	vld [tilespmem:$0xB7B0];
	_ =	sdelay $0x4  }
0x25a: {  	v4 =	vadd.f32 v5, v4;
	_ =	sdelay $0x1  }
0x25b: {  	v5 =	vmul.f32 $2.000000030e-01, v4;
	_ =	sdelay $0x1  }
0x25c: {  	v4 =	vmax.f32 v4, v5  }
0x25d: {  	v4 =	vmul.f32 $1.442695020e+00, v4;
	_ =	sdelay $0x1  }
0x25e: {  	(erf) = vpow2.f32 v4;
	_ =	sdelay $0x8  }
0x25f: {  	v4 =	vpop (erf)  }
0x260: {  	[tilespmem:s1+$0x4FB0] =	vst v4  }
0x261: {  	v4 =	vld [tilespmem:$0xB740]  }
0x262: {  	v5 =	vld [tilespmem:$0xB7C0];
	_ =	sdelay $0x4  }
0x263: {  	v4 =	vadd.f32 v5, v4;
	_ =	sdelay $0x1  }
0x264: {  	v5 =	vmul.f32 $2.000000030e-01, v4;
	_ =	sdelay $0x1  }
0x265: {  	v4 =	vmax.f32 v4, v5  }
0x266: {  	v4 =	vmul.f32 $1.442695020e+00, v4;
	_ =	sdelay $0x1  }
0x267: {  	(erf) = vpow2.f32 v4;
	_ =	sdelay $0x8  }
0x268: {  	v4 =	vpop (erf)  }
0x269: {  	[tilespmem:s1+$0x4FC0] =	vst v4  }
0x26a: {  	v4 =	vld [tilespmem:$0xB750]  }
0x26b: {  	v5 =	vld [tilespmem:$0xB7D0];
	_ =	sdelay $0x4  }
0x26c: {  	v4 =	vadd.f32 v5, v4;
	_ =	sdelay $0x1  }
0x26d: {  	v5 =	vmul.f32 $2.000000030e-01, v4;
	_ =	sdelay $0x1  }
0x26e: {  	v4 =	vmax.f32 v4, v5  }
0x26f: {  	v4 =	vmul.f32 $1.442695020e+00, v4;
	_ =	sdelay $0x1  }
0x270: {  	(erf) = vpow2.f32 v4;
	_ =	sdelay $0x8  }
0x271: {  	v4 =	vpop (erf)  }
0x272: {  	[tilespmem:s1+$0x4FD0] =	vst v4  }
0x273: {  	v4 =	vld [tilespmem:$0xB760]  }
0x274: {  	v5 =	vld [tilespmem:$0xB7E0];
	_ =	sdelay $0x4  }
0x275: {  	v4 =	vadd.f32 v5, v4;
	_ =	sdelay $0x1  }
0x276: {  	v5 =	vmul.f32 $2.000000030e-01, v4;
	_ =	sdelay $0x1  }
0x277: {  	v4 =	vmax.f32 v4, v5  }
0x278: {  	v4 =	vmul.f32 $1.442695020e+00, v4;
	_ =	sdelay $0x1  }
0x279: {  	(erf) = vpow2.f32 v4;
	_ =	sdelay $0x8  }
0x27a: {  	v4 =	vpop (erf)  }
0x27b: {  	[tilespmem:s1+$0x4FE0] =	vst v4  }
0x27c: {  	v4 =	vld [tilespmem:$0xB770]  }
0x27d: {  	v5 =	vld [tilespmem:$0xB7F0];
	_ =	sdelay $0x4  }
0x27e: {  	v4 =	vadd.f32 v5, v4;
	_ =	sdelay $0x1  }
0x27f: {  	v5 =	vmul.f32 $2.000000030e-01, v4  }
.Ltmp6:
0x280: {  	(pc) =	sbr.rel @p1 .LBB2_14-.Ltmp6, $3  }
0x281: {  	v4 =	vmax.f32 v4, v5  }
0x282: {  	v4 =	vmul.f32 $1.442695020e+00, v4;
	_ =	sdelay $0x1  }
0x283: {  	(erf) = vpow2.f32 v4  }
0x284: {  	_ =	sdelay $0x7  }
0x285: {  	v4 =	vpop (erf)  }
0x286: {  	[tilespmem:s1+$0x4FF0] =	vst v4  }
0x287: {  	[tilespmem:$0x7690] =	vst v3  }
0x288: {  	[tilespmem:$0x76A0] =	vst v3  }
0x289: {  	[tilespmem:$0x76B0] =	vst v3  }
0x28a: {  	[tilespmem:$0x76C0] =	vst v3  }
0x28b: {  	[tilespmem:$0x76D0] =	vst v3  }
0x28c: {  	[tilespmem:$0x76E0] =	vst v3  }
0x28d: {  	s31 =	simm.s32 $0x4F80;
	s2 =	simm.s32 $0x2780;
	[tilespmem:$0x76F0] =	vst v3  }
0x28e: {  	[spmem:s21] =	stream.indirect.scatter.add.f32 [tilespmem:s31], [sflag:$0x4], $0x1, s2, s7, $0xb8;
	[tilespmem:$0x1FF80] =	vst v63  }
0x28f: {  	s1 =	simm.s32 $0x200;
	_ =	swait.ge [sflag:s8], $0x80  }
.LBB2_16:
0x290: {  	s2 =	sshra.s32 s1, $0x2  }
0x291: {  	[sflag:s8] =	ssyncset.done $0x0;
	p1 =	sne.s32 s1, $0x9C00;
	s3 =	sadd.s32 $0x4F80, s2  }
.Ltmp7:
0x292: {  	s2 =	sadd.s32 $0x2780, s2;
	[sflag:s8] =	ssyncadd.s32 $0xFFFFFF80;
	(pc) =	sbr.rel @p1 .LBB2_16-.Ltmp7, $3  }
0x293: {  	[spmem:s21] =	stream.indirect.scatter.add.f32 [tilespmem:s3], [sflag:$0x4], $0x1, s2, s7, $0xb8;
	[tilespmem:$0x1FF80] =	vst v63  }
0x294: {  	s1 =	sadd.s32 $0x200, s1;
	_ =	sdelay $0x1  }
0x295: {  	_ =	swait.ge [sflag:s8], $0x80  }
0x296: {  	[sflag:s8] =	ssyncset.done $0x0  }
0x297: {  	[sflag:s8] =	ssyncadd.s32 $0xFFFFFF80  }
0x298: {  	[bflag:$0x0] =	sbarrier.arrive $0xFFFF  }
0x299: {  	s5 =	sld [smem:$0x7F5]  }
0x29a: {  	s1 =	simm.s32 @!p0 $0x1  }
0x29b: {  	s2 =	simm.s32 @!p0 $0x40;
	s3 =	simm.s32 @!p0 $0x10;
	s4 =	rddreg [dreg:$0xd]  }
0x29c: {  	[hbm:s4@s2], [sflag:s22] =	dma.strided @!p0 [spmem:s5@s3], $0x500, s1, $0x10   }
0x29d: {  	s1 =	simm.s32 @!p0 $0x4  }
0x29e: {  	_ =	swait.ge @!p0 [sflag:s1], $0x500  }
0x29f: {  	s2 =	simm.s32 $0x0;
	[sflag:s1] =	ssyncset.done @!p0 $0x0  }
0x2a0: {  	s3 =	simm.s32 $0x40;
	[sflag:s1] =	ssyncadd.s32 @!p0 $0xFFFFFB00;
	s1 =	simm.s32 $0x0  }
.LBB2_18:
0x2a1: {  	p1 =	sne.s32 s3, $0x9DC0;
	v4 =	vld [tilespmem:s2+$0x0];
	_ =	sdelay $0x1  }
.Ltmp8:
0x2a2: {  	(pc) =	sbr.rel @p1 .LBB2_18-.Ltmp8, $3  }
0x2a3: {  	_ =	sdelay $0x1  }
0x2a4: {  	v4 =	vadd.s32 v2, v4  }
0x2a5: {  	[tilespmem:s2+$0x0] =	vst v4;
	s2 =	sshra.s32 s3, $0x2;
	s3 =	sadd.s32 $0x40, s3  }
0x2a6: {  	v4 =	vld [tilespmem:s2+$0x0];
	_ =	sdelay $0x4  }
0x2a7: {  	v4 =	vadd.s32 v2, v4  }
0x2a8: {  	[tilespmem:s2+$0x0] =	vst v4;
	s2 =	simm.s32 $0x1  }
.LBB2_20:
0x2a9: {  	s3 =	sshll.u32 s1, $0x7  }
0x2aa: {  	s4 =	sand.u32 $0x3FFFFF80, s3  }
0x2ab: {  	[tilespmem:s13], [sflag:$0x1] =	stream.indirect.gather [hbm4b:s24+s7], $0x80, s4, s7, $0xb8;
	[tilespmem:$0x1FF80] =	vst v63  }
0x2ac: {  	_ =	swait.ge [sflag:s14], $0x4000  }
0x2ad: {  	[sflag:s14] =	ssyncset.done $0x0  }
0x2ae: {  	v7 =	vmov s2;
	s4 =	simm.s32 $0x7800;
	[sflag:s14] =	ssyncadd.s32 $0xFFFFC000  }
0x2af: {  	s5 =	sadd.s32 $0xFFFFFFFF, s2;
	v7 =	vand.u32 $0xFFFFFFFD, v7;
	v4 =	vld [tilespmem:s4+$0xFFFFFFD0]  }
0x2b0: {  	v5 =	vmov s5;
	v7 =	vbroadcast v7, $0x0;
	v6 =	vld [tilespmem:s4+$0xFFFFFFF0]  }
0x2b1: {  	v5 =	vand.u32 $0xFFFFFFFC, v5;
	v8 =	vld [tilespmem:s4+$0xFFFFFFA0]  }
0x2b2: {  	v5 =	vbroadcast v5, $0x0;
	v10 =	vld [tilespmem:s4+$0xFFFFFF40]  }
0x2b3: {  	v9 =	vld [tilespmem:s4+$0xFFFFFF90]  }
0x2b4: {  	v11 =	vld [tilespmem:s4+$0xFFFFFF20]  }
0x2b5: {  	v12 =	vld [tilespmem:s4+$0xFFFFFF70]  }
0x2b6: {  	v15 =	vld.idx.msk [tilespmem:v7+s16+$0x0], $0xffff  }
0x2b7: {  	v13 =	vld [tilespmem:s4+$0xFFFFFF00]  }
0x2b8: {  	v14 =	vld.idx.msk [tilespmem:v5+s16+$0x0], $0xffff  }
0x2b9: {  	v16 =	vld [tilespmem:s4+$0xFFFFFF10]  }
0x2ba: {  	v17 =	vld [tilespmem:s4+$0xFFFFFF80]  }
0x2bb: {  	v18 =	vld [tilespmem:s4+$0xFFFFFFB0];
	v9 =	vmul.f32 v9, v15  }
0x2bc: {  	v7 =	vld [tilespmem:s4+$0xFFFFFF30];
	v8 =	vmul.f32 v8, v15  }
0x2bd: {  	v5 =	vld [tilespmem:s4+$0xFFFFFF50];
	v13 =	vmul.f32 v13, v14;
	[tilespmem:s4+$0xFFFFFF90] =	vst v9  }
0x2be: {  	v19 =	vld [tilespmem:s4+$0xFFFFFF60];
	v12 =	vmul.f32 v12, v14;
	[tilespmem:s4+$0xFFFFFFA0] =	vst v8  }
0x2bf: {  	v6 =	vmul.f32 v6, v15;
	[tilespmem:s4+$0xFFFFFF00] =	vst v13;
	v13 =	vld [tilespmem:s4+$0xFFFFFFC0]  }
0x2c0: {  	v4 =	vmul.f32 v4, v15;
	[tilespmem:s4+$0xFFFFFF70] =	vst v12;
	v12 =	vld [tilespmem:s4+$0xFFFFFFE0]  }
0x2c1: {  	v7 =	vmul.f32 v7, v14;
	v11 =	vmul.f32 v11, v14;
	[tilespmem:s4+$0xFFFFFFF0] =	vst v6  }
0x2c2: {  	v63 =	vmul.f32 v10, v14;
	v9 =	vmul.f32 v5, v14;
	[tilespmem:s4+$0xFFFFFFD0] =	vst v4  }
0x2c3: {  	v5 =	vmul.f32 v17, v15;
	v8 =	vmul.f32 v18, v15;
	[tilespmem:s4+$0xFFFFFF30] =	vst v7  }
0x2c4: {  	s23 =	sadd.s32 $0x1, s2;
	s6 =	simm.s32 $0x0;
	v4 =	vld [tilespmem:s4+$0xA0];
	[tilespmem:s4+$0xFFFFFF20] =	vst v11;
	v7 =	vmul.f32 v16, v14;
	v11 =	vmul.f32 v19, v14  }
0x2c5: {  	s26 =	smov.u32 s2;
	s5 =	sadd.s32 $0x2, s2;
	v6 =	vld [tilespmem:s4+$0x90];
	[tilespmem:s4+$0xFFFFFF40] =	vst v63;
	v12 =	vmul.f32 v12, v15;
	v10 =	vmul.f32 v13, v15;
	v13 =	vmov s23;
	s23 =	simm.s32 $0x7800  }
.LBB2_21:
0x2c6: {  	s6 =	sadd.s32 $0x2, s6;
	[tilespmem:s4+$0xFFFFFF50] =	vst v9;
	v9 =	vand.u32 $0xFFFFFFFE, v13;
	v13 =	vld [tilespmem:s4+$0xE0];
	s23 =	sadd.s32 $0x200, s23;
	s26 =	sadd.s32 $0x4, s26  }
0x2c7: {  	s28 =	sadd.s32 $0x2, s26;
	p1 =	slt.u32 s6, $0x3E;
	[tilespmem:s4+$0xFFFFFFE0] =	vst v12;
	v9 =	vbroadcast v9, $0x0;
	v12 =	vld [tilespmem:s4+$0xD0]  }
0x2c8: {  	[tilespmem:s4+$0xFFFFFF10] =	vst v7;
	v7 =	vld [tilespmem:s4+$0xB0]  }
0x2c9: {  	[tilespmem:s4+$0xFFFFFF60] =	vst v11;
	v11 =	vmov s5;
	v14 =	vld [tilespmem:s4+$0xF0];
	s5 =	smov.u32 s28  }
0x2ca: {  	[tilespmem:s4+$0xFFFFFFB0] =	vst v8;
	v8 =	vld [tilespmem:s4+$0x80]  }
0x2cb: {  	[tilespmem:s4+$0xFFFFFFC0] =	vst v10;
	v10 =	vld [tilespmem:s4+$0x10]  }
0x2cc: {  	[tilespmem:s4+$0xFFFFFF80] =	vst v5;
	v5 =	vld [tilespmem:s4+$0x0]  }
0x2cd: {  	v9 =	vld.idx.msk [tilespmem:v9+s16+$0x0], $0xffff  }
0x2ce: {  	v11 =	vld.idx.msk [tilespmem:v11+s16+$0x0], $0xffff  }
0x2cf: {  	v15 =	vld [tilespmem:s4+$0x60]  }
0x2d0: {  	v16 =	vld [tilespmem:s4+$0xC0]  }
0x2d1: {  	v17 =	vld [tilespmem:s4+$0x20]  }
0x2d2: {  	v18 =	vld [tilespmem:s4+$0x30]  }
0x2d3: {  	v5 =	vmul.f32 v5, v9;
	v10 =	vmul.f32 v10, v9;
	v19 =	vld [tilespmem:s4+$0x40]  }
0x2d4: {  	v8 =	vmul.f32 v8, v11;
	v6 =	vmul.f32 v6, v11;
	v20 =	vld [tilespmem:s4+$0x50]  }
0x2d5: {  	v4 =	vmul.f32 v4, v11;
	v7 =	vmul.f32 v7, v11;
	[tilespmem:s4+$0x0] =	vst v5;
	v5 =	vld [tilespmem:s4+$0x70]  }
0x2d6: {  	v17 =	vmul.f32 v17, v9;
	[tilespmem:s4+$0x90] =	vst v6;
	v6 =	vmul.f32 v16, v11  }
0x2d7: {  	v16 =	vmul.f32 v18, v9;
	[tilespmem:s4+$0xA0] =	vst v4;
	v4 =	vmul.f32 v12, v11  }
0x2d8: {  	[tilespmem:s4+$0xB0] =	vst v7;
	v7 =	vmul.f32 v13, v11;
	v11 =	vmul.f32 v14, v11  }
0x2d9: {  	v12 =	vmul.f32 v19, v9;
	[tilespmem:s4+$0x20] =	vst v17;
	v13 =	vmul.f32 v20, v9  }
0x2da: {  	v14 =	vmul.f32 v15, v9;
	v5 =	vmul.f32 v5, v9;
	[tilespmem:s4+$0xD0] =	vst v4  }
0x2db: {  	[tilespmem:s4+$0xE0] =	vst v7  }
0x2dc: {  	s28 =	sadd.s32 $0xFFFFFFFF, s26;
	v4 =	vld [tilespmem:s23+$0xFFFFFFD0];
	[tilespmem:s4+$0xF0] =	vst v11  }
0x2dd: {  	v7 =	vmov s28;
	v11 =	vld [tilespmem:s23+$0xFFFFFFF0];
	[tilespmem:s4+$0x30] =	vst v16  }
0x2de: {  	v9 =	vmov s26;
	v7 =	vand.u32 $0xFFFFFFFC, v7;
	v15 =	vld [tilespmem:s23+$0xFFFFFFE0];
	[tilespmem:s4+$0x40] =	vst v12  }
0x2df: {  	v9 =	vand.u32 $0xFFFFFFFD, v9;
	v7 =	vbroadcast v7, $0x0;
	v12 =	vld [tilespmem:s23+$0xFFFFFFA0];
	[tilespmem:s4+$0x50] =	vst v13  }
0x2e0: {  	v9 =	vbroadcast v9, $0x0;
	v13 =	vld [tilespmem:s23+$0xFFFFFF40];
	[tilespmem:s4+$0x60] =	vst v14  }
0x2e1: {  	v14 =	vld [tilespmem:s23+$0xFFFFFF90];
	[tilespmem:s4+$0x70] =	vst v5  }
0x2e2: {  	v5 =	vld [tilespmem:s23+$0xFFFFFF20];
	[tilespmem:s4+$0x80] =	vst v8  }
0x2e3: {  	v8 =	vld [tilespmem:s23+$0xFFFFFF70];
	[tilespmem:s4+$0x10] =	vst v10  }
0x2e4: {  	v10 =	vld [tilespmem:s23+$0xFFFFFF00];
	[tilespmem:s4+$0xC0] =	vst v6;
	s4 =	smov.u32 s23  }
0x2e5: {  	v6 =	vld.idx.msk [tilespmem:v7+s16+$0x0], $0xffff  }
0x2e6: {  	v16 =	vld.idx.msk [tilespmem:v9+s16+$0x0], $0xffff  }
0x2e7: {  	v7 =	vld [tilespmem:s23+$0xFFFFFF50]  }
0x2e8: {  	v17 =	vld [tilespmem:s23+$0xFFFFFF10]  }
0x2e9: {  	v18 =	vld [tilespmem:s23+$0xFFFFFF30]  }
0x2ea: {  	v19 =	vld [tilespmem:s23+$0xFFFFFF80]  }
0x2eb: {  	v10 =	vmul.f32 v10, v6;
	v8 =	vmul.f32 v8, v6;
	v20 =	vld [tilespmem:s23+$0xFFFFFFB0]  }
0x2ec: {  	v21 =	vmul.f32 v5, v6;
	v9 =	vmul.f32 v7, v6;
	v22 =	vld [tilespmem:s23+$0xFFFFFF60]  }
0x2ed: {  	[tilespmem:s23+$0xFFFFFF00] =	vst v10;
	v7 =	vmul.f32 v17, v6;
	v10 =	vmul.f32 v14, v16;
	v14 =	vld [tilespmem:s23+$0xFFFFFFC0]  }
0x2ee: {  	v13 =	vmul.f32 v13, v6;
	v17 =	vmul.f32 v18, v6;
	[tilespmem:s23+$0xFFFFFF70] =	vst v8  }
0x2ef: {  	v5 =	vmul.f32 v19, v16;
	[tilespmem:s23+$0xFFFFFF90] =	vst v10;
	v10 =	vmul.f32 v12, v16  }
0x2f0: {  	v4 =	vmul.f32 v4, v16;
	[tilespmem:s23+$0xFFFFFF30] =	vst v17;
	v8 =	vmul.f32 v20, v16  }
.Ltmp9:
0x2f1: {  	v12 =	vmul.f32 v15, v16;
	v15 =	vmul.f32 v11, v16;
	[tilespmem:s23+$0xFFFFFF20] =	vst v21;
	(pc) =	sbr.rel @p1 .LBB2_21-.Ltmp9, $4  }
0x2f2: {  	v11 =	vmul.f32 v22, v6;
	[tilespmem:s23+$0xFFFFFFA0] =	vst v10;
	v10 =	vmul.f32 v14, v16  }
0x2f3: {  	[tilespmem:s23+$0xFFFFFFF0] =	vst v15  }
0x2f4: {  	s28 =	sadd.s32 $0x1, s26;
	[tilespmem:s23+$0xFFFFFFD0] =	vst v4;
	v4 =	vld [tilespmem:s23+$0xA0]  }
0x2f5: {  	[tilespmem:s23+$0xFFFFFF40] =	vst v13;
	v13 =	vmov s28;
	v6 =	vld [tilespmem:s23+$0x90]  }
0x2f6: {  	[tilespmem:s4+$0xFFFFFF50] =	vst v9  }
0x2f7: {  	[tilespmem:s4+$0xFFFFFFE0] =	vst v12  }
0x2f8: {  	[tilespmem:s4+$0xFFFFFF10] =	vst v7;
	v55 =	vmov s5  }
0x2f9: {  	[tilespmem:s4+$0xFFFFFF60] =	vst v11  }
0x2fa: {  	[tilespmem:s4+$0xFFFFFFB0] =	vst v8  }
0x2fb: {  	[tilespmem:s4+$0xFFFFFFC0] =	vst v10  }
0x2fc: {  	v51 =	vand.u32 $0xFFFFFFFE, v13;
	[tilespmem:s4+$0xFFFFFF80] =	vst v5  }
0x2fd: {  	v9 =	vbroadcast v51, $0x0;
	v10 =	vld.idx.msk [tilespmem:v55+s16+$0x0], $0xffff  }
0x2fe: {  	v52 =	vld [tilespmem:s4+$0xE0]  }
0x2ff: {  	v54 =	vld [tilespmem:s4+$0xB0]  }
0x300: {  	v53 =	vld [tilespmem:s4+$0xD0]  }
0x301: {  	v14 =	vld [tilespmem:s4+$0xF0]  }
0x302: {  	v5 =	vld [tilespmem:s4+$0x0];
	v6 =	vmul.f32 v6, v10  }
0x303: {  	v9 =	vld.idx.msk [tilespmem:v9+s16+$0x0], $0xffff;
	v4 =	vmul.f32 v4, v10  }
0x304: {  	v16 =	vld [tilespmem:s4+$0x20];
	v7 =	vmul.f32 v54, v10;
	[tilespmem:s4+$0x90] =	vst v6  }
0x305: {  	v18 =	vld [tilespmem:s4+$0x30];
	v12 =	vmul.f32 v53, v10;
	[tilespmem:s4+$0xA0] =	vst v4  }
0x306: {  	v58 =	vld [tilespmem:s4+$0x40];
	v59 =	vmul.f32 v52, v10;
	[tilespmem:s4+$0xB0] =	vst v7  }
0x307: {  	v15 =	vld [tilespmem:s4+$0x60];
	v60 =	vmul.f32 v14, v10;
	[tilespmem:s4+$0xD0] =	vst v12  }
0x308: {  	v57 =	vld [tilespmem:s4+$0x10];
	v5 =	vmul.f32 v5, v9;
	[tilespmem:s4+$0xE0] =	vst v59  }
0x309: {  	v16 =	vmul.f32 v16, v9;
	v4 =	vld [tilespmem:s4+$0x50];
	[tilespmem:s4+$0xF0] =	vst v60  }
0x30a: {  	v61 =	vmul.f32 v18, v9;
	[tilespmem:s4+$0x0] =	vst v5;
	v5 =	vld [tilespmem:s4+$0x70]  }
0x30b: {  	v56 =	vld [tilespmem:s4+$0x80];
	v6 =	vmul.f32 v58, v9;
	[tilespmem:s4+$0x20] =	vst v16  }
0x30c: {  	v17 =	vld [tilespmem:s4+$0xC0];
	v62 =	vmul.f32 v15, v9;
	[tilespmem:s4+$0x30] =	vst v61  }
0x30d: {  	v63 =	vmul.f32 v57, v9;
	[tilespmem:s4+$0x40] =	vst v6  }
0x30e: {  	[tilespmem:s4+$0x60] =	vst v62;
	v4 =	vmul.f32 v4, v9  }
0x30f: {  	[tilespmem:s4+$0x10] =	vst v63;
	v5 =	vmul.f32 v5, v9  }
0x310: {  	[tilespmem:s4+$0x50] =	vst v4;
	v4 =	vmul.f32 v56, v10  }
0x311: {  	s1 =	sadd.s32 $0x1, s1;
	[tilespmem:s4+$0x70] =	vst v5;
	v5 =	vmul.f32 v17, v10  }
0x312: {  	p1 =	sne.s32 s1, $0x4F;
	[tilespmem:s4+$0x80] =	vst v4  }
.Ltmp10:
0x313: {  	s3 =	sadd.s32 $0x2780, s3;
	[tilespmem:s4+$0xC0] =	vst v5;
	(pc) =	sbr.rel @p1 .LBB2_20-.Ltmp10, $4  }
0x314: {  	[spmem:s15] =	stream.indirect.scatter.add.f32 [tilespmem:s13], [sflag:$0x4], $0x80, s3, s7, $0xb8;
	[tilespmem:$0x1FF80] =	vst v63  }
0x315: {  	_ =	swait.ge [sflag:s8], $0x4000  }
0x316: {  	[sflag:s8] =	ssyncset.done $0x0  }
0x317: {  	s2 =	sadd.s32 $0x80, s2;
	[sflag:s8] =	ssyncadd.s32 $0xFFFFC000  }
0x318: {  	[bflag:$0x0] =	sbarrier.arrive $0xFFFF  }
0x319: {  	s2 =	sld [smem:$0x7F8];
	_ =	sdelay $0x1  }
0x31a: {  	s1 =	rddreg [dreg:$0xe]  }
0x31b: {  	[hbm:s1], [sflag:s22] =	dma.local [spmem:s2], $0x800  }
0x31c: {  	_ =	swait.ge [sflag:s8], $0x800  }
0x31d: {  	s23 =	sld [smem:$0x7F3]  }
0x31e: {  	[sflag:s8] =	ssyncset.done $0x0  }
0x31f: {  	s6 =	rddreg [dreg:$0x14];
	[sflag:s8] =	ssyncadd.s32 $0xFFFFF800  }
0x320: {  	[hbm:s6], [sflag:s22] =	dma.local [spmem:s23], $0x800  }
0x321: {  	_ =	swait.ge [sflag:s8], $0x800  }
0x322: {  	s28 =	sld [smem:$0x7F4]  }
0x323: {  	[sflag:s8] =	ssyncset.done $0x0  }
0x324: {  	s26 =	rddreg [dreg:$0x15];
	[sflag:s8] =	ssyncadd.s32 $0xFFFFF800  }
0x325: {  	[hbm:s26], [sflag:s22] =	dma.local [spmem:s28], $0x800  }
0x326: {  	_ =	swait.ge [sflag:s8], $0x800  }
0x327: {  	[sflag:s8] =	ssyncset.done $0x0  }
0x328: {  	s29 =	rddreg [dreg:$0x16];
	[sflag:s8] =	ssyncadd.s32 $0xFFFFF800  }
0x329: {  	[hbm:s29], [sflag:s22] =	dma.local [spmem:s20], $0x800  }
0x32a: {  	_ =	swait.ge [sflag:s8], $0x800  }
0x32b: {  	[sflag:s8] =	ssyncset.done $0x0  }
0x32c: {  	s30 =	rddreg [dreg:$0x17];
	[sflag:s8] =	ssyncadd.s32 $0xFFFFF800  }
0x32d: {  	[hbm:s30], [sflag:s22] =	dma.local [spmem:s0], $0x800  }
0x32e: {  	_ =	swait.ge [sflag:s8], $0x800  }
0x32f: {  	s18 =	sadd.s32 $0x1, s18;
	s31 =	rddreg [dreg:$0x1c]  }
0x330: {  	p1 =	sne.s32 s18, s31  }
.Ltmp11:
0x331: {  	_ = 	snop;
	(pc) =	sbr.rel @p1 .LBB2_1-.Ltmp11, $3  }
0x332: {  	[sflag:s8] =	ssyncset.done $0x0  }
0x333: {  	[sflag:s8] =	ssyncadd.s32 $0xFFFFF800  }
0x334: {  	[bflag:$0x0] =	sbarrier.arrive $0xFFFF;
	_ =	sdelay $0x1  }
0x335: {  	_ =	sfence.sel $0x180000  }
0x336: {  	[bflag:$0x0] =	sbarrier.arrive $0xFFFF  }
0x337: {  	_ =	strace $0x9000004A  }
0x338: {  	[bflag:$0x2] =	sbarrier.arrive $0xFFFF  }
0x339: {  	s0 =	rddreg [dreg:$0x6]  }
0x33a: {  	s0 =	sadd.s32 @!p0 $0x100000, s0  }
0x33b: {  	[sflag:s0] =	ssyncadd.tile.s32 @!p0 $0x1;
	_ =	shalt  }
.Lfunc_end2:
_tile_overlayer_lowered:
.L_overlay_start_2:
0x33c: {  	(tag) =	ssettag $0x2  }
0x33d: {  	s0 =	rddreg [dreg:$0x0];
	s2 =	stileid.u32  }
0x33e: {  	s1 =	rddreg [dreg:$0x1];
	p0 =	sne.s32 s2, $0x0  }
0x33f: {  	s3 =	rddreg [dreg:$0x2];
	[bflag:$0x3] =	sbarrier.arrive $0xFFFF;
	s2 =	simm.s32 @!p0 $0x1C04  }
0x340: {  	[timem:s3], [sflag:s2] =	dma.local @!p0 [hbm:s0], s1  }
0x341: {  	s0 =	simm.s32 @!p0 $0x4  }
0x342: {  	_ =	swait.ge @!p0 [sflag:s0], s1  }
0x343: {  	s1 =	ssub.s32 @!p0 $0x0, s1;
	[sflag:s0] =	ssyncset.done @!p0 $0x0  }
0x344: {  	[sflag:s0] =	ssyncadd.s32 @!p0 s1  }
0x345: {  	[bflag:$0x3] =	sbarrier.arrive $0xFFFF  }
0x346: {  	_ =	shalt  }

// kernel: kernel.7.cloned.1.call-start
scs
__scs_entry_jumppad:
0x0: {  	(pc) =	sbr.rel $0x88, $3  }
0x1: {  	(tag) =	ssettag $0x0;
	lr =	simm.s32 $0x1  }
0x2: {  	[smem:$0x3F92] =	sst lr;
	_ =	strace $0xD0000000  }
0x3: {  	_ = 	snop  }
0x4: {  	_ = 	snop  }
0x5: {  	_ = 	snop  }
0x6: {  	_ = 	snop  }
0x7: {  	_ = 	snop  }
__scs_overlays_trampoline_lowered:
0x8: {  	[smem:$0x3FA1] =	sst s0  }
0x9: {  	[smem:$0x3FA2] =	sst s1  }
0xa: {  	[smem:$0x3FA3] =	sst s2  }
0xb: {  	[smem:$0x3FA4] =	sst s3  }
0xc: {  	[smem:$0x3FA5] =	sst s4  }
0xd: {  	[smem:$0x3FA6] =	sst s5  }
0xe: {  	[smem:$0x3FA7] =	sst s6  }
0xf: {  	[smem:$0x3FA8] =	sst s7  }
0x10: {  	[smem:$0x3FA9] =	sst s8  }
0x11: {  	[smem:$0x3FAA] =	sst s9;
	s0 =	simm.s32 @!p0 $0x0  }
0x12: {  	s1 =	sld [smem:$0x3F90];
	s0 =	simm.s32 @p0 $0x1  }
0x13: {  	[smem:$0x3FAB] =	sst s0;
	s0 =	simm.s32 @!p1 $0x0  }
0x14: {  	s2 =	sld [smem:$0x3F8F];
	s0 =	simm.s32 @p1 $0x1  }
0x15: {  	[smem:$0x3FAC] =	sst s0;
	s0 =	simm.s32 @!p2 $0x0  }
0x16: {  	s3 =	sld [smem:$0x3FDB];
	s0 =	simm.s32 @p2 $0x1  }
0x17: {  	s4 =	simm.s32 $0x1BF5;
	[smem:$0x3FAE] =	sst s0  }
0x18: {  	s0 =	sld [smem:$0x3F91];
	_ =	swait.ge [sflag:s4], $0x0  }
0x19: {  	s7 =	sld [smem:$0x3F92]  }
0x1a: {  	s8 =	sadd.s32 $0xFFFFE003, lr  }
0x1b: {  	s9 =	sadd.s32 $0xFFFFFEF7, lr;
	s5 =	simm.s32 $0xFFFFFFFF;
	p2 =	slt.u32 s8, $0xFFFFF086  }
0x1c: {  	p1 =	slt.u32 s9, $0xF7A;
	s5 =	simm.s32 @!p2 $0x0  }
0x1d: {  	s5 =	simm.s32 @p1 $0x1;
	p0 =	seq.s32 s7, s2  }
0x1e: {  	s7 =	smul.u32 @!p0 $0xF7A, s2;
	p2 =	seq.s32 @!p0 s5, $0x0  }
0x1f: {  	s9 =	smul.u32 $0xF7A, s1;
	s8 =	simm.s32 @!p0 $0x1BF5;
	p2 =	por !p2, p0  }
0x20: {  	[sflag:s8] =	ssyncset.s32 @!p0 $0xFFFFF086;
	s6 =	sadd.s32 @!p0 s3, s7;
	s7 =	simm.s32 @!p0 $0x108  }
0x21: {  	s3 =	sadd.s32 s3, s9;
	s6 =	sadd.s32 @!p0 $0x88, s6;
	s7 =	simm.s32 @p2 $0x1082  }
0x22: {  	[simem:s7], [sflag:s8] =	dma.local @!p0 [hbm:s6], $0xF7A  }
0x23: {  	s9 =	sor.u32 $0xD0000000, s2;
	s6 =	simm.s32 $0x108;
	_ =	swait.ge @!p0 [sflag:s8], $0x0  }
0x24: {  	s3 =	sadd.s32 $0x88, s3;
	s6 =	simm.s32 @!p1 $0x1082;
	[sflag:s4] =	ssyncset.s32 $0xFFFFF086  }
0x25: {  	[simem:s6], [sflag:s4] =	dma.local [hbm:s3], $0xF7A  }
0x26: {  	[smem:$0x3F92] =	sst s1;
	(tag) =	ssettag s2;
	_ =	strace s9  }
0x27: {  	s1 =	sld [smem:$0x3FA2]  }
0x28: {  	s2 =	sld [smem:$0x3FA3]  }
0x29: {  	s4 =	sld [smem:$0x3FA5]  }
0x2a: {  	p0 =	seq.s32 s5, $0x0;
	s5 =	sld [smem:$0x3FA6]  }
0x2b: {  	s6 =	sld [smem:$0x3FA7]  }
0x2c: {  	s7 =	sld [smem:$0x3FA8]  }
0x2d: {  	s3 =	simm.s32 $0x108;
	s8 =	sld [smem:$0x3FA9]  }
0x2e: {  	s3 =	simm.s32 @!p0 $0x1082;
	s9 =	sld [smem:$0x3FAA]  }
0x2f: {  	lr =	sadd.s32 s0, s3;
	s0 =	sld [smem:$0x3FA1]  }
0x30: {  	s3 =	sld [smem:$0x3FA4]  }
0x31: {  	[smem:$0x3FAD] =	sst s10  }
0x32: {  	s10 =	sld [smem:$0x3FAB];
	_ =	sdelay $0x3  }
0x33: {  	p0 =	seq.s32 s10, $0x1;
	s10 =	sld [smem:$0x3FAD];
	_ =	sdelay $0x3  }
0x34: {  	[smem:$0x3FAD] =	sst s10  }
0x35: {  	s10 =	sld [smem:$0x3FAC];
	_ =	sdelay $0x3  }
0x36: {  	p1 =	seq.s32 s10, $0x1;
	s10 =	sld [smem:$0x3FAD];
	_ =	sdelay $0x3  }
0x37: {  	[smem:$0x3FAD] =	sst s10  }
0x38: {  	s10 =	sld [smem:$0x3FAE]  }
0x39: {  	_ = 	snop;
	(pc) =	sbr.ind lr, $3  }
0x3a: {  	_ = 	snop  }
0x3b: {  	_ = 	snop  }
0x3c: {  	p2 =	seq.s32 s10, $0x1;
	s10 =	sld [smem:$0x3FAD]  }
0x3d: {  	_ =	shalt  }
0x3e: {  	_ =	shalt  }
0x3f: {  	_ =	shalt  }
0x40: {  	_ =	shalt  }
0x41: {  	_ =	shalt  }
0x42: {  	_ =	shalt  }
0x43: {  	_ =	shalt  }
0x44: {  	_ =	shalt  }
0x45: {  	_ =	shalt  }
0x46: {  	_ =	shalt  }
0x47: {  	_ =	shalt  }
0x48: {  	_ =	shalt  }
0x49: {  	_ =	shalt  }
0x4a: {  	_ =	shalt  }
0x4b: {  	_ =	shalt  }
0x4c: {  	_ =	shalt  }
0x4d: {  	_ =	shalt  }
0x4e: {  	_ =	shalt  }
0x4f: {  	_ =	shalt  }
0x50: {  	_ =	shalt  }
0x51: {  	_ =	shalt  }
0x52: {  	_ =	shalt  }
0x53: {  	_ =	shalt  }
0x54: {  	_ =	shalt  }
0x55: {  	_ =	shalt  }
0x56: {  	_ =	shalt  }
0x57: {  	_ =	shalt  }
0x58: {  	_ =	shalt  }
0x59: {  	_ =	shalt  }
0x5a: {  	_ =	shalt  }
0x5b: {  	_ =	shalt  }
0x5c: {  	_ =	shalt  }
0x5d: {  	_ =	shalt  }
0x5e: {  	_ =	shalt  }
0x5f: {  	_ =	shalt  }
0x60: {  	_ =	shalt  }
0x61: {  	_ =	shalt  }
0x62: {  	_ =	shalt  }
0x63: {  	_ =	shalt  }
0x64: {  	_ =	shalt  }
0x65: {  	_ =	shalt  }
0x66: {  	_ =	shalt  }
0x67: {  	_ =	shalt  }
0x68: {  	_ =	shalt  }
0x69: {  	_ =	shalt  }
0x6a: {  	_ =	shalt  }
0x6b: {  	_ =	shalt  }
0x6c: {  	_ =	shalt  }
0x6d: {  	_ =	shalt  }
0x6e: {  	_ =	shalt  }
0x6f: {  	_ =	shalt  }
0x70: {  	_ =	shalt  }
0x71: {  	_ =	shalt  }
0x72: {  	_ =	shalt  }
0x73: {  	_ =	shalt  }
0x74: {  	_ =	shalt  }
0x75: {  	_ =	shalt  }
0x76: {  	_ =	shalt  }
0x77: {  	_ =	shalt  }
0x78: {  	_ =	shalt  }
0x79: {  	_ =	shalt  }
0x7a: {  	_ =	shalt  }
0x7b: {  	_ =	shalt  }
0x7c: {  	_ =	shalt  }
0x7d: {  	_ =	shalt  }
0x7e: {  	_ =	shalt  }
0x7f: {  	_ =	shalt  }
0x80: {  	_ =	shalt  }
0x81: {  	_ =	shalt  }
0x82: {  	_ =	shalt  }
0x83: {  	_ =	shalt  }
0x84: {  	_ =	shalt  }
0x85: {  	_ =	shalt  }
0x86: {  	_ =	shalt  }
0x87: {  	_ =	shalt  }
.Lfunc_end0:
.L_simem_size_0:
called_computation_lowered:
.L_overlay_start_0:
0x88: {  	s2 =	sld [smem:$0x3FD9]  }
0x89: {  	s3 =	sld [smem:$0x3FFE];
	_ =	sdelay $0x1  }
0x8a: {  	s1 =	srdreg.scid  }
0x8b: {  	s0 =	sand.u32 $0x1, s1  }
0x8c: {  	s17 =	sshll.u32 s0, $0xA;
	s2 =	sadd.s32 s3, s2  }
0x8d: {  	s2 =	sadd.s32 s2, s17  }
0x8e: {  	[smem:$0x3FB9] =	sst s2  }
0x8f: {  	_ = 	snop  }
0x90: {  	s2 =	sld [smem:$0x3FD0];
	(tm) =	ssettm $0x1  }
0x91: {  	s18 =	sld [smem:$0x3FFB];
	_ =	sdelay $0x3  }
0x92: {  	_ =	strace s18  }
0x93: {  	s3 =	sld [smem:$0x3FFC];
	_ =	sdelay $0x3  }
0x94: {  	_ =	strace s3  }
0x95: {  	s3 =	sld [smem:$0x3FFD];
	_ =	sdelay $0x3  }
0x96: {  	_ =	strace s3  }
0x97: {  	_ =	strace $0x8FFFFFFF  }
0x98: {  	s19 =	sld [smem:$0x3FDB];
	_ =	sdelay $0x1  }
0x99: {  	s4 =	simm.s32 $_scs_section_size  }
0x9a: {  	s5 =	simm.s32 $_size__tile_overlayer_lowered;
	s6 =	simm.s32 $_tile_overlayer_lowered  }
0x9b: {  	s22 =	simm.s32 $0x1BFF;
	s21 =	sshll.u32 s6, $0x1;
	s3 =	sadd.s32 s4, s19  }
0x9c: {  	s7 =	simm.s32 $0x0;
	s20 =	sshll.u32 s5, $0x1;
	s5 =	sadd.s32 s21, s3  }
0x9d: {  	[timem:s7], [sflag:s22] =	dma.local [hbm:s5], s20  }
0x9e: {  	_ =	swait.ge [sflag:s22], s20  }
0x9f: {  	s4 =	ssub.s32 $0x0, s20;
	[sflag:s22] =	ssyncset.done $0x0  }
0xa0: {  	[sflag:s22] =	ssyncadd.s32 s4;
	_ =	sdelay $0x1  }
0xa1: {  	s23 =	simm.s32 $0x1B8B  }
0xa2: {  	_ =	swait.ge [sflag:s23], $0x1  }
0xa3: {  	[sflag:s23] =	ssyncset.done $0x0  }
0xa4: {  	s25 =	simm.s32 $0x1B8E;
	s24 =	sld [smem:$0x3FFE];
	[sflag:s23] =	ssyncadd.s32 $0xFFFFFFFF  }
0xa5: {  	s26 =	simm.s32 $execute0_lowered;
	[smem:$0x3FD2] =	sst s25  }
0xa6: {  	s5 =	sshll.u32 s26, $0x1;
	_ =	strace $0x80000046;
	[dreg:$0x1] =	wrdreg $0xFFFFFFFF  }
0xa7: {  	s28 =	simm.s32 $_size_execute0_lowered;
	s3 =	sadd.s32 s3, s5;
	[dreg:$0x0] =	wrdreg $0x0  }
0xa8: {  	s5 =	sshll.u32 s28, $0x1;
	[dreg:$0x2] =	wrdreg s3  }
0xa9: {  	[dreg:$0x3] =	wrdreg s5  }
0xaa: {  	[dreg:$0x4] =	wrdreg $0xC0  }
0xab: {  	_ =	task [dreg:s7], $0x5FFFF  }
0xac: {  	[dreg:$0x1] =	wrdreg $0xFFFFFFFF  }
0xad: {  	[dreg:$0x0] =	wrdreg $0x60  }
0xae: {  	[dreg:$0x2] =	wrdreg s24  }
0xaf: {  	[dreg:$0x3] =	wrdreg s2  }
0xb0: {  	[dreg:$0x4] =	wrdreg $0xBF800  }
0xb1: {  	[dreg:$0x5] =	wrdreg $0xB8000  }
0xb2: {  	[dreg:$0x6] =	wrdreg $0xBA800  }
0xb3: {  	[dreg:$0x7] =	wrdreg $0xBD000  }
0xb4: {  	[dreg:$0x8] =	wrdreg $0x9  }
0xb5: {  	_ =	task.clear_ibuf [dreg:s7], $0x9FFFF;
	_ =	strace $0x90000046  }
0xb6: {  	s29 =	simm.s32 $0x9;
	_ =	strace $0x80000048  }
0xb7: {  	_ =	swait.ge [sflag:s29], $0x1  }
0xb8: {  	[sflag:s29] =	ssyncadd.s32 $0xFFFFFFFF  }
0xb9: {  	_ =	strace $0x90000048  }
0xba: {  	_ =	sfence  }
0xbb: {  	s30 =	sld [smem:$0x0];
	_ =	sdelay $0x2  }
0xbc: {  	s31 =	sshll.u32 s1, $0xD;
	s1 =	sshrl.u32 s1, $0x2  }
0xbd: {  	s3 =	sand.u32 $0x4000, s31;
	s1 =	sadd.s32 s1, s30  }
0xbe: {  	s0 =	sor.u32 s3, s0;
	s1 =	sshll.u32 s1, $0x11  }
0xbf: {  	s0 =	sor.u32 s1, s0  }
0xc0: {  	s0 =	sadd.s32 $0x8F2B, s0  }
0xc1: {  	[sflag:s0] =	ssyncadd.remote.s32 $0x1  }
0xc2: {  	_ =	sfence.sel $0xFFFF  }
0xc3: {  	[dreg:$0x0] =	wrdreg $0xFFFFFFFF;
	(pc) =	sbr.abs _section_cstart, $3  }
0xc4: {  	[dreg:$0x1] =	wrdreg $0xFFFFFFFF  }
0xc5: {  	_ =	task.clear_ibuf [dreg:s7], $0x2FFFF;
	_ =	strace $0x9FFFFFFF  }
0xc6: {  	(tm) =	ssettm $0x7FFFFFFF  }
0xc7: {  	_ =	shalt  }
tec
execute0_lowered:
.L_overlay_start_1:
0x0: {  	(tag) =	ssettag $0x1  }
0x1: {  	s0 =	rddreg [dreg:$0x0];
	s16 =	stileid.u32  }
0x2: {  	s3 =	rddreg [dreg:$0x1];
	s2 =	simm.s32 $0x0;
	s5 =	srdreg.scid  }
0x3: {  	s1 =	sshrl.u32 s16, $0x3;
	s4 =	sadd.s32 $0x148400, s0;
	s6 =	sadd.s32 $0x149800, s0  }
0x4: {  	[smem:$0x7FF] =	sst s2;
	s7 =	smul.u32 $0x500, s16;
	s8 =	sadd.s32 $0x14CA00, s0  }
0x5: {  	s23 =	sshll.u32 s16, $0x7;
	s9 =	sadd.s32 $0x14B600, s0;
	s1 =	smul.u32 $0x13C00, s1  }
0x6: {  	s13 =	smul.u32 $0x14000, s16;
	p0 =	sne.s32 s16, $0x0;
	s2 =	sand.u32 $0x380, s23  }
0x7: {  	s3 =	sadd.s32 s3, s7;
	s2 =	sor.u32 s2, s1;
	s1 =	sand.u32 $0x1, s5  }
0x8: {  	[dreg:$0x7] =	wrdreg s3;
	s3 =	smul.u32 $0x280, s16;
	s5 =	sshrl.u32 s2, $0x3  }
0x9: {  	s24 =	ssub.s32 $0x2, s1;
	s25 =	sshll.u32 s1, $0x5;
	s26 =	smul.u32 $0x280000, s1  }
0xa: {  	s11 =	sshllo.u32 s1, $0x1;
	s10 =	sshrl.u32 s24, $0x1;
	s12 =	sadd.s32 s4, s25  }
0xb: {  	s28 =	sadd.s32 s6, s25;
	s7 =	sadd.s32 s9, s25;
	[dreg:$0x8] =	wrdreg s12  }
0xc: {  	s29 =	sshll.u32 s11, $0x4;
	s31 =	sshll.u32 s3, $0x7;
	[dreg:$0x9] =	wrdreg s28  }
0xd: {  	s5 =	sadd.s32 s5, s0;
	[dreg:$0xa] =	wrdreg s7;
	s4 =	sadd.s32 s4, s29  }
0xe: {  	s2 =	ssub.s32 s24, s10;
	s30 =	sadd.s32 s6, s29;
	[dreg:$0xb] =	wrdreg s4  }
0xf: {  	s12 =	smul.u32 $0x140000, s11;
	s14 =	sadd.s32 s9, s29;
	[dreg:$0xc] =	wrdreg s30  }
0x10: {  	s7 =	sadd.s32 $0x4000, s31;
	s17 =	sadd.s32 s26, s13;
	[dreg:$0xd] =	wrdreg s14  }
0x11: {  	s18 =	sadd.s32 s26, s7;
	s19 =	sshrl.u32 s17, $0x3;
	s4 =	sadd.s32 $0x10000, s31  }
0x12: {  	s17 =	rddreg [dreg:$0x3];
	s2 =	smax.u32 s2, $0x1;
	s15 =	sadd.s32 s12, s13  }
0x13: {  	s20 =	sshrl.u32 s18, $0x3;
	s13 =	sadd.s32 $0xC000, s31;
	s6 =	sshrl.u32 s15, $0x3  }
0x14: {  	s10 =	sadd.s32 s26, s4;
	s25 =	sadd.s32 s12, s7;
	s6 =	sadd.s32 s8, s6  }
0x15: {  	s30 =	sadd.s32 s12, s4;
	[dreg:$0xe] =	wrdreg s6;
	s6 =	sadd.s32 s8, s19  }
0x16: {  	s21 =	sadd.s32 s8, s20;
	[dreg:$0xf] =	wrdreg s6;
	s6 =	sadd.s32 $0x8000, s31  }
0x17: {  	s14 =	sadd.s32 s26, s13;
	s15 =	rddreg [dreg:$0x2];
	s22 =	sadd.s32 s26, s6  }
0x18: {  	s10 =	sshrl.u32 s10, $0x3;
	[dreg:$0x10] =	wrdreg s21;
	s9 =	sshrl.u32 s22, $0x3  }
0x19: {  	s23 =	sshrl.u32 s14, $0x3;
	s21 =	rddreg [dreg:$0x5];
	s9 =	sadd.s32 s8, s9  }
0x1a: {  	s24 =	sadd.s32 s8, s10;
	[dreg:$0x11] =	wrdreg s9;
	s9 =	sadd.s32 s8, s23  }
0x1b: {  	s26 =	sadd.s32 s12, s6;
	[dreg:$0x12] =	wrdreg s9;
	s9 =	sshrl.u32 s25, $0x3  }
0x1c: {  	[dreg:$0x13] =	wrdreg s24;
	s28 =	sshrl.u32 s26, $0x3;
	s9 =	sadd.s32 s8, s9  }
0x1d: {  	s29 =	sadd.s32 s12, s13;
	[dreg:$0x14] =	wrdreg s9;
	s9 =	sadd.s32 s8, s28  }
0x1e: {  	s18 =	smul.u32 $0x2800, s11;
	[dreg:$0x15] =	wrdreg s9;
	s9 =	sshrl.u32 s29, $0x3  }
0x1f: {  	s19 =	rddreg [dreg:$0x4];
	s31 =	sshrl.u32 s30, $0x3;
	s9 =	sadd.s32 s8, s9  }
0x20: {  	s24 =	sadd.s32 $0x8400, s0;
	s8 =	sadd.s32 s8, s31;
	[dreg:$0x16] =	wrdreg s9  }
0x21: {  	s25 =	sadd.s32 $0x14AE00, s0;
	s0 =	sadd.s32 $0x14AC00, s0;
	[dreg:$0x17] =	wrdreg s8  }
0x22: {  	s10 =	sadd.s32 $0x3400, s5;
	_ =	strace $0x80000047;
	[dreg:$0x18] =	wrdreg s0  }
0x23: {  	s11 =	simm.s32 $0x2;
	s3 =	sadd.s32 s3, s21;
	[dreg:$0x19] =	wrdreg s10  }
0x24: {  	s20 =	sadd.s32 s7, s15;
	s7 =	simm.s32 $0x80;
	[dreg:$0x1a] =	wrdreg s3  }
0x25: {  	v2 =	vmov s18;
	s18 =	simm.s32 $0x0;
	s22 =	sadd.s32 s6, s15;
	[dreg:$0x1c] =	wrdreg s2  }
0x26: {  	s26 =	sadd.s32 s4, s15;
	s9 =	smul.u32 $0x50000, s16;
	[dreg:$0x1d] =	wrdreg s20  }
0x27: {  	s23 =	sadd.s32 s13, s15;
	s13 =	simm.s32 $0x7700;
	[dreg:$0x1e] =	wrdreg s22  }
0x28: {  	s8 =	simm.s32 $0x4;
	[dreg:$0x1f] =	wrdreg s23;
	s12 =	sshrl.u32 s9, $0x2  }
0x29: {  	s16 =	simm.s32 $0x4F80;
	[smem:$0x7F9] =	sst s26;
	s14 =	sadd.s32 s12, s15  }
0x2a: {  	s0 =	smul.u32 $0x5000, s1;
	s28 =	sadd.s32 $0x4000, s14;
	[dreg:$0x1b] =	wrdreg s14  }
0x2b: {  	s1 =	smul.u32 $0xFFFFB000, s1;
	s29 =	sadd.s32 $0x8000, s14;
	[smem:$0x7FA] =	sst s28  }
0x2c: {  	s10 =	simm.s32 $0xB780;
	s30 =	sadd.s32 $0xC000, s14;
	[smem:$0x7FB] =	sst s29  }
0x2d: {  	s9 =	simm.s32 $0xB700;
	s31 =	sadd.s32 $0x10000, s14;
	[smem:$0x7FC] =	sst s30  }
0x2e: {  	v3 =	vimm.f32 $0.0e+00;
	v0 =	vmov s0;
	s12 =	simm.s32 $0x3;
	v1 =	vmov s1;
	s14 =	simm.s32 $0x1;
	[smem:$0x7FD] =	sst s31  }
.LBB2_1:
0x2f: {  	s0 =	simm.s32 $0x0;
	s1 =	rddreg [dreg:$0x19];
	s2 =	simm.s32 $0x400  }
0x30: {  	[tilespmem:s0], [sflag:$0x4] =	stream.strided.gather [hbm4b:s1+s7], $0x2780, s2, s7, $0x38;
	[tilespmem:$0x1FF80] =	vst v63  }
0x31: {  	_ =	swait.ge [sflag:s8], $0x2780  }
0x32: {  	s3 =	simm.s32 $0x2780;
	[sflag:s8] =	ssyncset.done $0x0  }
0x33: {  	s5 =	sshrl.u32 @!p0 s17, $0x3;
	s2 =	rddreg [dreg:$0x7];
	[sflag:s8] =	ssyncadd.s32 $0xFFFFD880  }
0x34: {  	[tilespmem:s3], [sflag:$0x4] =	stream.linear.gather [hbm4b:s2+s0], $0x2780, $0x38;
	[tilespmem:$0x1FF80] =	vst v63  }
0x35: {  	s4 =	simm.s32 @!p0 $0x1C04;
	s1 =	simm.s32 @!p0 $0x10;
	_ =	swait.ge [sflag:s8], $0x2780  }
0x36: {  	s0 =	simm.s32 @!p0 $0x1;
	[sflag:s8] =	ssyncset.done $0x0;
	s2 =	rddreg [dreg:$0x8]  }
0x37: {  	s3 =	simm.s32 @!p0 $0x40;
	[smem:$0x7F6] =	sst s5;
	[sflag:s8] =	ssyncadd.s32 $0xFFFFD880  }
0x38: {  	[spmem:s5@s1], [sflag:s4] =	dma.strided @!p0 [hbm:s2@s3], $0x500, s0, $0x10   }
0x39: {  	s5 =	simm.s32 @!p0 $0x4  }
0x3a: {  	_ =	swait.ge @!p0 [sflag:s5], $0x500  }
0x3b: {  	s6 =	sshrl.u32 @!p0 s19, $0x3;
	[sflag:s5] =	ssyncset.done @!p0 $0x0;
	s2 =	rddreg [dreg:$0x9]  }
0x3c: {  	[smem:$0x7F7] =	sst s6;
	[sflag:s5] =	ssyncadd.s32 @!p0 $0xFFFFFB00  }
0x3d: {  	[spmem:s6@s1], [sflag:s4] =	dma.strided @!p0 [hbm:s2@s3], $0x500, s0, $0x10   }
0x3e: {  	_ =	swait.ge @!p0 [sflag:s5], $0x500  }
0x3f: {  	s4 =	stileid.u32;
	[sflag:s5] =	ssyncset.done @!p0 $0x0  }
0x40: {  	s0 =	sshll.u32 s4, $0x6;
	[sflag:s5] =	ssyncadd.s32 @!p0 $0xFFFFFB00;
	s5 =	rddreg [dreg:$0x1a]  }
0x41: {  	s22 =	sor.u32 $0x1C04, s0;
	s6 =	rddreg [dreg:$0x18];
	s3 =	sshrl.u32 s5, $0x3  }
0x42: {  	[spmem:s3], [sflag:s22] =	dma.local [hbm:s6], $0x50  }
0x43: {  	_ =	swait.ge [sflag:s8], $0x50  }
0x44: {  	s20 =	rddreg [dreg:$0x1b]  }
0x45: {  	[sflag:s8] =	ssyncset.done $0x0;
	s0 =	sshrl.u32 s20, $0x3  }
0x46: {  	[sflag:s8] =	ssyncadd.s32 $0xFFFFFFB0;
	[smem:$0x7F8] =	sst s0  }
0x47: {  	[spmem:s0], [sflag:s22] =	dma.local [hbm:s25], $0x800  }
0x48: {  	_ =	swait.ge [sflag:s8], $0x800  }
0x49: {  	s23 =	sld [smem:$0x7FA];
	_ =	sdelay $0x1  }
0x4a: {  	[sflag:s8] =	ssyncset.done $0x0  }
0x4b: {  	[sflag:s8] =	ssyncadd.s32 $0xFFFFF800;
	s4 =	sshrl.u32 s23, $0x3  }
0x4c: {  	[spmem:s4], [sflag:s22] =	dma.local [hbm:s25], $0x800  }
0x4d: {  	_ =	swait.ge [sflag:s8], $0x800  }
0x4e: {  	s26 =	sld [smem:$0x7FB];
	_ =	sdelay $0x1  }
0x4f: {  	[sflag:s8] =	ssyncset.done $0x0  }
0x50: {  	[sflag:s8] =	ssyncadd.s32 $0xFFFFF800;
	s5 =	sshrl.u32 s26, $0x3  }
0x51: {  	[spmem:s5], [sflag:s22] =	dma.local [hbm:s25], $0x800  }
0x52: {  	_ =	swait.ge [sflag:s8], $0x800  }
0x53: {  	s28 =	sld [smem:$0x7FC];
	_ =	sdelay $0x1  }
0x54: {  	[sflag:s8] =	ssyncset.done $0x0  }
0x55: {  	[sflag:s8] =	ssyncadd.s32 $0xFFFFF800;
	s6 =	sshrl.u32 s28, $0x3  }
0x56: {  	[spmem:s6], [sflag:s22] =	dma.local [hbm:s25], $0x800  }
0x57: {  	_ =	swait.ge [sflag:s8], $0x800  }
0x58: {  	s29 =	sld [smem:$0x7FD];
	_ =	sdelay $0x1  }
0x59: {  	[sflag:s8] =	ssyncset.done $0x0  }
0x5a: {  	[sflag:s8] =	ssyncadd.s32 $0xFFFFF800;
	s30 =	sshrl.u32 s29, $0x3  }
0x5b: {  	[spmem:s30], [sflag:s22] =	dma.local [hbm:s25], $0x800  }
0x5c: {  	_ =	swait.ge [sflag:s8], $0x800  }
0x5d: {  	[sflag:s8] =	ssyncset.done $0x0  }
0x5e: {  	[sflag:s8] =	ssyncadd.s32 $0xFFFFF800  }
0x5f: {  	s0 =	simm.s32 $0x0;
	[bflag:$0x0] =	sbarrier.arrive $0xFFFF  }
0x60: {  	[tilespmem:s9], [sflag:$0x2] =	stream.indirect.gather [spmem:s17], $0x1, s0, s7, $0xb8;
	[tilespmem:$0x1FF80] =	vst v63  }
0x61: {  	s31 =	simm.s32 $0x2780  }
0x62: {  	[tilespmem:s10], [sflag:$0x3] =	stream.indirect.gather [spmem:s19], $0x1, s31, s7, $0xb8;
	[tilespmem:$0x1FF80] =	vst v63  }
0x63: {  	_ =	swait.ge [sflag:s11], $0x80  }
0x64: {  	[sflag:s11] =	ssyncset.done $0x0  }
0x65: {  	[sflag:s11] =	ssyncadd.s32 $0xFFFFFF80  }
0x66: {  	_ =	swait.ge [sflag:s12], $0x80  }
0x67: {  	[sflag:s12] =	ssyncset.done $0x0  }
0x68: {  	[sflag:s12] =	ssyncadd.s32 $0xFFFFFF80  }
0x69: {  	v4 =	vld [tilespmem:$0xB700]  }
0x6a: {  	v5 =	vld [tilespmem:$0xB780];
	_ =	sdelay $0x4  }
0x6b: {  	v4 =	vadd.f32 v5, v4;
	_ =	sdelay $0x1  }
0x6c: {  	v5 =	vmul.f32 $2.000000030e-01, v4;
	_ =	sdelay $0x1  }
0x6d: {  	v4 =	vmax.f32 v4, v5  }
0x6e: {  	v4 =	vmul.f32 $1.442695020e+00, v4;
	_ =	sdelay $0x1  }
0x6f: {  	(erf) = vpow2.f32 v4;
	_ =	sdelay $0x8  }
0x70: {  	v4 =	vpop (erf)  }
0x71: {  	[tilespmem:s0+$0x4F80] =	vst v4  }
0x72: {  	v4 =	vld [tilespmem:$0xB710]  }
0x73: {  	v5 =	vld [tilespmem:$0xB790];
	_ =	sdelay $0x4  }
0x74: {  	v4 =	vadd.f32 v5, v4;
	_ =	sdelay $0x1  }
0x75: {  	v5 =	vmul.f32 $2.000000030e-01, v4;
	_ =	sdelay $0x1  }
0x76: {  	v4 =	vmax.f32 v4, v5  }
0x77: {  	v4 =	vmul.f32 $1.442695020e+00, v4;
	_ =	sdelay $0x1  }
0x78: {  	(erf) = vpow2.f32 v4;
	_ =	sdelay $0x8  }
0x79: {  	v4 =	vpop (erf)  }
0x7a: {  	[tilespmem:s0+$0x4F90] =	vst v4  }
0x7b: {  	v4 =	vld [tilespmem:$0xB720]  }
0x7c: {  	v5 =	vld [tilespmem:$0xB7A0];
	_ =	sdelay $0x4  }
0x7d: {  	v4 =	vadd.f32 v5, v4;
	_ =	sdelay $0x1  }
0x7e: {  	v5 =	vmul.f32 $2.000000030e-01, v4;
	_ =	sdelay $0x1  }
0x7f: {  	v4 =	vmax.f32 v4, v5  }
0x80: {  	v4 =	vmul.f32 $1.442695020e+00, v4;
	_ =	sdelay $0x1  }
0x81: {  	(erf) = vpow2.f32 v4;
	_ =	sdelay $0x8  }
0x82: {  	v4 =	vpop (erf)  }
0x83: {  	[tilespmem:s0+$0x4FA0] =	vst v4  }
0x84: {  	v4 =	vld [tilespmem:$0xB730]  }
0x85: {  	v5 =	vld [tilespmem:$0xB7B0];
	_ =	sdelay $0x4  }
0x86: {  	v4 =	vadd.f32 v5, v4;
	_ =	sdelay $0x1  }
0x87: {  	v5 =	vmul.f32 $2.000000030e-01, v4;
	_ =	sdelay $0x1  }
0x88: {  	v4 =	vmax.f32 v4, v5  }
0x89: {  	v4 =	vmul.f32 $1.442695020e+00, v4;
	_ =	sdelay $0x1  }
0x8a: {  	(erf) = vpow2.f32 v4;
	_ =	sdelay $0x8  }
0x8b: {  	v4 =	vpop (erf)  }
0x8c: {  	[tilespmem:s0+$0x4FB0] =	vst v4  }
0x8d: {  	v4 =	vld [tilespmem:$0xB740]  }
0x8e: {  	v5 =	vld [tilespmem:$0xB7C0];
	_ =	sdelay $0x4  }
0x8f: {  	v4 =	vadd.f32 v5, v4;
	_ =	sdelay $0x1  }
0x90: {  	v5 =	vmul.f32 $2.000000030e-01, v4;
	_ =	sdelay $0x1  }
0x91: {  	v4 =	vmax.f32 v4, v5  }
0x92: {  	v4 =	vmul.f32 $1.442695020e+00, v4;
	_ =	sdelay $0x1  }
0x93: {  	(erf) = vpow2.f32 v4;
	_ =	sdelay $0x8  }
0x94: {  	v4 =	vpop (erf)  }
0x95: {  	[tilespmem:s0+$0x4FC0] =	vst v4  }
0x96: {  	v4 =	vld [tilespmem:$0xB750]  }
0x97: {  	v5 =	vld [tilespmem:$0xB7D0];
	_ =	sdelay $0x4  }
0x98: {  	v4 =	vadd.f32 v5, v4;
	_ =	sdelay $0x1  }
0x99: {  	v5 =	vmul.f32 $2.000000030e-01, v4;
	_ =	sdelay $0x1  }
0x9a: {  	v4 =	vmax.f32 v4, v5  }
0x9b: {  	v4 =	vmul.f32 $1.442695020e+00, v4;
	_ =	sdelay $0x1  }
0x9c: {  	(erf) = vpow2.f32 v4;
	_ =	sdelay $0x8  }
0x9d: {  	v4 =	vpop (erf)  }
0x9e: {  	[tilespmem:s0+$0x4FD0] =	vst v4  }
0x9f: {  	v4 =	vld [tilespmem:$0xB760]  }
0xa0: {  	v5 =	vld [tilespmem:$0xB7E0];
	_ =	sdelay $0x4  }
0xa1: {  	v4 =	vadd.f32 v5, v4;
	_ =	sdelay $0x1  }
0xa2: {  	v5 =	vmul.f32 $2.000000030e-01, v4;
	_ =	sdelay $0x1  }
0xa3: {  	v4 =	vmax.f32 v4, v5  }
0xa4: {  	v4 =	vmul.f32 $1.442695020e+00, v4;
	_ =	sdelay $0x1  }
0xa5: {  	(erf) = vpow2.f32 v4;
	_ =	sdelay $0x8  }
0xa6: {  	v4 =	vpop (erf)  }
0xa7: {  	[tilespmem:s0+$0x4FE0] =	vst v4  }
0xa8: {  	v4 =	vld [tilespmem:$0xB770]  }
0xa9: {  	v5 =	vld [tilespmem:$0xB7F0];
	_ =	sdelay $0x4  }
0xaa: {  	v4 =	vadd.f32 v5, v4;
	_ =	sdelay $0x1  }
0xab: {  	v5 =	vmul.f32 $2.000000030e-01, v4;
	_ =	sdelay $0x1  }
0xac: {  	v4 =	vmax.f32 v4, v5  }
0xad: {  	v4 =	vmul.f32 $1.442695020e+00, v4;
	_ =	sdelay $0x1  }
0xae: {  	s20 =	simm.s32 $0x200;
	(erf) = vpow2.f32 v4  }
.LBB2_2:
0xaf: {  	_ = 	snop  }
0xb0: {  	p1 =	sne.s32 s20, $0x9C00;
	s1 =	smov.u32 s20;
	s20 =	sadd.s32 $0x200, s20  }
0xb1: {  	_ =	sdelay $0x5  }
0xb2: {  	v4 =	vpop (erf)  }
0xb3: {  	[tilespmem:s0+$0x4FF0] =	vst v4;
	s0 =	sshra.s32 s1, $0x2  }
0xb4: {  	[tilespmem:s9], [sflag:$0x2] =	stream.indirect.gather [spmem:s17], $0x1, s0, s7, $0xb8;
	[tilespmem:$0x1FF80] =	vst v63  }
0xb5: {  	s1 =	sadd.s32 $0x2780, s0  }
0xb6: {  	[tilespmem:s10], [sflag:$0x3] =	stream.indirect.gather [spmem:s19], $0x1, s1, s7, $0xb8;
	[tilespmem:$0x1FF80] =	vst v63  }
0xb7: {  	_ =	swait.ge [sflag:s11], $0x80  }
0xb8: {  	[sflag:s11] =	ssyncset.done $0x0  }
0xb9: {  	[sflag:s11] =	ssyncadd.s32 $0xFFFFFF80  }
0xba: {  	_ =	swait.ge [sflag:s12], $0x80  }
0xbb: {  	[sflag:s12] =	ssyncset.done $0x0  }
0xbc: {  	[sflag:s12] =	ssyncadd.s32 $0xFFFFFF80  }
0xbd: {  	v4 =	vld [tilespmem:$0xB700]  }
0xbe: {  	v5 =	vld [tilespmem:$0xB780];
	_ =	sdelay $0x4  }
0xbf: {  	v4 =	vadd.f32 v5, v4;
	_ =	sdelay $0x1  }
0xc0: {  	v5 =	vmul.f32 $2.000000030e-01, v4;
	_ =	sdelay $0x1  }
0xc1: {  	v4 =	vmax.f32 v4, v5  }
0xc2: {  	v4 =	vmul.f32 $1.442695020e+00, v4;
	_ =	sdelay $0x1  }
0xc3: {  	(erf) = vpow2.f32 v4;
	_ =	sdelay $0x8  }
0xc4: {  	v4 =	vpop (erf)  }
0xc5: {  	[tilespmem:s0+$0x4F80] =	vst v4  }
0xc6: {  	v4 =	vld [tilespmem:$0xB710]  }
0xc7: {  	v5 =	vld [tilespmem:$0xB790];
	_ =	sdelay $0x4  }
0xc8: {  	v4 =	vadd.f32 v5, v4;
	_ =	sdelay $0x1  }
0xc9: {  	v5 =	vmul.f32 $2.000000030e-01, v4;
	_ =	sdelay $0x1  }
0xca: {  	v4 =	vmax.f32 v4, v5  }
0xcb: {  	v4 =	vmul.f32 $1.442695020e+00, v4;
	_ =	sdelay $0x1  }
0xcc: {  	(erf) = vpow2.f32 v4;
	_ =	sdelay $0x8  }
0xcd: {  	v4 =	vpop (erf)  }
0xce: {  	[tilespmem:s0+$0x4F90] =	vst v4  }
0xcf: {  	v4 =	vld [tilespmem:$0xB720]  }
0xd0: {  	v5 =	vld [tilespmem:$0xB7A0];
	_ =	sdelay $0x4  }
0xd1: {  	v4 =	vadd.f32 v5, v4;
	_ =	sdelay $0x1  }
0xd2: {  	v5 =	vmul.f32 $2.000000030e-01, v4;
	_ =	sdelay $0x1  }
0xd3: {  	v4 =	vmax.f32 v4, v5  }
0xd4: {  	v4 =	vmul.f32 $1.442695020e+00, v4;
	_ =	sdelay $0x1  }
0xd5: {  	(erf) = vpow2.f32 v4;
	_ =	sdelay $0x8  }
0xd6: {  	v4 =	vpop (erf)  }
0xd7: {  	[tilespmem:s0+$0x4FA0] =	vst v4  }
0xd8: {  	v4 =	vld [tilespmem:$0xB730]  }
0xd9: {  	v5 =	vld [tilespmem:$0xB7B0];
	_ =	sdelay $0x4  }
0xda: {  	v4 =	vadd.f32 v5, v4;
	_ =	sdelay $0x1  }
0xdb: {  	v5 =	vmul.f32 $2.000000030e-01, v4;
	_ =	sdelay $0x1  }
0xdc: {  	v4 =	vmax.f32 v4, v5  }
0xdd: {  	v4 =	vmul.f32 $1.442695020e+00, v4;
	_ =	sdelay $0x1  }
0xde: {  	(erf) = vpow2.f32 v4;
	_ =	sdelay $0x8  }
0xdf: {  	v4 =	vpop (erf)  }
0xe0: {  	[tilespmem:s0+$0x4FB0] =	vst v4  }
0xe1: {  	v4 =	vld [tilespmem:$0xB740]  }
0xe2: {  	v5 =	vld [tilespmem:$0xB7C0];
	_ =	sdelay $0x4  }
0xe3: {  	v4 =	vadd.f32 v5, v4;
	_ =	sdelay $0x1  }
0xe4: {  	v5 =	vmul.f32 $2.000000030e-01, v4;
	_ =	sdelay $0x1  }
0xe5: {  	v4 =	vmax.f32 v4, v5  }
0xe6: {  	v4 =	vmul.f32 $1.442695020e+00, v4;
	_ =	sdelay $0x1  }
0xe7: {  	(erf) = vpow2.f32 v4;
	_ =	sdelay $0x8  }
0xe8: {  	v4 =	vpop (erf)  }
0xe9: {  	[tilespmem:s0+$0x4FC0] =	vst v4  }
0xea: {  	v4 =	vld [tilespmem:$0xB750]  }
0xeb: {  	v5 =	vld [tilespmem:$0xB7D0];
	_ =	sdelay $0x4  }
0xec: {  	v4 =	vadd.f32 v5, v4;
	_ =	sdelay $0x1  }
0xed: {  	v5 =	vmul.f32 $2.000000030e-01, v4;
	_ =	sdelay $0x1  }
0xee: {  	v4 =	vmax.f32 v4, v5  }
0xef: {  	v4 =	vmul.f32 $1.442695020e+00, v4;
	_ =	sdelay $0x1  }
0xf0: {  	(erf) = vpow2.f32 v4;
	_ =	sdelay $0x8  }
0xf1: {  	v4 =	vpop (erf)  }
0xf2: {  	[tilespmem:s0+$0x4FD0] =	vst v4  }
0xf3: {  	v4 =	vld [tilespmem:$0xB760]  }
0xf4: {  	v5 =	vld [tilespmem:$0xB7E0];
	_ =	sdelay $0x4  }
0xf5: {  	v4 =	vadd.f32 v5, v4;
	_ =	sdelay $0x1  }
0xf6: {  	v5 =	vmul.f32 $2.000000030e-01, v4;
	_ =	sdelay $0x1  }
0xf7: {  	v4 =	vmax.f32 v4, v5  }
0xf8: {  	v4 =	vmul.f32 $1.442695020e+00, v4;
	_ =	sdelay $0x1  }
0xf9: {  	(erf) = vpow2.f32 v4;
	_ =	sdelay $0x8  }
0xfa: {  	v4 =	vpop (erf)  }
0xfb: {  	[tilespmem:s0+$0x4FE0] =	vst v4  }
0xfc: {  	v4 =	vld [tilespmem:$0xB770]  }
0xfd: {  	v5 =	vld [tilespmem:$0xB7F0];
	_ =	sdelay $0x4  }
0xfe: {  	v4 =	vadd.f32 v5, v4;
	_ =	sdelay $0x1  }
0xff: {  	v5 =	vmul.f32 $2.000000030e-01, v4  }
.Ltmp0:
0x100: {  	(pc) =	sbr.rel @p1 .LBB2_2-.Ltmp0, $3  }
0x101: {  	v4 =	vmax.f32 v4, v5  }
0x102: {  	v4 =	vmul.f32 $1.442695020e+00, v4;
	_ =	sdelay $0x1  }
0x103: {  	(erf) = vpow2.f32 v4  }
0x104: {  	_ =	sdelay $0x7  }
0x105: {  	v4 =	vpop (erf)  }
0x106: {  	[tilespmem:s0+$0x4FF0] =	vst v4  }
0x107: {  	[tilespmem:$0x7690] =	vst v3  }
0x108: {  	[tilespmem:$0x76A0] =	vst v3  }
0x109: {  	[tilespmem:$0x76B0] =	vst v3  }
0x10a: {  	[tilespmem:$0x76C0] =	vst v3  }
0x10b: {  	[tilespmem:$0x76D0] =	vst v3  }
0x10c: {  	[tilespmem:$0x76E0] =	vst v3  }
0x10d: {  	s31 =	simm.s32 $0x4F80;
	s1 =	simm.s32 $0x2780;
	[tilespmem:$0x76F0] =	vst v3  }
0x10e: {  	[spmem:s21] =	stream.indirect.scatter.add.f32 [tilespmem:s31], [sflag:$0x4], $0x1, s1, s7, $0xb8;
	[tilespmem:$0x1FF80] =	vst v63  }
0x10f: {  	s0 =	simm.s32 $0x200;
	_ =	swait.ge [sflag:s8], $0x80  }
.LBB2_4:
0x110: {  	s1 =	sshra.s32 s0, $0x2  }
0x111: {  	[sflag:s8] =	ssyncset.done $0x0;
	p1 =	sne.s32 s0, $0x9C00;
	s20 =	sadd.s32 $0x4F80, s1  }
.Ltmp1:
0x112: {  	s1 =	sadd.s32 $0x2780, s1;
	[sflag:s8] =	ssyncadd.s32 $0xFFFFFF80;
	(pc) =	sbr.rel @p1 .LBB2_4-.Ltmp1, $3  }
0x113: {  	[spmem:s21] =	stream.indirect.scatter.add.f32 [tilespmem:s20], [sflag:$0x4], $0x1, s1, s7, $0xb8;
	[tilespmem:$0x1FF80] =	vst v63  }
0x114: {  	s0 =	sadd.s32 $0x200, s0;
	_ =	sdelay $0x1  }
0x115: {  	_ =	swait.ge [sflag:s8], $0x80  }
0x116: {  	[sflag:s8] =	ssyncset.done $0x0  }
0x117: {  	[sflag:s8] =	ssyncadd.s32 $0xFFFFFF80  }
0x118: {  	[bflag:$0x0] =	sbarrier.arrive $0xFFFF  }
0x119: {  	s23 =	sshrl.u32 @!p0 s21, $0x3;
	s0 =	simm.s32 @!p0 $0x1;
	s2 =	rddreg [dreg:$0xa]  }
0x11a: {  	s1 =	simm.s32 @!p0 $0x40;
	s20 =	simm.s32 @!p0 $0x10;
	[smem:$0x7F5] =	sst s23  }
0x11b: {  	[hbm:s2@s1], [sflag:s22] =	dma.strided @!p0 [spmem:s23@s20], $0x500, s0, $0x10   }
0x11c: {  	s0 =	simm.s32 @!p0 $0x4  }
0x11d: {  	_ =	swait.ge @!p0 [sflag:s0], $0x500  }
0x11e: {  	s1 =	simm.s32 $0x0;
	[sflag:s0] =	ssyncset.done @!p0 $0x0  }
0x11f: {  	s20 =	simm.s32 $0x40;
	[sflag:s0] =	ssyncadd.s32 @!p0 $0xFFFFFB00;
	s0 =	simm.s32 $0x0  }
.LBB2_6:
0x120: {  	p1 =	sne.s32 s20, $0x9DC0;
	v4 =	vld [tilespmem:s1+$0x0];
	_ =	sdelay $0x1  }
.Ltmp2:
0x121: {  	(pc) =	sbr.rel @p1 .LBB2_6-.Ltmp2, $3  }
0x122: {  	_ =	sdelay $0x1  }
0x123: {  	v4 =	vadd.s32 v0, v4  }
0x124: {  	[tilespmem:s1+$0x0] =	vst v4;
	s1 =	sshra.s32 s20, $0x2;
	s20 =	sadd.s32 $0x40, s20  }
0x125: {  	v4 =	vld [tilespmem:s1+$0x0];
	_ =	sdelay $0x4  }
0x126: {  	v4 =	vadd.s32 v0, v4  }
0x127: {  	[tilespmem:s1+$0x0] =	vst v4;
	s1 =	simm.s32 $0x1  }
.LBB2_8:
0x128: {  	s29 =	sshll.u32 s0, $0x7  }
0x129: {  	s20 =	sand.u32 $0x3FFFFF80, s29  }
0x12a: {  	[tilespmem:s13], [sflag:$0x1] =	stream.indirect.gather [hbm4b:s24+s7], $0x80, s20, s7, $0xb8;
	[tilespmem:$0x1FF80] =	vst v63  }
0x12b: {  	_ =	swait.ge [sflag:s14], $0x4000  }
0x12c: {  	[sflag:s14] =	ssyncset.done $0x0  }
0x12d: {  	s31 =	simm.s32 $0x7800;
	v7 =	vmov s1;
	[sflag:s14] =	ssyncadd.s32 $0xFFFFC000  }
0x12e: {  	s26 =	sadd.s32 $0xFFFFFFFF, s1;
	v7 =	vand.u32 $0xFFFFFFFD, v7;
	v4 =	vld [tilespmem:s31+$0xFFFFFFD0]  }
0x12f: {  	v5 =	vmov s26;
	v7 =	vbroadcast v7, $0x0;
	v6 =	vld [tilespmem:s31+$0xFFFFFFF0]  }
0x130: {  	v5 =	vand.u32 $0xFFFFFFFC, v5;
	v8 =	vld [tilespmem:s31+$0xFFFFFFA0]  }
0x131: {  	v5 =	vbroadcast v5, $0x0;
	v10 =	vld [tilespmem:s31+$0xFFFFFF40]  }
0x132: {  	v9 =	vld [tilespmem:s31+$0xFFFFFF90]  }
0x133: {  	v11 =	vld [tilespmem:s31+$0xFFFFFF20]  }
0x134: {  	v12 =	vld [tilespmem:s31+$0xFFFFFF70]  }
0x135: {  	v15 =	vld.idx.msk [tilespmem:v7+s16+$0x0], $0xffff  }
0x136: {  	v13 =	vld [tilespmem:s31+$0xFFFFFF00]  }
0x137: {  	v14 =	vld.idx.msk [tilespmem:v5+s16+$0x0], $0xffff  }
0x138: {  	v16 =	vld [tilespmem:s31+$0xFFFFFF10]  }
0x139: {  	v17 =	vld [tilespmem:s31+$0xFFFFFF80]  }
0x13a: {  	v18 =	vld [tilespmem:s31+$0xFFFFFFB0];
	v9 =	vmul.f32 v9, v15  }
0x13b: {  	v7 =	vld [tilespmem:s31+$0xFFFFFF30];
	v8 =	vmul.f32 v8, v15  }
0x13c: {  	v5 =	vld [tilespmem:s31+$0xFFFFFF50];
	v13 =	vmul.f32 v13, v14;
	[tilespmem:s31+$0xFFFFFF90] =	vst v9  }
0x13d: {  	v19 =	vld [tilespmem:s31+$0xFFFFFF60];
	v12 =	vmul.f32 v12, v14;
	[tilespmem:s31+$0xFFFFFFA0] =	vst v8  }
0x13e: {  	v6 =	vmul.f32 v6, v15;
	[tilespmem:s31+$0xFFFFFF00] =	vst v13;
	v13 =	vld [tilespmem:s31+$0xFFFFFFC0]  }
0x13f: {  	v4 =	vmul.f32 v4, v15;
	[tilespmem:s31+$0xFFFFFF70] =	vst v12;
	v12 =	vld [tilespmem:s31+$0xFFFFFFE0]  }
0x140: {  	v7 =	vmul.f32 v7, v14;
	v11 =	vmul.f32 v11, v14;
	[tilespmem:s31+$0xFFFFFFF0] =	vst v6  }
0x141: {  	v63 =	vmul.f32 v10, v14;
	v9 =	vmul.f32 v5, v14;
	[tilespmem:s31+$0xFFFFFFD0] =	vst v4  }
0x142: {  	v5 =	vmul.f32 v17, v15;
	v8 =	vmul.f32 v18, v15;
	[tilespmem:s31+$0xFFFFFF30] =	vst v7  }
0x143: {  	s2 =	sadd.s32 $0x1, s1;
	s23 =	simm.s32 $0x0;
	v4 =	vld [tilespmem:s31+$0xA0];
	[tilespmem:s31+$0xFFFFFF20] =	vst v11;
	v7 =	vmul.f32 v16, v14;
	v11 =	vmul.f32 v19, v14  }
0x144: {  	s28 =	simm.s32 $0x7800;
	s26 =	sadd.s32 $0x2, s1;
	s20 =	smov.u32 s1;
	v6 =	vld [tilespmem:s31+$0x90];
	[tilespmem:s31+$0xFFFFFF40] =	vst v63;
	v12 =	vmul.f32 v12, v15;
	v10 =	vmul.f32 v13, v15;
	v13 =	vmov s2  }
.LBB2_9:
0x145: {  	s23 =	sadd.s32 $0x2, s23;
	[tilespmem:s31+$0xFFFFFF50] =	vst v9;
	v9 =	vand.u32 $0xFFFFFFFE, v13;
	v13 =	vld [tilespmem:s31+$0xE0];
	s28 =	sadd.s32 $0x200, s28;
	s20 =	sadd.s32 $0x4, s20  }
0x146: {  	s2 =	sadd.s32 $0x2, s20;
	p1 =	slt.u32 s23, $0x3E;
	[tilespmem:s31+$0xFFFFFFE0] =	vst v12;
	v9 =	vbroadcast v9, $0x0;
	v12 =	vld [tilespmem:s31+$0xD0]  }
0x147: {  	[tilespmem:s31+$0xFFFFFF10] =	vst v7;
	v7 =	vld [tilespmem:s31+$0xB0]  }
0x148: {  	[tilespmem:s31+$0xFFFFFF60] =	vst v11;
	v11 =	vmov s26;
	v14 =	vld [tilespmem:s31+$0xF0];
	s26 =	smov.u32 s2  }
0x149: {  	[tilespmem:s31+$0xFFFFFFB0] =	vst v8;
	v8 =	vld [tilespmem:s31+$0x80]  }
0x14a: {  	[tilespmem:s31+$0xFFFFFFC0] =	vst v10;
	v10 =	vld [tilespmem:s31+$0x10]  }
0x14b: {  	[tilespmem:s31+$0xFFFFFF80] =	vst v5;
	v5 =	vld [tilespmem:s31+$0x0]  }
0x14c: {  	v9 =	vld.idx.msk [tilespmem:v9+s16+$0x0], $0xffff  }
0x14d: {  	v11 =	vld.idx.msk [tilespmem:v11+s16+$0x0], $0xffff  }
0x14e: {  	v15 =	vld [tilespmem:s31+$0x60]  }
0x14f: {  	v16 =	vld [tilespmem:s31+$0xC0]  }
0x150: {  	v17 =	vld [tilespmem:s31+$0x20]  }
0x151: {  	v18 =	vld [tilespmem:s31+$0x30]  }
0x152: {  	v5 =	vmul.f32 v5, v9;
	v10 =	vmul.f32 v10, v9;
	v19 =	vld [tilespmem:s31+$0x40]  }
0x153: {  	v8 =	vmul.f32 v8, v11;
	v6 =	vmul.f32 v6, v11;
	v20 =	vld [tilespmem:s31+$0x50]  }
0x154: {  	v4 =	vmul.f32 v4, v11;
	v7 =	vmul.f32 v7, v11;
	[tilespmem:s31+$0x0] =	vst v5;
	v5 =	vld [tilespmem:s31+$0x70]  }
0x155: {  	v17 =	vmul.f32 v17, v9;
	[tilespmem:s31+$0x90] =	vst v6;
	v6 =	vmul.f32 v16, v11  }
0x156: {  	v16 =	vmul.f32 v18, v9;
	[tilespmem:s31+$0xA0] =	vst v4;
	v4 =	vmul.f32 v12, v11  }
0x157: {  	[tilespmem:s31+$0xB0] =	vst v7;
	v7 =	vmul.f32 v13, v11;
	v11 =	vmul.f32 v14, v11  }
0x158: {  	v12 =	vmul.f32 v19, v9;
	[tilespmem:s31+$0x20] =	vst v17;
	v13 =	vmul.f32 v20, v9  }
0x159: {  	v14 =	vmul.f32 v15, v9;
	v5 =	vmul.f32 v5, v9;
	[tilespmem:s31+$0xD0] =	vst v4  }
0x15a: {  	[tilespmem:s31+$0xE0] =	vst v7  }
0x15b: {  	s2 =	sadd.s32 $0xFFFFFFFF, s20;
	v4 =	vld [tilespmem:s28+$0xFFFFFFD0];
	[tilespmem:s31+$0xF0] =	vst v11  }
0x15c: {  	v7 =	vmov s2;
	v11 =	vld [tilespmem:s28+$0xFFFFFFF0];
	[tilespmem:s31+$0x30] =	vst v16  }
0x15d: {  	v9 =	vmov s20;
	v7 =	vand.u32 $0xFFFFFFFC, v7;
	v15 =	vld [tilespmem:s28+$0xFFFFFFE0];
	[tilespmem:s31+$0x40] =	vst v12  }
0x15e: {  	v9 =	vand.u32 $0xFFFFFFFD, v9;
	v7 =	vbroadcast v7, $0x0;
	v12 =	vld [tilespmem:s28+$0xFFFFFFA0];
	[tilespmem:s31+$0x50] =	vst v13  }
0x15f: {  	v9 =	vbroadcast v9, $0x0;
	v13 =	vld [tilespmem:s28+$0xFFFFFF40];
	[tilespmem:s31+$0x60] =	vst v14  }
0x160: {  	v14 =	vld [tilespmem:s28+$0xFFFFFF90];
	[tilespmem:s31+$0x70] =	vst v5  }
0x161: {  	v5 =	vld [tilespmem:s28+$0xFFFFFF20];
	[tilespmem:s31+$0x80] =	vst v8  }
0x162: {  	v8 =	vld [tilespmem:s28+$0xFFFFFF70];
	[tilespmem:s31+$0x10] =	vst v10  }
0x163: {  	v10 =	vld [tilespmem:s28+$0xFFFFFF00];
	[tilespmem:s31+$0xC0] =	vst v6;
	s31 =	smov.u32 s28  }
0x164: {  	v6 =	vld.idx.msk [tilespmem:v7+s16+$0x0], $0xffff  }
0x165: {  	v16 =	vld.idx.msk [tilespmem:v9+s16+$0x0], $0xffff  }
0x166: {  	v7 =	vld [tilespmem:s28+$0xFFFFFF50]  }
0x167: {  	v17 =	vld [tilespmem:s28+$0xFFFFFF10]  }
0x168: {  	v18 =	vld [tilespmem:s28+$0xFFFFFF30]  }
0x169: {  	v19 =	vld [tilespmem:s28+$0xFFFFFF80]  }
0x16a: {  	v10 =	vmul.f32 v10, v6;
	v8 =	vmul.f32 v8, v6;
	v20 =	vld [tilespmem:s28+$0xFFFFFFB0]  }
0x16b: {  	v21 =	vmul.f32 v5, v6;
	v9 =	vmul.f32 v7, v6;
	v22 =	vld [tilespmem:s28+$0xFFFFFF60]  }
0x16c: {  	[tilespmem:s28+$0xFFFFFF00] =	vst v10;
	v7 =	vmul.f32 v17, v6;
	v10 =	vmul.f32 v14, v16;
	v14 =	vld [tilespmem:s28+$0xFFFFFFC0]  }
0x16d: {  	v13 =	vmul.f32 v13, v6;
	v17 =	vmul.f32 v18, v6;
	[tilespmem:s28+$0xFFFFFF70] =	vst v8  }
0x16e: {  	v5 =	vmul.f32 v19, v16;
	[tilespmem:s28+$0xFFFFFF90] =	vst v10;
	v10 =	vmul.f32 v12, v16  }
0x16f: {  	v4 =	vmul.f32 v4, v16;
	[tilespmem:s28+$0xFFFFFF30] =	vst v17;
	v8 =	vmul.f32 v20, v16  }
.Ltmp3:
0x170: {  	v12 =	vmul.f32 v15, v16;
	v15 =	vmul.f32 v11, v16;
	[tilespmem:s28+$0xFFFFFF20] =	vst v21;
	(pc) =	sbr.rel @p1 .LBB2_9-.Ltmp3, $4  }
0x171: {  	v11 =	vmul.f32 v22, v6;
	[tilespmem:s28+$0xFFFFFFA0] =	vst v10;
	v10 =	vmul.f32 v14, v16  }
0x172: {  	[tilespmem:s28+$0xFFFFFFF0] =	vst v15  }
0x173: {  	s2 =	sadd.s32 $0x1, s20;
	[tilespmem:s28+$0xFFFFFFD0] =	vst v4;
	v4 =	vld [tilespmem:s28+$0xA0]  }
0x174: {  	[tilespmem:s28+$0xFFFFFF40] =	vst v13;
	v13 =	vmov s2;
	v6 =	vld [tilespmem:s28+$0x90]  }
0x175: {  	[tilespmem:s31+$0xFFFFFF50] =	vst v9  }
0x176: {  	[tilespmem:s31+$0xFFFFFFE0] =	vst v12  }
0x177: {  	[tilespmem:s31+$0xFFFFFF10] =	vst v7;
	v55 =	vmov s26  }
0x178: {  	[tilespmem:s31+$0xFFFFFF60] =	vst v11  }
0x179: {  	[tilespmem:s31+$0xFFFFFFB0] =	vst v8  }
0x17a: {  	[tilespmem:s31+$0xFFFFFFC0] =	vst v10  }
0x17b: {  	v51 =	vand.u32 $0xFFFFFFFE, v13;
	[tilespmem:s31+$0xFFFFFF80] =	vst v5  }
0x17c: {  	v9 =	vbroadcast v51, $0x0;
	v10 =	vld.idx.msk [tilespmem:v55+s16+$0x0], $0xffff  }
0x17d: {  	v52 =	vld [tilespmem:s31+$0xE0]  }
0x17e: {  	v54 =	vld [tilespmem:s31+$0xB0]  }
0x17f: {  	v53 =	vld [tilespmem:s31+$0xD0]  }
0x180: {  	v14 =	vld [tilespmem:s31+$0xF0]  }
0x181: {  	v5 =	vld [tilespmem:s31+$0x0];
	v6 =	vmul.f32 v6, v10  }
0x182: {  	v9 =	vld.idx.msk [tilespmem:v9+s16+$0x0], $0xffff;
	v4 =	vmul.f32 v4, v10  }
0x183: {  	v16 =	vld [tilespmem:s31+$0x20];
	v7 =	vmul.f32 v54, v10;
	[tilespmem:s31+$0x90] =	vst v6  }
0x184: {  	v18 =	vld [tilespmem:s31+$0x30];
	v12 =	vmul.f32 v53, v10;
	[tilespmem:s31+$0xA0] =	vst v4  }
0x185: {  	v58 =	vld [tilespmem:s31+$0x40];
	v59 =	vmul.f32 v52, v10;
	[tilespmem:s31+$0xB0] =	vst v7  }
0x186: {  	v15 =	vld [tilespmem:s31+$0x60];
	v60 =	vmul.f32 v14, v10;
	[tilespmem:s31+$0xD0] =	vst v12  }
0x187: {  	v57 =	vld [tilespmem:s31+$0x10];
	v5 =	vmul.f32 v5, v9;
	[tilespmem:s31+$0xE0] =	vst v59  }
0x188: {  	v16 =	vmul.f32 v16, v9;
	v4 =	vld [tilespmem:s31+$0x50];
	[tilespmem:s31+$0xF0] =	vst v60  }
0x189: {  	v61 =	vmul.f32 v18, v9;
	[tilespmem:s31+$0x0] =	vst v5;
	v5 =	vld [tilespmem:s31+$0x70]  }
0x18a: {  	v56 =	vld [tilespmem:s31+$0x80];
	v6 =	vmul.f32 v58, v9;
	[tilespmem:s31+$0x20] =	vst v16  }
0x18b: {  	v17 =	vld [tilespmem:s31+$0xC0];
	v62 =	vmul.f32 v15, v9;
	[tilespmem:s31+$0x30] =	vst v61  }
0x18c: {  	v63 =	vmul.f32 v57, v9;
	[tilespmem:s31+$0x40] =	vst v6  }
0x18d: {  	[tilespmem:s31+$0x60] =	vst v62;
	v4 =	vmul.f32 v4, v9  }
0x18e: {  	[tilespmem:s31+$0x10] =	vst v63;
	v5 =	vmul.f32 v5, v9  }
0x18f: {  	[tilespmem:s31+$0x50] =	vst v4;
	v4 =	vmul.f32 v56, v10  }
0x190: {  	s0 =	sadd.s32 $0x1, s0;
	[tilespmem:s31+$0x70] =	vst v5;
	v5 =	vmul.f32 v17, v10  }
0x191: {  	p1 =	sne.s32 s0, $0x4F;
	[tilespmem:s31+$0x80] =	vst v4  }
.Ltmp4:
0x192: {  	s2 =	sadd.s32 $0x2780, s29;
	[tilespmem:s31+$0xC0] =	vst v5;
	(pc) =	sbr.rel @p1 .LBB2_8-.Ltmp4, $4  }
0x193: {  	[spmem:s15] =	stream.indirect.scatter.add.f32 [tilespmem:s13], [sflag:$0x4], $0x80, s2, s7, $0xb8;
	[tilespmem:$0x1FF80] =	vst v63  }
0x194: {  	_ =	swait.ge [sflag:s8], $0x4000  }
0x195: {  	[sflag:s8] =	ssyncset.done $0x0  }
0x196: {  	s1 =	sadd.s32 $0x80, s1;
	[sflag:s8] =	ssyncadd.s32 $0xFFFFC000  }
0x197: {  	[bflag:$0x0] =	sbarrier.arrive $0xFFFF  }
0x198: {  	s29 =	sld [smem:$0x7F8];
	_ =	sdelay $0x1  }
0x199: {  	s0 =	rddreg [dreg:$0xf]  }
0x19a: {  	[hbm:s0], [sflag:s22] =	dma.local [spmem:s29], $0x800  }
0x19b: {  	_ =	swait.ge [sflag:s8], $0x800  }
0x19c: {  	s26 =	rddreg [dreg:$0x1d]  }
0x19d: {  	[sflag:s8] =	ssyncset.done $0x0;
	s28 =	rddreg [dreg:$0x10];
	s1 =	sshrl.u32 s26, $0x3  }
0x19e: {  	[sflag:s8] =	ssyncadd.s32 $0xFFFFF800;
	[smem:$0x7F3] =	sst s1  }
0x19f: {  	[hbm:s28], [sflag:s22] =	dma.local [spmem:s1], $0x800  }
0x1a0: {  	_ =	swait.ge [sflag:s8], $0x800  }
0x1a1: {  	s31 =	rddreg [dreg:$0x1e]  }
0x1a2: {  	[sflag:s8] =	ssyncset.done $0x0;
	s2 =	rddreg [dreg:$0x11];
	s0 =	sshrl.u32 s31, $0x3  }
0x1a3: {  	[sflag:s8] =	ssyncadd.s32 $0xFFFFF800;
	[smem:$0x7F4] =	sst s0  }
0x1a4: {  	[hbm:s2], [sflag:s22] =	dma.local [spmem:s0], $0x800  }
0x1a5: {  	_ =	swait.ge [sflag:s8], $0x800  }
0x1a6: {  	[sflag:s8] =	ssyncset.done $0x0;
	s20 =	rddreg [dreg:$0x1f]  }
0x1a7: {  	s23 =	rddreg [dreg:$0x12];
	[sflag:s8] =	ssyncadd.s32 $0xFFFFF800;
	s20 =	sshrl.u32 s20, $0x3  }
0x1a8: {  	[hbm:s23], [sflag:s22] =	dma.local [spmem:s20], $0x800  }
0x1a9: {  	_ =	swait.ge [sflag:s8], $0x800  }
0x1aa: {  	s26 =	sld [smem:$0x7F9];
	_ =	sdelay $0x1  }
0x1ab: {  	[sflag:s8] =	ssyncset.done $0x0  }
0x1ac: {  	s28 =	rddreg [dreg:$0x13];
	[sflag:s8] =	ssyncadd.s32 $0xFFFFF800;
	s0 =	sshrl.u32 s26, $0x3  }
0x1ad: {  	[hbm:s28], [sflag:s22] =	dma.local [spmem:s0], $0x800  }
0x1ae: {  	_ =	swait.ge [sflag:s8], $0x800  }
0x1af: {  	[sflag:s8] =	ssyncset.done $0x0  }
0x1b0: {  	[sflag:s8] =	ssyncadd.s32 $0xFFFFF800  }
0x1b1: {  	[bflag:$0x0] =	sbarrier.arrive $0xFFFF  }
0x1b2: {  	s28 =	sld [smem:$0x7F6]  }
0x1b3: {  	s1 =	simm.s32 @!p0 $0x1  }
0x1b4: {  	s2 =	simm.s32 @!p0 $0x10;
	s23 =	simm.s32 @!p0 $0x40;
	s26 =	rddreg [dreg:$0xb]  }
0x1b5: {  	[spmem:s28@s2], [sflag:s22] =	dma.strided @!p0 [hbm:s26@s23], $0x500, s1, $0x10   }
0x1b6: {  	s26 =	simm.s32 @!p0 $0x4  }
0x1b7: {  	_ =	swait.ge @!p0 [sflag:s26], $0x500  }
0x1b8: {  	s31 =	sld [smem:$0x7F7]  }
0x1b9: {  	[sflag:s26] =	ssyncset.done @!p0 $0x0  }
0x1ba: {  	s28 =	rddreg [dreg:$0xc];
	[sflag:s26] =	ssyncadd.s32 @!p0 $0xFFFFFB00  }
0x1bb: {  	[spmem:s31@s2], [sflag:s22] =	dma.strided @!p0 [hbm:s28@s23], $0x500, s1, $0x10   }
0x1bc: {  	_ =	swait.ge @!p0 [sflag:s26], $0x500  }
0x1bd: {  	[sflag:s26] =	ssyncset.done @!p0 $0x0  }
0x1be: {  	s31 =	rddreg [dreg:$0x18];
	[sflag:s26] =	ssyncadd.s32 @!p0 $0xFFFFFB00  }
0x1bf: {  	[spmem:s3], [sflag:s22] =	dma.local [hbm:s31], $0x50  }
0x1c0: {  	_ =	swait.ge [sflag:s8], $0x50  }
0x1c1: {  	[sflag:s8] =	ssyncset.done $0x0  }
0x1c2: {  	[sflag:s8] =	ssyncadd.s32 $0xFFFFFFB0  }
0x1c3: {  	[spmem:s29], [sflag:s22] =	dma.local [hbm:s25], $0x800  }
0x1c4: {  	_ =	swait.ge [sflag:s8], $0x800  }
0x1c5: {  	[sflag:s8] =	ssyncset.done $0x0  }
0x1c6: {  	[sflag:s8] =	ssyncadd.s32 $0xFFFFF800  }
0x1c7: {  	[spmem:s4], [sflag:s22] =	dma.local [hbm:s25], $0x800  }
0x1c8: {  	_ =	swait.ge [sflag:s8], $0x800  }
0x1c9: {  	[sflag:s8] =	ssyncset.done $0x0  }
0x1ca: {  	[sflag:s8] =	ssyncadd.s32 $0xFFFFF800  }
0x1cb: {  	[spmem:s5], [sflag:s22] =	dma.local [hbm:s25], $0x800  }
0x1cc: {  	_ =	swait.ge [sflag:s8], $0x800  }
0x1cd: {  	[sflag:s8] =	ssyncset.done $0x0  }
0x1ce: {  	[sflag:s8] =	ssyncadd.s32 $0xFFFFF800  }
0x1cf: {  	[spmem:s6], [sflag:s22] =	dma.local [hbm:s25], $0x800  }
0x1d0: {  	_ =	swait.ge [sflag:s8], $0x800  }
0x1d1: {  	[sflag:s8] =	ssyncset.done $0x0  }
0x1d2: {  	[sflag:s8] =	ssyncadd.s32 $0xFFFFF800  }
0x1d3: {  	[spmem:s30], [sflag:s22] =	dma.local [hbm:s25], $0x800  }
0x1d4: {  	_ =	swait.ge [sflag:s8], $0x800  }
0x1d5: {  	[sflag:s8] =	ssyncset.done $0x0  }
0x1d6: {  	s1 =	simm.s32 $0x0;
	s2 =	simm.s32 $0x40;
	[sflag:s8] =	ssyncadd.s32 $0xFFFFF800  }
.LBB2_12:
0x1d7: {  	p1 =	sne.s32 s2, $0x9DC0;
	v4 =	vld [tilespmem:s1+$0x0];
	_ =	sdelay $0x1  }
.Ltmp5:
0x1d8: {  	(pc) =	sbr.rel @p1 .LBB2_12-.Ltmp5, $3  }
0x1d9: {  	_ =	sdelay $0x1  }
0x1da: {  	v4 =	vadd.s32 v1, v4  }
0x1db: {  	[tilespmem:s1+$0x0] =	vst v4;
	s1 =	sshra.s32 s2, $0x2;
	s2 =	sadd.s32 $0x40, s2  }
0x1dc: {  	v4 =	vld [tilespmem:s1+$0x0];
	_ =	sdelay $0x4  }
0x1dd: {  	v4 =	vadd.s32 v1, v4  }
0x1de: {  	[tilespmem:s1+$0x0] =	vst v4  }
0x1df: {  	s1 =	simm.s32 $0x0;
	[bflag:$0x0] =	sbarrier.arrive $0xFFFF  }
0x1e0: {  	[tilespmem:s9], [sflag:$0x2] =	stream.indirect.gather [spmem:s17], $0x1, s1, s7, $0xb8;
	[tilespmem:$0x1FF80] =	vst v63  }
0x1e1: {  	s2 =	simm.s32 $0x2780  }
0x1e2: {  	[tilespmem:s10], [sflag:$0x3] =	stream.indirect.gather [spmem:s19], $0x1, s2, s7, $0xb8;
	[tilespmem:$0x1FF80] =	vst v63  }
0x1e3: {  	_ =	swait.ge [sflag:s11], $0x80  }
0x1e4: {  	[sflag:s11] =	ssyncset.done $0x0  }
0x1e5: {  	[sflag:s11] =	ssyncadd.s32 $0xFFFFFF80  }
0x1e6: {  	_ =	swait.ge [sflag:s12], $0x80  }
0x1e7: {  	[sflag:s12] =	ssyncset.done $0x0  }
0x1e8: {  	[sflag:s12] =	ssyncadd.s32 $0xFFFFFF80  }
0x1e9: {  	v4 =	vld [tilespmem:$0xB700]  }
0x1ea: {  	v5 =	vld [tilespmem:$0xB780];
	_ =	sdelay $0x4  }
0x1eb: {  	v4 =	vadd.f32 v5, v4;
	_ =	sdelay $0x1  }
0x1ec: {  	v5 =	vmul.f32 $2.000000030e-01, v4;
	_ =	sdelay $0x1  }
0x1ed: {  	v4 =	vmax.f32 v4, v5  }
0x1ee: {  	v4 =	vmul.f32 $1.442695020e+00, v4;
	_ =	sdelay $0x1  }
0x1ef: {  	(erf) = vpow2.f32 v4;
	_ =	sdelay $0x8  }
0x1f0: {  	v4 =	vpop (erf)  }
0x1f1: {  	[tilespmem:s1+$0x4F80] =	vst v4  }
0x1f2: {  	v4 =	vld [tilespmem:$0xB710]  }
0x1f3: {  	v5 =	vld [tilespmem:$0xB790];
	_ =	sdelay $0x4  }
0x1f4: {  	v4 =	vadd.f32 v5, v4;
	_ =	sdelay $0x1  }
0x1f5: {  	v5 =	vmul.f32 $2.000000030e-01, v4;
	_ =	sdelay $0x1  }
0x1f6: {  	v4 =	vmax.f32 v4, v5  }
0x1f7: {  	v4 =	vmul.f32 $1.442695020e+00, v4;
	_ =	sdelay $0x1  }
0x1f8: {  	(erf) = vpow2.f32 v4;
	_ =	sdelay $0x8  }
0x1f9: {  	v4 =	vpop (erf)  }
0x1fa: {  	[tilespmem:s1+$0x4F90] =	vst v4  }
0x1fb: {  	v4 =	vld [tilespmem:$0xB720]  }
0x1fc: {  	v5 =	vld [tilespmem:$0xB7A0];
	_ =	sdelay $0x4  }
0x1fd: {  	v4 =	vadd.f32 v5, v4;
	_ =	sdelay $0x1  }
0x1fe: {  	v5 =	vmul.f32 $2.000000030e-01, v4;
	_ =	sdelay $0x1  }
0x1ff: {  	v4 =	vmax.f32 v4, v5  }
0x200: {  	v4 =	vmul.f32 $1.442695020e+00, v4;
	_ =	sdelay $0x1  }
0x201: {  	(erf) = vpow2.f32 v4;
	_ =	sdelay $0x8  }
0x202: {  	v4 =	vpop (erf)  }
0x203: {  	[tilespmem:s1+$0x4FA0] =	vst v4  }
0x204: {  	v4 =	vld [tilespmem:$0xB730]  }
0x205: {  	v5 =	vld [tilespmem:$0xB7B0];
	_ =	sdelay $0x4  }
0x206: {  	v4 =	vadd.f32 v5, v4;
	_ =	sdelay $0x1  }
0x207: {  	v5 =	vmul.f32 $2.000000030e-01, v4;
	_ =	sdelay $0x1  }
0x208: {  	v4 =	vmax.f32 v4, v5  }
0x209: {  	v4 =	vmul.f32 $1.442695020e+00, v4;
	_ =	sdelay $0x1  }
0x20a: {  	(erf) = vpow2.f32 v4;
	_ =	sdelay $0x8  }
0x20b: {  	v4 =	vpop (erf)  }
0x20c: {  	[tilespmem:s1+$0x4FB0] =	vst v4  }
0x20d: {  	v4 =	vld [tilespmem:$0xB740]  }
0x20e: {  	v5 =	vld [tilespmem:$0xB7C0];
	_ =	sdelay $0x4  }
0x20f: {  	v4 =	vadd.f32 v5, v4;
	_ =	sdelay $0x1  }
0x210: {  	v5 =	vmul.f32 $2.000000030e-01, v4;
	_ =	sdelay $0x1  }
0x211: {  	v4 =	vmax.f32 v4, v5  }
0x212: {  	v4 =	vmul.f32 $1.442695020e+00, v4;
	_ =	sdelay $0x1  }
0x213: {  	(erf) = vpow2.f32 v4;
	_ =	sdelay $0x8  }
0x214: {  	v4 =	vpop (erf)  }
0x215: {  	[tilespmem:s1+$0x4FC0] =	vst v4  }
0x216: {  	v4 =	vld [tilespmem:$0xB750]  }
0x217: {  	v5 =	vld [tilespmem:$0xB7D0];
	_ =	sdelay $0x4  }
0x218: {  	v4 =	vadd.f32 v5, v4;
	_ =	sdelay $0x1  }
0x219: {  	v5 =	vmul.f32 $2.000000030e-01, v4;
	_ =	sdelay $0x1  }
0x21a: {  	v4 =	vmax.f32 v4, v5  }
0x21b: {  	v4 =	vmul.f32 $1.442695020e+00, v4;
	_ =	sdelay $0x1  }
0x21c: {  	(erf) = vpow2.f32 v4;
	_ =	sdelay $0x8  }
0x21d: {  	v4 =	vpop (erf)  }
0x21e: {  	[tilespmem:s1+$0x4FD0] =	vst v4  }
0x21f: {  	v4 =	vld [tilespmem:$0xB760]  }
0x220: {  	v5 =	vld [tilespmem:$0xB7E0];
	_ =	sdelay $0x4  }
0x221: {  	v4 =	vadd.f32 v5, v4;
	_ =	sdelay $0x1  }
0x222: {  	v5 =	vmul.f32 $2.000000030e-01, v4;
	_ =	sdelay $0x1  }
0x223: {  	v4 =	vmax.f32 v4, v5  }
0x224: {  	v4 =	vmul.f32 $1.442695020e+00, v4;
	_ =	sdelay $0x1  }
0x225: {  	(erf) = vpow2.f32 v4;
	_ =	sdelay $0x8  }
0x226: {  	v4 =	vpop (erf)  }
0x227: {  	[tilespmem:s1+$0x4FE0] =	vst v4  }
0x228: {  	v4 =	vld [tilespmem:$0xB770]  }
0x229: {  	v5 =	vld [tilespmem:$0xB7F0];
	_ =	sdelay $0x4  }
0x22a: {  	v4 =	vadd.f32 v5, v4;
	_ =	sdelay $0x1  }
0x22b: {  	v5 =	vmul.f32 $2.000000030e-01, v4;
	_ =	sdelay $0x1  }
0x22c: {  	v4 =	vmax.f32 v4, v5  }
0x22d: {  	v4 =	vmul.f32 $1.442695020e+00, v4;
	_ =	sdelay $0x1  }
0x22e: {  	s2 =	simm.s32 $0x200;
	(erf) = vpow2.f32 v4  }
.LBB2_14:
0x22f: {  	_ = 	snop  }
0x230: {  	p1 =	sne.s32 s2, $0x9C00;
	s3 =	smov.u32 s2;
	s2 =	sadd.s32 $0x200, s2  }
0x231: {  	_ =	sdelay $0x5  }
0x232: {  	v4 =	vpop (erf)  }
0x233: {  	[tilespmem:s1+$0x4FF0] =	vst v4;
	s1 =	sshra.s32 s3, $0x2  }
0x234: {  	[tilespmem:s9], [sflag:$0x2] =	stream.indirect.gather [spmem:s17], $0x1, s1, s7, $0xb8;
	[tilespmem:$0x1FF80] =	vst v63  }
0x235: {  	s3 =	sadd.s32 $0x2780, s1  }
0x236: {  	[tilespmem:s10], [sflag:$0x3] =	stream.indirect.gather [spmem:s19], $0x1, s3, s7, $0xb8;
	[tilespmem:$0x1FF80] =	vst v63  }
0x237: {  	_ =	swait.ge [sflag:s11], $0x80  }
0x238: {  	[sflag:s11] =	ssyncset.done $0x0  }
0x239: {  	[sflag:s11] =	ssyncadd.s32 $0xFFFFFF80  }
0x23a: {  	_ =	swait.ge [sflag:s12], $0x80  }
0x23b: {  	[sflag:s12] =	ssyncset.done $0x0  }
0x23c: {  	[sflag:s12] =	ssyncadd.s32 $0xFFFFFF80  }
0x23d: {  	v4 =	vld [tilespmem:$0xB700]  }
0x23e: {  	v5 =	vld [tilespmem:$0xB780];
	_ =	sdelay $0x4  }
0x23f: {  	v4 =	vadd.f32 v5, v4;
	_ =	sdelay $0x1  }
0x240: {  	v5 =	vmul.f32 $2.000000030e-01, v4;
	_ =	sdelay $0x1  }
0x241: {  	v4 =	vmax.f32 v4, v5  }
0x242: {  	v4 =	vmul.f32 $1.442695020e+00, v4;
	_ =	sdelay $0x1  }
0x243: {  	(erf) = vpow2.f32 v4;
	_ =	sdelay $0x8  }
0x244: {  	v4 =	vpop (erf)  }
0x245: {  	[tilespmem:s1+$0x4F80] =	vst v4  }
0x246: {  	v4 =	vld [tilespmem:$0xB710]  }
0x247: {  	v5 =	vld [tilespmem:$0xB790];
	_ =	sdelay $0x4  }
0x248: {  	v4 =	vadd.f32 v5, v4;
	_ =	sdelay $0x1  }
0x249: {  	v5 =	vmul.f32 $2.000000030e-01, v4;
	_ =	sdelay $0x1  }
0x24a: {  	v4 =	vmax.f32 v4, v5  }
0x24b: {  	v4 =	vmul.f32 $1.442695020e+00, v4;
	_ =	sdelay $0x1  }
0x24c: {  	(erf) = vpow2.f32 v4;
	_ =	sdelay $0x8  }
0x24d: {  	v4 =	vpop (erf)  }
0x24e: {  	[tilespmem:s1+$0x4F90] =	vst v4  }
0x24f: {  	v4 =	vld [tilespmem:$0xB720]  }
0x250: {  	v5 =	vld [tilespmem:$0xB7A0];
	_ =	sdelay $0x4  }
0x251: {  	v4 =	vadd.f32 v5, v4;
	_ =	sdelay $0x1  }
0x252: {  	v5 =	vmul.f32 $2.000000030e-01, v4;
	_ =	sdelay $0x1  }
0x253: {  	v4 =	vmax.f32 v4, v5  }
0x254: {  	v4 =	vmul.f32 $1.442695020e+00, v4;
	_ =	sdelay $0x1  }
0x255: {  	(erf) = vpow2.f32 v4;
	_ =	sdelay $0x8  }
0x256: {  	v4 =	vpop (erf)  }
0x257: {  	[tilespmem:s1+$0x4FA0] =	vst v4  }
0x258: {  	v4 =	vld [tilespmem:$0xB730]  }
0x259: {  	v5 =	vld [tilespmem:$0xB7B0];
	_ =	sdelay $0x4  }
0x25a: {  	v4 =	vadd.f32 v5, v4;
	_ =	sdelay $0x1  }
0x25b: {  	v5 =	vmul.f32 $2.000000030e-01, v4;
	_ =	sdelay $0x1  }
0x25c: {  	v4 =	vmax.f32 v4, v5  }
0x25d: {  	v4 =	vmul.f32 $1.442695020e+00, v4;
	_ =	sdelay $0x1  }
0x25e: {  	(erf) = vpow2.f32 v4;
	_ =	sdelay $0x8  }
0x25f: {  	v4 =	vpop (erf)  }
0x260: {  	[tilespmem:s1+$0x4FB0] =	vst v4  }
0x261: {  	v4 =	vld [tilespmem:$0xB740]  }
0x262: {  	v5 =	vld [tilespmem:$0xB7C0];
	_ =	sdelay $0x4  }
0x263: {  	v4 =	vadd.f32 v5, v4;
	_ =	sdelay $0x1  }
0x264: {  	v5 =	vmul.f32 $2.000000030e-01, v4;
	_ =	sdelay $0x1  }
0x265: {  	v4 =	vmax.f32 v4, v5  }
0x266: {  	v4 =	vmul.f32 $1.442695020e+00, v4;
	_ =	sdelay $0x1  }
0x267: {  	(erf) = vpow2.f32 v4;
	_ =	sdelay $0x8  }
0x268: {  	v4 =	vpop (erf)  }
0x269: {  	[tilespmem:s1+$0x4FC0] =	vst v4  }
0x26a: {  	v4 =	vld [tilespmem:$0xB750]  }
0x26b: {  	v5 =	vld [tilespmem:$0xB7D0];
	_ =	sdelay $0x4  }
0x26c: {  	v4 =	vadd.f32 v5, v4;
	_ =	sdelay $0x1  }
0x26d: {  	v5 =	vmul.f32 $2.000000030e-01, v4;
	_ =	sdelay $0x1  }
0x26e: {  	v4 =	vmax.f32 v4, v5  }
0x26f: {  	v4 =	vmul.f32 $1.442695020e+00, v4;
	_ =	sdelay $0x1  }
0x270: {  	(erf) = vpow2.f32 v4;
	_ =	sdelay $0x8  }
0x271: {  	v4 =	vpop (erf)  }
0x272: {  	[tilespmem:s1+$0x4FD0] =	vst v4  }
0x273: {  	v4 =	vld [tilespmem:$0xB760]  }
0x274: {  	v5 =	vld [tilespmem:$0xB7E0];
	_ =	sdelay $0x4  }
0x275: {  	v4 =	vadd.f32 v5, v4;
	_ =	sdelay $0x1  }
0x276: {  	v5 =	vmul.f32 $2.000000030e-01, v4;
	_ =	sdelay $0x1  }
0x277: {  	v4 =	vmax.f32 v4, v5  }
0x278: {  	v4 =	vmul.f32 $1.442695020e+00, v4;
	_ =	sdelay $0x1  }
0x279: {  	(erf) = vpow2.f32 v4;
	_ =	sdelay $0x8  }
0x27a: {  	v4 =	vpop (erf)  }
0x27b: {  	[tilespmem:s1+$0x4FE0] =	vst v4  }
0x27c: {  	v4 =	vld [tilespmem:$0xB770]  }
0x27d: {  	v5 =	vld [tilespmem:$0xB7F0];
	_ =	sdelay $0x4  }
0x27e: {  	v4 =	vadd.f32 v5, v4;
	_ =	sdelay $0x1  }
0x27f: {  	v5 =	vmul.f32 $2.000000030e-01, v4  }
.Ltmp6:
0x280: {  	(pc) =	sbr.rel @p1 .LBB2_14-.Ltmp6, $3  }
0x281: {  	v4 =	vmax.f32 v4, v5  }
0x282: {  	v4 =	vmul.f32 $1.442695020e+00, v4;
	_ =	sdelay $0x1  }
0x283: {  	(erf) = vpow2.f32 v4  }
0x284: {  	_ =	sdelay $0x7  }
0x285: {  	v4 =	vpop (erf)  }
0x286: {  	[tilespmem:s1+$0x4FF0] =	vst v4  }
0x287: {  	[tilespmem:$0x7690] =	vst v3  }
0x288: {  	[tilespmem:$0x76A0] =	vst v3  }
0x289: {  	[tilespmem:$0x76B0] =	vst v3  }
0x28a: {  	[tilespmem:$0x76C0] =	vst v3  }
0x28b: {  	[tilespmem:$0x76D0] =	vst v3  }
0x28c: {  	[tilespmem:$0x76E0] =	vst v3  }
0x28d: {  	s31 =	simm.s32 $0x4F80;
	s2 =	simm.s32 $0x2780;
	[tilespmem:$0x76F0] =	vst v3  }
0x28e: {  	[spmem:s21] =	stream.indirect.scatter.add.f32 [tilespmem:s31], [sflag:$0x4], $0x1, s2, s7, $0xb8;
	[tilespmem:$0x1FF80] =	vst v63  }
0x28f: {  	s1 =	simm.s32 $0x200;
	_ =	swait.ge [sflag:s8], $0x80  }
.LBB2_16:
0x290: {  	s2 =	sshra.s32 s1, $0x2  }
0x291: {  	[sflag:s8] =	ssyncset.done $0x0;
	p1 =	sne.s32 s1, $0x9C00;
	s3 =	sadd.s32 $0x4F80, s2  }
.Ltmp7:
0x292: {  	s2 =	sadd.s32 $0x2780, s2;
	[sflag:s8] =	ssyncadd.s32 $0xFFFFFF80;
	(pc) =	sbr.rel @p1 .LBB2_16-.Ltmp7, $3  }
0x293: {  	[spmem:s21] =	stream.indirect.scatter.add.f32 [tilespmem:s3], [sflag:$0x4], $0x1, s2, s7, $0xb8;
	[tilespmem:$0x1FF80] =	vst v63  }
0x294: {  	s1 =	sadd.s32 $0x200, s1;
	_ =	sdelay $0x1  }
0x295: {  	_ =	swait.ge [sflag:s8], $0x80  }
0x296: {  	[sflag:s8] =	ssyncset.done $0x0  }
0x297: {  	[sflag:s8] =	ssyncadd.s32 $0xFFFFFF80  }
0x298: {  	[bflag:$0x0] =	sbarrier.arrive $0xFFFF  }
0x299: {  	s5 =	sld [smem:$0x7F5]  }
0x29a: {  	s1 =	simm.s32 @!p0 $0x1  }
0x29b: {  	s2 =	simm.s32 @!p0 $0x40;
	s3 =	simm.s32 @!p0 $0x10;
	s4 =	rddreg [dreg:$0xd]  }
0x29c: {  	[hbm:s4@s2], [sflag:s22] =	dma.strided @!p0 [spmem:s5@s3], $0x500, s1, $0x10   }
0x29d: {  	s1 =	simm.s32 @!p0 $0x4  }
0x29e: {  	_ =	swait.ge @!p0 [sflag:s1], $0x500  }
0x29f: {  	s2 =	simm.s32 $0x0;
	[sflag:s1] =	ssyncset.done @!p0 $0x0  }
0x2a0: {  	s3 =	simm.s32 $0x40;
	[sflag:s1] =	ssyncadd.s32 @!p0 $0xFFFFFB00;
	s1 =	simm.s32 $0x0  }
.LBB2_18:
0x2a1: {  	p1 =	sne.s32 s3, $0x9DC0;
	v4 =	vld [tilespmem:s2+$0x0];
	_ =	sdelay $0x1  }
.Ltmp8:
0x2a2: {  	(pc) =	sbr.rel @p1 .LBB2_18-.Ltmp8, $3  }
0x2a3: {  	_ =	sdelay $0x1  }
0x2a4: {  	v4 =	vadd.s32 v2, v4  }
0x2a5: {  	[tilespmem:s2+$0x0] =	vst v4;
	s2 =	sshra.s32 s3, $0x2;
	s3 =	sadd.s32 $0x40, s3  }
0x2a6: {  	v4 =	vld [tilespmem:s2+$0x0];
	_ =	sdelay $0x4  }
0x2a7: {  	v4 =	vadd.s32 v2, v4  }
0x2a8: {  	[tilespmem:s2+$0x0] =	vst v4;
	s2 =	simm.s32 $0x1  }
.LBB2_20:
0x2a9: {  	s3 =	sshll.u32 s1, $0x7  }
0x2aa: {  	s4 =	sand.u32 $0x3FFFFF80, s3  }
0x2ab: {  	[tilespmem:s13], [sflag:$0x1] =	stream.indirect.gather [hbm4b:s24+s7], $0x80, s4, s7, $0xb8;
	[tilespmem:$0x1FF80] =	vst v63  }
0x2ac: {  	_ =	swait.ge [sflag:s14], $0x4000  }
0x2ad: {  	[sflag:s14] =	ssyncset.done $0x0  }
0x2ae: {  	v7 =	vmov s2;
	s4 =	simm.s32 $0x7800;
	[sflag:s14] =	ssyncadd.s32 $0xFFFFC000  }
0x2af: {  	s5 =	sadd.s32 $0xFFFFFFFF, s2;
	v7 =	vand.u32 $0xFFFFFFFD, v7;
	v4 =	vld [tilespmem:s4+$0xFFFFFFD0]  }
0x2b0: {  	v5 =	vmov s5;
	v7 =	vbroadcast v7, $0x0;
	v6 =	vld [tilespmem:s4+$0xFFFFFFF0]  }
0x2b1: {  	v5 =	vand.u32 $0xFFFFFFFC, v5;
	v8 =	vld [tilespmem:s4+$0xFFFFFFA0]  }
0x2b2: {  	v5 =	vbroadcast v5, $0x0;
	v10 =	vld [tilespmem:s4+$0xFFFFFF40]  }
0x2b3: {  	v9 =	vld [tilespmem:s4+$0xFFFFFF90]  }
0x2b4: {  	v11 =	vld [tilespmem:s4+$0xFFFFFF20]  }
0x2b5: {  	v12 =	vld [tilespmem:s4+$0xFFFFFF70]  }
0x2b6: {  	v15 =	vld.idx.msk [tilespmem:v7+s16+$0x0], $0xffff  }
0x2b7: {  	v13 =	vld [tilespmem:s4+$0xFFFFFF00]  }
0x2b8: {  	v14 =	vld.idx.msk [tilespmem:v5+s16+$0x0], $0xffff  }
0x2b9: {  	v16 =	vld [tilespmem:s4+$0xFFFFFF10]  }
0x2ba: {  	v17 =	vld [tilespmem:s4+$0xFFFFFF80]  }
0x2bb: {  	v18 =	vld [tilespmem:s4+$0xFFFFFFB0];
	v9 =	vmul.f32 v9, v15  }
0x2bc: {  	v7 =	vld [tilespmem:s4+$0xFFFFFF30];
	v8 =	vmul.f32 v8, v15  }
0x2bd: {  	v5 =	vld [tilespmem:s4+$0xFFFFFF50];
	v13 =	vmul.f32 v13, v14;
	[tilespmem:s4+$0xFFFFFF90] =	vst v9  }
0x2be: {  	v19 =	vld [tilespmem:s4+$0xFFFFFF60];
	v12 =	vmul.f32 v12, v14;
	[tilespmem:s4+$0xFFFFFFA0] =	vst v8  }
0x2bf: {  	v6 =	vmul.f32 v6, v15;
	[tilespmem:s4+$0xFFFFFF00] =	vst v13;
	v13 =	vld [tilespmem:s4+$0xFFFFFFC0]  }
0x2c0: {  	v4 =	vmul.f32 v4, v15;
	[tilespmem:s4+$0xFFFFFF70] =	vst v12;
	v12 =	vld [tilespmem:s4+$0xFFFFFFE0]  }
0x2c1: {  	v7 =	vmul.f32 v7, v14;
	v11 =	vmul.f32 v11, v14;
	[tilespmem:s4+$0xFFFFFFF0] =	vst v6  }
0x2c2: {  	v63 =	vmul.f32 v10, v14;
	v9 =	vmul.f32 v5, v14;
	[tilespmem:s4+$0xFFFFFFD0] =	vst v4  }
0x2c3: {  	v5 =	vmul.f32 v17, v15;
	v8 =	vmul.f32 v18, v15;
	[tilespmem:s4+$0xFFFFFF30] =	vst v7  }
0x2c4: {  	s23 =	sadd.s32 $0x1, s2;
	s6 =	simm.s32 $0x0;
	v4 =	vld [tilespmem:s4+$0xA0];
	[tilespmem:s4+$0xFFFFFF20] =	vst v11;
	v7 =	vmul.f32 v16, v14;
	v11 =	vmul.f32 v19, v14  }
0x2c5: {  	s26 =	smov.u32 s2;
	s5 =	sadd.s32 $0x2, s2;
	v6 =	vld [tilespmem:s4+$0x90];
	[tilespmem:s4+$0xFFFFFF40] =	vst v63;
	v12 =	vmul.f32 v12, v15;
	v10 =	vmul.f32 v13, v15;
	v13 =	vmov s23;
	s23 =	simm.s32 $0x7800  }
.LBB2_21:
0x2c6: {  	s6 =	sadd.s32 $0x2, s6;
	[tilespmem:s4+$0xFFFFFF50] =	vst v9;
	v9 =	vand.u32 $0xFFFFFFFE, v13;
	v13 =	vld [tilespmem:s4+$0xE0];
	s23 =	sadd.s32 $0x200, s23;
	s26 =	sadd.s32 $0x4, s26  }
0x2c7: {  	s28 =	sadd.s32 $0x2, s26;
	p1 =	slt.u32 s6, $0x3E;
	[tilespmem:s4+$0xFFFFFFE0] =	vst v12;
	v9 =	vbroadcast v9, $0x0;
	v12 =	vld [tilespmem:s4+$0xD0]  }
0x2c8: {  	[tilespmem:s4+$0xFFFFFF10] =	vst v7;
	v7 =	vld [tilespmem:s4+$0xB0]  }
0x2c9: {  	[tilespmem:s4+$0xFFFFFF60] =	vst v11;
	v11 =	vmov s5;
	v14 =	vld [tilespmem:s4+$0xF0];
	s5 =	smov.u32 s28  }
0x2ca: {  	[tilespmem:s4+$0xFFFFFFB0] =	vst v8;
	v8 =	vld [tilespmem:s4+$0x80]  }
0x2cb: {  	[tilespmem:s4+$0xFFFFFFC0] =	vst v10;
	v10 =	vld [tilespmem:s4+$0x10]  }
0x2cc: {  	[tilespmem:s4+$0xFFFFFF80] =	vst v5;
	v5 =	vld [tilespmem:s4+$0x0]  }
0x2cd: {  	v9 =	vld.idx.msk [tilespmem:v9+s16+$0x0], $0xffff  }
0x2ce: {  	v11 =	vld.idx.msk [tilespmem:v11+s16+$0x0], $0xffff  }
0x2cf: {  	v15 =	vld [tilespmem:s4+$0x60]  }
0x2d0: {  	v16 =	vld [tilespmem:s4+$0xC0]  }
0x2d1: {  	v17 =	vld [tilespmem:s4+$0x20]  }
0x2d2: {  	v18 =	vld [tilespmem:s4+$0x30]  }
0x2d3: {  	v5 =	vmul.f32 v5, v9;
	v10 =	vmul.f32 v10, v9;
	v19 =	vld [tilespmem:s4+$0x40]  }
0x2d4: {  	v8 =	vmul.f32 v8, v11;
	v6 =	vmul.f32 v6, v11;
	v20 =	vld [tilespmem:s4+$0x50]  }
0x2d5: {  	v4 =	vmul.f32 v4, v11;
	v7 =	vmul.f32 v7, v11;
	[tilespmem:s4+$0x0] =	vst v5;
	v5 =	vld [tilespmem:s4+$0x70]  }
0x2d6: {  	v17 =	vmul.f32 v17, v9;
	[tilespmem:s4+$0x90] =	vst v6;
	v6 =	vmul.f32 v16, v11  }
0x2d7: {  	v16 =	vmul.f32 v18, v9;
	[tilespmem:s4+$0xA0] =	vst v4;
	v4 =	vmul.f32 v12, v11  }
0x2d8: {  	[tilespmem:s4+$0xB0] =	vst v7;
	v7 =	vmul.f32 v13, v11;
	v11 =	vmul.f32 v14, v11  }
0x2d9: {  	v12 =	vmul.f32 v19, v9;
	[tilespmem:s4+$0x20] =	vst v17;
	v13 =	vmul.f32 v20, v9  }
0x2da: {  	v14 =	vmul.f32 v15, v9;
	v5 =	vmul.f32 v5, v9;
	[tilespmem:s4+$0xD0] =	vst v4  }
0x2db: {  	[tilespmem:s4+$0xE0] =	vst v7  }
0x2dc: {  	s28 =	sadd.s32 $0xFFFFFFFF, s26;
	v4 =	vld [tilespmem:s23+$0xFFFFFFD0];
	[tilespmem:s4+$0xF0] =	vst v11  }
0x2dd: {  	v7 =	vmov s28;
	v11 =	vld [tilespmem:s23+$0xFFFFFFF0];
	[tilespmem:s4+$0x30] =	vst v16  }
0x2de: {  	v9 =	vmov s26;
	v7 =	vand.u32 $0xFFFFFFFC, v7;
	v15 =	vld [tilespmem:s23+$0xFFFFFFE0];
	[tilespmem:s4+$0x40] =	vst v12  }
0x2df: {  	v9 =	vand.u32 $0xFFFFFFFD, v9;
	v7 =	vbroadcast v7, $0x0;
	v12 =	vld [tilespmem:s23+$0xFFFFFFA0];
	[tilespmem:s4+$0x50] =	vst v13  }
0x2e0: {  	v9 =	vbroadcast v9, $0x0;
	v13 =	vld [tilespmem:s23+$0xFFFFFF40];
	[tilespmem:s4+$0x60] =	vst v14  }
0x2e1: {  	v14 =	vld [tilespmem:s23+$0xFFFFFF90];
	[tilespmem:s4+$0x70] =	vst v5  }
0x2e2: {  	v5 =	vld [tilespmem:s23+$0xFFFFFF20];
	[tilespmem:s4+$0x80] =	vst v8  }
0x2e3: {  	v8 =	vld [tilespmem:s23+$0xFFFFFF70];
	[tilespmem:s4+$0x10] =	vst v10  }
0x2e4: {  	v10 =	vld [tilespmem:s23+$0xFFFFFF00];
	[tilespmem:s4+$0xC0] =	vst v6;
	s4 =	smov.u32 s23  }
0x2e5: {  	v6 =	vld.idx.msk [tilespmem:v7+s16+$0x0], $0xffff  }
0x2e6: {  	v16 =	vld.idx.msk [tilespmem:v9+s16+$0x0], $0xffff  }
0x2e7: {  	v7 =	vld [tilespmem:s23+$0xFFFFFF50]  }
0x2e8: {  	v17 =	vld [tilespmem:s23+$0xFFFFFF10]  }
0x2e9: {  	v18 =	vld [tilespmem:s23+$0xFFFFFF30]  }
0x2ea: {  	v19 =	vld [tilespmem:s23+$0xFFFFFF80]  }
0x2eb: {  	v10 =	vmul.f32 v10, v6;
	v8 =	vmul.f32 v8, v6;
	v20 =	vld [tilespmem:s23+$0xFFFFFFB0]  }
0x2ec: {  	v21 =	vmul.f32 v5, v6;
	v9 =	vmul.f32 v7, v6;
	v22 =	vld [tilespmem:s23+$0xFFFFFF60]  }
0x2ed: {  	[tilespmem:s23+$0xFFFFFF00] =	vst v10;
	v7 =	vmul.f32 v17, v6;
	v10 =	vmul.f32 v14, v16;
	v14 =	vld [tilespmem:s23+$0xFFFFFFC0]  }
0x2ee: {  	v13 =	vmul.f32 v13, v6;
	v17 =	vmul.f32 v18, v6;
	[tilespmem:s23+$0xFFFFFF70] =	vst v8  }
0x2ef: {  	v5 =	vmul.f32 v19, v16;
	[tilespmem:s23+$0xFFFFFF90] =	vst v10;
	v10 =	vmul.f32 v12, v16  }
0x2f0: {  	v4 =	vmul.f32 v4, v16;
	[tilespmem:s23+$0xFFFFFF30] =	vst v17;
	v8 =	vmul.f32 v20, v16  }
.Ltmp9:
0x2f1: {  	v12 =	vmul.f32 v15, v16;
	v15 =	vmul.f32 v11, v16;
	[tilespmem:s23+$0xFFFFFF20] =	vst v21;
	(pc) =	sbr.rel @p1 .LBB2_21-.Ltmp9, $4  }
0x2f2: {  	v11 =	vmul.f32 v22, v6;
	[tilespmem:s23+$0xFFFFFFA0] =	vst v10;
	v10 =	vmul.f32 v14, v16  }
0x2f3: {  	[tilespmem:s23+$0xFFFFFFF0] =	vst v15  }
0x2f4: {  	s28 =	sadd.s32 $0x1, s26;
	[tilespmem:s23+$0xFFFFFFD0] =	vst v4;
	v4 =	vld [tilespmem:s23+$0xA0]  }
0x2f5: {  	[tilespmem:s23+$0xFFFFFF40] =	vst v13;
	v13 =	vmov s28;
	v6 =	vld [tilespmem:s23+$0x90]  }
0x2f6: {  	[tilespmem:s4+$0xFFFFFF50] =	vst v9  }
0x2f7: {  	[tilespmem:s4+$0xFFFFFFE0] =	vst v12  }
0x2f8: {  	[tilespmem:s4+$0xFFFFFF10] =	vst v7;
	v55 =	vmov s5  }
0x2f9: {  	[tilespmem:s4+$0xFFFFFF60] =	vst v11  }
0x2fa: {  	[tilespmem:s4+$0xFFFFFFB0] =	vst v8  }
0x2fb: {  	[tilespmem:s4+$0xFFFFFFC0] =	vst v10  }
0x2fc: {  	v51 =	vand.u32 $0xFFFFFFFE, v13;
	[tilespmem:s4+$0xFFFFFF80] =	vst v5  }
0x2fd: {  	v9 =	vbroadcast v51, $0x0;
	v10 =	vld.idx.msk [tilespmem:v55+s16+$0x0], $0xffff  }
0x2fe: {  	v52 =	vld [tilespmem:s4+$0xE0]  }
0x2ff: {  	v54 =	vld [tilespmem:s4+$0xB0]  }
0x300: {  	v53 =	vld [tilespmem:s4+$0xD0]  }
0x301: {  	v14 =	vld [tilespmem:s4+$0xF0]  }
0x302: {  	v5 =	vld [tilespmem:s4+$0x0];
	v6 =	vmul.f32 v6, v10  }
0x303: {  	v9 =	vld.idx.msk [tilespmem:v9+s16+$0x0], $0xffff;
	v4 =	vmul.f32 v4, v10  }
0x304: {  	v16 =	vld [tilespmem:s4+$0x20];
	v7 =	vmul.f32 v54, v10;
	[tilespmem:s4+$0x90] =	vst v6  }
0x305: {  	v18 =	vld [tilespmem:s4+$0x30];
	v12 =	vmul.f32 v53, v10;
	[tilespmem:s4+$0xA0] =	vst v4  }
0x306: {  	v58 =	vld [tilespmem:s4+$0x40];
	v59 =	vmul.f32 v52, v10;
	[tilespmem:s4+$0xB0] =	vst v7  }
0x307: {  	v15 =	vld [tilespmem:s4+$0x60];
	v60 =	vmul.f32 v14, v10;
	[tilespmem:s4+$0xD0] =	vst v12  }
0x308: {  	v57 =	vld [tilespmem:s4+$0x10];
	v5 =	vmul.f32 v5, v9;
	[tilespmem:s4+$0xE0] =	vst v59  }
0x309: {  	v16 =	vmul.f32 v16, v9;
	v4 =	vld [tilespmem:s4+$0x50];
	[tilespmem:s4+$0xF0] =	vst v60  }
0x30a: {  	v61 =	vmul.f32 v18, v9;
	[tilespmem:s4+$0x0] =	vst v5;
	v5 =	vld [tilespmem:s4+$0x70]  }
0x30b: {  	v56 =	vld [tilespmem:s4+$0x80];
	v6 =	vmul.f32 v58, v9;
	[tilespmem:s4+$0x20] =	vst v16  }
0x30c: {  	v17 =	vld [tilespmem:s4+$0xC0];
	v62 =	vmul.f32 v15, v9;
	[tilespmem:s4+$0x30] =	vst v61  }
0x30d: {  	v63 =	vmul.f32 v57, v9;
	[tilespmem:s4+$0x40] =	vst v6  }
0x30e: {  	[tilespmem:s4+$0x60] =	vst v62;
	v4 =	vmul.f32 v4, v9  }
0x30f: {  	[tilespmem:s4+$0x10] =	vst v63;
	v5 =	vmul.f32 v5, v9  }
0x310: {  	[tilespmem:s4+$0x50] =	vst v4;
	v4 =	vmul.f32 v56, v10  }
0x311: {  	s1 =	sadd.s32 $0x1, s1;
	[tilespmem:s4+$0x70] =	vst v5;
	v5 =	vmul.f32 v17, v10  }
0x312: {  	p1 =	sne.s32 s1, $0x4F;
	[tilespmem:s4+$0x80] =	vst v4  }
.Ltmp10:
0x313: {  	s3 =	sadd.s32 $0x2780, s3;
	[tilespmem:s4+$0xC0] =	vst v5;
	(pc) =	sbr.rel @p1 .LBB2_20-.Ltmp10, $4  }
0x314: {  	[spmem:s15] =	stream.indirect.scatter.add.f32 [tilespmem:s13], [sflag:$0x4], $0x80, s3, s7, $0xb8;
	[tilespmem:$0x1FF80] =	vst v63  }
0x315: {  	_ =	swait.ge [sflag:s8], $0x4000  }
0x316: {  	[sflag:s8] =	ssyncset.done $0x0  }
0x317: {  	s2 =	sadd.s32 $0x80, s2;
	[sflag:s8] =	ssyncadd.s32 $0xFFFFC000  }
0x318: {  	[bflag:$0x0] =	sbarrier.arrive $0xFFFF  }
0x319: {  	s2 =	sld [smem:$0x7F8];
	_ =	sdelay $0x1  }
0x31a: {  	s1 =	rddreg [dreg:$0xe]  }
0x31b: {  	[hbm:s1], [sflag:s22] =	dma.local [spmem:s2], $0x800  }
0x31c: {  	_ =	swait.ge [sflag:s8], $0x800  }
0x31d: {  	s23 =	sld [smem:$0x7F3]  }
0x31e: {  	[sflag:s8] =	ssyncset.done $0x0  }
0x31f: {  	s6 =	rddreg [dreg:$0x14];
	[sflag:s8] =	ssyncadd.s32 $0xFFFFF800  }
0x320: {  	[hbm:s6], [sflag:s22] =	dma.local [spmem:s23], $0x800  }
0x321: {  	_ =	swait.ge [sflag:s8], $0x800  }
0x322: {  	s28 =	sld [smem:$0x7F4]  }
0x323: {  	[sflag:s8] =	ssyncset.done $0x0  }
0x324: {  	s26 =	rddreg [dreg:$0x15];
	[sflag:s8] =	ssyncadd.s32 $0xFFFFF800  }
0x325: {  	[hbm:s26], [sflag:s22] =	dma.local [spmem:s28], $0x800  }
0x326: {  	_ =	swait.ge [sflag:s8], $0x800  }
0x327: {  	[sflag:s8] =	ssyncset.done $0x0  }
0x328: {  	s29 =	rddreg [dreg:$0x16];
	[sflag:s8] =	ssyncadd.s32 $0xFFFFF800  }
0x329: {  	[hbm:s29], [sflag:s22] =	dma.local [spmem:s20], $0x800  }
0x32a: {  	_ =	swait.ge [sflag:s8], $0x800  }
0x32b: {  	[sflag:s8] =	ssyncset.done $0x0  }
0x32c: {  	s30 =	rddreg [dreg:$0x17];
	[sflag:s8] =	ssyncadd.s32 $0xFFFFF800  }
0x32d: {  	[hbm:s30], [sflag:s22] =	dma.local [spmem:s0], $0x800  }
0x32e: {  	_ =	swait.ge [sflag:s8], $0x800  }
0x32f: {  	s18 =	sadd.s32 $0x1, s18;
	s31 =	rddreg [dreg:$0x1c]  }
0x330: {  	p1 =	sne.s32 s18, s31  }
.Ltmp11:
0x331: {  	_ = 	snop;
	(pc) =	sbr.rel @p1 .LBB2_1-.Ltmp11, $3  }
0x332: {  	[sflag:s8] =	ssyncset.done $0x0  }
0x333: {  	[sflag:s8] =	ssyncadd.s32 $0xFFFFF800  }
0x334: {  	[bflag:$0x0] =	sbarrier.arrive $0xFFFF;
	_ =	sdelay $0x1  }
0x335: {  	_ =	sfence.sel $0x180000  }
0x336: {  	[bflag:$0x0] =	sbarrier.arrive $0xFFFF  }
0x337: {  	_ =	strace $0x90000047  }
0x338: {  	[bflag:$0x2] =	sbarrier.arrive $0xFFFF  }
0x339: {  	s0 =	rddreg [dreg:$0x6]  }
0x33a: {  	s0 =	sadd.s32 @!p0 $0x100000, s0  }
0x33b: {  	[sflag:s0] =	ssyncadd.tile.s32 @!p0 $0x1;
	_ =	shalt  }
.Lfunc_end2:
_tile_overlayer_lowered:
.L_overlay_start_2:
0x33c: {  	(tag) =	ssettag $0x2  }
0x33d: {  	s0 =	rddreg [dreg:$0x0];
	s2 =	stileid.u32  }
0x33e: {  	s1 =	rddreg [dreg:$0x1];
	p0 =	sne.s32 s2, $0x0  }
0x33f: {  	s3 =	rddreg [dreg:$0x2];
	[bflag:$0x3] =	sbarrier.arrive $0xFFFF;
	s2 =	simm.s32 @!p0 $0x1C04  }
0x340: {  	[timem:s3], [sflag:s2] =	dma.local @!p0 [hbm:s0], s1  }
0x341: {  	s0 =	simm.s32 @!p0 $0x4  }
0x342: {  	_ =	swait.ge @!p0 [sflag:s0], s1  }
0x343: {  	s1 =	ssub.s32 @!p0 $0x0, s1;
	[sflag:s0] =	ssyncset.done @!p0 $0x0  }
0x344: {  	[sflag:s0] =	ssyncadd.s32 @!p0 s1  }
0x345: {  	[bflag:$0x3] =	sbarrier.arrive $0xFFFF  }
0x346: {  	_ =	shalt  }

</sc_bundles>
